<compile_context>
chip_gen: v7x
topology: tpu7x:2x2x1
jax: 0.10.2.dev20260603
libtpu: 0.0.44.dev20260713+nightly
codegen_flags: <defaults>
</compile_context>

<pallas_src>
import functools

import jax
import jax.numpy as jnp
from jax import lax
from jax.experimental import pallas as pl
from jax.experimental.pallas import tpu as pltpu
from jax.experimental.pallas import tpu_sc as plsc

C_CHUNK = 2048
G_EXTRA = 2048
S_TOTAL = 2 * C_CHUNK + G_EXTRA
TAIL = S_TOTAL - C_CHUNK

PIECE = 512
N_TP = TAIL // PIECE
N_CP = C_CHUNK // PIECE


def _tc_body(k_ref, fk_ref, K_ref, FK_ref,
             zkv, zfk, sk, sf, sem_z, sem_i, sem_o):
    B = k_ref.shape[0]
    zkv[...] = jnp.zeros(zkv.shape, zkv.dtype)
    zfk[...] = jnp.zeros(zfk.shape, zfk.dtype)

    zeros = []
    for b in range(B):
        for t in range(N_TP):
            s0 = C_CHUNK + t * PIECE
            zeros.append(pltpu.make_async_copy(zkv, K_ref.at[b, pl.ds(s0, PIECE)], sem_z))
            zeros.append(pltpu.make_async_copy(zfk, FK_ref.at[b, pl.ds(s0, PIECE)], sem_z))
    for c in zeros:
        c.start()

    pieces = [(b, t * PIECE) for b in range(B) for t in range(N_CP)]
    arrs = []
    for src, dst, stage, si, so in (
            (k_ref, K_ref, sk, sem_i.at[0], sem_o.at[0]),
            (fk_ref, FK_ref, sf, sem_i.at[1], sem_o.at[1])):
        ins, outs = [], []
        for p, (b, s0) in enumerate(pieces):
            ins.append(pltpu.make_async_copy(
                src.at[b, pl.ds(s0, PIECE)], stage.at[p % 2], si))
            outs.append(pltpu.make_async_copy(
                stage.at[p % 2], dst.at[b, pl.ds(s0, PIECE)], so))
        arrs.append((ins, outs))

    for ins, outs in arrs:
        ins[0].start()
        ins[1].start()
    n = len(pieces)
    for p in range(n):
        for ins, outs in arrs:
            ins[p].wait()
            outs[p].start()
        if p + 2 < n:
            for ins, outs in arrs:
                outs[p].wait()
                ins[p + 2].start()
    for ins, outs in arrs:
        outs[n - 2].wait()
        outs[n - 1].wait()
    for c in zeros:
        c.wait()


NC, NS = 2, 16
NW = NC * NS
SCCH = 16
ROWS_CP = C_CHUNK // NW
ROWS_TL = TAIL // NW
N_SCP = ROWS_CP // SCCH
N_STL = ROWS_TL // SCCH


def _sc_body(v_hbm, zv_hbm, V_hbm, bz, st, sem_z, sem_i, sem_o):
    B = v_hbm.shape[0]
    wid = lax.axis_index("s") * NC + lax.axis_index("c")
    cp0 = wid * ROWS_CP
    tl0 = C_CHUNK + wid * ROWS_TL

    pltpu.sync_copy(zv_hbm, bz)

    zeros = []
    for b in range(B):
        for t in range(N_STL):
            s0 = tl0 + t * SCCH
            zeros.append(pltpu.make_async_copy(bz, V_hbm.at[b, pl.ds(s0, SCCH)], sem_z))
    for c in zeros:
        c.start()

    pieces = [(b, cp0 + t * SCCH) for b in range(B) for t in range(N_SCP)]
    ins, outs = [], []
    for p, (b, s0) in enumerate(pieces):
        ins.append(pltpu.make_async_copy(
            v_hbm.at[b, pl.ds(s0, SCCH)], st.at[p % 2], sem_i))
        outs.append(pltpu.make_async_copy(
            st.at[p % 2], V_hbm.at[b, pl.ds(s0, SCCH)], sem_o))
    n = len(pieces)
    ins[0].start()
    ins[1].start()
    for p in range(n):
        ins[p].wait()
        outs[p].start()
        if p + 2 < n:
            outs[p].wait()
            ins[p + 2].start()
    outs[n - 2].wait()
    outs[n - 1].wait()
    for c in zeros:
        c.wait()


def kernel(k_c, v_c, fk_c):
    B, C, H, D = k_c.shape
    F = fk_c.shape[-1]

    zv = jnp.zeros((SCCH, H, D), dtype=v_c.dtype)

    sc_fn = functools.partial(
        pl.kernel,
        out_type=jax.ShapeDtypeStruct((B, S_TOTAL, H, D), v_c.dtype),
        mesh=plsc.VectorSubcoreMesh(core_axis_name="c", subcore_axis_name="s"),
        scratch_types=[
            pltpu.VMEM((SCCH, H, D), v_c.dtype),
            pltpu.VMEM((2, SCCH, H, D), v_c.dtype),
            pltpu.SemaphoreType.DMA,
            pltpu.SemaphoreType.DMA,
            pltpu.SemaphoreType.DMA,
        ],
    )(_sc_body)

    V = sc_fn(v_c, zv)

    K, FK = pl.pallas_call(
        _tc_body,
        in_specs=[pl.BlockSpec(memory_space=pl.ANY)] * 2,
        out_specs=[pl.BlockSpec(memory_space=pl.ANY)] * 2,
        out_shape=[
            jax.ShapeDtypeStruct((B, S_TOTAL, H, D), k_c.dtype),
            jax.ShapeDtypeStruct((B, S_TOTAL, H, F), fk_c.dtype),
        ],
        scratch_shapes=[
            pltpu.VMEM((PIECE, H, D), k_c.dtype),
            pltpu.VMEM((PIECE, H, F), fk_c.dtype),
            pltpu.VMEM((2, PIECE, H, D), k_c.dtype),
            pltpu.VMEM((2, PIECE, H, F), fk_c.dtype),
            pltpu.SemaphoreType.DMA,
            pltpu.SemaphoreType.DMA((2,)),
            pltpu.SemaphoreType.DMA((2,)),
        ],
    )(k_c, fk_c)

    Hs = jnp.zeros((B, H, F, D), dtype=k_c.dtype)
    S = jnp.zeros((B, H, F), dtype=k_c.dtype)
    return (K, V, FK, Hs, S)

# --- scband reference (transcript-rebuilt; emitter-appended) ---
"""Pipeline reference for scband-state-77223511982692 (READ-ONLY COPY).

The authoritative reference and input builder live on the scoring server;
editing this copy changes nothing except your own understanding.
"""

import jax, jax.numpy as jnp
import numpy as np

C_INIT = 2048
G_INIT = 2048


def setup_inputs(seed: int = 0) -> dict:
    key = jax.random.key(seed)
    k1, k2, k3 = jax.random.split(key, 3)
    B, C, H, D, F = 2, 2048, 16, 128, 64
    k_c = jax.random.normal(k1, (B, C, H, D), dtype=jnp.float32)
    v_c = jax.random.normal(k2, (B, C, H, D), dtype=jnp.float32)
    fk_c = jax.random.uniform(k3, (B, C, H, F), dtype=jnp.float32)
    return {"k_c": k_c, "v_c": v_c, "fk_c": fk_c}


def reference(k_c, v_c, fk_c):
    # Faithful translation of State.update on a freshly-constructed State
    # (tokens_seen=0). Since tokens_seen + C < max_cache_size (= 2*C + G),
    # only the fast path runs: allocate the zero caches (_init_state) and
    # scatter-overwrite the first C slots with the current chunk.
    B, C, H, D = k_c.shape
    F = fk_c.shape[-1]
    max_cache_size = 2 * C_INIT + G_INIT
    K = jnp.zeros((B, max_cache_size, H, D), dtype=k_c.dtype)
    V = jnp.zeros((B, max_cache_size, H, D), dtype=k_c.dtype)
    FK = jnp.zeros((B, max_cache_size, H, F), dtype=k_c.dtype)
    Hs = jnp.zeros((B, H, F, D), dtype=k_c.dtype)
    S = jnp.zeros((B, H, F), dtype=k_c.dtype)
    # scatter-overwrite: K[:, 0:C] = k_c  etc. (tokens_seen == 0)
    K = K.at[:, 0:C].set(k_c)
    V = V.at[:, 0:C].set(v_c)
    FK = FK.at[:, 0:C].set(fk_c)
    return (K, V, FK, Hs, S)

if __name__ == "__main__":
    import jax
    _d = setup_inputs()
    print(jax.jit(kernel)(*tuple(_d.values())))

</pallas_src>

<mosaic_0001>
#map = affine_map<(d0, d1) -> (0, 0, 0, 0)>
#map1 = affine_map<(d0, d1) -> (0, 0, 0)>
module attributes {stable_mosaic.version = 14 : i64} {
  func.func @_sc_body(%arg0: i32, %arg1: i32, %arg2: memref<2x2048x16x128xf32, #tpu.memory_space<hbm>>, %arg3: memref<16x16x128xf32, #tpu.memory_space<hbm>>, %arg4: memref<2x6144x16x128xf32, #tpu.memory_space<hbm>>, %arg5: memref<16x16x128xf32, #tpu.memory_space<vmem>>, %arg6: memref<2x16x16x128xf32, #tpu.memory_space<vmem>>, %arg7: memref<!tpu.dma_semaphore, #tpu.memory_space<semaphore_mem>>, %arg8: memref<!tpu.dma_semaphore, #tpu.memory_space<semaphore_mem>>, %arg9: memref<!tpu.dma_semaphore, #tpu.memory_space<semaphore_mem>>) attributes {dimension_semantics = [#tpu.dimension_semantics<core_parallel>, #tpu.dimension_semantics<subcore_parallel>], iteration_bounds = array<i64: 2, 16>, scalar_prefetch = 0 : i64, scratch_operands = 5 : i64, tpu.core_type = #tpu.core_type<sc_vector_subcore>, window_params = [{transform_indices = #map}, {transform_indices = #map1}, {transform_indices = #map}]} {
    %mul3A = arith.constant 2 : i32
    %mul3A_0 = arith.muli %arg1, %mul3A : i32
    %add3A = arith.addi %mul3A_0, %arg0 : i32
    %mul3A_1 = arith.constant 64 : i32
    %mul3A_2 = arith.muli %add3A, %mul3A_1 : i32
    %mul3A_3 = arith.constant 128 : i32
    %mul3A_4 = arith.muli %add3A, %mul3A_3 : i32
    %add3A_5 = arith.constant 2048 : i32
    %add3A_6 = arith.addi %add3A_5, %mul3A_4 : i32
    "tpu.region"() ({
      %run_scoped3A = tpu.sem_alloc : memref<!tpu.dma_semaphore, #tpu.memory_space<semaphore_mem>>
      tpu.enqueue_dma source(%arg3 : memref<16x16x128xf32, #tpu.memory_space<hbm>>) target(%arg5 : memref<16x16x128xf32, #tpu.memory_space<vmem>>) target_semaphore(%run_scoped3A : memref<!tpu.dma_semaphore, #tpu.memory_space<semaphore_mem>>)
      tpu.wait_dma2 semaphore(%run_scoped3A : memref<!tpu.dma_semaphore, #tpu.memory_space<semaphore_mem>>) src(%arg3 : memref<16x16x128xf32, #tpu.memory_space<hbm>>) dst(%arg5 : memref<16x16x128xf32, #tpu.memory_space<vmem>>)
      tpu.yield
    }) : () -> ()
    %add3A_7 = arith.constant 0 : i32
    %add3A_8 = arith.addi %add3A_6, %add3A_7 : i32
    %add3A_9 = arith.constant 16 : i32
    %add3A_10 = arith.addi %add3A_6, %add3A_9 : i32
    %add3A_11 = arith.constant 32 : i32
    %add3A_12 = arith.addi %add3A_6, %add3A_11 : i32
    %add3A_13 = arith.constant 48 : i32
    %add3A_14 = arith.addi %add3A_6, %add3A_13 : i32
    %add3A_15 = arith.constant 64 : i32
    %add3A_16 = arith.addi %add3A_6, %add3A_15 : i32
    %add3A_17 = arith.constant 80 : i32
    %add3A_18 = arith.addi %add3A_6, %add3A_17 : i32
    %add3A_19 = arith.constant 96 : i32
    %add3A_20 = arith.addi %add3A_6, %add3A_19 : i32
    %add3A_21 = arith.constant 112 : i32
    %add3A_22 = arith.addi %add3A_6, %add3A_21 : i32
    %add3A_23 = arith.constant 0 : i32
    %add3A_24 = arith.addi %add3A_6, %add3A_23 : i32
    %add3A_25 = arith.constant 16 : i32
    %add3A_26 = arith.addi %add3A_6, %add3A_25 : i32
    %add3A_27 = arith.constant 32 : i32
    %add3A_28 = arith.addi %add3A_6, %add3A_27 : i32
    %add3A_29 = arith.constant 48 : i32
    %add3A_30 = arith.addi %add3A_6, %add3A_29 : i32
    %add3A_31 = arith.constant 64 : i32
    %add3A_32 = arith.addi %add3A_6, %add3A_31 : i32
    %add3A_33 = arith.constant 80 : i32
    %add3A_34 = arith.addi %add3A_6, %add3A_33 : i32
    %add3A_35 = arith.constant 96 : i32
    %add3A_36 = arith.addi %add3A_6, %add3A_35 : i32
    %add3A_37 = arith.constant 112 : i32
    %add3A_38 = arith.addi %add3A_6, %add3A_37 : i32
    %dma_start3A = arith.constant 0 : i32
    %dma_start3A_39 = arith.constant 0 : i32
    %dma_start3A_40 = arith.constant 0 : i32
    %dma_start3A_41 = tpu.memref_slice %arg4[%dma_start3A, %add3A_8, %dma_start3A_39, %dma_start3A_40] : memref<2x6144x16x128xf32, #tpu.memory_space<hbm>> -> memref<1x16x16x128xf32, #tpu.memory_space<hbm>>
    %dma_start3A_42 = tpu.memref_squeeze %dma_start3A_41 : memref<1x16x16x128xf32, #tpu.memory_space<hbm>> -> memref<16x16x128xf32, #tpu.memory_space<hbm>>
    %dma_start3A_43 = arith.constant 0 : i32
    %dma_start3A_44 = arith.constant 0 : i32
    %dma_start3A_45 = tpu.memref_slice %arg4[%dma_start3A, %add3A_8, %dma_start3A_43, %dma_start3A_44] : memref<2x6144x16x128xf32, #tpu.memory_space<hbm>> -> memref<1x16x16x128xf32, #tpu.memory_space<hbm>>
    %dma_start3A_46 = tpu.memref_squeeze %dma_start3A_45 : memref<1x16x16x128xf32, #tpu.memory_space<hbm>> -> memref<16x16x128xf32, #tpu.memory_space<hbm>>
    tpu.enqueue_dma source(%arg5 : memref<16x16x128xf32, #tpu.memory_space<vmem>>) target(%dma_start3A_46 : memref<16x16x128xf32, #tpu.memory_space<hbm>>) target_semaphore(%arg7 : memref<!tpu.dma_semaphore, #tpu.memory_space<semaphore_mem>>)
    %dma_start3A_47 = arith.constant 0 : i32
    %dma_start3A_48 = arith.constant 0 : i32
    %dma_start3A_49 = arith.constant 0 : i32
    %dma_start3A_50 = tpu.memref_slice %arg4[%dma_start3A_47, %add3A_10, %dma_start3A_48, %dma_start3A_49] : memref<2x6144x16x128xf32, #tpu.memory_space<hbm>> -> memref<1x16x16x128xf32, #tpu.memory_space<hbm>>
    %dma_start3A_51 = tpu.memref_squeeze %dma_start3A_50 : memref<1x16x16x128xf32, #tpu.memory_space<hbm>> -> memref<16x16x128xf32, #tpu.memory_space<hbm>>
    %dma_start3A_52 = arith.constant 0 : i32
    %dma_start3A_53 = arith.constant 0 : i32
    %dma_start3A_54 = tpu.memref_slice %arg4[%dma_start3A_47, %add3A_10, %dma_start3A_52, %dma_start3A_53] : memref<2x6144x16x128xf32, #tpu.memory_space<hbm>> -> memref<1x16x16x128xf32, #tpu.memory_space<hbm>>
    %dma_start3A_55 = tpu.memref_squeeze %dma_start3A_54 : memref<1x16x16x128xf32, #tpu.memory_space<hbm>> -> memref<16x16x128xf32, #tpu.memory_space<hbm>>
    tpu.enqueue_dma source(%arg5 : memref<16x16x128xf32, #tpu.memory_space<vmem>>) target(%dma_start3A_55 : memref<16x16x128xf32, #tpu.memory_space<hbm>>) target_semaphore(%arg7 : memref<!tpu.dma_semaphore, #tpu.memory_space<semaphore_mem>>)
    %dma_start3A_56 = arith.constant 0 : i32
    %dma_start3A_57 = arith.constant 0 : i32
    %dma_start3A_58 = arith.constant 0 : i32
    %dma_start3A_59 = tpu.memref_slice %arg4[%dma_start3A_56, %add3A_12, %dma_start3A_57, %dma_start3A_58] : memref<2x6144x16x128xf32, #tpu.memory_space<hbm>> -> memref<1x16x16x128xf32, #tpu.memory_space<hbm>>
    %dma_start3A_60 = tpu.memref_squeeze %dma_start3A_59 : memref<1x16x16x128xf32, #tpu.memory_space<hbm>> -> memref<16x16x128xf32, #tpu.memory_space<hbm>>
    %dma_start3A_61 = arith.constant 0 : i32
    %dma_start3A_62 = arith.constant 0 : i32
    %dma_start3A_63 = tpu.memref_slice %arg4[%dma_start3A_56, %add3A_12, %dma_start3A_61, %dma_start3A_62] : memref<2x6144x16x128xf32, #tpu.memory_space<hbm>> -> memref<1x16x16x128xf32, #tpu.memory_space<hbm>>
    %dma_start3A_64 = tpu.memref_squeeze %dma_start3A_63 : memref<1x16x16x128xf32, #tpu.memory_space<hbm>> -> memref<16x16x128xf32, #tpu.memory_space<hbm>>
    tpu.enqueue_dma source(%arg5 : memref<16x16x128xf32, #tpu.memory_space<vmem>>) target(%dma_start3A_64 : memref<16x16x128xf32, #tpu.memory_space<hbm>>) target_semaphore(%arg7 : memref<!tpu.dma_semaphore, #tpu.memory_space<semaphore_mem>>)
    %dma_start3A_65 = arith.constant 0 : i32
    %dma_start3A_66 = arith.constant 0 : i32
    %dma_start3A_67 = arith.constant 0 : i32
    %dma_start3A_68 = tpu.memref_slice %arg4[%dma_start3A_65, %add3A_14, %dma_start3A_66, %dma_start3A_67] : memref<2x6144x16x128xf32, #tpu.memory_space<hbm>> -> memref<1x16x16x128xf32, #tpu.memory_space<hbm>>
    %dma_start3A_69 = tpu.memref_squeeze %dma_start3A_68 : memref<1x16x16x128xf32, #tpu.memory_space<hbm>> -> memref<16x16x128xf32, #tpu.memory_space<hbm>>
    %dma_start3A_70 = arith.constant 0 : i32
    %dma_start3A_71 = arith.constant 0 : i32
    %dma_start3A_72 = tpu.memref_slice %arg4[%dma_start3A_65, %add3A_14, %dma_start3A_70, %dma_start3A_71] : memref<2x6144x16x128xf32, #tpu.memory_space<hbm>> -> memref<1x16x16x128xf32, #tpu.memory_space<hbm>>
    %dma_start3A_73 = tpu.memref_squeeze %dma_start3A_72 : memref<1x16x16x128xf32, #tpu.memory_space<hbm>> -> memref<16x16x128xf32, #tpu.memory_space<hbm>>
    tpu.enqueue_dma source(%arg5 : memref<16x16x128xf32, #tpu.memory_space<vmem>>) target(%dma_start3A_73 : memref<16x16x128xf32, #tpu.memory_space<hbm>>) target_semaphore(%arg7 : memref<!tpu.dma_semaphore, #tpu.memory_space<semaphore_mem>>)
    %dma_start3A_74 = arith.constant 0 : i32
    %dma_start3A_75 = arith.constant 0 : i32
    %dma_start3A_76 = arith.constant 0 : i32
    %dma_start3A_77 = tpu.memref_slice %arg4[%dma_start3A_74, %add3A_16, %dma_start3A_75, %dma_start3A_76] : memref<2x6144x16x128xf32, #tpu.memory_space<hbm>> -> memref<1x16x16x128xf32, #tpu.memory_space<hbm>>
    %dma_start3A_78 = tpu.memref_squeeze %dma_start3A_77 : memref<1x16x16x128xf32, #tpu.memory_space<hbm>> -> memref<16x16x128xf32, #tpu.memory_space<hbm>>
    %dma_start3A_79 = arith.constant 0 : i32
    %dma_start3A_80 = arith.constant 0 : i32
    %dma_start3A_81 = tpu.memref_slice %arg4[%dma_start3A_74, %add3A_16, %dma_start3A_79, %dma_start3A_80] : memref<2x6144x16x128xf32, #tpu.memory_space<hbm>> -> memref<1x16x16x128xf32, #tpu.memory_space<hbm>>
    %dma_start3A_82 = tpu.memref_squeeze %dma_start3A_81 : memref<1x16x16x128xf32, #tpu.memory_space<hbm>> -> memref<16x16x128xf32, #tpu.memory_space<hbm>>
    tpu.enqueue_dma source(%arg5 : memref<16x16x128xf32, #tpu.memory_space<vmem>>) target(%dma_start3A_82 : memref<16x16x128xf32, #tpu.memory_space<hbm>>) target_semaphore(%arg7 : memref<!tpu.dma_semaphore, #tpu.memory_space<semaphore_mem>>)
    %dma_start3A_83 = arith.constant 0 : i32
    %dma_start3A_84 = arith.constant 0 : i32
    %dma_start3A_85 = arith.constant 0 : i32
    %dma_start3A_86 = tpu.memref_slice %arg4[%dma_start3A_83, %add3A_18, %dma_start3A_84, %dma_start3A_85] : memref<2x6144x16x128xf32, #tpu.memory_space<hbm>> -> memref<1x16x16x128xf32, #tpu.memory_space<hbm>>
    %dma_start3A_87 = tpu.memref_squeeze %dma_start3A_86 : memref<1x16x16x128xf32, #tpu.memory_space<hbm>> -> memref<16x16x128xf32, #tpu.memory_space<hbm>>
    %dma_start3A_88 = arith.constant 0 : i32
    %dma_start3A_89 = arith.constant 0 : i32
    %dma_start3A_90 = tpu.memref_slice %arg4[%dma_start3A_83, %add3A_18, %dma_start3A_88, %dma_start3A_89] : memref<2x6144x16x128xf32, #tpu.memory_space<hbm>> -> memref<1x16x16x128xf32, #tpu.memory_space<hbm>>
    %dma_start3A_91 = tpu.memref_squeeze %dma_start3A_90 : memref<1x16x16x128xf32, #tpu.memory_space<hbm>> -> memref<16x16x128xf32, #tpu.memory_space<hbm>>
    tpu.enqueue_dma source(%arg5 : memref<16x16x128xf32, #tpu.memory_space<vmem>>) target(%dma_start3A_91 : memref<16x16x128xf32, #tpu.memory_space<hbm>>) target_semaphore(%arg7 : memref<!tpu.dma_semaphore, #tpu.memory_space<semaphore_mem>>)
    %dma_start3A_92 = arith.constant 0 : i32
    %dma_start3A_93 = arith.constant 0 : i32
    %dma_start3A_94 = arith.constant 0 : i32
    %dma_start3A_95 = tpu.memref_slice %arg4[%dma_start3A_92, %add3A_20, %dma_start3A_93, %dma_start3A_94] : memref<2x6144x16x128xf32, #tpu.memory_space<hbm>> -> memref<1x16x16x128xf32, #tpu.memory_space<hbm>>
    %dma_start3A_96 = tpu.memref_squeeze %dma_start3A_95 : memref<1x16x16x128xf32, #tpu.memory_space<hbm>> -> memref<16x16x128xf32, #tpu.memory_space<hbm>>
    %dma_start3A_97 = arith.constant 0 : i32
    %dma_start3A_98 = arith.constant 0 : i32
    %dma_start3A_99 = tpu.memref_slice %arg4[%dma_start3A_92, %add3A_20, %dma_start3A_97, %dma_start3A_98] : memref<2x6144x16x128xf32, #tpu.memory_space<hbm>> -> memref<1x16x16x128xf32, #tpu.memory_space<hbm>>
    %dma_start3A_100 = tpu.memref_squeeze %dma_start3A_99 : memref<1x16x16x128xf32, #tpu.memory_space<hbm>> -> memref<16x16x128xf32, #tpu.memory_space<hbm>>
    tpu.enqueue_dma source(%arg5 : memref<16x16x128xf32, #tpu.memory_space<vmem>>) target(%dma_start3A_100 : memref<16x16x128xf32, #tpu.memory_space<hbm>>) target_semaphore(%arg7 : memref<!tpu.dma_semaphore, #tpu.memory_space<semaphore_mem>>)
    %dma_start3A_101 = arith.constant 0 : i32
    %dma_start3A_102 = arith.constant 0 : i32
    %dma_start3A_103 = arith.constant 0 : i32
    %dma_start3A_104 = tpu.memref_slice %arg4[%dma_start3A_101, %add3A_22, %dma_start3A_102, %dma_start3A_103] : memref<2x6144x16x128xf32, #tpu.memory_space<hbm>> -> memref<1x16x16x128xf32, #tpu.memory_space<hbm>>
    %dma_start3A_105 = tpu.memref_squeeze %dma_start3A_104 : memref<1x16x16x128xf32, #tpu.memory_space<hbm>> -> memref<16x16x128xf32, #tpu.memory_space<hbm>>
    %dma_start3A_106 = arith.constant 0 : i32
    %dma_start3A_107 = arith.constant 0 : i32
    %dma_start3A_108 = tpu.memref_slice %arg4[%dma_start3A_101, %add3A_22, %dma_start3A_106, %dma_start3A_107] : memref<2x6144x16x128xf32, #tpu.memory_space<hbm>> -> memref<1x16x16x128xf32, #tpu.memory_space<hbm>>
    %dma_start3A_109 = tpu.memref_squeeze %dma_start3A_108 : memref<1x16x16x128xf32, #tpu.memory_space<hbm>> -> memref<16x16x128xf32, #tpu.memory_space<hbm>>
    tpu.enqueue_dma source(%arg5 : memref<16x16x128xf32, #tpu.memory_space<vmem>>) target(%dma_start3A_109 : memref<16x16x128xf32, #tpu.memory_space<hbm>>) target_semaphore(%arg7 : memref<!tpu.dma_semaphore, #tpu.memory_space<semaphore_mem>>)
    %dma_start3A_110 = arith.constant 1 : i32
    %dma_start3A_111 = arith.constant 0 : i32
    %dma_start3A_112 = arith.constant 0 : i32
    %dma_start3A_113 = tpu.memref_slice %arg4[%dma_start3A_110, %add3A_24, %dma_start3A_111, %dma_start3A_112] : memref<2x6144x16x128xf32, #tpu.memory_space<hbm>> -> memref<1x16x16x128xf32, #tpu.memory_space<hbm>>
    %dma_start3A_114 = tpu.memref_squeeze %dma_start3A_113 : memref<1x16x16x128xf32, #tpu.memory_space<hbm>> -> memref<16x16x128xf32, #tpu.memory_space<hbm>>
    %dma_start3A_115 = arith.constant 0 : i32
    %dma_start3A_116 = arith.constant 0 : i32
    %dma_start3A_117 = tpu.memref_slice %arg4[%dma_start3A_110, %add3A_24, %dma_start3A_115, %dma_start3A_116] : memref<2x6144x16x128xf32, #tpu.memory_space<hbm>> -> memref<1x16x16x128xf32, #tpu.memory_space<hbm>>
    %dma_start3A_118 = tpu.memref_squeeze %dma_start3A_117 : memref<1x16x16x128xf32, #tpu.memory_space<hbm>> -> memref<16x16x128xf32, #tpu.memory_space<hbm>>
    tpu.enqueue_dma source(%arg5 : memref<16x16x128xf32, #tpu.memory_space<vmem>>) target(%dma_start3A_118 : memref<16x16x128xf32, #tpu.memory_space<hbm>>) target_semaphore(%arg7 : memref<!tpu.dma_semaphore, #tpu.memory_space<semaphore_mem>>)
    %dma_start3A_119 = arith.constant 1 : i32
    %dma_start3A_120 = arith.constant 0 : i32
    %dma_start3A_121 = arith.constant 0 : i32
    %dma_start3A_122 = tpu.memref_slice %arg4[%dma_start3A_119, %add3A_26, %dma_start3A_120, %dma_start3A_121] : memref<2x6144x16x128xf32, #tpu.memory_space<hbm>> -> memref<1x16x16x128xf32, #tpu.memory_space<hbm>>
    %dma_start3A_123 = tpu.memref_squeeze %dma_start3A_122 : memref<1x16x16x128xf32, #tpu.memory_space<hbm>> -> memref<16x16x128xf32, #tpu.memory_space<hbm>>
    %dma_start3A_124 = arith.constant 0 : i32
    %dma_start3A_125 = arith.constant 0 : i32
    %dma_start3A_126 = tpu.memref_slice %arg4[%dma_start3A_119, %add3A_26, %dma_start3A_124, %dma_start3A_125] : memref<2x6144x16x128xf32, #tpu.memory_space<hbm>> -> memref<1x16x16x128xf32, #tpu.memory_space<hbm>>
    %dma_start3A_127 = tpu.memref_squeeze %dma_start3A_126 : memref<1x16x16x128xf32, #tpu.memory_space<hbm>> -> memref<16x16x128xf32, #tpu.memory_space<hbm>>
    tpu.enqueue_dma source(%arg5 : memref<16x16x128xf32, #tpu.memory_space<vmem>>) target(%dma_start3A_127 : memref<16x16x128xf32, #tpu.memory_space<hbm>>) target_semaphore(%arg7 : memref<!tpu.dma_semaphore, #tpu.memory_space<semaphore_mem>>)
    %dma_start3A_128 = arith.constant 1 : i32
    %dma_start3A_129 = arith.constant 0 : i32
    %dma_start3A_130 = arith.constant 0 : i32
    %dma_start3A_131 = tpu.memref_slice %arg4[%dma_start3A_128, %add3A_28, %dma_start3A_129, %dma_start3A_130] : memref<2x6144x16x128xf32, #tpu.memory_space<hbm>> -> memref<1x16x16x128xf32, #tpu.memory_space<hbm>>
    %dma_start3A_132 = tpu.memref_squeeze %dma_start3A_131 : memref<1x16x16x128xf32, #tpu.memory_space<hbm>> -> memref<16x16x128xf32, #tpu.memory_space<hbm>>
    %dma_start3A_133 = arith.constant 0 : i32
    %dma_start3A_134 = arith.constant 0 : i32
    %dma_start3A_135 = tpu.memref_slice %arg4[%dma_start3A_128, %add3A_28, %dma_start3A_133, %dma_start3A_134] : memref<2x6144x16x128xf32, #tpu.memory_space<hbm>> -> memref<1x16x16x128xf32, #tpu.memory_space<hbm>>
    %dma_start3A_136 = tpu.memref_squeeze %dma_start3A_135 : memref<1x16x16x128xf32, #tpu.memory_space<hbm>> -> memref<16x16x128xf32, #tpu.memory_space<hbm>>
    tpu.enqueue_dma source(%arg5 : memref<16x16x128xf32, #tpu.memory_space<vmem>>) target(%dma_start3A_136 : memref<16x16x128xf32, #tpu.memory_space<hbm>>) target_semaphore(%arg7 : memref<!tpu.dma_semaphore, #tpu.memory_space<semaphore_mem>>)
    %dma_start3A_137 = arith.constant 1 : i32
    %dma_start3A_138 = arith.constant 0 : i32
    %dma_start3A_139 = arith.constant 0 : i32
    %dma_start3A_140 = tpu.memref_slice %arg4[%dma_start3A_137, %add3A_30, %dma_start3A_138, %dma_start3A_139] : memref<2x6144x16x128xf32, #tpu.memory_space<hbm>> -> memref<1x16x16x128xf32, #tpu.memory_space<hbm>>
    %dma_start3A_141 = tpu.memref_squeeze %dma_start3A_140 : memref<1x16x16x128xf32, #tpu.memory_space<hbm>> -> memref<16x16x128xf32, #tpu.memory_space<hbm>>
    %dma_start3A_142 = arith.constant 0 : i32
    %dma_start3A_143 = arith.constant 0 : i32
    %dma_start3A_144 = tpu.memref_slice %arg4[%dma_start3A_137, %add3A_30, %dma_start3A_142, %dma_start3A_143] : memref<2x6144x16x128xf32, #tpu.memory_space<hbm>> -> memref<1x16x16x128xf32, #tpu.memory_space<hbm>>
    %dma_start3A_145 = tpu.memref_squeeze %dma_start3A_144 : memref<1x16x16x128xf32, #tpu.memory_space<hbm>> -> memref<16x16x128xf32, #tpu.memory_space<hbm>>
    tpu.enqueue_dma source(%arg5 : memref<16x16x128xf32, #tpu.memory_space<vmem>>) target(%dma_start3A_145 : memref<16x16x128xf32, #tpu.memory_space<hbm>>) target_semaphore(%arg7 : memref<!tpu.dma_semaphore, #tpu.memory_space<semaphore_mem>>)
    %dma_start3A_146 = arith.constant 1 : i32
    %dma_start3A_147 = arith.constant 0 : i32
    %dma_start3A_148 = arith.constant 0 : i32
    %dma_start3A_149 = tpu.memref_slice %arg4[%dma_start3A_146, %add3A_32, %dma_start3A_147, %dma_start3A_148] : memref<2x6144x16x128xf32, #tpu.memory_space<hbm>> -> memref<1x16x16x128xf32, #tpu.memory_space<hbm>>
    %dma_start3A_150 = tpu.memref_squeeze %dma_start3A_149 : memref<1x16x16x128xf32, #tpu.memory_space<hbm>> -> memref<16x16x128xf32, #tpu.memory_space<hbm>>
    %dma_start3A_151 = arith.constant 0 : i32
    %dma_start3A_152 = arith.constant 0 : i32
    %dma_start3A_153 = tpu.memref_slice %arg4[%dma_start3A_146, %add3A_32, %dma_start3A_151, %dma_start3A_152] : memref<2x6144x16x128xf32, #tpu.memory_space<hbm>> -> memref<1x16x16x128xf32, #tpu.memory_space<hbm>>
    %dma_start3A_154 = tpu.memref_squeeze %dma_start3A_153 : memref<1x16x16x128xf32, #tpu.memory_space<hbm>> -> memref<16x16x128xf32, #tpu.memory_space<hbm>>
    tpu.enqueue_dma source(%arg5 : memref<16x16x128xf32, #tpu.memory_space<vmem>>) target(%dma_start3A_154 : memref<16x16x128xf32, #tpu.memory_space<hbm>>) target_semaphore(%arg7 : memref<!tpu.dma_semaphore, #tpu.memory_space<semaphore_mem>>)
    %dma_start3A_155 = arith.constant 1 : i32
    %dma_start3A_156 = arith.constant 0 : i32
    %dma_start3A_157 = arith.constant 0 : i32
    %dma_start3A_158 = tpu.memref_slice %arg4[%dma_start3A_155, %add3A_34, %dma_start3A_156, %dma_start3A_157] : memref<2x6144x16x128xf32, #tpu.memory_space<hbm>> -> memref<1x16x16x128xf32, #tpu.memory_space<hbm>>
    %dma_start3A_159 = tpu.memref_squeeze %dma_start3A_158 : memref<1x16x16x128xf32, #tpu.memory_space<hbm>> -> memref<16x16x128xf32, #tpu.memory_space<hbm>>
    %dma_start3A_160 = arith.constant 0 : i32
    %dma_start3A_161 = arith.constant 0 : i32
    %dma_start3A_162 = tpu.memref_slice %arg4[%dma_start3A_155, %add3A_34, %dma_start3A_160, %dma_start3A_161] : memref<2x6144x16x128xf32, #tpu.memory_space<hbm>> -> memref<1x16x16x128xf32, #tpu.memory_space<hbm>>
    %dma_start3A_163 = tpu.memref_squeeze %dma_start3A_162 : memref<1x16x16x128xf32, #tpu.memory_space<hbm>> -> memref<16x16x128xf32, #tpu.memory_space<hbm>>
    tpu.enqueue_dma source(%arg5 : memref<16x16x128xf32, #tpu.memory_space<vmem>>) target(%dma_start3A_163 : memref<16x16x128xf32, #tpu.memory_space<hbm>>) target_semaphore(%arg7 : memref<!tpu.dma_semaphore, #tpu.memory_space<semaphore_mem>>)
    %dma_start3A_164 = arith.constant 1 : i32
    %dma_start3A_165 = arith.constant 0 : i32
    %dma_start3A_166 = arith.constant 0 : i32
    %dma_start3A_167 = tpu.memref_slice %arg4[%dma_start3A_164, %add3A_36, %dma_start3A_165, %dma_start3A_166] : memref<2x6144x16x128xf32, #tpu.memory_space<hbm>> -> memref<1x16x16x128xf32, #tpu.memory_space<hbm>>
    %dma_start3A_168 = tpu.memref_squeeze %dma_start3A_167 : memref<1x16x16x128xf32, #tpu.memory_space<hbm>> -> memref<16x16x128xf32, #tpu.memory_space<hbm>>
    %dma_start3A_169 = arith.constant 0 : i32
    %dma_start3A_170 = arith.constant 0 : i32
    %dma_start3A_171 = tpu.memref_slice %arg4[%dma_start3A_164, %add3A_36, %dma_start3A_169, %dma_start3A_170] : memref<2x6144x16x128xf32, #tpu.memory_space<hbm>> -> memref<1x16x16x128xf32, #tpu.memory_space<hbm>>
    %dma_start3A_172 = tpu.memref_squeeze %dma_start3A_171 : memref<1x16x16x128xf32, #tpu.memory_space<hbm>> -> memref<16x16x128xf32, #tpu.memory_space<hbm>>
    tpu.enqueue_dma source(%arg5 : memref<16x16x128xf32, #tpu.memory_space<vmem>>) target(%dma_start3A_172 : memref<16x16x128xf32, #tpu.memory_space<hbm>>) target_semaphore(%arg7 : memref<!tpu.dma_semaphore, #tpu.memory_space<semaphore_mem>>)
    %dma_start3A_173 = arith.constant 1 : i32
    %dma_start3A_174 = arith.constant 0 : i32
    %dma_start3A_175 = arith.constant 0 : i32
    %dma_start3A_176 = tpu.memref_slice %arg4[%dma_start3A_173, %add3A_38, %dma_start3A_174, %dma_start3A_175] : memref<2x6144x16x128xf32, #tpu.memory_space<hbm>> -> memref<1x16x16x128xf32, #tpu.memory_space<hbm>>
    %dma_start3A_177 = tpu.memref_squeeze %dma_start3A_176 : memref<1x16x16x128xf32, #tpu.memory_space<hbm>> -> memref<16x16x128xf32, #tpu.memory_space<hbm>>
    %dma_start3A_178 = arith.constant 0 : i32
    %dma_start3A_179 = arith.constant 0 : i32
    %dma_start3A_180 = tpu.memref_slice %arg4[%dma_start3A_173, %add3A_38, %dma_start3A_178, %dma_start3A_179] : memref<2x6144x16x128xf32, #tpu.memory_space<hbm>> -> memref<1x16x16x128xf32, #tpu.memory_space<hbm>>
    %dma_start3A_181 = tpu.memref_squeeze %dma_start3A_180 : memref<1x16x16x128xf32, #tpu.memory_space<hbm>> -> memref<16x16x128xf32, #tpu.memory_space<hbm>>
    tpu.enqueue_dma source(%arg5 : memref<16x16x128xf32, #tpu.memory_space<vmem>>) target(%dma_start3A_181 : memref<16x16x128xf32, #tpu.memory_space<hbm>>) target_semaphore(%arg7 : memref<!tpu.dma_semaphore, #tpu.memory_space<semaphore_mem>>)
    %add3A_182 = arith.constant 0 : i32
    %add3A_183 = arith.addi %mul3A_2, %add3A_182 : i32
    %add3A_184 = arith.constant 16 : i32
    %add3A_185 = arith.addi %mul3A_2, %add3A_184 : i32
    %add3A_186 = arith.constant 32 : i32
    %add3A_187 = arith.addi %mul3A_2, %add3A_186 : i32
    %add3A_188 = arith.constant 48 : i32
    %add3A_189 = arith.addi %mul3A_2, %add3A_188 : i32
    %add3A_190 = arith.constant 0 : i32
    %add3A_191 = arith.addi %mul3A_2, %add3A_190 : i32
    %add3A_192 = arith.constant 16 : i32
    %add3A_193 = arith.addi %mul3A_2, %add3A_192 : i32
    %add3A_194 = arith.constant 32 : i32
    %add3A_195 = arith.addi %mul3A_2, %add3A_194 : i32
    %add3A_196 = arith.constant 48 : i32
    %add3A_197 = arith.addi %mul3A_2, %add3A_196 : i32
    %dma_start3A_198 = arith.constant 0 : i32
    %dma_start3A_199 = arith.constant 0 : i32
    %dma_start3A_200 = arith.constant 0 : i32
    %dma_start3A_201 = arith.constant 0 : i32
    %dma_start3A_202 = arith.constant 0 : i32
    %dma_start3A_203 = tpu.memref_slice %arg6[%dma_start3A_199, %dma_start3A_200, %dma_start3A_201, %dma_start3A_202] : memref<2x16x16x128xf32, #tpu.memory_space<vmem>> -> memref<1x16x16x128xf32, #tpu.memory_space<vmem>>
    %dma_start3A_204 = tpu.memref_squeeze %dma_start3A_203 : memref<1x16x16x128xf32, #tpu.memory_space<vmem>> -> memref<16x16x128xf32, #tpu.memory_space<vmem>>
    %dma_start3A_205 = arith.constant 0 : i32
    %dma_start3A_206 = arith.constant 0 : i32
    %dma_start3A_207 = tpu.memref_slice %arg2[%dma_start3A_198, %add3A_183, %dma_start3A_205, %dma_start3A_206] : memref<2x2048x16x128xf32, #tpu.memory_space<hbm>> -> memref<1x16x16x128xf32, #tpu.memory_space<hbm>>
    %dma_start3A_208 = tpu.memref_squeeze %dma_start3A_207 : memref<1x16x16x128xf32, #tpu.memory_space<hbm>> -> memref<16x16x128xf32, #tpu.memory_space<hbm>>
    %dma_start3A_209 = arith.constant 0 : i32
    %dma_start3A_210 = arith.constant 0 : i32
    %dma_start3A_211 = arith.constant 0 : i32
    %dma_start3A_212 = tpu.memref_slice %arg6[%dma_start3A_199, %dma_start3A_209, %dma_start3A_210, %dma_start3A_211] : memref<2x16x16x128xf32, #tpu.memory_space<vmem>> -> memref<1x16x16x128xf32, #tpu.memory_space<vmem>>
    %dma_start3A_213 = tpu.memref_squeeze %dma_start3A_212 : memref<1x16x16x128xf32, #tpu.memory_space<vmem>> -> memref<16x16x128xf32, #tpu.memory_space<vmem>>
    %dma_start3A_214 = arith.constant 0 : i32
    %dma_start3A_215 = arith.constant 0 : i32
    %dma_start3A_216 = tpu.memref_slice %arg2[%dma_start3A_198, %add3A_183, %dma_start3A_214, %dma_start3A_215] : memref<2x2048x16x128xf32, #tpu.memory_space<hbm>> -> memref<1x16x16x128xf32, #tpu.memory_space<hbm>>
    %dma_start3A_217 = tpu.memref_squeeze %dma_start3A_216 : memref<1x16x16x128xf32, #tpu.memory_space<hbm>> -> memref<16x16x128xf32, #tpu.memory_space<hbm>>
    tpu.enqueue_dma source(%dma_start3A_217 : memref<16x16x128xf32, #tpu.memory_space<hbm>>) target(%dma_start3A_213 : memref<16x16x128xf32, #tpu.memory_space<vmem>>) target_semaphore(%arg8 : memref<!tpu.dma_semaphore, #tpu.memory_space<semaphore_mem>>)
    %dma_start3A_218 = arith.constant 0 : i32
    %dma_start3A_219 = arith.constant 1 : i32
    %dma_start3A_220 = arith.constant 0 : i32
    %dma_start3A_221 = arith.constant 0 : i32
    %dma_start3A_222 = arith.constant 0 : i32
    %dma_start3A_223 = tpu.memref_slice %arg6[%dma_start3A_219, %dma_start3A_220, %dma_start3A_221, %dma_start3A_222] : memref<2x16x16x128xf32, #tpu.memory_space<vmem>> -> memref<1x16x16x128xf32, #tpu.memory_space<vmem>>
    %dma_start3A_224 = tpu.memref_squeeze %dma_start3A_223 : memref<1x16x16x128xf32, #tpu.memory_space<vmem>> -> memref<16x16x128xf32, #tpu.memory_space<vmem>>
    %dma_start3A_225 = arith.constant 0 : i32
    %dma_start3A_226 = arith.constant 0 : i32
    %dma_start3A_227 = tpu.memref_slice %arg2[%dma_start3A_218, %add3A_185, %dma_start3A_225, %dma_start3A_226] : memref<2x2048x16x128xf32, #tpu.memory_space<hbm>> -> memref<1x16x16x128xf32, #tpu.memory_space<hbm>>
    %dma_start3A_228 = tpu.memref_squeeze %dma_start3A_227 : memref<1x16x16x128xf32, #tpu.memory_space<hbm>> -> memref<16x16x128xf32, #tpu.memory_space<hbm>>
    %dma_start3A_229 = arith.constant 0 : i32
    %dma_start3A_230 = arith.constant 0 : i32
    %dma_start3A_231 = arith.constant 0 : i32
    %dma_start3A_232 = tpu.memref_slice %arg6[%dma_start3A_219, %dma_start3A_229, %dma_start3A_230, %dma_start3A_231] : memref<2x16x16x128xf32, #tpu.memory_space<vmem>> -> memref<1x16x16x128xf32, #tpu.memory_space<vmem>>
    %dma_start3A_233 = tpu.memref_squeeze %dma_start3A_232 : memref<1x16x16x128xf32, #tpu.memory_space<vmem>> -> memref<16x16x128xf32, #tpu.memory_space<vmem>>
    %dma_start3A_234 = arith.constant 0 : i32
    %dma_start3A_235 = arith.constant 0 : i32
    %dma_start3A_236 = tpu.memref_slice %arg2[%dma_start3A_218, %add3A_185, %dma_start3A_234, %dma_start3A_235] : memref<2x2048x16x128xf32, #tpu.memory_space<hbm>> -> memref<1x16x16x128xf32, #tpu.memory_space<hbm>>
    %dma_start3A_237 = tpu.memref_squeeze %dma_start3A_236 : memref<1x16x16x128xf32, #tpu.memory_space<hbm>> -> memref<16x16x128xf32, #tpu.memory_space<hbm>>
    tpu.enqueue_dma source(%dma_start3A_237 : memref<16x16x128xf32, #tpu.memory_space<hbm>>) target(%dma_start3A_233 : memref<16x16x128xf32, #tpu.memory_space<vmem>>) target_semaphore(%arg8 : memref<!tpu.dma_semaphore, #tpu.memory_space<semaphore_mem>>)
    %dma_wait3A = arith.constant 0 : i32
    %dma_wait3A_238 = arith.constant 0 : i32
    %dma_wait3A_239 = arith.constant 0 : i32
    %dma_wait3A_240 = arith.constant 0 : i32
    %dma_wait3A_241 = arith.constant 0 : i32
    %dma_wait3A_242 = tpu.memref_slice %arg6[%dma_wait3A_238, %dma_wait3A_239, %dma_wait3A_240, %dma_wait3A_241] : memref<2x16x16x128xf32, #tpu.memory_space<vmem>> -> memref<1x16x16x128xf32, #tpu.memory_space<vmem>>
    %dma_wait3A_243 = tpu.memref_squeeze %dma_wait3A_242 : memref<1x16x16x128xf32, #tpu.memory_space<vmem>> -> memref<16x16x128xf32, #tpu.memory_space<vmem>>
    %dma_wait3A_244 = arith.constant 0 : i32
    %dma_wait3A_245 = arith.constant 0 : i32
    %dma_wait3A_246 = tpu.memref_slice %arg2[%dma_wait3A, %add3A_183, %dma_wait3A_244, %dma_wait3A_245] : memref<2x2048x16x128xf32, #tpu.memory_space<hbm>> -> memref<1x16x16x128xf32, #tpu.memory_space<hbm>>
    %dma_wait3A_247 = tpu.memref_squeeze %dma_wait3A_246 : memref<1x16x16x128xf32, #tpu.memory_space<hbm>> -> memref<16x16x128xf32, #tpu.memory_space<hbm>>
    %dma_wait3A_248 = arith.constant 0 : i32
    %dma_wait3A_249 = arith.constant 0 : i32
    %dma_wait3A_250 = arith.constant 0 : i32
    %dma_wait3A_251 = tpu.memref_slice %arg6[%dma_wait3A_238, %dma_wait3A_248, %dma_wait3A_249, %dma_wait3A_250] : memref<2x16x16x128xf32, #tpu.memory_space<vmem>> -> memref<1x16x16x128xf32, #tpu.memory_space<vmem>>
    %dma_wait3A_252 = tpu.memref_squeeze %dma_wait3A_251 : memref<1x16x16x128xf32, #tpu.memory_space<vmem>> -> memref<16x16x128xf32, #tpu.memory_space<vmem>>
    %dma_wait3A_253 = arith.constant 0 : i32
    %dma_wait3A_254 = arith.constant 0 : i32
    %dma_wait3A_255 = tpu.memref_slice %arg2[%dma_wait3A, %add3A_183, %dma_wait3A_253, %dma_wait3A_254] : memref<2x2048x16x128xf32, #tpu.memory_space<hbm>> -> memref<1x16x16x128xf32, #tpu.memory_space<hbm>>
    %dma_wait3A_256 = tpu.memref_squeeze %dma_wait3A_255 : memref<1x16x16x128xf32, #tpu.memory_space<hbm>> -> memref<16x16x128xf32, #tpu.memory_space<hbm>>
    tpu.wait_dma2 semaphore(%arg8 : memref<!tpu.dma_semaphore, #tpu.memory_space<semaphore_mem>>) src(%dma_wait3A_256 : memref<16x16x128xf32, #tpu.memory_space<hbm>>) dst(%dma_wait3A_252 : memref<16x16x128xf32, #tpu.memory_space<vmem>>)
    %dma_start3A_257 = arith.constant 0 : i32
    %dma_start3A_258 = arith.constant 0 : i32
    %dma_start3A_259 = arith.constant 0 : i32
    %dma_start3A_260 = arith.constant 0 : i32
    %dma_start3A_261 = arith.constant 0 : i32
    %dma_start3A_262 = tpu.memref_slice %arg6[%dma_start3A_257, %dma_start3A_259, %dma_start3A_260, %dma_start3A_261] : memref<2x16x16x128xf32, #tpu.memory_space<vmem>> -> memref<1x16x16x128xf32, #tpu.memory_space<vmem>>
    %dma_start3A_263 = tpu.memref_squeeze %dma_start3A_262 : memref<1x16x16x128xf32, #tpu.memory_space<vmem>> -> memref<16x16x128xf32, #tpu.memory_space<vmem>>
    %dma_start3A_264 = arith.constant 0 : i32
    %dma_start3A_265 = arith.constant 0 : i32
    %dma_start3A_266 = tpu.memref_slice %arg4[%dma_start3A_258, %add3A_183, %dma_start3A_264, %dma_start3A_265] : memref<2x6144x16x128xf32, #tpu.memory_space<hbm>> -> memref<1x16x16x128xf32, #tpu.memory_space<hbm>>
    %dma_start3A_267 = tpu.memref_squeeze %dma_start3A_266 : memref<1x16x16x128xf32, #tpu.memory_space<hbm>> -> memref<16x16x128xf32, #tpu.memory_space<hbm>>
    %dma_start3A_268 = arith.constant 0 : i32
    %dma_start3A_269 = arith.constant 0 : i32
    %dma_start3A_270 = tpu.memref_slice %arg4[%dma_start3A_258, %add3A_183, %dma_start3A_268, %dma_start3A_269] : memref<2x6144x16x128xf32, #tpu.memory_space<hbm>> -> memref<1x16x16x128xf32, #tpu.memory_space<hbm>>
    %dma_start3A_271 = tpu.memref_squeeze %dma_start3A_270 : memref<1x16x16x128xf32, #tpu.memory_space<hbm>> -> memref<16x16x128xf32, #tpu.memory_space<hbm>>
    %dma_start3A_272 = arith.constant 0 : i32
    %dma_start3A_273 = arith.constant 0 : i32
    %dma_start3A_274 = arith.constant 0 : i32
    %dma_start3A_275 = tpu.memref_slice %arg6[%dma_start3A_257, %dma_start3A_272, %dma_start3A_273, %dma_start3A_274] : memref<2x16x16x128xf32, #tpu.memory_space<vmem>> -> memref<1x16x16x128xf32, #tpu.memory_space<vmem>>
    %dma_start3A_276 = tpu.memref_squeeze %dma_start3A_275 : memref<1x16x16x128xf32, #tpu.memory_space<vmem>> -> memref<16x16x128xf32, #tpu.memory_space<vmem>>
    tpu.enqueue_dma source(%dma_start3A_276 : memref<16x16x128xf32, #tpu.memory_space<vmem>>) target(%dma_start3A_271 : memref<16x16x128xf32, #tpu.memory_space<hbm>>) target_semaphore(%arg9 : memref<!tpu.dma_semaphore, #tpu.memory_space<semaphore_mem>>)
    %dma_wait3A_277 = arith.constant 0 : i32
    %dma_wait3A_278 = arith.constant 0 : i32
    %dma_wait3A_279 = arith.constant 0 : i32
    %dma_wait3A_280 = arith.constant 0 : i32
    %dma_wait3A_281 = arith.constant 0 : i32
    %dma_wait3A_282 = tpu.memref_slice %arg6[%dma_wait3A_277, %dma_wait3A_279, %dma_wait3A_280, %dma_wait3A_281] : memref<2x16x16x128xf32, #tpu.memory_space<vmem>> -> memref<1x16x16x128xf32, #tpu.memory_space<vmem>>
    %dma_wait3A_283 = tpu.memref_squeeze %dma_wait3A_282 : memref<1x16x16x128xf32, #tpu.memory_space<vmem>> -> memref<16x16x128xf32, #tpu.memory_space<vmem>>
    %dma_wait3A_284 = arith.constant 0 : i32
    %dma_wait3A_285 = arith.constant 0 : i32
    %dma_wait3A_286 = tpu.memref_slice %arg4[%dma_wait3A_278, %add3A_183, %dma_wait3A_284, %dma_wait3A_285] : memref<2x6144x16x128xf32, #tpu.memory_space<hbm>> -> memref<1x16x16x128xf32, #tpu.memory_space<hbm>>
    %dma_wait3A_287 = tpu.memref_squeeze %dma_wait3A_286 : memref<1x16x16x128xf32, #tpu.memory_space<hbm>> -> memref<16x16x128xf32, #tpu.memory_space<hbm>>
    %dma_wait3A_288 = arith.constant 0 : i32
    %dma_wait3A_289 = arith.constant 0 : i32
    %dma_wait3A_290 = tpu.memref_slice %arg4[%dma_wait3A_278, %add3A_183, %dma_wait3A_288, %dma_wait3A_289] : memref<2x6144x16x128xf32, #tpu.memory_space<hbm>> -> memref<1x16x16x128xf32, #tpu.memory_space<hbm>>
    %dma_wait3A_291 = tpu.memref_squeeze %dma_wait3A_290 : memref<1x16x16x128xf32, #tpu.memory_space<hbm>> -> memref<16x16x128xf32, #tpu.memory_space<hbm>>
    %dma_wait3A_292 = arith.constant 0 : i32
    %dma_wait3A_293 = arith.constant 0 : i32
    %dma_wait3A_294 = arith.constant 0 : i32
    %dma_wait3A_295 = tpu.memref_slice %arg6[%dma_wait3A_277, %dma_wait3A_292, %dma_wait3A_293, %dma_wait3A_294] : memref<2x16x16x128xf32, #tpu.memory_space<vmem>> -> memref<1x16x16x128xf32, #tpu.memory_space<vmem>>
    %dma_wait3A_296 = tpu.memref_squeeze %dma_wait3A_295 : memref<1x16x16x128xf32, #tpu.memory_space<vmem>> -> memref<16x16x128xf32, #tpu.memory_space<vmem>>
    tpu.wait_dma2 semaphore(%arg9 : memref<!tpu.dma_semaphore, #tpu.memory_space<semaphore_mem>>) src(%dma_wait3A_296 : memref<16x16x128xf32, #tpu.memory_space<vmem>>) dst(%dma_wait3A_291 : memref<16x16x128xf32, #tpu.memory_space<hbm>>)
    %dma_start3A_297 = arith.constant 0 : i32
    %dma_start3A_298 = arith.constant 0 : i32
    %dma_start3A_299 = arith.constant 0 : i32
    %dma_start3A_300 = arith.constant 0 : i32
    %dma_start3A_301 = arith.constant 0 : i32
    %dma_start3A_302 = tpu.memref_slice %arg6[%dma_start3A_298, %dma_start3A_299, %dma_start3A_300, %dma_start3A_301] : memref<2x16x16x128xf32, #tpu.memory_space<vmem>> -> memref<1x16x16x128xf32, #tpu.memory_space<vmem>>
    %dma_start3A_303 = tpu.memref_squeeze %dma_start3A_302 : memref<1x16x16x128xf32, #tpu.memory_space<vmem>> -> memref<16x16x128xf32, #tpu.memory_space<vmem>>
    %dma_start3A_304 = arith.constant 0 : i32
    %dma_start3A_305 = arith.constant 0 : i32
    %dma_start3A_306 = tpu.memref_slice %arg2[%dma_start3A_297, %add3A_187, %dma_start3A_304, %dma_start3A_305] : memref<2x2048x16x128xf32, #tpu.memory_space<hbm>> -> memref<1x16x16x128xf32, #tpu.memory_space<hbm>>
    %dma_start3A_307 = tpu.memref_squeeze %dma_start3A_306 : memref<1x16x16x128xf32, #tpu.memory_space<hbm>> -> memref<16x16x128xf32, #tpu.memory_space<hbm>>
    %dma_start3A_308 = arith.constant 0 : i32
    %dma_start3A_309 = arith.constant 0 : i32
    %dma_start3A_310 = arith.constant 0 : i32
    %dma_start3A_311 = tpu.memref_slice %arg6[%dma_start3A_298, %dma_start3A_308, %dma_start3A_309, %dma_start3A_310] : memref<2x16x16x128xf32, #tpu.memory_space<vmem>> -> memref<1x16x16x128xf32, #tpu.memory_space<vmem>>
    %dma_start3A_312 = tpu.memref_squeeze %dma_start3A_311 : memref<1x16x16x128xf32, #tpu.memory_space<vmem>> -> memref<16x16x128xf32, #tpu.memory_space<vmem>>
    %dma_start3A_313 = arith.constant 0 : i32
    %dma_start3A_314 = arith.constant 0 : i32
    %dma_start3A_315 = tpu.memref_slice %arg2[%dma_start3A_297, %add3A_187, %dma_start3A_313, %dma_start3A_314] : memref<2x2048x16x128xf32, #tpu.memory_space<hbm>> -> memref<1x16x16x128xf32, #tpu.memory_space<hbm>>
    %dma_start3A_316 = tpu.memref_squeeze %dma_start3A_315 : memref<1x16x16x128xf32, #tpu.memory_space<hbm>> -> memref<16x16x128xf32, #tpu.memory_space<hbm>>
    tpu.enqueue_dma source(%dma_start3A_316 : memref<16x16x128xf32, #tpu.memory_space<hbm>>) target(%dma_start3A_312 : memref<16x16x128xf32, #tpu.memory_space<vmem>>) target_semaphore(%arg8 : memref<!tpu.dma_semaphore, #tpu.memory_space<semaphore_mem>>)
    %dma_wait3A_317 = arith.constant 0 : i32
    %dma_wait3A_318 = arith.constant 1 : i32
    %dma_wait3A_319 = arith.constant 0 : i32
    %dma_wait3A_320 = arith.constant 0 : i32
    %dma_wait3A_321 = arith.constant 0 : i32
    %dma_wait3A_322 = tpu.memref_slice %arg6[%dma_wait3A_318, %dma_wait3A_319, %dma_wait3A_320, %dma_wait3A_321] : memref<2x16x16x128xf32, #tpu.memory_space<vmem>> -> memref<1x16x16x128xf32, #tpu.memory_space<vmem>>
    %dma_wait3A_323 = tpu.memref_squeeze %dma_wait3A_322 : memref<1x16x16x128xf32, #tpu.memory_space<vmem>> -> memref<16x16x128xf32, #tpu.memory_space<vmem>>
    %dma_wait3A_324 = arith.constant 0 : i32
    %dma_wait3A_325 = arith.constant 0 : i32
    %dma_wait3A_326 = tpu.memref_slice %arg2[%dma_wait3A_317, %add3A_185, %dma_wait3A_324, %dma_wait3A_325] : memref<2x2048x16x128xf32, #tpu.memory_space<hbm>> -> memref<1x16x16x128xf32, #tpu.memory_space<hbm>>
    %dma_wait3A_327 = tpu.memref_squeeze %dma_wait3A_326 : memref<1x16x16x128xf32, #tpu.memory_space<hbm>> -> memref<16x16x128xf32, #tpu.memory_space<hbm>>
    %dma_wait3A_328 = arith.constant 0 : i32
    %dma_wait3A_329 = arith.constant 0 : i32
    %dma_wait3A_330 = arith.constant 0 : i32
    %dma_wait3A_331 = tpu.memref_slice %arg6[%dma_wait3A_318, %dma_wait3A_328, %dma_wait3A_329, %dma_wait3A_330] : memref<2x16x16x128xf32, #tpu.memory_space<vmem>> -> memref<1x16x16x128xf32, #tpu.memory_space<vmem>>
    %dma_wait3A_332 = tpu.memref_squeeze %dma_wait3A_331 : memref<1x16x16x128xf32, #tpu.memory_space<vmem>> -> memref<16x16x128xf32, #tpu.memory_space<vmem>>
    %dma_wait3A_333 = arith.constant 0 : i32
    %dma_wait3A_334 = arith.constant 0 : i32
    %dma_wait3A_335 = tpu.memref_slice %arg2[%dma_wait3A_317, %add3A_185, %dma_wait3A_333, %dma_wait3A_334] : memref<2x2048x16x128xf32, #tpu.memory_space<hbm>> -> memref<1x16x16x128xf32, #tpu.memory_space<hbm>>
    %dma_wait3A_336 = tpu.memref_squeeze %dma_wait3A_335 : memref<1x16x16x128xf32, #tpu.memory_space<hbm>> -> memref<16x16x128xf32, #tpu.memory_space<hbm>>
    tpu.wait_dma2 semaphore(%arg8 : memref<!tpu.dma_semaphore, #tpu.memory_space<semaphore_mem>>) src(%dma_wait3A_336 : memref<16x16x128xf32, #tpu.memory_space<hbm>>) dst(%dma_wait3A_332 : memref<16x16x128xf32, #tpu.memory_space<vmem>>)
    %dma_start3A_337 = arith.constant 1 : i32
    %dma_start3A_338 = arith.constant 0 : i32
    %dma_start3A_339 = arith.constant 0 : i32
    %dma_start3A_340 = arith.constant 0 : i32
    %dma_start3A_341 = arith.constant 0 : i32
    %dma_start3A_342 = tpu.memref_slice %arg6[%dma_start3A_337, %dma_start3A_339, %dma_start3A_340, %dma_start3A_341] : memref<2x16x16x128xf32, #tpu.memory_space<vmem>> -> memref<1x16x16x128xf32, #tpu.memory_space<vmem>>
    %dma_start3A_343 = tpu.memref_squeeze %dma_start3A_342 : memref<1x16x16x128xf32, #tpu.memory_space<vmem>> -> memref<16x16x128xf32, #tpu.memory_space<vmem>>
    %dma_start3A_344 = arith.constant 0 : i32
    %dma_start3A_345 = arith.constant 0 : i32
    %dma_start3A_346 = tpu.memref_slice %arg4[%dma_start3A_338, %add3A_185, %dma_start3A_344, %dma_start3A_345] : memref<2x6144x16x128xf32, #tpu.memory_space<hbm>> -> memref<1x16x16x128xf32, #tpu.memory_space<hbm>>
    %dma_start3A_347 = tpu.memref_squeeze %dma_start3A_346 : memref<1x16x16x128xf32, #tpu.memory_space<hbm>> -> memref<16x16x128xf32, #tpu.memory_space<hbm>>
    %dma_start3A_348 = arith.constant 0 : i32
    %dma_start3A_349 = arith.constant 0 : i32
    %dma_start3A_350 = tpu.memref_slice %arg4[%dma_start3A_338, %add3A_185, %dma_start3A_348, %dma_start3A_349] : memref<2x6144x16x128xf32, #tpu.memory_space<hbm>> -> memref<1x16x16x128xf32, #tpu.memory_space<hbm>>
    %dma_start3A_351 = tpu.memref_squeeze %dma_start3A_350 : memref<1x16x16x128xf32, #tpu.memory_space<hbm>> -> memref<16x16x128xf32, #tpu.memory_space<hbm>>
    %dma_start3A_352 = arith.constant 0 : i32
    %dma_start3A_353 = arith.constant 0 : i32
    %dma_start3A_354 = arith.constant 0 : i32
    %dma_start3A_355 = tpu.memref_slice %arg6[%dma_start3A_337, %dma_start3A_352, %dma_start3A_353, %dma_start3A_354] : memref<2x16x16x128xf32, #tpu.memory_space<vmem>> -> memref<1x16x16x128xf32, #tpu.memory_space<vmem>>
    %dma_start3A_356 = tpu.memref_squeeze %dma_start3A_355 : memref<1x16x16x128xf32, #tpu.memory_space<vmem>> -> memref<16x16x128xf32, #tpu.memory_space<vmem>>
    tpu.enqueue_dma source(%dma_start3A_356 : memref<16x16x128xf32, #tpu.memory_space<vmem>>) target(%dma_start3A_351 : memref<16x16x128xf32, #tpu.memory_space<hbm>>) target_semaphore(%arg9 : memref<!tpu.dma_semaphore, #tpu.memory_space<semaphore_mem>>)
    %dma_wait3A_357 = arith.constant 1 : i32
    %dma_wait3A_358 = arith.constant 0 : i32
    %dma_wait3A_359 = arith.constant 0 : i32
    %dma_wait3A_360 = arith.constant 0 : i32
    %dma_wait3A_361 = arith.constant 0 : i32
    %dma_wait3A_362 = tpu.memref_slice %arg6[%dma_wait3A_357, %dma_wait3A_359, %dma_wait3A_360, %dma_wait3A_361] : memref<2x16x16x128xf32, #tpu.memory_space<vmem>> -> memref<1x16x16x128xf32, #tpu.memory_space<vmem>>
    %dma_wait3A_363 = tpu.memref_squeeze %dma_wait3A_362 : memref<1x16x16x128xf32, #tpu.memory_space<vmem>> -> memref<16x16x128xf32, #tpu.memory_space<vmem>>
    %dma_wait3A_364 = arith.constant 0 : i32
    %dma_wait3A_365 = arith.constant 0 : i32
    %dma_wait3A_366 = tpu.memref_slice %arg4[%dma_wait3A_358, %add3A_185, %dma_wait3A_364, %dma_wait3A_365] : memref<2x6144x16x128xf32, #tpu.memory_space<hbm>> -> memref<1x16x16x128xf32, #tpu.memory_space<hbm>>
    %dma_wait3A_367 = tpu.memref_squeeze %dma_wait3A_366 : memref<1x16x16x128xf32, #tpu.memory_space<hbm>> -> memref<16x16x128xf32, #tpu.memory_space<hbm>>
    %dma_wait3A_368 = arith.constant 0 : i32
    %dma_wait3A_369 = arith.constant 0 : i32
    %dma_wait3A_370 = tpu.memref_slice %arg4[%dma_wait3A_358, %add3A_185, %dma_wait3A_368, %dma_wait3A_369] : memref<2x6144x16x128xf32, #tpu.memory_space<hbm>> -> memref<1x16x16x128xf32, #tpu.memory_space<hbm>>
    %dma_wait3A_371 = tpu.memref_squeeze %dma_wait3A_370 : memref<1x16x16x128xf32, #tpu.memory_space<hbm>> -> memref<16x16x128xf32, #tpu.memory_space<hbm>>
    %dma_wait3A_372 = arith.constant 0 : i32
    %dma_wait3A_373 = arith.constant 0 : i32
    %dma_wait3A_374 = arith.constant 0 : i32
    %dma_wait3A_375 = tpu.memref_slice %arg6[%dma_wait3A_357, %dma_wait3A_372, %dma_wait3A_373, %dma_wait3A_374] : memref<2x16x16x128xf32, #tpu.memory_space<vmem>> -> memref<1x16x16x128xf32, #tpu.memory_space<vmem>>
    %dma_wait3A_376 = tpu.memref_squeeze %dma_wait3A_375 : memref<1x16x16x128xf32, #tpu.memory_space<vmem>> -> memref<16x16x128xf32, #tpu.memory_space<vmem>>
    tpu.wait_dma2 semaphore(%arg9 : memref<!tpu.dma_semaphore, #tpu.memory_space<semaphore_mem>>) src(%dma_wait3A_376 : memref<16x16x128xf32, #tpu.memory_space<vmem>>) dst(%dma_wait3A_371 : memref<16x16x128xf32, #tpu.memory_space<hbm>>)
    %dma_start3A_377 = arith.constant 0 : i32
    %dma_start3A_378 = arith.constant 1 : i32
    %dma_start3A_379 = arith.constant 0 : i32
    %dma_start3A_380 = arith.constant 0 : i32
    %dma_start3A_381 = arith.constant 0 : i32
    %dma_start3A_382 = tpu.memref_slice %arg6[%dma_start3A_378, %dma_start3A_379, %dma_start3A_380, %dma_start3A_381] : memref<2x16x16x128xf32, #tpu.memory_space<vmem>> -> memref<1x16x16x128xf32, #tpu.memory_space<vmem>>
    %dma_start3A_383 = tpu.memref_squeeze %dma_start3A_382 : memref<1x16x16x128xf32, #tpu.memory_space<vmem>> -> memref<16x16x128xf32, #tpu.memory_space<vmem>>
    %dma_start3A_384 = arith.constant 0 : i32
    %dma_start3A_385 = arith.constant 0 : i32
    %dma_start3A_386 = tpu.memref_slice %arg2[%dma_start3A_377, %add3A_189, %dma_start3A_384, %dma_start3A_385] : memref<2x2048x16x128xf32, #tpu.memory_space<hbm>> -> memref<1x16x16x128xf32, #tpu.memory_space<hbm>>
    %dma_start3A_387 = tpu.memref_squeeze %dma_start3A_386 : memref<1x16x16x128xf32, #tpu.memory_space<hbm>> -> memref<16x16x128xf32, #tpu.memory_space<hbm>>
    %dma_start3A_388 = arith.constant 0 : i32
    %dma_start3A_389 = arith.constant 0 : i32
    %dma_start3A_390 = arith.constant 0 : i32
    %dma_start3A_391 = tpu.memref_slice %arg6[%dma_start3A_378, %dma_start3A_388, %dma_start3A_389, %dma_start3A_390] : memref<2x16x16x128xf32, #tpu.memory_space<vmem>> -> memref<1x16x16x128xf32, #tpu.memory_space<vmem>>
    %dma_start3A_392 = tpu.memref_squeeze %dma_start3A_391 : memref<1x16x16x128xf32, #tpu.memory_space<vmem>> -> memref<16x16x128xf32, #tpu.memory_space<vmem>>
    %dma_start3A_393 = arith.constant 0 : i32
    %dma_start3A_394 = arith.constant 0 : i32
    %dma_start3A_395 = tpu.memref_slice %arg2[%dma_start3A_377, %add3A_189, %dma_start3A_393, %dma_start3A_394] : memref<2x2048x16x128xf32, #tpu.memory_space<hbm>> -> memref<1x16x16x128xf32, #tpu.memory_space<hbm>>
    %dma_start3A_396 = tpu.memref_squeeze %dma_start3A_395 : memref<1x16x16x128xf32, #tpu.memory_space<hbm>> -> memref<16x16x128xf32, #tpu.memory_space<hbm>>
    tpu.enqueue_dma source(%dma_start3A_396 : memref<16x16x128xf32, #tpu.memory_space<hbm>>) target(%dma_start3A_392 : memref<16x16x128xf32, #tpu.memory_space<vmem>>) target_semaphore(%arg8 : memref<!tpu.dma_semaphore, #tpu.memory_space<semaphore_mem>>)
    %dma_wait3A_397 = arith.constant 0 : i32
    %dma_wait3A_398 = arith.constant 0 : i32
    %dma_wait3A_399 = arith.constant 0 : i32
    %dma_wait3A_400 = arith.constant 0 : i32
    %dma_wait3A_401 = arith.constant 0 : i32
    %dma_wait3A_402 = tpu.memref_slice %arg6[%dma_wait3A_398, %dma_wait3A_399, %dma_wait3A_400, %dma_wait3A_401] : memref<2x16x16x128xf32, #tpu.memory_space<vmem>> -> memref<1x16x16x128xf32, #tpu.memory_space<vmem>>
    %dma_wait3A_403 = tpu.memref_squeeze %dma_wait3A_402 : memref<1x16x16x128xf32, #tpu.memory_space<vmem>> -> memref<16x16x128xf32, #tpu.memory_space<vmem>>
    %dma_wait3A_404 = arith.constant 0 : i32
    %dma_wait3A_405 = arith.constant 0 : i32
    %dma_wait3A_406 = tpu.memref_slice %arg2[%dma_wait3A_397, %add3A_187, %dma_wait3A_404, %dma_wait3A_405] : memref<2x2048x16x128xf32, #tpu.memory_space<hbm>> -> memref<1x16x16x128xf32, #tpu.memory_space<hbm>>
    %dma_wait3A_407 = tpu.memref_squeeze %dma_wait3A_406 : memref<1x16x16x128xf32, #tpu.memory_space<hbm>> -> memref<16x16x128xf32, #tpu.memory_space<hbm>>
    %dma_wait3A_408 = arith.constant 0 : i32
    %dma_wait3A_409 = arith.constant 0 : i32
    %dma_wait3A_410 = arith.constant 0 : i32
    %dma_wait3A_411 = tpu.memref_slice %arg6[%dma_wait3A_398, %dma_wait3A_408, %dma_wait3A_409, %dma_wait3A_410] : memref<2x16x16x128xf32, #tpu.memory_space<vmem>> -> memref<1x16x16x128xf32, #tpu.memory_space<vmem>>
    %dma_wait3A_412 = tpu.memref_squeeze %dma_wait3A_411 : memref<1x16x16x128xf32, #tpu.memory_space<vmem>> -> memref<16x16x128xf32, #tpu.memory_space<vmem>>
    %dma_wait3A_413 = arith.constant 0 : i32
    %dma_wait3A_414 = arith.constant 0 : i32
    %dma_wait3A_415 = tpu.memref_slice %arg2[%dma_wait3A_397, %add3A_187, %dma_wait3A_413, %dma_wait3A_414] : memref<2x2048x16x128xf32, #tpu.memory_space<hbm>> -> memref<1x16x16x128xf32, #tpu.memory_space<hbm>>
    %dma_wait3A_416 = tpu.memref_squeeze %dma_wait3A_415 : memref<1x16x16x128xf32, #tpu.memory_space<hbm>> -> memref<16x16x128xf32, #tpu.memory_space<hbm>>
    tpu.wait_dma2 semaphore(%arg8 : memref<!tpu.dma_semaphore, #tpu.memory_space<semaphore_mem>>) src(%dma_wait3A_416 : memref<16x16x128xf32, #tpu.memory_space<hbm>>) dst(%dma_wait3A_412 : memref<16x16x128xf32, #tpu.memory_space<vmem>>)
    %dma_start3A_417 = arith.constant 0 : i32
    %dma_start3A_418 = arith.constant 0 : i32
    %dma_start3A_419 = arith.constant 0 : i32
    %dma_start3A_420 = arith.constant 0 : i32
    %dma_start3A_421 = arith.constant 0 : i32
    %dma_start3A_422 = tpu.memref_slice %arg6[%dma_start3A_417, %dma_start3A_419, %dma_start3A_420, %dma_start3A_421] : memref<2x16x16x128xf32, #tpu.memory_space<vmem>> -> memref<1x16x16x128xf32, #tpu.memory_space<vmem>>
    %dma_start3A_423 = tpu.memref_squeeze %dma_start3A_422 : memref<1x16x16x128xf32, #tpu.memory_space<vmem>> -> memref<16x16x128xf32, #tpu.memory_space<vmem>>
    %dma_start3A_424 = arith.constant 0 : i32
    %dma_start3A_425 = arith.constant 0 : i32
    %dma_start3A_426 = tpu.memref_slice %arg4[%dma_start3A_418, %add3A_187, %dma_start3A_424, %dma_start3A_425] : memref<2x6144x16x128xf32, #tpu.memory_space<hbm>> -> memref<1x16x16x128xf32, #tpu.memory_space<hbm>>
    %dma_start3A_427 = tpu.memref_squeeze %dma_start3A_426 : memref<1x16x16x128xf32, #tpu.memory_space<hbm>> -> memref<16x16x128xf32, #tpu.memory_space<hbm>>
    %dma_start3A_428 = arith.constant 0 : i32
    %dma_start3A_429 = arith.constant 0 : i32
    %dma_start3A_430 = tpu.memref_slice %arg4[%dma_start3A_418, %add3A_187, %dma_start3A_428, %dma_start3A_429] : memref<2x6144x16x128xf32, #tpu.memory_space<hbm>> -> memref<1x16x16x128xf32, #tpu.memory_space<hbm>>
    %dma_start3A_431 = tpu.memref_squeeze %dma_start3A_430 : memref<1x16x16x128xf32, #tpu.memory_space<hbm>> -> memref<16x16x128xf32, #tpu.memory_space<hbm>>
    %dma_start3A_432 = arith.constant 0 : i32
    %dma_start3A_433 = arith.constant 0 : i32
    %dma_start3A_434 = arith.constant 0 : i32
    %dma_start3A_435 = tpu.memref_slice %arg6[%dma_start3A_417, %dma_start3A_432, %dma_start3A_433, %dma_start3A_434] : memref<2x16x16x128xf32, #tpu.memory_space<vmem>> -> memref<1x16x16x128xf32, #tpu.memory_space<vmem>>
    %dma_start3A_436 = tpu.memref_squeeze %dma_start3A_435 : memref<1x16x16x128xf32, #tpu.memory_space<vmem>> -> memref<16x16x128xf32, #tpu.memory_space<vmem>>
    tpu.enqueue_dma source(%dma_start3A_436 : memref<16x16x128xf32, #tpu.memory_space<vmem>>) target(%dma_start3A_431 : memref<16x16x128xf32, #tpu.memory_space<hbm>>) target_semaphore(%arg9 : memref<!tpu.dma_semaphore, #tpu.memory_space<semaphore_mem>>)
    %dma_wait3A_437 = arith.constant 0 : i32
    %dma_wait3A_438 = arith.constant 0 : i32
    %dma_wait3A_439 = arith.constant 0 : i32
    %dma_wait3A_440 = arith.constant 0 : i32
    %dma_wait3A_441 = arith.constant 0 : i32
    %dma_wait3A_442 = tpu.memref_slice %arg6[%dma_wait3A_437, %dma_wait3A_439, %dma_wait3A_440, %dma_wait3A_441] : memref<2x16x16x128xf32, #tpu.memory_space<vmem>> -> memref<1x16x16x128xf32, #tpu.memory_space<vmem>>
    %dma_wait3A_443 = tpu.memref_squeeze %dma_wait3A_442 : memref<1x16x16x128xf32, #tpu.memory_space<vmem>> -> memref<16x16x128xf32, #tpu.memory_space<vmem>>
    %dma_wait3A_444 = arith.constant 0 : i32
    %dma_wait3A_445 = arith.constant 0 : i32
    %dma_wait3A_446 = tpu.memref_slice %arg4[%dma_wait3A_438, %add3A_187, %dma_wait3A_444, %dma_wait3A_445] : memref<2x6144x16x128xf32, #tpu.memory_space<hbm>> -> memref<1x16x16x128xf32, #tpu.memory_space<hbm>>
    %dma_wait3A_447 = tpu.memref_squeeze %dma_wait3A_446 : memref<1x16x16x128xf32, #tpu.memory_space<hbm>> -> memref<16x16x128xf32, #tpu.memory_space<hbm>>
    %dma_wait3A_448 = arith.constant 0 : i32
    %dma_wait3A_449 = arith.constant 0 : i32
    %dma_wait3A_450 = tpu.memref_slice %arg4[%dma_wait3A_438, %add3A_187, %dma_wait3A_448, %dma_wait3A_449] : memref<2x6144x16x128xf32, #tpu.memory_space<hbm>> -> memref<1x16x16x128xf32, #tpu.memory_space<hbm>>
    %dma_wait3A_451 = tpu.memref_squeeze %dma_wait3A_450 : memref<1x16x16x128xf32, #tpu.memory_space<hbm>> -> memref<16x16x128xf32, #tpu.memory_space<hbm>>
    %dma_wait3A_452 = arith.constant 0 : i32
    %dma_wait3A_453 = arith.constant 0 : i32
    %dma_wait3A_454 = arith.constant 0 : i32
    %dma_wait3A_455 = tpu.memref_slice %arg6[%dma_wait3A_437, %dma_wait3A_452, %dma_wait3A_453, %dma_wait3A_454] : memref<2x16x16x128xf32, #tpu.memory_space<vmem>> -> memref<1x16x16x128xf32, #tpu.memory_space<vmem>>
    %dma_wait3A_456 = tpu.memref_squeeze %dma_wait3A_455 : memref<1x16x16x128xf32, #tpu.memory_space<vmem>> -> memref<16x16x128xf32, #tpu.memory_space<vmem>>
    tpu.wait_dma2 semaphore(%arg9 : memref<!tpu.dma_semaphore, #tpu.memory_space<semaphore_mem>>) src(%dma_wait3A_456 : memref<16x16x128xf32, #tpu.memory_space<vmem>>) dst(%dma_wait3A_451 : memref<16x16x128xf32, #tpu.memory_space<hbm>>)
    %dma_start3A_457 = arith.constant 1 : i32
    %dma_start3A_458 = arith.constant 0 : i32
    %dma_start3A_459 = arith.constant 0 : i32
    %dma_start3A_460 = arith.constant 0 : i32
    %dma_start3A_461 = arith.constant 0 : i32
    %dma_start3A_462 = tpu.memref_slice %arg6[%dma_start3A_458, %dma_start3A_459, %dma_start3A_460, %dma_start3A_461] : memref<2x16x16x128xf32, #tpu.memory_space<vmem>> -> memref<1x16x16x128xf32, #tpu.memory_space<vmem>>
    %dma_start3A_463 = tpu.memref_squeeze %dma_start3A_462 : memref<1x16x16x128xf32, #tpu.memory_space<vmem>> -> memref<16x16x128xf32, #tpu.memory_space<vmem>>
    %dma_start3A_464 = arith.constant 0 : i32
    %dma_start3A_465 = arith.constant 0 : i32
    %dma_start3A_466 = tpu.memref_slice %arg2[%dma_start3A_457, %add3A_191, %dma_start3A_464, %dma_start3A_465] : memref<2x2048x16x128xf32, #tpu.memory_space<hbm>> -> memref<1x16x16x128xf32, #tpu.memory_space<hbm>>
    %dma_start3A_467 = tpu.memref_squeeze %dma_start3A_466 : memref<1x16x16x128xf32, #tpu.memory_space<hbm>> -> memref<16x16x128xf32, #tpu.memory_space<hbm>>
    %dma_start3A_468 = arith.constant 0 : i32
    %dma_start3A_469 = arith.constant 0 : i32
    %dma_start3A_470 = arith.constant 0 : i32
    %dma_start3A_471 = tpu.memref_slice %arg6[%dma_start3A_458, %dma_start3A_468, %dma_start3A_469, %dma_start3A_470] : memref<2x16x16x128xf32, #tpu.memory_space<vmem>> -> memref<1x16x16x128xf32, #tpu.memory_space<vmem>>
    %dma_start3A_472 = tpu.memref_squeeze %dma_start3A_471 : memref<1x16x16x128xf32, #tpu.memory_space<vmem>> -> memref<16x16x128xf32, #tpu.memory_space<vmem>>
    %dma_start3A_473 = arith.constant 0 : i32
    %dma_start3A_474 = arith.constant 0 : i32
    %dma_start3A_475 = tpu.memref_slice %arg2[%dma_start3A_457, %add3A_191, %dma_start3A_473, %dma_start3A_474] : memref<2x2048x16x128xf32, #tpu.memory_space<hbm>> -> memref<1x16x16x128xf32, #tpu.memory_space<hbm>>
    %dma_start3A_476 = tpu.memref_squeeze %dma_start3A_475 : memref<1x16x16x128xf32, #tpu.memory_space<hbm>> -> memref<16x16x128xf32, #tpu.memory_space<hbm>>
    tpu.enqueue_dma source(%dma_start3A_476 : memref<16x16x128xf32, #tpu.memory_space<hbm>>) target(%dma_start3A_472 : memref<16x16x128xf32, #tpu.memory_space<vmem>>) target_semaphore(%arg8 : memref<!tpu.dma_semaphore, #tpu.memory_space<semaphore_mem>>)
    %dma_wait3A_477 = arith.constant 0 : i32
    %dma_wait3A_478 = arith.constant 1 : i32
    %dma_wait3A_479 = arith.constant 0 : i32
    %dma_wait3A_480 = arith.constant 0 : i32
    %dma_wait3A_481 = arith.constant 0 : i32
    %dma_wait3A_482 = tpu.memref_slice %arg6[%dma_wait3A_478, %dma_wait3A_479, %dma_wait3A_480, %dma_wait3A_481] : memref<2x16x16x128xf32, #tpu.memory_space<vmem>> -> memref<1x16x16x128xf32, #tpu.memory_space<vmem>>
    %dma_wait3A_483 = tpu.memref_squeeze %dma_wait3A_482 : memref<1x16x16x128xf32, #tpu.memory_space<vmem>> -> memref<16x16x128xf32, #tpu.memory_space<vmem>>
    %dma_wait3A_484 = arith.constant 0 : i32
    %dma_wait3A_485 = arith.constant 0 : i32
    %dma_wait3A_486 = tpu.memref_slice %arg2[%dma_wait3A_477, %add3A_189, %dma_wait3A_484, %dma_wait3A_485] : memref<2x2048x16x128xf32, #tpu.memory_space<hbm>> -> memref<1x16x16x128xf32, #tpu.memory_space<hbm>>
    %dma_wait3A_487 = tpu.memref_squeeze %dma_wait3A_486 : memref<1x16x16x128xf32, #tpu.memory_space<hbm>> -> memref<16x16x128xf32, #tpu.memory_space<hbm>>
    %dma_wait3A_488 = arith.constant 0 : i32
    %dma_wait3A_489 = arith.constant 0 : i32
    %dma_wait3A_490 = arith.constant 0 : i32
    %dma_wait3A_491 = tpu.memref_slice %arg6[%dma_wait3A_478, %dma_wait3A_488, %dma_wait3A_489, %dma_wait3A_490] : memref<2x16x16x128xf32, #tpu.memory_space<vmem>> -> memref<1x16x16x128xf32, #tpu.memory_space<vmem>>
    %dma_wait3A_492 = tpu.memref_squeeze %dma_wait3A_491 : memref<1x16x16x128xf32, #tpu.memory_space<vmem>> -> memref<16x16x128xf32, #tpu.memory_space<vmem>>
    %dma_wait3A_493 = arith.constant 0 : i32
    %dma_wait3A_494 = arith.constant 0 : i32
    %dma_wait3A_495 = tpu.memref_slice %arg2[%dma_wait3A_477, %add3A_189, %dma_wait3A_493, %dma_wait3A_494] : memref<2x2048x16x128xf32, #tpu.memory_space<hbm>> -> memref<1x16x16x128xf32, #tpu.memory_space<hbm>>
    %dma_wait3A_496 = tpu.memref_squeeze %dma_wait3A_495 : memref<1x16x16x128xf32, #tpu.memory_space<hbm>> -> memref<16x16x128xf32, #tpu.memory_space<hbm>>
    tpu.wait_dma2 semaphore(%arg8 : memref<!tpu.dma_semaphore, #tpu.memory_space<semaphore_mem>>) src(%dma_wait3A_496 : memref<16x16x128xf32, #tpu.memory_space<hbm>>) dst(%dma_wait3A_492 : memref<16x16x128xf32, #tpu.memory_space<vmem>>)
    %dma_start3A_497 = arith.constant 1 : i32
    %dma_start3A_498 = arith.constant 0 : i32
    %dma_start3A_499 = arith.constant 0 : i32
    %dma_start3A_500 = arith.constant 0 : i32
    %dma_start3A_501 = arith.constant 0 : i32
    %dma_start3A_502 = tpu.memref_slice %arg6[%dma_start3A_497, %dma_start3A_499, %dma_start3A_500, %dma_start3A_501] : memref<2x16x16x128xf32, #tpu.memory_space<vmem>> -> memref<1x16x16x128xf32, #tpu.memory_space<vmem>>
    %dma_start3A_503 = tpu.memref_squeeze %dma_start3A_502 : memref<1x16x16x128xf32, #tpu.memory_space<vmem>> -> memref<16x16x128xf32, #tpu.memory_space<vmem>>
    %dma_start3A_504 = arith.constant 0 : i32
    %dma_start3A_505 = arith.constant 0 : i32
    %dma_start3A_506 = tpu.memref_slice %arg4[%dma_start3A_498, %add3A_189, %dma_start3A_504, %dma_start3A_505] : memref<2x6144x16x128xf32, #tpu.memory_space<hbm>> -> memref<1x16x16x128xf32, #tpu.memory_space<hbm>>
    %dma_start3A_507 = tpu.memref_squeeze %dma_start3A_506 : memref<1x16x16x128xf32, #tpu.memory_space<hbm>> -> memref<16x16x128xf32, #tpu.memory_space<hbm>>
    %dma_start3A_508 = arith.constant 0 : i32
    %dma_start3A_509 = arith.constant 0 : i32
    %dma_start3A_510 = tpu.memref_slice %arg4[%dma_start3A_498, %add3A_189, %dma_start3A_508, %dma_start3A_509] : memref<2x6144x16x128xf32, #tpu.memory_space<hbm>> -> memref<1x16x16x128xf32, #tpu.memory_space<hbm>>
    %dma_start3A_511 = tpu.memref_squeeze %dma_start3A_510 : memref<1x16x16x128xf32, #tpu.memory_space<hbm>> -> memref<16x16x128xf32, #tpu.memory_space<hbm>>
    %dma_start3A_512 = arith.constant 0 : i32
    %dma_start3A_513 = arith.constant 0 : i32
    %dma_start3A_514 = arith.constant 0 : i32
    %dma_start3A_515 = tpu.memref_slice %arg6[%dma_start3A_497, %dma_start3A_512, %dma_start3A_513, %dma_start3A_514] : memref<2x16x16x128xf32, #tpu.memory_space<vmem>> -> memref<1x16x16x128xf32, #tpu.memory_space<vmem>>
    %dma_start3A_516 = tpu.memref_squeeze %dma_start3A_515 : memref<1x16x16x128xf32, #tpu.memory_space<vmem>> -> memref<16x16x128xf32, #tpu.memory_space<vmem>>
    tpu.enqueue_dma source(%dma_start3A_516 : memref<16x16x128xf32, #tpu.memory_space<vmem>>) target(%dma_start3A_511 : memref<16x16x128xf32, #tpu.memory_space<hbm>>) target_semaphore(%arg9 : memref<!tpu.dma_semaphore, #tpu.memory_space<semaphore_mem>>)
    %dma_wait3A_517 = arith.constant 1 : i32
    %dma_wait3A_518 = arith.constant 0 : i32
    %dma_wait3A_519 = arith.constant 0 : i32
    %dma_wait3A_520 = arith.constant 0 : i32
    %dma_wait3A_521 = arith.constant 0 : i32
    %dma_wait3A_522 = tpu.memref_slice %arg6[%dma_wait3A_517, %dma_wait3A_519, %dma_wait3A_520, %dma_wait3A_521] : memref<2x16x16x128xf32, #tpu.memory_space<vmem>> -> memref<1x16x16x128xf32, #tpu.memory_space<vmem>>
    %dma_wait3A_523 = tpu.memref_squeeze %dma_wait3A_522 : memref<1x16x16x128xf32, #tpu.memory_space<vmem>> -> memref<16x16x128xf32, #tpu.memory_space<vmem>>
    %dma_wait3A_524 = arith.constant 0 : i32
    %dma_wait3A_525 = arith.constant 0 : i32
    %dma_wait3A_526 = tpu.memref_slice %arg4[%dma_wait3A_518, %add3A_189, %dma_wait3A_524, %dma_wait3A_525] : memref<2x6144x16x128xf32, #tpu.memory_space<hbm>> -> memref<1x16x16x128xf32, #tpu.memory_space<hbm>>
    %dma_wait3A_527 = tpu.memref_squeeze %dma_wait3A_526 : memref<1x16x16x128xf32, #tpu.memory_space<hbm>> -> memref<16x16x128xf32, #tpu.memory_space<hbm>>
    %dma_wait3A_528 = arith.constant 0 : i32
    %dma_wait3A_529 = arith.constant 0 : i32
    %dma_wait3A_530 = tpu.memref_slice %arg4[%dma_wait3A_518, %add3A_189, %dma_wait3A_528, %dma_wait3A_529] : memref<2x6144x16x128xf32, #tpu.memory_space<hbm>> -> memref<1x16x16x128xf32, #tpu.memory_space<hbm>>
    %dma_wait3A_531 = tpu.memref_squeeze %dma_wait3A_530 : memref<1x16x16x128xf32, #tpu.memory_space<hbm>> -> memref<16x16x128xf32, #tpu.memory_space<hbm>>
    %dma_wait3A_532 = arith.constant 0 : i32
    %dma_wait3A_533 = arith.constant 0 : i32
    %dma_wait3A_534 = arith.constant 0 : i32
    %dma_wait3A_535 = tpu.memref_slice %arg6[%dma_wait3A_517, %dma_wait3A_532, %dma_wait3A_533, %dma_wait3A_534] : memref<2x16x16x128xf32, #tpu.memory_space<vmem>> -> memref<1x16x16x128xf32, #tpu.memory_space<vmem>>
    %dma_wait3A_536 = tpu.memref_squeeze %dma_wait3A_535 : memref<1x16x16x128xf32, #tpu.memory_space<vmem>> -> memref<16x16x128xf32, #tpu.memory_space<vmem>>
    tpu.wait_dma2 semaphore(%arg9 : memref<!tpu.dma_semaphore, #tpu.memory_space<semaphore_mem>>) src(%dma_wait3A_536 : memref<16x16x128xf32, #tpu.memory_space<vmem>>) dst(%dma_wait3A_531 : memref<16x16x128xf32, #tpu.memory_space<hbm>>)
    %dma_start3A_537 = arith.constant 1 : i32
    %dma_start3A_538 = arith.constant 1 : i32
    %dma_start3A_539 = arith.constant 0 : i32
    %dma_start3A_540 = arith.constant 0 : i32
    %dma_start3A_541 = arith.constant 0 : i32
    %dma_start3A_542 = tpu.memref_slice %arg6[%dma_start3A_538, %dma_start3A_539, %dma_start3A_540, %dma_start3A_541] : memref<2x16x16x128xf32, #tpu.memory_space<vmem>> -> memref<1x16x16x128xf32, #tpu.memory_space<vmem>>
    %dma_start3A_543 = tpu.memref_squeeze %dma_start3A_542 : memref<1x16x16x128xf32, #tpu.memory_space<vmem>> -> memref<16x16x128xf32, #tpu.memory_space<vmem>>
    %dma_start3A_544 = arith.constant 0 : i32
    %dma_start3A_545 = arith.constant 0 : i32
    %dma_start3A_546 = tpu.memref_slice %arg2[%dma_start3A_537, %add3A_193, %dma_start3A_544, %dma_start3A_545] : memref<2x2048x16x128xf32, #tpu.memory_space<hbm>> -> memref<1x16x16x128xf32, #tpu.memory_space<hbm>>
    %dma_start3A_547 = tpu.memref_squeeze %dma_start3A_546 : memref<1x16x16x128xf32, #tpu.memory_space<hbm>> -> memref<16x16x128xf32, #tpu.memory_space<hbm>>
    %dma_start3A_548 = arith.constant 0 : i32
    %dma_start3A_549 = arith.constant 0 : i32
    %dma_start3A_550 = arith.constant 0 : i32
    %dma_start3A_551 = tpu.memref_slice %arg6[%dma_start3A_538, %dma_start3A_548, %dma_start3A_549, %dma_start3A_550] : memref<2x16x16x128xf32, #tpu.memory_space<vmem>> -> memref<1x16x16x128xf32, #tpu.memory_space<vmem>>
    %dma_start3A_552 = tpu.memref_squeeze %dma_start3A_551 : memref<1x16x16x128xf32, #tpu.memory_space<vmem>> -> memref<16x16x128xf32, #tpu.memory_space<vmem>>
    %dma_start3A_553 = arith.constant 0 : i32
    %dma_start3A_554 = arith.constant 0 : i32
    %dma_start3A_555 = tpu.memref_slice %arg2[%dma_start3A_537, %add3A_193, %dma_start3A_553, %dma_start3A_554] : memref<2x2048x16x128xf32, #tpu.memory_space<hbm>> -> memref<1x16x16x128xf32, #tpu.memory_space<hbm>>
    %dma_start3A_556 = tpu.memref_squeeze %dma_start3A_555 : memref<1x16x16x128xf32, #tpu.memory_space<hbm>> -> memref<16x16x128xf32, #tpu.memory_space<hbm>>
    tpu.enqueue_dma source(%dma_start3A_556 : memref<16x16x128xf32, #tpu.memory_space<hbm>>) target(%dma_start3A_552 : memref<16x16x128xf32, #tpu.memory_space<vmem>>) target_semaphore(%arg8 : memref<!tpu.dma_semaphore, #tpu.memory_space<semaphore_mem>>)
    %dma_wait3A_557 = arith.constant 1 : i32
    %dma_wait3A_558 = arith.constant 0 : i32
    %dma_wait3A_559 = arith.constant 0 : i32
    %dma_wait3A_560 = arith.constant 0 : i32
    %dma_wait3A_561 = arith.constant 0 : i32
    %dma_wait3A_562 = tpu.memref_slice %arg6[%dma_wait3A_558, %dma_wait3A_559, %dma_wait3A_560, %dma_wait3A_561] : memref<2x16x16x128xf32, #tpu.memory_space<vmem>> -> memref<1x16x16x128xf32, #tpu.memory_space<vmem>>
    %dma_wait3A_563 = tpu.memref_squeeze %dma_wait3A_562 : memref<1x16x16x128xf32, #tpu.memory_space<vmem>> -> memref<16x16x128xf32, #tpu.memory_space<vmem>>
    %dma_wait3A_564 = arith.constant 0 : i32
    %dma_wait3A_565 = arith.constant 0 : i32
    %dma_wait3A_566 = tpu.memref_slice %arg2[%dma_wait3A_557, %add3A_191, %dma_wait3A_564, %dma_wait3A_565] : memref<2x2048x16x128xf32, #tpu.memory_space<hbm>> -> memref<1x16x16x128xf32, #tpu.memory_space<hbm>>
    %dma_wait3A_567 = tpu.memref_squeeze %dma_wait3A_566 : memref<1x16x16x128xf32, #tpu.memory_space<hbm>> -> memref<16x16x128xf32, #tpu.memory_space<hbm>>
    %dma_wait3A_568 = arith.constant 0 : i32
    %dma_wait3A_569 = arith.constant 0 : i32
    %dma_wait3A_570 = arith.constant 0 : i32
    %dma_wait3A_571 = tpu.memref_slice %arg6[%dma_wait3A_558, %dma_wait3A_568, %dma_wait3A_569, %dma_wait3A_570] : memref<2x16x16x128xf32, #tpu.memory_space<vmem>> -> memref<1x16x16x128xf32, #tpu.memory_space<vmem>>
    %dma_wait3A_572 = tpu.memref_squeeze %dma_wait3A_571 : memref<1x16x16x128xf32, #tpu.memory_space<vmem>> -> memref<16x16x128xf32, #tpu.memory_space<vmem>>
    %dma_wait3A_573 = arith.constant 0 : i32
    %dma_wait3A_574 = arith.constant 0 : i32
    %dma_wait3A_575 = tpu.memref_slice %arg2[%dma_wait3A_557, %add3A_191, %dma_wait3A_573, %dma_wait3A_574] : memref<2x2048x16x128xf32, #tpu.memory_space<hbm>> -> memref<1x16x16x128xf32, #tpu.memory_space<hbm>>
    %dma_wait3A_576 = tpu.memref_squeeze %dma_wait3A_575 : memref<1x16x16x128xf32, #tpu.memory_space<hbm>> -> memref<16x16x128xf32, #tpu.memory_space<hbm>>
    tpu.wait_dma2 semaphore(%arg8 : memref<!tpu.dma_semaphore, #tpu.memory_space<semaphore_mem>>) src(%dma_wait3A_576 : memref<16x16x128xf32, #tpu.memory_space<hbm>>) dst(%dma_wait3A_572 : memref<16x16x128xf32, #tpu.memory_space<vmem>>)
    %dma_start3A_577 = arith.constant 0 : i32
    %dma_start3A_578 = arith.constant 1 : i32
    %dma_start3A_579 = arith.constant 0 : i32
    %dma_start3A_580 = arith.constant 0 : i32
    %dma_start3A_581 = arith.constant 0 : i32
    %dma_start3A_582 = tpu.memref_slice %arg6[%dma_start3A_577, %dma_start3A_579, %dma_start3A_580, %dma_start3A_581] : memref<2x16x16x128xf32, #tpu.memory_space<vmem>> -> memref<1x16x16x128xf32, #tpu.memory_space<vmem>>
    %dma_start3A_583 = tpu.memref_squeeze %dma_start3A_582 : memref<1x16x16x128xf32, #tpu.memory_space<vmem>> -> memref<16x16x128xf32, #tpu.memory_space<vmem>>
    %dma_start3A_584 = arith.constant 0 : i32
    %dma_start3A_585 = arith.constant 0 : i32
    %dma_start3A_586 = tpu.memref_slice %arg4[%dma_start3A_578, %add3A_191, %dma_start3A_584, %dma_start3A_585] : memref<2x6144x16x128xf32, #tpu.memory_space<hbm>> -> memref<1x16x16x128xf32, #tpu.memory_space<hbm>>
    %dma_start3A_587 = tpu.memref_squeeze %dma_start3A_586 : memref<1x16x16x128xf32, #tpu.memory_space<hbm>> -> memref<16x16x128xf32, #tpu.memory_space<hbm>>
    %dma_start3A_588 = arith.constant 0 : i32
    %dma_start3A_589 = arith.constant 0 : i32
    %dma_start3A_590 = tpu.memref_slice %arg4[%dma_start3A_578, %add3A_191, %dma_start3A_588, %dma_start3A_589] : memref<2x6144x16x128xf32, #tpu.memory_space<hbm>> -> memref<1x16x16x128xf32, #tpu.memory_space<hbm>>
    %dma_start3A_591 = tpu.memref_squeeze %dma_start3A_590 : memref<1x16x16x128xf32, #tpu.memory_space<hbm>> -> memref<16x16x128xf32, #tpu.memory_space<hbm>>
    %dma_start3A_592 = arith.constant 0 : i32
    %dma_start3A_593 = arith.constant 0 : i32
    %dma_start3A_594 = arith.constant 0 : i32
    %dma_start3A_595 = tpu.memref_slice %arg6[%dma_start3A_577, %dma_start3A_592, %dma_start3A_593, %dma_start3A_594] : memref<2x16x16x128xf32, #tpu.memory_space<vmem>> -> memref<1x16x16x128xf32, #tpu.memory_space<vmem>>
    %dma_start3A_596 = tpu.memref_squeeze %dma_start3A_595 : memref<1x16x16x128xf32, #tpu.memory_space<vmem>> -> memref<16x16x128xf32, #tpu.memory_space<vmem>>
    tpu.enqueue_dma source(%dma_start3A_596 : memref<16x16x128xf32, #tpu.memory_space<vmem>>) target(%dma_start3A_591 : memref<16x16x128xf32, #tpu.memory_space<hbm>>) target_semaphore(%arg9 : memref<!tpu.dma_semaphore, #tpu.memory_space<semaphore_mem>>)
    %dma_wait3A_597 = arith.constant 0 : i32
    %dma_wait3A_598 = arith.constant 1 : i32
    %dma_wait3A_599 = arith.constant 0 : i32
    %dma_wait3A_600 = arith.constant 0 : i32
    %dma_wait3A_601 = arith.constant 0 : i32
    %dma_wait3A_602 = tpu.memref_slice %arg6[%dma_wait3A_597, %dma_wait3A_599, %dma_wait3A_600, %dma_wait3A_601] : memref<2x16x16x128xf32, #tpu.memory_space<vmem>> -> memref<1x16x16x128xf32, #tpu.memory_space<vmem>>
    %dma_wait3A_603 = tpu.memref_squeeze %dma_wait3A_602 : memref<1x16x16x128xf32, #tpu.memory_space<vmem>> -> memref<16x16x128xf32, #tpu.memory_space<vmem>>
    %dma_wait3A_604 = arith.constant 0 : i32
    %dma_wait3A_605 = arith.constant 0 : i32
    %dma_wait3A_606 = tpu.memref_slice %arg4[%dma_wait3A_598, %add3A_191, %dma_wait3A_604, %dma_wait3A_605] : memref<2x6144x16x128xf32, #tpu.memory_space<hbm>> -> memref<1x16x16x128xf32, #tpu.memory_space<hbm>>
    %dma_wait3A_607 = tpu.memref_squeeze %dma_wait3A_606 : memref<1x16x16x128xf32, #tpu.memory_space<hbm>> -> memref<16x16x128xf32, #tpu.memory_space<hbm>>
    %dma_wait3A_608 = arith.constant 0 : i32
    %dma_wait3A_609 = arith.constant 0 : i32
    %dma_wait3A_610 = tpu.memref_slice %arg4[%dma_wait3A_598, %add3A_191, %dma_wait3A_608, %dma_wait3A_609] : memref<2x6144x16x128xf32, #tpu.memory_space<hbm>> -> memref<1x16x16x128xf32, #tpu.memory_space<hbm>>
    %dma_wait3A_611 = tpu.memref_squeeze %dma_wait3A_610 : memref<1x16x16x128xf32, #tpu.memory_space<hbm>> -> memref<16x16x128xf32, #tpu.memory_space<hbm>>
    %dma_wait3A_612 = arith.constant 0 : i32
    %dma_wait3A_613 = arith.constant 0 : i32
    %dma_wait3A_614 = arith.constant 0 : i32
    %dma_wait3A_615 = tpu.memref_slice %arg6[%dma_wait3A_597, %dma_wait3A_612, %dma_wait3A_613, %dma_wait3A_614] : memref<2x16x16x128xf32, #tpu.memory_space<vmem>> -> memref<1x16x16x128xf32, #tpu.memory_space<vmem>>
    %dma_wait3A_616 = tpu.memref_squeeze %dma_wait3A_615 : memref<1x16x16x128xf32, #tpu.memory_space<vmem>> -> memref<16x16x128xf32, #tpu.memory_space<vmem>>
    tpu.wait_dma2 semaphore(%arg9 : memref<!tpu.dma_semaphore, #tpu.memory_space<semaphore_mem>>) src(%dma_wait3A_616 : memref<16x16x128xf32, #tpu.memory_space<vmem>>) dst(%dma_wait3A_611 : memref<16x16x128xf32, #tpu.memory_space<hbm>>)
    %dma_start3A_617 = arith.constant 1 : i32
    %dma_start3A_618 = arith.constant 0 : i32
    %dma_start3A_619 = arith.constant 0 : i32
    %dma_start3A_620 = arith.constant 0 : i32
    %dma_start3A_621 = arith.constant 0 : i32
    %dma_start3A_622 = tpu.memref_slice %arg6[%dma_start3A_618, %dma_start3A_619, %dma_start3A_620, %dma_start3A_621] : memref<2x16x16x128xf32, #tpu.memory_space<vmem>> -> memref<1x16x16x128xf32, #tpu.memory_space<vmem>>
    %dma_start3A_623 = tpu.memref_squeeze %dma_start3A_622 : memref<1x16x16x128xf32, #tpu.memory_space<vmem>> -> memref<16x16x128xf32, #tpu.memory_space<vmem>>
    %dma_start3A_624 = arith.constant 0 : i32
    %dma_start3A_625 = arith.constant 0 : i32
    %dma_start3A_626 = tpu.memref_slice %arg2[%dma_start3A_617, %add3A_195, %dma_start3A_624, %dma_start3A_625] : memref<2x2048x16x128xf32, #tpu.memory_space<hbm>> -> memref<1x16x16x128xf32, #tpu.memory_space<hbm>>
    %dma_start3A_627 = tpu.memref_squeeze %dma_start3A_626 : memref<1x16x16x128xf32, #tpu.memory_space<hbm>> -> memref<16x16x128xf32, #tpu.memory_space<hbm>>
    %dma_start3A_628 = arith.constant 0 : i32
    %dma_start3A_629 = arith.constant 0 : i32
    %dma_start3A_630 = arith.constant 0 : i32
    %dma_start3A_631 = tpu.memref_slice %arg6[%dma_start3A_618, %dma_start3A_628, %dma_start3A_629, %dma_start3A_630] : memref<2x16x16x128xf32, #tpu.memory_space<vmem>> -> memref<1x16x16x128xf32, #tpu.memory_space<vmem>>
    %dma_start3A_632 = tpu.memref_squeeze %dma_start3A_631 : memref<1x16x16x128xf32, #tpu.memory_space<vmem>> -> memref<16x16x128xf32, #tpu.memory_space<vmem>>
    %dma_start3A_633 = arith.constant 0 : i32
    %dma_start3A_634 = arith.constant 0 : i32
    %dma_start3A_635 = tpu.memref_slice %arg2[%dma_start3A_617, %add3A_195, %dma_start3A_633, %dma_start3A_634] : memref<2x2048x16x128xf32, #tpu.memory_space<hbm>> -> memref<1x16x16x128xf32, #tpu.memory_space<hbm>>
    %dma_start3A_636 = tpu.memref_squeeze %dma_start3A_635 : memref<1x16x16x128xf32, #tpu.memory_space<hbm>> -> memref<16x16x128xf32, #tpu.memory_space<hbm>>
    tpu.enqueue_dma source(%dma_start3A_636 : memref<16x16x128xf32, #tpu.memory_space<hbm>>) target(%dma_start3A_632 : memref<16x16x128xf32, #tpu.memory_space<vmem>>) target_semaphore(%arg8 : memref<!tpu.dma_semaphore, #tpu.memory_space<semaphore_mem>>)
    %dma_wait3A_637 = arith.constant 1 : i32
    %dma_wait3A_638 = arith.constant 1 : i32
    %dma_wait3A_639 = arith.constant 0 : i32
    %dma_wait3A_640 = arith.constant 0 : i32
    %dma_wait3A_641 = arith.constant 0 : i32
    %dma_wait3A_642 = tpu.memref_slice %arg6[%dma_wait3A_638, %dma_wait3A_639, %dma_wait3A_640, %dma_wait3A_641] : memref<2x16x16x128xf32, #tpu.memory_space<vmem>> -> memref<1x16x16x128xf32, #tpu.memory_space<vmem>>
    %dma_wait3A_643 = tpu.memref_squeeze %dma_wait3A_642 : memref<1x16x16x128xf32, #tpu.memory_space<vmem>> -> memref<16x16x128xf32, #tpu.memory_space<vmem>>
    %dma_wait3A_644 = arith.constant 0 : i32
    %dma_wait3A_645 = arith.constant 0 : i32
    %dma_wait3A_646 = tpu.memref_slice %arg2[%dma_wait3A_637, %add3A_193, %dma_wait3A_644, %dma_wait3A_645] : memref<2x2048x16x128xf32, #tpu.memory_space<hbm>> -> memref<1x16x16x128xf32, #tpu.memory_space<hbm>>
    %dma_wait3A_647 = tpu.memref_squeeze %dma_wait3A_646 : memref<1x16x16x128xf32, #tpu.memory_space<hbm>> -> memref<16x16x128xf32, #tpu.memory_space<hbm>>
    %dma_wait3A_648 = arith.constant 0 : i32
    %dma_wait3A_649 = arith.constant 0 : i32
    %dma_wait3A_650 = arith.constant 0 : i32
    %dma_wait3A_651 = tpu.memref_slice %arg6[%dma_wait3A_638, %dma_wait3A_648, %dma_wait3A_649, %dma_wait3A_650] : memref<2x16x16x128xf32, #tpu.memory_space<vmem>> -> memref<1x16x16x128xf32, #tpu.memory_space<vmem>>
    %dma_wait3A_652 = tpu.memref_squeeze %dma_wait3A_651 : memref<1x16x16x128xf32, #tpu.memory_space<vmem>> -> memref<16x16x128xf32, #tpu.memory_space<vmem>>
    %dma_wait3A_653 = arith.constant 0 : i32
    %dma_wait3A_654 = arith.constant 0 : i32
    %dma_wait3A_655 = tpu.memref_slice %arg2[%dma_wait3A_637, %add3A_193, %dma_wait3A_653, %dma_wait3A_654] : memref<2x2048x16x128xf32, #tpu.memory_space<hbm>> -> memref<1x16x16x128xf32, #tpu.memory_space<hbm>>
    %dma_wait3A_656 = tpu.memref_squeeze %dma_wait3A_655 : memref<1x16x16x128xf32, #tpu.memory_space<hbm>> -> memref<16x16x128xf32, #tpu.memory_space<hbm>>
    tpu.wait_dma2 semaphore(%arg8 : memref<!tpu.dma_semaphore, #tpu.memory_space<semaphore_mem>>) src(%dma_wait3A_656 : memref<16x16x128xf32, #tpu.memory_space<hbm>>) dst(%dma_wait3A_652 : memref<16x16x128xf32, #tpu.memory_space<vmem>>)
    %dma_start3A_657 = arith.constant 1 : i32
    %dma_start3A_658 = arith.constant 1 : i32
    %dma_start3A_659 = arith.constant 0 : i32
    %dma_start3A_660 = arith.constant 0 : i32
    %dma_start3A_661 = arith.constant 0 : i32
    %dma_start3A_662 = tpu.memref_slice %arg6[%dma_start3A_657, %dma_start3A_659, %dma_start3A_660, %dma_start3A_661] : memref<2x16x16x128xf32, #tpu.memory_space<vmem>> -> memref<1x16x16x128xf32, #tpu.memory_space<vmem>>
    %dma_start3A_663 = tpu.memref_squeeze %dma_start3A_662 : memref<1x16x16x128xf32, #tpu.memory_space<vmem>> -> memref<16x16x128xf32, #tpu.memory_space<vmem>>
    %dma_start3A_664 = arith.constant 0 : i32
    %dma_start3A_665 = arith.constant 0 : i32
    %dma_start3A_666 = tpu.memref_slice %arg4[%dma_start3A_658, %add3A_193, %dma_start3A_664, %dma_start3A_665] : memref<2x6144x16x128xf32, #tpu.memory_space<hbm>> -> memref<1x16x16x128xf32, #tpu.memory_space<hbm>>
    %dma_start3A_667 = tpu.memref_squeeze %dma_start3A_666 : memref<1x16x16x128xf32, #tpu.memory_space<hbm>> -> memref<16x16x128xf32, #tpu.memory_space<hbm>>
    %dma_start3A_668 = arith.constant 0 : i32
    %dma_start3A_669 = arith.constant 0 : i32
    %dma_start3A_670 = tpu.memref_slice %arg4[%dma_start3A_658, %add3A_193, %dma_start3A_668, %dma_start3A_669] : memref<2x6144x16x128xf32, #tpu.memory_space<hbm>> -> memref<1x16x16x128xf32, #tpu.memory_space<hbm>>
    %dma_start3A_671 = tpu.memref_squeeze %dma_start3A_670 : memref<1x16x16x128xf32, #tpu.memory_space<hbm>> -> memref<16x16x128xf32, #tpu.memory_space<hbm>>
    %dma_start3A_672 = arith.constant 0 : i32
    %dma_start3A_673 = arith.constant 0 : i32
    %dma_start3A_674 = arith.constant 0 : i32
    %dma_start3A_675 = tpu.memref_slice %arg6[%dma_start3A_657, %dma_start3A_672, %dma_start3A_673, %dma_start3A_674] : memref<2x16x16x128xf32, #tpu.memory_space<vmem>> -> memref<1x16x16x128xf32, #tpu.memory_space<vmem>>
    %dma_start3A_676 = tpu.memref_squeeze %dma_start3A_675 : memref<1x16x16x128xf32, #tpu.memory_space<vmem>> -> memref<16x16x128xf32, #tpu.memory_space<vmem>>
    tpu.enqueue_dma source(%dma_start3A_676 : memref<16x16x128xf32, #tpu.memory_space<vmem>>) target(%dma_start3A_671 : memref<16x16x128xf32, #tpu.memory_space<hbm>>) target_semaphore(%arg9 : memref<!tpu.dma_semaphore, #tpu.memory_space<semaphore_mem>>)
    %dma_wait3A_677 = arith.constant 1 : i32
    %dma_wait3A_678 = arith.constant 1 : i32
    %dma_wait3A_679 = arith.constant 0 : i32
    %dma_wait3A_680 = arith.constant 0 : i32
    %dma_wait3A_681 = arith.constant 0 : i32
    %dma_wait3A_682 = tpu.memref_slice %arg6[%dma_wait3A_677, %dma_wait3A_679, %dma_wait3A_680, %dma_wait3A_681] : memref<2x16x16x128xf32, #tpu.memory_space<vmem>> -> memref<1x16x16x128xf32, #tpu.memory_space<vmem>>
    %dma_wait3A_683 = tpu.memref_squeeze %dma_wait3A_682 : memref<1x16x16x128xf32, #tpu.memory_space<vmem>> -> memref<16x16x128xf32, #tpu.memory_space<vmem>>
    %dma_wait3A_684 = arith.constant 0 : i32
    %dma_wait3A_685 = arith.constant 0 : i32
    %dma_wait3A_686 = tpu.memref_slice %arg4[%dma_wait3A_678, %add3A_193, %dma_wait3A_684, %dma_wait3A_685] : memref<2x6144x16x128xf32, #tpu.memory_space<hbm>> -> memref<1x16x16x128xf32, #tpu.memory_space<hbm>>
    %dma_wait3A_687 = tpu.memref_squeeze %dma_wait3A_686 : memref<1x16x16x128xf32, #tpu.memory_space<hbm>> -> memref<16x16x128xf32, #tpu.memory_space<hbm>>
    %dma_wait3A_688 = arith.constant 0 : i32
    %dma_wait3A_689 = arith.constant 0 : i32
    %dma_wait3A_690 = tpu.memref_slice %arg4[%dma_wait3A_678, %add3A_193, %dma_wait3A_688, %dma_wait3A_689] : memref<2x6144x16x128xf32, #tpu.memory_space<hbm>> -> memref<1x16x16x128xf32, #tpu.memory_space<hbm>>
    %dma_wait3A_691 = tpu.memref_squeeze %dma_wait3A_690 : memref<1x16x16x128xf32, #tpu.memory_space<hbm>> -> memref<16x16x128xf32, #tpu.memory_space<hbm>>
    %dma_wait3A_692 = arith.constant 0 : i32
    %dma_wait3A_693 = arith.constant 0 : i32
    %dma_wait3A_694 = arith.constant 0 : i32
    %dma_wait3A_695 = tpu.memref_slice %arg6[%dma_wait3A_677, %dma_wait3A_692, %dma_wait3A_693, %dma_wait3A_694] : memref<2x16x16x128xf32, #tpu.memory_space<vmem>> -> memref<1x16x16x128xf32, #tpu.memory_space<vmem>>
    %dma_wait3A_696 = tpu.memref_squeeze %dma_wait3A_695 : memref<1x16x16x128xf32, #tpu.memory_space<vmem>> -> memref<16x16x128xf32, #tpu.memory_space<vmem>>
    tpu.wait_dma2 semaphore(%arg9 : memref<!tpu.dma_semaphore, #tpu.memory_space<semaphore_mem>>) src(%dma_wait3A_696 : memref<16x16x128xf32, #tpu.memory_space<vmem>>) dst(%dma_wait3A_691 : memref<16x16x128xf32, #tpu.memory_space<hbm>>)
    %dma_start3A_697 = arith.constant 1 : i32
    %dma_start3A_698 = arith.constant 1 : i32
    %dma_start3A_699 = arith.constant 0 : i32
    %dma_start3A_700 = arith.constant 0 : i32
    %dma_start3A_701 = arith.constant 0 : i32
    %dma_start3A_702 = tpu.memref_slice %arg6[%dma_start3A_698, %dma_start3A_699, %dma_start3A_700, %dma_start3A_701] : memref<2x16x16x128xf32, #tpu.memory_space<vmem>> -> memref<1x16x16x128xf32, #tpu.memory_space<vmem>>
    %dma_start3A_703 = tpu.memref_squeeze %dma_start3A_702 : memref<1x16x16x128xf32, #tpu.memory_space<vmem>> -> memref<16x16x128xf32, #tpu.memory_space<vmem>>
    %dma_start3A_704 = arith.constant 0 : i32
    %dma_start3A_705 = arith.constant 0 : i32
    %dma_start3A_706 = tpu.memref_slice %arg2[%dma_start3A_697, %add3A_197, %dma_start3A_704, %dma_start3A_705] : memref<2x2048x16x128xf32, #tpu.memory_space<hbm>> -> memref<1x16x16x128xf32, #tpu.memory_space<hbm>>
    %dma_start3A_707 = tpu.memref_squeeze %dma_start3A_706 : memref<1x16x16x128xf32, #tpu.memory_space<hbm>> -> memref<16x16x128xf32, #tpu.memory_space<hbm>>
    %dma_start3A_708 = arith.constant 0 : i32
    %dma_start3A_709 = arith.constant 0 : i32
    %dma_start3A_710 = arith.constant 0 : i32
    %dma_start3A_711 = tpu.memref_slice %arg6[%dma_start3A_698, %dma_start3A_708, %dma_start3A_709, %dma_start3A_710] : memref<2x16x16x128xf32, #tpu.memory_space<vmem>> -> memref<1x16x16x128xf32, #tpu.memory_space<vmem>>
    %dma_start3A_712 = tpu.memref_squeeze %dma_start3A_711 : memref<1x16x16x128xf32, #tpu.memory_space<vmem>> -> memref<16x16x128xf32, #tpu.memory_space<vmem>>
    %dma_start3A_713 = arith.constant 0 : i32
    %dma_start3A_714 = arith.constant 0 : i32
    %dma_start3A_715 = tpu.memref_slice %arg2[%dma_start3A_697, %add3A_197, %dma_start3A_713, %dma_start3A_714] : memref<2x2048x16x128xf32, #tpu.memory_space<hbm>> -> memref<1x16x16x128xf32, #tpu.memory_space<hbm>>
    %dma_start3A_716 = tpu.memref_squeeze %dma_start3A_715 : memref<1x16x16x128xf32, #tpu.memory_space<hbm>> -> memref<16x16x128xf32, #tpu.memory_space<hbm>>
    tpu.enqueue_dma source(%dma_start3A_716 : memref<16x16x128xf32, #tpu.memory_space<hbm>>) target(%dma_start3A_712 : memref<16x16x128xf32, #tpu.memory_space<vmem>>) target_semaphore(%arg8 : memref<!tpu.dma_semaphore, #tpu.memory_space<semaphore_mem>>)
    %dma_wait3A_717 = arith.constant 1 : i32
    %dma_wait3A_718 = arith.constant 0 : i32
    %dma_wait3A_719 = arith.constant 0 : i32
    %dma_wait3A_720 = arith.constant 0 : i32
    %dma_wait3A_721 = arith.constant 0 : i32
    %dma_wait3A_722 = tpu.memref_slice %arg6[%dma_wait3A_718, %dma_wait3A_719, %dma_wait3A_720, %dma_wait3A_721] : memref<2x16x16x128xf32, #tpu.memory_space<vmem>> -> memref<1x16x16x128xf32, #tpu.memory_space<vmem>>
    %dma_wait3A_723 = tpu.memref_squeeze %dma_wait3A_722 : memref<1x16x16x128xf32, #tpu.memory_space<vmem>> -> memref<16x16x128xf32, #tpu.memory_space<vmem>>
    %dma_wait3A_724 = arith.constant 0 : i32
    %dma_wait3A_725 = arith.constant 0 : i32
    %dma_wait3A_726 = tpu.memref_slice %arg2[%dma_wait3A_717, %add3A_195, %dma_wait3A_724, %dma_wait3A_725] : memref<2x2048x16x128xf32, #tpu.memory_space<hbm>> -> memref<1x16x16x128xf32, #tpu.memory_space<hbm>>
    %dma_wait3A_727 = tpu.memref_squeeze %dma_wait3A_726 : memref<1x16x16x128xf32, #tpu.memory_space<hbm>> -> memref<16x16x128xf32, #tpu.memory_space<hbm>>
    %dma_wait3A_728 = arith.constant 0 : i32
    %dma_wait3A_729 = arith.constant 0 : i32
    %dma_wait3A_730 = arith.constant 0 : i32
    %dma_wait3A_731 = tpu.memref_slice %arg6[%dma_wait3A_718, %dma_wait3A_728, %dma_wait3A_729, %dma_wait3A_730] : memref<2x16x16x128xf32, #tpu.memory_space<vmem>> -> memref<1x16x16x128xf32, #tpu.memory_space<vmem>>
    %dma_wait3A_732 = tpu.memref_squeeze %dma_wait3A_731 : memref<1x16x16x128xf32, #tpu.memory_space<vmem>> -> memref<16x16x128xf32, #tpu.memory_space<vmem>>
    %dma_wait3A_733 = arith.constant 0 : i32
    %dma_wait3A_734 = arith.constant 0 : i32
    %dma_wait3A_735 = tpu.memref_slice %arg2[%dma_wait3A_717, %add3A_195, %dma_wait3A_733, %dma_wait3A_734] : memref<2x2048x16x128xf32, #tpu.memory_space<hbm>> -> memref<1x16x16x128xf32, #tpu.memory_space<hbm>>
    %dma_wait3A_736 = tpu.memref_squeeze %dma_wait3A_735 : memref<1x16x16x128xf32, #tpu.memory_space<hbm>> -> memref<16x16x128xf32, #tpu.memory_space<hbm>>
    tpu.wait_dma2 semaphore(%arg8 : memref<!tpu.dma_semaphore, #tpu.memory_space<semaphore_mem>>) src(%dma_wait3A_736 : memref<16x16x128xf32, #tpu.memory_space<hbm>>) dst(%dma_wait3A_732 : memref<16x16x128xf32, #tpu.memory_space<vmem>>)
    %dma_start3A_737 = arith.constant 0 : i32
    %dma_start3A_738 = arith.constant 1 : i32
    %dma_start3A_739 = arith.constant 0 : i32
    %dma_start3A_740 = arith.constant 0 : i32
    %dma_start3A_741 = arith.constant 0 : i32
    %dma_start3A_742 = tpu.memref_slice %arg6[%dma_start3A_737, %dma_start3A_739, %dma_start3A_740, %dma_start3A_741] : memref<2x16x16x128xf32, #tpu.memory_space<vmem>> -> memref<1x16x16x128xf32, #tpu.memory_space<vmem>>
    %dma_start3A_743 = tpu.memref_squeeze %dma_start3A_742 : memref<1x16x16x128xf32, #tpu.memory_space<vmem>> -> memref<16x16x128xf32, #tpu.memory_space<vmem>>
    %dma_start3A_744 = arith.constant 0 : i32
    %dma_start3A_745 = arith.constant 0 : i32
    %dma_start3A_746 = tpu.memref_slice %arg4[%dma_start3A_738, %add3A_195, %dma_start3A_744, %dma_start3A_745] : memref<2x6144x16x128xf32, #tpu.memory_space<hbm>> -> memref<1x16x16x128xf32, #tpu.memory_space<hbm>>
    %dma_start3A_747 = tpu.memref_squeeze %dma_start3A_746 : memref<1x16x16x128xf32, #tpu.memory_space<hbm>> -> memref<16x16x128xf32, #tpu.memory_space<hbm>>
    %dma_start3A_748 = arith.constant 0 : i32
    %dma_start3A_749 = arith.constant 0 : i32
    %dma_start3A_750 = tpu.memref_slice %arg4[%dma_start3A_738, %add3A_195, %dma_start3A_748, %dma_start3A_749] : memref<2x6144x16x128xf32, #tpu.memory_space<hbm>> -> memref<1x16x16x128xf32, #tpu.memory_space<hbm>>
    %dma_start3A_751 = tpu.memref_squeeze %dma_start3A_750 : memref<1x16x16x128xf32, #tpu.memory_space<hbm>> -> memref<16x16x128xf32, #tpu.memory_space<hbm>>
    %dma_start3A_752 = arith.constant 0 : i32
    %dma_start3A_753 = arith.constant 0 : i32
    %dma_start3A_754 = arith.constant 0 : i32
    %dma_start3A_755 = tpu.memref_slice %arg6[%dma_start3A_737, %dma_start3A_752, %dma_start3A_753, %dma_start3A_754] : memref<2x16x16x128xf32, #tpu.memory_space<vmem>> -> memref<1x16x16x128xf32, #tpu.memory_space<vmem>>
    %dma_start3A_756 = tpu.memref_squeeze %dma_start3A_755 : memref<1x16x16x128xf32, #tpu.memory_space<vmem>> -> memref<16x16x128xf32, #tpu.memory_space<vmem>>
    tpu.enqueue_dma source(%dma_start3A_756 : memref<16x16x128xf32, #tpu.memory_space<vmem>>) target(%dma_start3A_751 : memref<16x16x128xf32, #tpu.memory_space<hbm>>) target_semaphore(%arg9 : memref<!tpu.dma_semaphore, #tpu.memory_space<semaphore_mem>>)
    %dma_wait3A_757 = arith.constant 1 : i32
    %dma_wait3A_758 = arith.constant 1 : i32
    %dma_wait3A_759 = arith.constant 0 : i32
    %dma_wait3A_760 = arith.constant 0 : i32
    %dma_wait3A_761 = arith.constant 0 : i32
    %dma_wait3A_762 = tpu.memref_slice %arg6[%dma_wait3A_758, %dma_wait3A_759, %dma_wait3A_760, %dma_wait3A_761] : memref<2x16x16x128xf32, #tpu.memory_space<vmem>> -> memref<1x16x16x128xf32, #tpu.memory_space<vmem>>
    %dma_wait3A_763 = tpu.memref_squeeze %dma_wait3A_762 : memref<1x16x16x128xf32, #tpu.memory_space<vmem>> -> memref<16x16x128xf32, #tpu.memory_space<vmem>>
    %dma_wait3A_764 = arith.constant 0 : i32
    %dma_wait3A_765 = arith.constant 0 : i32
    %dma_wait3A_766 = tpu.memref_slice %arg2[%dma_wait3A_757, %add3A_197, %dma_wait3A_764, %dma_wait3A_765] : memref<2x2048x16x128xf32, #tpu.memory_space<hbm>> -> memref<1x16x16x128xf32, #tpu.memory_space<hbm>>
    %dma_wait3A_767 = tpu.memref_squeeze %dma_wait3A_766 : memref<1x16x16x128xf32, #tpu.memory_space<hbm>> -> memref<16x16x128xf32, #tpu.memory_space<hbm>>
    %dma_wait3A_768 = arith.constant 0 : i32
    %dma_wait3A_769 = arith.constant 0 : i32
    %dma_wait3A_770 = arith.constant 0 : i32
    %dma_wait3A_771 = tpu.memref_slice %arg6[%dma_wait3A_758, %dma_wait3A_768, %dma_wait3A_769, %dma_wait3A_770] : memref<2x16x16x128xf32, #tpu.memory_space<vmem>> -> memref<1x16x16x128xf32, #tpu.memory_space<vmem>>
    %dma_wait3A_772 = tpu.memref_squeeze %dma_wait3A_771 : memref<1x16x16x128xf32, #tpu.memory_space<vmem>> -> memref<16x16x128xf32, #tpu.memory_space<vmem>>
    %dma_wait3A_773 = arith.constant 0 : i32
    %dma_wait3A_774 = arith.constant 0 : i32
    %dma_wait3A_775 = tpu.memref_slice %arg2[%dma_wait3A_757, %add3A_197, %dma_wait3A_773, %dma_wait3A_774] : memref<2x2048x16x128xf32, #tpu.memory_space<hbm>> -> memref<1x16x16x128xf32, #tpu.memory_space<hbm>>
    %dma_wait3A_776 = tpu.memref_squeeze %dma_wait3A_775 : memref<1x16x16x128xf32, #tpu.memory_space<hbm>> -> memref<16x16x128xf32, #tpu.memory_space<hbm>>
    tpu.wait_dma2 semaphore(%arg8 : memref<!tpu.dma_semaphore, #tpu.memory_space<semaphore_mem>>) src(%dma_wait3A_776 : memref<16x16x128xf32, #tpu.memory_space<hbm>>) dst(%dma_wait3A_772 : memref<16x16x128xf32, #tpu.memory_space<vmem>>)
    %dma_start3A_777 = arith.constant 1 : i32
    %dma_start3A_778 = arith.constant 1 : i32
    %dma_start3A_779 = arith.constant 0 : i32
    %dma_start3A_780 = arith.constant 0 : i32
    %dma_start3A_781 = arith.constant 0 : i32
    %dma_start3A_782 = tpu.memref_slice %arg6[%dma_start3A_777, %dma_start3A_779, %dma_start3A_780, %dma_start3A_781] : memref<2x16x16x128xf32, #tpu.memory_space<vmem>> -> memref<1x16x16x128xf32, #tpu.memory_space<vmem>>
    %dma_start3A_783 = tpu.memref_squeeze %dma_start3A_782 : memref<1x16x16x128xf32, #tpu.memory_space<vmem>> -> memref<16x16x128xf32, #tpu.memory_space<vmem>>
    %dma_start3A_784 = arith.constant 0 : i32
    %dma_start3A_785 = arith.constant 0 : i32
    %dma_start3A_786 = tpu.memref_slice %arg4[%dma_start3A_778, %add3A_197, %dma_start3A_784, %dma_start3A_785] : memref<2x6144x16x128xf32, #tpu.memory_space<hbm>> -> memref<1x16x16x128xf32, #tpu.memory_space<hbm>>
    %dma_start3A_787 = tpu.memref_squeeze %dma_start3A_786 : memref<1x16x16x128xf32, #tpu.memory_space<hbm>> -> memref<16x16x128xf32, #tpu.memory_space<hbm>>
    %dma_start3A_788 = arith.constant 0 : i32
    %dma_start3A_789 = arith.constant 0 : i32
    %dma_start3A_790 = tpu.memref_slice %arg4[%dma_start3A_778, %add3A_197, %dma_start3A_788, %dma_start3A_789] : memref<2x6144x16x128xf32, #tpu.memory_space<hbm>> -> memref<1x16x16x128xf32, #tpu.memory_space<hbm>>
    %dma_start3A_791 = tpu.memref_squeeze %dma_start3A_790 : memref<1x16x16x128xf32, #tpu.memory_space<hbm>> -> memref<16x16x128xf32, #tpu.memory_space<hbm>>
    %dma_start3A_792 = arith.constant 0 : i32
    %dma_start3A_793 = arith.constant 0 : i32
    %dma_start3A_794 = arith.constant 0 : i32
    %dma_start3A_795 = tpu.memref_slice %arg6[%dma_start3A_777, %dma_start3A_792, %dma_start3A_793, %dma_start3A_794] : memref<2x16x16x128xf32, #tpu.memory_space<vmem>> -> memref<1x16x16x128xf32, #tpu.memory_space<vmem>>
    %dma_start3A_796 = tpu.memref_squeeze %dma_start3A_795 : memref<1x16x16x128xf32, #tpu.memory_space<vmem>> -> memref<16x16x128xf32, #tpu.memory_space<vmem>>
    tpu.enqueue_dma source(%dma_start3A_796 : memref<16x16x128xf32, #tpu.memory_space<vmem>>) target(%dma_start3A_791 : memref<16x16x128xf32, #tpu.memory_space<hbm>>) target_semaphore(%arg9 : memref<!tpu.dma_semaphore, #tpu.memory_space<semaphore_mem>>)
    %dma_wait3A_797 = arith.constant 0 : i32
    %dma_wait3A_798 = arith.constant 1 : i32
    %dma_wait3A_799 = arith.constant 0 : i32
    %dma_wait3A_800 = arith.constant 0 : i32
    %dma_wait3A_801 = arith.constant 0 : i32
    %dma_wait3A_802 = tpu.memref_slice %arg6[%dma_wait3A_797, %dma_wait3A_799, %dma_wait3A_800, %dma_wait3A_801] : memref<2x16x16x128xf32, #tpu.memory_space<vmem>> -> memref<1x16x16x128xf32, #tpu.memory_space<vmem>>
    %dma_wait3A_803 = tpu.memref_squeeze %dma_wait3A_802 : memref<1x16x16x128xf32, #tpu.memory_space<vmem>> -> memref<16x16x128xf32, #tpu.memory_space<vmem>>
    %dma_wait3A_804 = arith.constant 0 : i32
    %dma_wait3A_805 = arith.constant 0 : i32
    %dma_wait3A_806 = tpu.memref_slice %arg4[%dma_wait3A_798, %add3A_195, %dma_wait3A_804, %dma_wait3A_805] : memref<2x6144x16x128xf32, #tpu.memory_space<hbm>> -> memref<1x16x16x128xf32, #tpu.memory_space<hbm>>
    %dma_wait3A_807 = tpu.memref_squeeze %dma_wait3A_806 : memref<1x16x16x128xf32, #tpu.memory_space<hbm>> -> memref<16x16x128xf32, #tpu.memory_space<hbm>>
    %dma_wait3A_808 = arith.constant 0 : i32
    %dma_wait3A_809 = arith.constant 0 : i32
    %dma_wait3A_810 = tpu.memref_slice %arg4[%dma_wait3A_798, %add3A_195, %dma_wait3A_808, %dma_wait3A_809] : memref<2x6144x16x128xf32, #tpu.memory_space<hbm>> -> memref<1x16x16x128xf32, #tpu.memory_space<hbm>>
    %dma_wait3A_811 = tpu.memref_squeeze %dma_wait3A_810 : memref<1x16x16x128xf32, #tpu.memory_space<hbm>> -> memref<16x16x128xf32, #tpu.memory_space<hbm>>
    %dma_wait3A_812 = arith.constant 0 : i32
    %dma_wait3A_813 = arith.constant 0 : i32
    %dma_wait3A_814 = arith.constant 0 : i32
    %dma_wait3A_815 = tpu.memref_slice %arg6[%dma_wait3A_797, %dma_wait3A_812, %dma_wait3A_813, %dma_wait3A_814] : memref<2x16x16x128xf32, #tpu.memory_space<vmem>> -> memref<1x16x16x128xf32, #tpu.memory_space<vmem>>
    %dma_wait3A_816 = tpu.memref_squeeze %dma_wait3A_815 : memref<1x16x16x128xf32, #tpu.memory_space<vmem>> -> memref<16x16x128xf32, #tpu.memory_space<vmem>>
    tpu.wait_dma2 semaphore(%arg9 : memref<!tpu.dma_semaphore, #tpu.memory_space<semaphore_mem>>) src(%dma_wait3A_816 : memref<16x16x128xf32, #tpu.memory_space<vmem>>) dst(%dma_wait3A_811 : memref<16x16x128xf32, #tpu.memory_space<hbm>>)
    %dma_wait3A_817 = arith.constant 1 : i32
    %dma_wait3A_818 = arith.constant 1 : i32
    %dma_wait3A_819 = arith.constant 0 : i32
    %dma_wait3A_820 = arith.constant 0 : i32
    %dma_wait3A_821 = arith.constant 0 : i32
    %dma_wait3A_822 = tpu.memref_slice %arg6[%dma_wait3A_817, %dma_wait3A_819, %dma_wait3A_820, %dma_wait3A_821] : memref<2x16x16x128xf32, #tpu.memory_space<vmem>> -> memref<1x16x16x128xf32, #tpu.memory_space<vmem>>
    %dma_wait3A_823 = tpu.memref_squeeze %dma_wait3A_822 : memref<1x16x16x128xf32, #tpu.memory_space<vmem>> -> memref<16x16x128xf32, #tpu.memory_space<vmem>>
    %dma_wait3A_824 = arith.constant 0 : i32
    %dma_wait3A_825 = arith.constant 0 : i32
    %dma_wait3A_826 = tpu.memref_slice %arg4[%dma_wait3A_818, %add3A_197, %dma_wait3A_824, %dma_wait3A_825] : memref<2x6144x16x128xf32, #tpu.memory_space<hbm>> -> memref<1x16x16x128xf32, #tpu.memory_space<hbm>>
    %dma_wait3A_827 = tpu.memref_squeeze %dma_wait3A_826 : memref<1x16x16x128xf32, #tpu.memory_space<hbm>> -> memref<16x16x128xf32, #tpu.memory_space<hbm>>
    %dma_wait3A_828 = arith.constant 0 : i32
    %dma_wait3A_829 = arith.constant 0 : i32
    %dma_wait3A_830 = tpu.memref_slice %arg4[%dma_wait3A_818, %add3A_197, %dma_wait3A_828, %dma_wait3A_829] : memref<2x6144x16x128xf32, #tpu.memory_space<hbm>> -> memref<1x16x16x128xf32, #tpu.memory_space<hbm>>
    %dma_wait3A_831 = tpu.memref_squeeze %dma_wait3A_830 : memref<1x16x16x128xf32, #tpu.memory_space<hbm>> -> memref<16x16x128xf32, #tpu.memory_space<hbm>>
    %dma_wait3A_832 = arith.constant 0 : i32
    %dma_wait3A_833 = arith.constant 0 : i32
    %dma_wait3A_834 = arith.constant 0 : i32
    %dma_wait3A_835 = tpu.memref_slice %arg6[%dma_wait3A_817, %dma_wait3A_832, %dma_wait3A_833, %dma_wait3A_834] : memref<2x16x16x128xf32, #tpu.memory_space<vmem>> -> memref<1x16x16x128xf32, #tpu.memory_space<vmem>>
    %dma_wait3A_836 = tpu.memref_squeeze %dma_wait3A_835 : memref<1x16x16x128xf32, #tpu.memory_space<vmem>> -> memref<16x16x128xf32, #tpu.memory_space<vmem>>
    tpu.wait_dma2 semaphore(%arg9 : memref<!tpu.dma_semaphore, #tpu.memory_space<semaphore_mem>>) src(%dma_wait3A_836 : memref<16x16x128xf32, #tpu.memory_space<vmem>>) dst(%dma_wait3A_831 : memref<16x16x128xf32, #tpu.memory_space<hbm>>)
    %dma_wait3A_837 = arith.constant 0 : i32
    %dma_wait3A_838 = arith.constant 0 : i32
    %dma_wait3A_839 = arith.constant 0 : i32
    %dma_wait3A_840 = tpu.memref_slice %arg4[%dma_wait3A_837, %add3A_8, %dma_wait3A_838, %dma_wait3A_839] : memref<2x6144x16x128xf32, #tpu.memory_space<hbm>> -> memref<1x16x16x128xf32, #tpu.memory_space<hbm>>
    %dma_wait3A_841 = tpu.memref_squeeze %dma_wait3A_840 : memref<1x16x16x128xf32, #tpu.memory_space<hbm>> -> memref<16x16x128xf32, #tpu.memory_space<hbm>>
    %dma_wait3A_842 = arith.constant 0 : i32
    %dma_wait3A_843 = arith.constant 0 : i32
    %dma_wait3A_844 = tpu.memref_slice %arg4[%dma_wait3A_837, %add3A_8, %dma_wait3A_842, %dma_wait3A_843] : memref<2x6144x16x128xf32, #tpu.memory_space<hbm>> -> memref<1x16x16x128xf32, #tpu.memory_space<hbm>>
    %dma_wait3A_845 = tpu.memref_squeeze %dma_wait3A_844 : memref<1x16x16x128xf32, #tpu.memory_space<hbm>> -> memref<16x16x128xf32, #tpu.memory_space<hbm>>
    tpu.wait_dma2 semaphore(%arg7 : memref<!tpu.dma_semaphore, #tpu.memory_space<semaphore_mem>>) src(%arg5 : memref<16x16x128xf32, #tpu.memory_space<vmem>>) dst(%dma_wait3A_845 : memref<16x16x128xf32, #tpu.memory_space<hbm>>)
    %dma_wait3A_846 = arith.constant 0 : i32
    %dma_wait3A_847 = arith.constant 0 : i32
    %dma_wait3A_848 = arith.constant 0 : i32
    %dma_wait3A_849 = tpu.memref_slice %arg4[%dma_wait3A_846, %add3A_10, %dma_wait3A_847, %dma_wait3A_848] : memref<2x6144x16x128xf32, #tpu.memory_space<hbm>> -> memref<1x16x16x128xf32, #tpu.memory_space<hbm>>
    %dma_wait3A_850 = tpu.memref_squeeze %dma_wait3A_849 : memref<1x16x16x128xf32, #tpu.memory_space<hbm>> -> memref<16x16x128xf32, #tpu.memory_space<hbm>>
    %dma_wait3A_851 = arith.constant 0 : i32
    %dma_wait3A_852 = arith.constant 0 : i32
    %dma_wait3A_853 = tpu.memref_slice %arg4[%dma_wait3A_846, %add3A_10, %dma_wait3A_851, %dma_wait3A_852] : memref<2x6144x16x128xf32, #tpu.memory_space<hbm>> -> memref<1x16x16x128xf32, #tpu.memory_space<hbm>>
    %dma_wait3A_854 = tpu.memref_squeeze %dma_wait3A_853 : memref<1x16x16x128xf32, #tpu.memory_space<hbm>> -> memref<16x16x128xf32, #tpu.memory_space<hbm>>
    tpu.wait_dma2 semaphore(%arg7 : memref<!tpu.dma_semaphore, #tpu.memory_space<semaphore_mem>>) src(%arg5 : memref<16x16x128xf32, #tpu.memory_space<vmem>>) dst(%dma_wait3A_854 : memref<16x16x128xf32, #tpu.memory_space<hbm>>)
    %dma_wait3A_855 = arith.constant 0 : i32
    %dma_wait3A_856 = arith.constant 0 : i32
    %dma_wait3A_857 = arith.constant 0 : i32
    %dma_wait3A_858 = tpu.memref_slice %arg4[%dma_wait3A_855, %add3A_12, %dma_wait3A_856, %dma_wait3A_857] : memref<2x6144x16x128xf32, #tpu.memory_space<hbm>> -> memref<1x16x16x128xf32, #tpu.memory_space<hbm>>
    %dma_wait3A_859 = tpu.memref_squeeze %dma_wait3A_858 : memref<1x16x16x128xf32, #tpu.memory_space<hbm>> -> memref<16x16x128xf32, #tpu.memory_space<hbm>>
    %dma_wait3A_860 = arith.constant 0 : i32
    %dma_wait3A_861 = arith.constant 0 : i32
    %dma_wait3A_862 = tpu.memref_slice %arg4[%dma_wait3A_855, %add3A_12, %dma_wait3A_860, %dma_wait3A_861] : memref<2x6144x16x128xf32, #tpu.memory_space<hbm>> -> memref<1x16x16x128xf32, #tpu.memory_space<hbm>>
    %dma_wait3A_863 = tpu.memref_squeeze %dma_wait3A_862 : memref<1x16x16x128xf32, #tpu.memory_space<hbm>> -> memref<16x16x128xf32, #tpu.memory_space<hbm>>
    tpu.wait_dma2 semaphore(%arg7 : memref<!tpu.dma_semaphore, #tpu.memory_space<semaphore_mem>>) src(%arg5 : memref<16x16x128xf32, #tpu.memory_space<vmem>>) dst(%dma_wait3A_863 : memref<16x16x128xf32, #tpu.memory_space<hbm>>)
    %dma_wait3A_864 = arith.constant 0 : i32
    %dma_wait3A_865 = arith.constant 0 : i32
    %dma_wait3A_866 = arith.constant 0 : i32
    %dma_wait3A_867 = tpu.memref_slice %arg4[%dma_wait3A_864, %add3A_14, %dma_wait3A_865, %dma_wait3A_866] : memref<2x6144x16x128xf32, #tpu.memory_space<hbm>> -> memref<1x16x16x128xf32, #tpu.memory_space<hbm>>
    %dma_wait3A_868 = tpu.memref_squeeze %dma_wait3A_867 : memref<1x16x16x128xf32, #tpu.memory_space<hbm>> -> memref<16x16x128xf32, #tpu.memory_space<hbm>>
    %dma_wait3A_869 = arith.constant 0 : i32
    %dma_wait3A_870 = arith.constant 0 : i32
    %dma_wait3A_871 = tpu.memref_slice %arg4[%dma_wait3A_864, %add3A_14, %dma_wait3A_869, %dma_wait3A_870] : memref<2x6144x16x128xf32, #tpu.memory_space<hbm>> -> memref<1x16x16x128xf32, #tpu.memory_space<hbm>>
    %dma_wait3A_872 = tpu.memref_squeeze %dma_wait3A_871 : memref<1x16x16x128xf32, #tpu.memory_space<hbm>> -> memref<16x16x128xf32, #tpu.memory_space<hbm>>
    tpu.wait_dma2 semaphore(%arg7 : memref<!tpu.dma_semaphore, #tpu.memory_space<semaphore_mem>>) src(%arg5 : memref<16x16x128xf32, #tpu.memory_space<vmem>>) dst(%dma_wait3A_872 : memref<16x16x128xf32, #tpu.memory_space<hbm>>)
    %dma_wait3A_873 = arith.constant 0 : i32
    %dma_wait3A_874 = arith.constant 0 : i32
    %dma_wait3A_875 = arith.constant 0 : i32
    %dma_wait3A_876 = tpu.memref_slice %arg4[%dma_wait3A_873, %add3A_16, %dma_wait3A_874, %dma_wait3A_875] : memref<2x6144x16x128xf32, #tpu.memory_space<hbm>> -> memref<1x16x16x128xf32, #tpu.memory_space<hbm>>
    %dma_wait3A_877 = tpu.memref_squeeze %dma_wait3A_876 : memref<1x16x16x128xf32, #tpu.memory_space<hbm>> -> memref<16x16x128xf32, #tpu.memory_space<hbm>>
    %dma_wait3A_878 = arith.constant 0 : i32
    %dma_wait3A_879 = arith.constant 0 : i32
    %dma_wait3A_880 = tpu.memref_slice %arg4[%dma_wait3A_873, %add3A_16, %dma_wait3A_878, %dma_wait3A_879] : memref<2x6144x16x128xf32, #tpu.memory_space<hbm>> -> memref<1x16x16x128xf32, #tpu.memory_space<hbm>>
    %dma_wait3A_881 = tpu.memref_squeeze %dma_wait3A_880 : memref<1x16x16x128xf32, #tpu.memory_space<hbm>> -> memref<16x16x128xf32, #tpu.memory_space<hbm>>
    tpu.wait_dma2 semaphore(%arg7 : memref<!tpu.dma_semaphore, #tpu.memory_space<semaphore_mem>>) src(%arg5 : memref<16x16x128xf32, #tpu.memory_space<vmem>>) dst(%dma_wait3A_881 : memref<16x16x128xf32, #tpu.memory_space<hbm>>)
    %dma_wait3A_882 = arith.constant 0 : i32
    %dma_wait3A_883 = arith.constant 0 : i32
    %dma_wait3A_884 = arith.constant 0 : i32
    %dma_wait3A_885 = tpu.memref_slice %arg4[%dma_wait3A_882, %add3A_18, %dma_wait3A_883, %dma_wait3A_884] : memref<2x6144x16x128xf32, #tpu.memory_space<hbm>> -> memref<1x16x16x128xf32, #tpu.memory_space<hbm>>
    %dma_wait3A_886 = tpu.memref_squeeze %dma_wait3A_885 : memref<1x16x16x128xf32, #tpu.memory_space<hbm>> -> memref<16x16x128xf32, #tpu.memory_space<hbm>>
    %dma_wait3A_887 = arith.constant 0 : i32
    %dma_wait3A_888 = arith.constant 0 : i32
    %dma_wait3A_889 = tpu.memref_slice %arg4[%dma_wait3A_882, %add3A_18, %dma_wait3A_887, %dma_wait3A_888] : memref<2x6144x16x128xf32, #tpu.memory_space<hbm>> -> memref<1x16x16x128xf32, #tpu.memory_space<hbm>>
    %dma_wait3A_890 = tpu.memref_squeeze %dma_wait3A_889 : memref<1x16x16x128xf32, #tpu.memory_space<hbm>> -> memref<16x16x128xf32, #tpu.memory_space<hbm>>
    tpu.wait_dma2 semaphore(%arg7 : memref<!tpu.dma_semaphore, #tpu.memory_space<semaphore_mem>>) src(%arg5 : memref<16x16x128xf32, #tpu.memory_space<vmem>>) dst(%dma_wait3A_890 : memref<16x16x128xf32, #tpu.memory_space<hbm>>)
    %dma_wait3A_891 = arith.constant 0 : i32
    %dma_wait3A_892 = arith.constant 0 : i32
    %dma_wait3A_893 = arith.constant 0 : i32
    %dma_wait3A_894 = tpu.memref_slice %arg4[%dma_wait3A_891, %add3A_20, %dma_wait3A_892, %dma_wait3A_893] : memref<2x6144x16x128xf32, #tpu.memory_space<hbm>> -> memref<1x16x16x128xf32, #tpu.memory_space<hbm>>
    %dma_wait3A_895 = tpu.memref_squeeze %dma_wait3A_894 : memref<1x16x16x128xf32, #tpu.memory_space<hbm>> -> memref<16x16x128xf32, #tpu.memory_space<hbm>>
    %dma_wait3A_896 = arith.constant 0 : i32
    %dma_wait3A_897 = arith.constant 0 : i32
    %dma_wait3A_898 = tpu.memref_slice %arg4[%dma_wait3A_891, %add3A_20, %dma_wait3A_896, %dma_wait3A_897] : memref<2x6144x16x128xf32, #tpu.memory_space<hbm>> -> memref<1x16x16x128xf32, #tpu.memory_space<hbm>>
    %dma_wait3A_899 = tpu.memref_squeeze %dma_wait3A_898 : memref<1x16x16x128xf32, #tpu.memory_space<hbm>> -> memref<16x16x128xf32, #tpu.memory_space<hbm>>
    tpu.wait_dma2 semaphore(%arg7 : memref<!tpu.dma_semaphore, #tpu.memory_space<semaphore_mem>>) src(%arg5 : memref<16x16x128xf32, #tpu.memory_space<vmem>>) dst(%dma_wait3A_899 : memref<16x16x128xf32, #tpu.memory_space<hbm>>)
    %dma_wait3A_900 = arith.constant 0 : i32
    %dma_wait3A_901 = arith.constant 0 : i32
    %dma_wait3A_902 = arith.constant 0 : i32
    %dma_wait3A_903 = tpu.memref_slice %arg4[%dma_wait3A_900, %add3A_22, %dma_wait3A_901, %dma_wait3A_902] : memref<2x6144x16x128xf32, #tpu.memory_space<hbm>> -> memref<1x16x16x128xf32, #tpu.memory_space<hbm>>
    %dma_wait3A_904 = tpu.memref_squeeze %dma_wait3A_903 : memref<1x16x16x128xf32, #tpu.memory_space<hbm>> -> memref<16x16x128xf32, #tpu.memory_space<hbm>>
    %dma_wait3A_905 = arith.constant 0 : i32
    %dma_wait3A_906 = arith.constant 0 : i32
    %dma_wait3A_907 = tpu.memref_slice %arg4[%dma_wait3A_900, %add3A_22, %dma_wait3A_905, %dma_wait3A_906] : memref<2x6144x16x128xf32, #tpu.memory_space<hbm>> -> memref<1x16x16x128xf32, #tpu.memory_space<hbm>>
    %dma_wait3A_908 = tpu.memref_squeeze %dma_wait3A_907 : memref<1x16x16x128xf32, #tpu.memory_space<hbm>> -> memref<16x16x128xf32, #tpu.memory_space<hbm>>
    tpu.wait_dma2 semaphore(%arg7 : memref<!tpu.dma_semaphore, #tpu.memory_space<semaphore_mem>>) src(%arg5 : memref<16x16x128xf32, #tpu.memory_space<vmem>>) dst(%dma_wait3A_908 : memref<16x16x128xf32, #tpu.memory_space<hbm>>)
    %dma_wait3A_909 = arith.constant 1 : i32
    %dma_wait3A_910 = arith.constant 0 : i32
    %dma_wait3A_911 = arith.constant 0 : i32
    %dma_wait3A_912 = tpu.memref_slice %arg4[%dma_wait3A_909, %add3A_24, %dma_wait3A_910, %dma_wait3A_911] : memref<2x6144x16x128xf32, #tpu.memory_space<hbm>> -> memref<1x16x16x128xf32, #tpu.memory_space<hbm>>
    %dma_wait3A_913 = tpu.memref_squeeze %dma_wait3A_912 : memref<1x16x16x128xf32, #tpu.memory_space<hbm>> -> memref<16x16x128xf32, #tpu.memory_space<hbm>>
    %dma_wait3A_914 = arith.constant 0 : i32
    %dma_wait3A_915 = arith.constant 0 : i32
    %dma_wait3A_916 = tpu.memref_slice %arg4[%dma_wait3A_909, %add3A_24, %dma_wait3A_914, %dma_wait3A_915] : memref<2x6144x16x128xf32, #tpu.memory_space<hbm>> -> memref<1x16x16x128xf32, #tpu.memory_space<hbm>>
    %dma_wait3A_917 = tpu.memref_squeeze %dma_wait3A_916 : memref<1x16x16x128xf32, #tpu.memory_space<hbm>> -> memref<16x16x128xf32, #tpu.memory_space<hbm>>
    tpu.wait_dma2 semaphore(%arg7 : memref<!tpu.dma_semaphore, #tpu.memory_space<semaphore_mem>>) src(%arg5 : memref<16x16x128xf32, #tpu.memory_space<vmem>>) dst(%dma_wait3A_917 : memref<16x16x128xf32, #tpu.memory_space<hbm>>)
    %dma_wait3A_918 = arith.constant 1 : i32
    %dma_wait3A_919 = arith.constant 0 : i32
    %dma_wait3A_920 = arith.constant 0 : i32
    %dma_wait3A_921 = tpu.memref_slice %arg4[%dma_wait3A_918, %add3A_26, %dma_wait3A_919, %dma_wait3A_920] : memref<2x6144x16x128xf32, #tpu.memory_space<hbm>> -> memref<1x16x16x128xf32, #tpu.memory_space<hbm>>
    %dma_wait3A_922 = tpu.memref_squeeze %dma_wait3A_921 : memref<1x16x16x128xf32, #tpu.memory_space<hbm>> -> memref<16x16x128xf32, #tpu.memory_space<hbm>>
    %dma_wait3A_923 = arith.constant 0 : i32
    %dma_wait3A_924 = arith.constant 0 : i32
    %dma_wait3A_925 = tpu.memref_slice %arg4[%dma_wait3A_918, %add3A_26, %dma_wait3A_923, %dma_wait3A_924] : memref<2x6144x16x128xf32, #tpu.memory_space<hbm>> -> memref<1x16x16x128xf32, #tpu.memory_space<hbm>>
    %dma_wait3A_926 = tpu.memref_squeeze %dma_wait3A_925 : memref<1x16x16x128xf32, #tpu.memory_space<hbm>> -> memref<16x16x128xf32, #tpu.memory_space<hbm>>
    tpu.wait_dma2 semaphore(%arg7 : memref<!tpu.dma_semaphore, #tpu.memory_space<semaphore_mem>>) src(%arg5 : memref<16x16x128xf32, #tpu.memory_space<vmem>>) dst(%dma_wait3A_926 : memref<16x16x128xf32, #tpu.memory_space<hbm>>)
    %dma_wait3A_927 = arith.constant 1 : i32
    %dma_wait3A_928 = arith.constant 0 : i32
    %dma_wait3A_929 = arith.constant 0 : i32
    %dma_wait3A_930 = tpu.memref_slice %arg4[%dma_wait3A_927, %add3A_28, %dma_wait3A_928, %dma_wait3A_929] : memref<2x6144x16x128xf32, #tpu.memory_space<hbm>> -> memref<1x16x16x128xf32, #tpu.memory_space<hbm>>
    %dma_wait3A_931 = tpu.memref_squeeze %dma_wait3A_930 : memref<1x16x16x128xf32, #tpu.memory_space<hbm>> -> memref<16x16x128xf32, #tpu.memory_space<hbm>>
    %dma_wait3A_932 = arith.constant 0 : i32
    %dma_wait3A_933 = arith.constant 0 : i32
    %dma_wait3A_934 = tpu.memref_slice %arg4[%dma_wait3A_927, %add3A_28, %dma_wait3A_932, %dma_wait3A_933] : memref<2x6144x16x128xf32, #tpu.memory_space<hbm>> -> memref<1x16x16x128xf32, #tpu.memory_space<hbm>>
    %dma_wait3A_935 = tpu.memref_squeeze %dma_wait3A_934 : memref<1x16x16x128xf32, #tpu.memory_space<hbm>> -> memref<16x16x128xf32, #tpu.memory_space<hbm>>
    tpu.wait_dma2 semaphore(%arg7 : memref<!tpu.dma_semaphore, #tpu.memory_space<semaphore_mem>>) src(%arg5 : memref<16x16x128xf32, #tpu.memory_space<vmem>>) dst(%dma_wait3A_935 : memref<16x16x128xf32, #tpu.memory_space<hbm>>)
    %dma_wait3A_936 = arith.constant 1 : i32
    %dma_wait3A_937 = arith.constant 0 : i32
    %dma_wait3A_938 = arith.constant 0 : i32
    %dma_wait3A_939 = tpu.memref_slice %arg4[%dma_wait3A_936, %add3A_30, %dma_wait3A_937, %dma_wait3A_938] : memref<2x6144x16x128xf32, #tpu.memory_space<hbm>> -> memref<1x16x16x128xf32, #tpu.memory_space<hbm>>
    %dma_wait3A_940 = tpu.memref_squeeze %dma_wait3A_939 : memref<1x16x16x128xf32, #tpu.memory_space<hbm>> -> memref<16x16x128xf32, #tpu.memory_space<hbm>>
    %dma_wait3A_941 = arith.constant 0 : i32
    %dma_wait3A_942 = arith.constant 0 : i32
    %dma_wait3A_943 = tpu.memref_slice %arg4[%dma_wait3A_936, %add3A_30, %dma_wait3A_941, %dma_wait3A_942] : memref<2x6144x16x128xf32, #tpu.memory_space<hbm>> -> memref<1x16x16x128xf32, #tpu.memory_space<hbm>>
    %dma_wait3A_944 = tpu.memref_squeeze %dma_wait3A_943 : memref<1x16x16x128xf32, #tpu.memory_space<hbm>> -> memref<16x16x128xf32, #tpu.memory_space<hbm>>
    tpu.wait_dma2 semaphore(%arg7 : memref<!tpu.dma_semaphore, #tpu.memory_space<semaphore_mem>>) src(%arg5 : memref<16x16x128xf32, #tpu.memory_space<vmem>>) dst(%dma_wait3A_944 : memref<16x16x128xf32, #tpu.memory_space<hbm>>)
    %dma_wait3A_945 = arith.constant 1 : i32
    %dma_wait3A_946 = arith.constant 0 : i32
    %dma_wait3A_947 = arith.constant 0 : i32
    %dma_wait3A_948 = tpu.memref_slice %arg4[%dma_wait3A_945, %add3A_32, %dma_wait3A_946, %dma_wait3A_947] : memref<2x6144x16x128xf32, #tpu.memory_space<hbm>> -> memref<1x16x16x128xf32, #tpu.memory_space<hbm>>
    %dma_wait3A_949 = tpu.memref_squeeze %dma_wait3A_948 : memref<1x16x16x128xf32, #tpu.memory_space<hbm>> -> memref<16x16x128xf32, #tpu.memory_space<hbm>>
    %dma_wait3A_950 = arith.constant 0 : i32
    %dma_wait3A_951 = arith.constant 0 : i32
    %dma_wait3A_952 = tpu.memref_slice %arg4[%dma_wait3A_945, %add3A_32, %dma_wait3A_950, %dma_wait3A_951] : memref<2x6144x16x128xf32, #tpu.memory_space<hbm>> -> memref<1x16x16x128xf32, #tpu.memory_space<hbm>>
    %dma_wait3A_953 = tpu.memref_squeeze %dma_wait3A_952 : memref<1x16x16x128xf32, #tpu.memory_space<hbm>> -> memref<16x16x128xf32, #tpu.memory_space<hbm>>
    tpu.wait_dma2 semaphore(%arg7 : memref<!tpu.dma_semaphore, #tpu.memory_space<semaphore_mem>>) src(%arg5 : memref<16x16x128xf32, #tpu.memory_space<vmem>>) dst(%dma_wait3A_953 : memref<16x16x128xf32, #tpu.memory_space<hbm>>)
    %dma_wait3A_954 = arith.constant 1 : i32
    %dma_wait3A_955 = arith.constant 0 : i32
    %dma_wait3A_956 = arith.constant 0 : i32
    %dma_wait3A_957 = tpu.memref_slice %arg4[%dma_wait3A_954, %add3A_34, %dma_wait3A_955, %dma_wait3A_956] : memref<2x6144x16x128xf32, #tpu.memory_space<hbm>> -> memref<1x16x16x128xf32, #tpu.memory_space<hbm>>
    %dma_wait3A_958 = tpu.memref_squeeze %dma_wait3A_957 : memref<1x16x16x128xf32, #tpu.memory_space<hbm>> -> memref<16x16x128xf32, #tpu.memory_space<hbm>>
    %dma_wait3A_959 = arith.constant 0 : i32
    %dma_wait3A_960 = arith.constant 0 : i32
    %dma_wait3A_961 = tpu.memref_slice %arg4[%dma_wait3A_954, %add3A_34, %dma_wait3A_959, %dma_wait3A_960] : memref<2x6144x16x128xf32, #tpu.memory_space<hbm>> -> memref<1x16x16x128xf32, #tpu.memory_space<hbm>>
    %dma_wait3A_962 = tpu.memref_squeeze %dma_wait3A_961 : memref<1x16x16x128xf32, #tpu.memory_space<hbm>> -> memref<16x16x128xf32, #tpu.memory_space<hbm>>
    tpu.wait_dma2 semaphore(%arg7 : memref<!tpu.dma_semaphore, #tpu.memory_space<semaphore_mem>>) src(%arg5 : memref<16x16x128xf32, #tpu.memory_space<vmem>>) dst(%dma_wait3A_962 : memref<16x16x128xf32, #tpu.memory_space<hbm>>)
    %dma_wait3A_963 = arith.constant 1 : i32
    %dma_wait3A_964 = arith.constant 0 : i32
    %dma_wait3A_965 = arith.constant 0 : i32
    %dma_wait3A_966 = tpu.memref_slice %arg4[%dma_wait3A_963, %add3A_36, %dma_wait3A_964, %dma_wait3A_965] : memref<2x6144x16x128xf32, #tpu.memory_space<hbm>> -> memref<1x16x16x128xf32, #tpu.memory_space<hbm>>
    %dma_wait3A_967 = tpu.memref_squeeze %dma_wait3A_966 : memref<1x16x16x128xf32, #tpu.memory_space<hbm>> -> memref<16x16x128xf32, #tpu.memory_space<hbm>>
    %dma_wait3A_968 = arith.constant 0 : i32
    %dma_wait3A_969 = arith.constant 0 : i32
    %dma_wait3A_970 = tpu.memref_slice %arg4[%dma_wait3A_963, %add3A_36, %dma_wait3A_968, %dma_wait3A_969] : memref<2x6144x16x128xf32, #tpu.memory_space<hbm>> -> memref<1x16x16x128xf32, #tpu.memory_space<hbm>>
    %dma_wait3A_971 = tpu.memref_squeeze %dma_wait3A_970 : memref<1x16x16x128xf32, #tpu.memory_space<hbm>> -> memref<16x16x128xf32, #tpu.memory_space<hbm>>
    tpu.wait_dma2 semaphore(%arg7 : memref<!tpu.dma_semaphore, #tpu.memory_space<semaphore_mem>>) src(%arg5 : memref<16x16x128xf32, #tpu.memory_space<vmem>>) dst(%dma_wait3A_971 : memref<16x16x128xf32, #tpu.memory_space<hbm>>)
    %dma_wait3A_972 = arith.constant 1 : i32
    %dma_wait3A_973 = arith.constant 0 : i32
    %dma_wait3A_974 = arith.constant 0 : i32
    %dma_wait3A_975 = tpu.memref_slice %arg4[%dma_wait3A_972, %add3A_38, %dma_wait3A_973, %dma_wait3A_974] : memref<2x6144x16x128xf32, #tpu.memory_space<hbm>> -> memref<1x16x16x128xf32, #tpu.memory_space<hbm>>
    %dma_wait3A_976 = tpu.memref_squeeze %dma_wait3A_975 : memref<1x16x16x128xf32, #tpu.memory_space<hbm>> -> memref<16x16x128xf32, #tpu.memory_space<hbm>>
    %dma_wait3A_977 = arith.constant 0 : i32
    %dma_wait3A_978 = arith.constant 0 : i32
    %dma_wait3A_979 = tpu.memref_slice %arg4[%dma_wait3A_972, %add3A_38, %dma_wait3A_977, %dma_wait3A_978] : memref<2x6144x16x128xf32, #tpu.memory_space<hbm>> -> memref<1x16x16x128xf32, #tpu.memory_space<hbm>>
    %dma_wait3A_980 = tpu.memref_squeeze %dma_wait3A_979 : memref<1x16x16x128xf32, #tpu.memory_space<hbm>> -> memref<16x16x128xf32, #tpu.memory_space<hbm>>
    tpu.wait_dma2 semaphore(%arg7 : memref<!tpu.dma_semaphore, #tpu.memory_space<semaphore_mem>>) src(%arg5 : memref<16x16x128xf32, #tpu.memory_space<vmem>>) dst(%dma_wait3A_980 : memref<16x16x128xf32, #tpu.memory_space<hbm>>)
    return
  }
}

module attributes {stable_mosaic.version = 14 : i64} {
  func.func @_tc_body(%arg0: memref<2x2048x16x128xf32, #tpu.memory_space<any>>, %arg1: memref<2x2048x16x64xf32, #tpu.memory_space<any>>, %arg2: memref<2x6144x16x128xf32, #tpu.memory_space<any>>, %arg3: memref<2x6144x16x64xf32, #tpu.memory_space<any>>, %arg4: memref<512x16x128xf32, #tpu.memory_space<vmem>>, %arg5: memref<512x16x64xf32, #tpu.memory_space<vmem>>, %arg6: memref<2x512x16x128xf32, #tpu.memory_space<vmem>>, %arg7: memref<2x512x16x64xf32, #tpu.memory_space<vmem>>, %arg8: memref<!tpu.dma_semaphore, #tpu.memory_space<semaphore_mem>>, %arg9: memref<2x!tpu.dma_semaphore, #tpu.memory_space<semaphore_mem>>, %arg10: memref<2x!tpu.dma_semaphore, #tpu.memory_space<semaphore_mem>>) attributes {dimension_semantics = [], scalar_prefetch = 0 : i64, scratch_operands = 7 : i64, tpu.core_type = #tpu.core_type<tc>} {
    %broadcast_in_dim3A = arith.constant 0.000000e+00 : f32
    %broadcast_in_dim3A_0 = vector.broadcast %broadcast_in_dim3A : f32 to vector<512x16x128xf32>
    %swap3A = arith.constant 0 : index
    %swap3A_1 = arith.constant 0 : index
    %swap3A_2 = arith.constant 0 : index
    %swap3A_3 = vector.load %arg4[%swap3A, %swap3A_1, %swap3A_2] : memref<512x16x128xf32, #tpu.memory_space<vmem>>, vector<512x16x128xf32>
    tpu.vector_store %arg4[%swap3A, %swap3A_1, %swap3A_2], %broadcast_in_dim3A_0 {strides = array<i32>} : memref<512x16x128xf32, #tpu.memory_space<vmem>>, vector<512x16x128xf32>,
    %broadcast_in_dim3A_4 = arith.constant 0.000000e+00 : f32
    %broadcast_in_dim3A_5 = vector.broadcast %broadcast_in_dim3A_4 : f32 to vector<512x16x64xf32>
    %swap3A_6 = arith.constant 0 : index
    %swap3A_7 = arith.constant 0 : index
    %swap3A_8 = arith.constant 0 : index
    %swap3A_9 = vector.load %arg5[%swap3A_6, %swap3A_7, %swap3A_8] : memref<512x16x64xf32, #tpu.memory_space<vmem>>, vector<512x16x64xf32>
    tpu.vector_store %arg5[%swap3A_6, %swap3A_7, %swap3A_8], %broadcast_in_dim3A_5 {strides = array<i32>} : memref<512x16x64xf32, #tpu.memory_space<vmem>>, vector<512x16x64xf32>,
    %dma_start3A = arith.constant 0 : i32
    %dma_start3A_10 = arith.constant 2048 : i32
    %dma_start3A_11 = arith.constant 0 : i32
    %dma_start3A_12 = arith.constant 0 : i32
    %dma_start3A_13 = tpu.memref_slice %arg2[%dma_start3A, %dma_start3A_10, %dma_start3A_11, %dma_start3A_12] : memref<2x6144x16x128xf32, #tpu.memory_space<any>> -> memref<1x512x16x128xf32, #tpu.memory_space<any>>
    %dma_start3A_14 = tpu.memref_squeeze %dma_start3A_13 : memref<1x512x16x128xf32, #tpu.memory_space<any>> -> memref<512x16x128xf32, #tpu.memory_space<any>>
    tpu.enqueue_dma source(%arg4 : memref<512x16x128xf32, #tpu.memory_space<vmem>>) target(%dma_start3A_14 : memref<512x16x128xf32, #tpu.memory_space<any>>) target_semaphore(%arg8 : memref<!tpu.dma_semaphore, #tpu.memory_space<semaphore_mem>>)
    %dma_start3A_15 = arith.constant 0 : i32
    %dma_start3A_16 = arith.constant 2048 : i32
    %dma_start3A_17 = arith.constant 0 : i32
    %dma_start3A_18 = arith.constant 0 : i32
    %dma_start3A_19 = tpu.memref_slice %arg3[%dma_start3A_15, %dma_start3A_16, %dma_start3A_17, %dma_start3A_18] : memref<2x6144x16x64xf32, #tpu.memory_space<any>> -> memref<1x512x16x64xf32, #tpu.memory_space<any>>
    %dma_start3A_20 = tpu.memref_squeeze %dma_start3A_19 : memref<1x512x16x64xf32, #tpu.memory_space<any>> -> memref<512x16x64xf32, #tpu.memory_space<any>>
    tpu.enqueue_dma source(%arg5 : memref<512x16x64xf32, #tpu.memory_space<vmem>>) target(%dma_start3A_20 : memref<512x16x64xf32, #tpu.memory_space<any>>) target_semaphore(%arg8 : memref<!tpu.dma_semaphore, #tpu.memory_space<semaphore_mem>>)
    %dma_start3A_21 = arith.constant 0 : i32
    %dma_start3A_22 = arith.constant 2560 : i32
    %dma_start3A_23 = arith.constant 0 : i32
    %dma_start3A_24 = arith.constant 0 : i32
    %dma_start3A_25 = tpu.memref_slice %arg2[%dma_start3A_21, %dma_start3A_22, %dma_start3A_23, %dma_start3A_24] : memref<2x6144x16x128xf32, #tpu.memory_space<any>> -> memref<1x512x16x128xf32, #tpu.memory_space<any>>
    %dma_start3A_26 = tpu.memref_squeeze %dma_start3A_25 : memref<1x512x16x128xf32, #tpu.memory_space<any>> -> memref<512x16x128xf32, #tpu.memory_space<any>>
    tpu.enqueue_dma source(%arg4 : memref<512x16x128xf32, #tpu.memory_space<vmem>>) target(%dma_start3A_26 : memref<512x16x128xf32, #tpu.memory_space<any>>) target_semaphore(%arg8 : memref<!tpu.dma_semaphore, #tpu.memory_space<semaphore_mem>>)
    %dma_start3A_27 = arith.constant 0 : i32
    %dma_start3A_28 = arith.constant 2560 : i32
    %dma_start3A_29 = arith.constant 0 : i32
    %dma_start3A_30 = arith.constant 0 : i32
    %dma_start3A_31 = tpu.memref_slice %arg3[%dma_start3A_27, %dma_start3A_28, %dma_start3A_29, %dma_start3A_30] : memref<2x6144x16x64xf32, #tpu.memory_space<any>> -> memref<1x512x16x64xf32, #tpu.memory_space<any>>
    %dma_start3A_32 = tpu.memref_squeeze %dma_start3A_31 : memref<1x512x16x64xf32, #tpu.memory_space<any>> -> memref<512x16x64xf32, #tpu.memory_space<any>>
    tpu.enqueue_dma source(%arg5 : memref<512x16x64xf32, #tpu.memory_space<vmem>>) target(%dma_start3A_32 : memref<512x16x64xf32, #tpu.memory_space<any>>) target_semaphore(%arg8 : memref<!tpu.dma_semaphore, #tpu.memory_space<semaphore_mem>>)
    %dma_start3A_33 = arith.constant 0 : i32
    %dma_start3A_34 = arith.constant 3072 : i32
    %dma_start3A_35 = arith.constant 0 : i32
    %dma_start3A_36 = arith.constant 0 : i32
    %dma_start3A_37 = tpu.memref_slice %arg2[%dma_start3A_33, %dma_start3A_34, %dma_start3A_35, %dma_start3A_36] : memref<2x6144x16x128xf32, #tpu.memory_space<any>> -> memref<1x512x16x128xf32, #tpu.memory_space<any>>
    %dma_start3A_38 = tpu.memref_squeeze %dma_start3A_37 : memref<1x512x16x128xf32, #tpu.memory_space<any>> -> memref<512x16x128xf32, #tpu.memory_space<any>>
    tpu.enqueue_dma source(%arg4 : memref<512x16x128xf32, #tpu.memory_space<vmem>>) target(%dma_start3A_38 : memref<512x16x128xf32, #tpu.memory_space<any>>) target_semaphore(%arg8 : memref<!tpu.dma_semaphore, #tpu.memory_space<semaphore_mem>>)
    %dma_start3A_39 = arith.constant 0 : i32
    %dma_start3A_40 = arith.constant 3072 : i32
    %dma_start3A_41 = arith.constant 0 : i32
    %dma_start3A_42 = arith.constant 0 : i32
    %dma_start3A_43 = tpu.memref_slice %arg3[%dma_start3A_39, %dma_start3A_40, %dma_start3A_41, %dma_start3A_42] : memref<2x6144x16x64xf32, #tpu.memory_space<any>> -> memref<1x512x16x64xf32, #tpu.memory_space<any>>
    %dma_start3A_44 = tpu.memref_squeeze %dma_start3A_43 : memref<1x512x16x64xf32, #tpu.memory_space<any>> -> memref<512x16x64xf32, #tpu.memory_space<any>>
    tpu.enqueue_dma source(%arg5 : memref<512x16x64xf32, #tpu.memory_space<vmem>>) target(%dma_start3A_44 : memref<512x16x64xf32, #tpu.memory_space<any>>) target_semaphore(%arg8 : memref<!tpu.dma_semaphore, #tpu.memory_space<semaphore_mem>>)
    %dma_start3A_45 = arith.constant 0 : i32
    %dma_start3A_46 = arith.constant 3584 : i32
    %dma_start3A_47 = arith.constant 0 : i32
    %dma_start3A_48 = arith.constant 0 : i32
    %dma_start3A_49 = tpu.memref_slice %arg2[%dma_start3A_45, %dma_start3A_46, %dma_start3A_47, %dma_start3A_48] : memref<2x6144x16x128xf32, #tpu.memory_space<any>> -> memref<1x512x16x128xf32, #tpu.memory_space<any>>
    %dma_start3A_50 = tpu.memref_squeeze %dma_start3A_49 : memref<1x512x16x128xf32, #tpu.memory_space<any>> -> memref<512x16x128xf32, #tpu.memory_space<any>>
    tpu.enqueue_dma source(%arg4 : memref<512x16x128xf32, #tpu.memory_space<vmem>>) target(%dma_start3A_50 : memref<512x16x128xf32, #tpu.memory_space<any>>) target_semaphore(%arg8 : memref<!tpu.dma_semaphore, #tpu.memory_space<semaphore_mem>>)
    %dma_start3A_51 = arith.constant 0 : i32
    %dma_start3A_52 = arith.constant 3584 : i32
    %dma_start3A_53 = arith.constant 0 : i32
    %dma_start3A_54 = arith.constant 0 : i32
    %dma_start3A_55 = tpu.memref_slice %arg3[%dma_start3A_51, %dma_start3A_52, %dma_start3A_53, %dma_start3A_54] : memref<2x6144x16x64xf32, #tpu.memory_space<any>> -> memref<1x512x16x64xf32, #tpu.memory_space<any>>
    %dma_start3A_56 = tpu.memref_squeeze %dma_start3A_55 : memref<1x512x16x64xf32, #tpu.memory_space<any>> -> memref<512x16x64xf32, #tpu.memory_space<any>>
    tpu.enqueue_dma source(%arg5 : memref<512x16x64xf32, #tpu.memory_space<vmem>>) target(%dma_start3A_56 : memref<512x16x64xf32, #tpu.memory_space<any>>) target_semaphore(%arg8 : memref<!tpu.dma_semaphore, #tpu.memory_space<semaphore_mem>>)
    %dma_start3A_57 = arith.constant 0 : i32
    %dma_start3A_58 = arith.constant 4096 : i32
    %dma_start3A_59 = arith.constant 0 : i32
    %dma_start3A_60 = arith.constant 0 : i32
    %dma_start3A_61 = tpu.memref_slice %arg2[%dma_start3A_57, %dma_start3A_58, %dma_start3A_59, %dma_start3A_60] : memref<2x6144x16x128xf32, #tpu.memory_space<any>> -> memref<1x512x16x128xf32, #tpu.memory_space<any>>
    %dma_start3A_62 = tpu.memref_squeeze %dma_start3A_61 : memref<1x512x16x128xf32, #tpu.memory_space<any>> -> memref<512x16x128xf32, #tpu.memory_space<any>>
    tpu.enqueue_dma source(%arg4 : memref<512x16x128xf32, #tpu.memory_space<vmem>>) target(%dma_start3A_62 : memref<512x16x128xf32, #tpu.memory_space<any>>) target_semaphore(%arg8 : memref<!tpu.dma_semaphore, #tpu.memory_space<semaphore_mem>>)
    %dma_start3A_63 = arith.constant 0 : i32
    %dma_start3A_64 = arith.constant 4096 : i32
    %dma_start3A_65 = arith.constant 0 : i32
    %dma_start3A_66 = arith.constant 0 : i32
    %dma_start3A_67 = tpu.memref_slice %arg3[%dma_start3A_63, %dma_start3A_64, %dma_start3A_65, %dma_start3A_66] : memref<2x6144x16x64xf32, #tpu.memory_space<any>> -> memref<1x512x16x64xf32, #tpu.memory_space<any>>
    %dma_start3A_68 = tpu.memref_squeeze %dma_start3A_67 : memref<1x512x16x64xf32, #tpu.memory_space<any>> -> memref<512x16x64xf32, #tpu.memory_space<any>>
    tpu.enqueue_dma source(%arg5 : memref<512x16x64xf32, #tpu.memory_space<vmem>>) target(%dma_start3A_68 : memref<512x16x64xf32, #tpu.memory_space<any>>) target_semaphore(%arg8 : memref<!tpu.dma_semaphore, #tpu.memory_space<semaphore_mem>>)
    %dma_start3A_69 = arith.constant 0 : i32
    %dma_start3A_70 = arith.constant 4608 : i32
    %dma_start3A_71 = arith.constant 0 : i32
    %dma_start3A_72 = arith.constant 0 : i32
    %dma_start3A_73 = tpu.memref_slice %arg2[%dma_start3A_69, %dma_start3A_70, %dma_start3A_71, %dma_start3A_72] : memref<2x6144x16x128xf32, #tpu.memory_space<any>> -> memref<1x512x16x128xf32, #tpu.memory_space<any>>
    %dma_start3A_74 = tpu.memref_squeeze %dma_start3A_73 : memref<1x512x16x128xf32, #tpu.memory_space<any>> -> memref<512x16x128xf32, #tpu.memory_space<any>>
    tpu.enqueue_dma source(%arg4 : memref<512x16x128xf32, #tpu.memory_space<vmem>>) target(%dma_start3A_74 : memref<512x16x128xf32, #tpu.memory_space<any>>) target_semaphore(%arg8 : memref<!tpu.dma_semaphore, #tpu.memory_space<semaphore_mem>>)
    %dma_start3A_75 = arith.constant 0 : i32
    %dma_start3A_76 = arith.constant 4608 : i32
    %dma_start3A_77 = arith.constant 0 : i32
    %dma_start3A_78 = arith.constant 0 : i32
    %dma_start3A_79 = tpu.memref_slice %arg3[%dma_start3A_75, %dma_start3A_76, %dma_start3A_77, %dma_start3A_78] : memref<2x6144x16x64xf32, #tpu.memory_space<any>> -> memref<1x512x16x64xf32, #tpu.memory_space<any>>
    %dma_start3A_80 = tpu.memref_squeeze %dma_start3A_79 : memref<1x512x16x64xf32, #tpu.memory_space<any>> -> memref<512x16x64xf32, #tpu.memory_space<any>>
    tpu.enqueue_dma source(%arg5 : memref<512x16x64xf32, #tpu.memory_space<vmem>>) target(%dma_start3A_80 : memref<512x16x64xf32, #tpu.memory_space<any>>) target_semaphore(%arg8 : memref<!tpu.dma_semaphore, #tpu.memory_space<semaphore_mem>>)
    %dma_start3A_81 = arith.constant 0 : i32
    %dma_start3A_82 = arith.constant 5120 : i32
    %dma_start3A_83 = arith.constant 0 : i32
    %dma_start3A_84 = arith.constant 0 : i32
    %dma_start3A_85 = tpu.memref_slice %arg2[%dma_start3A_81, %dma_start3A_82, %dma_start3A_83, %dma_start3A_84] : memref<2x6144x16x128xf32, #tpu.memory_space<any>> -> memref<1x512x16x128xf32, #tpu.memory_space<any>>
    %dma_start3A_86 = tpu.memref_squeeze %dma_start3A_85 : memref<1x512x16x128xf32, #tpu.memory_space<any>> -> memref<512x16x128xf32, #tpu.memory_space<any>>
    tpu.enqueue_dma source(%arg4 : memref<512x16x128xf32, #tpu.memory_space<vmem>>) target(%dma_start3A_86 : memref<512x16x128xf32, #tpu.memory_space<any>>) target_semaphore(%arg8 : memref<!tpu.dma_semaphore, #tpu.memory_space<semaphore_mem>>)
    %dma_start3A_87 = arith.constant 0 : i32
    %dma_start3A_88 = arith.constant 5120 : i32
    %dma_start3A_89 = arith.constant 0 : i32
    %dma_start3A_90 = arith.constant 0 : i32
    %dma_start3A_91 = tpu.memref_slice %arg3[%dma_start3A_87, %dma_start3A_88, %dma_start3A_89, %dma_start3A_90] : memref<2x6144x16x64xf32, #tpu.memory_space<any>> -> memref<1x512x16x64xf32, #tpu.memory_space<any>>
    %dma_start3A_92 = tpu.memref_squeeze %dma_start3A_91 : memref<1x512x16x64xf32, #tpu.memory_space<any>> -> memref<512x16x64xf32, #tpu.memory_space<any>>
    tpu.enqueue_dma source(%arg5 : memref<512x16x64xf32, #tpu.memory_space<vmem>>) target(%dma_start3A_92 : memref<512x16x64xf32, #tpu.memory_space<any>>) target_semaphore(%arg8 : memref<!tpu.dma_semaphore, #tpu.memory_space<semaphore_mem>>)
    %dma_start3A_93 = arith.constant 0 : i32
    %dma_start3A_94 = arith.constant 5632 : i32
    %dma_start3A_95 = arith.constant 0 : i32
    %dma_start3A_96 = arith.constant 0 : i32
    %dma_start3A_97 = tpu.memref_slice %arg2[%dma_start3A_93, %dma_start3A_94, %dma_start3A_95, %dma_start3A_96] : memref<2x6144x16x128xf32, #tpu.memory_space<any>> -> memref<1x512x16x128xf32, #tpu.memory_space<any>>
    %dma_start3A_98 = tpu.memref_squeeze %dma_start3A_97 : memref<1x512x16x128xf32, #tpu.memory_space<any>> -> memref<512x16x128xf32, #tpu.memory_space<any>>
    tpu.enqueue_dma source(%arg4 : memref<512x16x128xf32, #tpu.memory_space<vmem>>) target(%dma_start3A_98 : memref<512x16x128xf32, #tpu.memory_space<any>>) target_semaphore(%arg8 : memref<!tpu.dma_semaphore, #tpu.memory_space<semaphore_mem>>)
    %dma_start3A_99 = arith.constant 0 : i32
    %dma_start3A_100 = arith.constant 5632 : i32
    %dma_start3A_101 = arith.constant 0 : i32
    %dma_start3A_102 = arith.constant 0 : i32
    %dma_start3A_103 = tpu.memref_slice %arg3[%dma_start3A_99, %dma_start3A_100, %dma_start3A_101, %dma_start3A_102] : memref<2x6144x16x64xf32, #tpu.memory_space<any>> -> memref<1x512x16x64xf32, #tpu.memory_space<any>>
    %dma_start3A_104 = tpu.memref_squeeze %dma_start3A_103 : memref<1x512x16x64xf32, #tpu.memory_space<any>> -> memref<512x16x64xf32, #tpu.memory_space<any>>
    tpu.enqueue_dma source(%arg5 : memref<512x16x64xf32, #tpu.memory_space<vmem>>) target(%dma_start3A_104 : memref<512x16x64xf32, #tpu.memory_space<any>>) target_semaphore(%arg8 : memref<!tpu.dma_semaphore, #tpu.memory_space<semaphore_mem>>)
    %dma_start3A_105 = arith.constant 1 : i32
    %dma_start3A_106 = arith.constant 2048 : i32
    %dma_start3A_107 = arith.constant 0 : i32
    %dma_start3A_108 = arith.constant 0 : i32
    %dma_start3A_109 = tpu.memref_slice %arg2[%dma_start3A_105, %dma_start3A_106, %dma_start3A_107, %dma_start3A_108] : memref<2x6144x16x128xf32, #tpu.memory_space<any>> -> memref<1x512x16x128xf32, #tpu.memory_space<any>>
    %dma_start3A_110 = tpu.memref_squeeze %dma_start3A_109 : memref<1x512x16x128xf32, #tpu.memory_space<any>> -> memref<512x16x128xf32, #tpu.memory_space<any>>
    tpu.enqueue_dma source(%arg4 : memref<512x16x128xf32, #tpu.memory_space<vmem>>) target(%dma_start3A_110 : memref<512x16x128xf32, #tpu.memory_space<any>>) target_semaphore(%arg8 : memref<!tpu.dma_semaphore, #tpu.memory_space<semaphore_mem>>)
    %dma_start3A_111 = arith.constant 1 : i32
    %dma_start3A_112 = arith.constant 2048 : i32
    %dma_start3A_113 = arith.constant 0 : i32
    %dma_start3A_114 = arith.constant 0 : i32
    %dma_start3A_115 = tpu.memref_slice %arg3[%dma_start3A_111, %dma_start3A_112, %dma_start3A_113, %dma_start3A_114] : memref<2x6144x16x64xf32, #tpu.memory_space<any>> -> memref<1x512x16x64xf32, #tpu.memory_space<any>>
    %dma_start3A_116 = tpu.memref_squeeze %dma_start3A_115 : memref<1x512x16x64xf32, #tpu.memory_space<any>> -> memref<512x16x64xf32, #tpu.memory_space<any>>
    tpu.enqueue_dma source(%arg5 : memref<512x16x64xf32, #tpu.memory_space<vmem>>) target(%dma_start3A_116 : memref<512x16x64xf32, #tpu.memory_space<any>>) target_semaphore(%arg8 : memref<!tpu.dma_semaphore, #tpu.memory_space<semaphore_mem>>)
    %dma_start3A_117 = arith.constant 1 : i32
    %dma_start3A_118 = arith.constant 2560 : i32
    %dma_start3A_119 = arith.constant 0 : i32
    %dma_start3A_120 = arith.constant 0 : i32
    %dma_start3A_121 = tpu.memref_slice %arg2[%dma_start3A_117, %dma_start3A_118, %dma_start3A_119, %dma_start3A_120] : memref<2x6144x16x128xf32, #tpu.memory_space<any>> -> memref<1x512x16x128xf32, #tpu.memory_space<any>>
    %dma_start3A_122 = tpu.memref_squeeze %dma_start3A_121 : memref<1x512x16x128xf32, #tpu.memory_space<any>> -> memref<512x16x128xf32, #tpu.memory_space<any>>
    tpu.enqueue_dma source(%arg4 : memref<512x16x128xf32, #tpu.memory_space<vmem>>) target(%dma_start3A_122 : memref<512x16x128xf32, #tpu.memory_space<any>>) target_semaphore(%arg8 : memref<!tpu.dma_semaphore, #tpu.memory_space<semaphore_mem>>)
    %dma_start3A_123 = arith.constant 1 : i32
    %dma_start3A_124 = arith.constant 2560 : i32
    %dma_start3A_125 = arith.constant 0 : i32
    %dma_start3A_126 = arith.constant 0 : i32
    %dma_start3A_127 = tpu.memref_slice %arg3[%dma_start3A_123, %dma_start3A_124, %dma_start3A_125, %dma_start3A_126] : memref<2x6144x16x64xf32, #tpu.memory_space<any>> -> memref<1x512x16x64xf32, #tpu.memory_space<any>>
    %dma_start3A_128 = tpu.memref_squeeze %dma_start3A_127 : memref<1x512x16x64xf32, #tpu.memory_space<any>> -> memref<512x16x64xf32, #tpu.memory_space<any>>
    tpu.enqueue_dma source(%arg5 : memref<512x16x64xf32, #tpu.memory_space<vmem>>) target(%dma_start3A_128 : memref<512x16x64xf32, #tpu.memory_space<any>>) target_semaphore(%arg8 : memref<!tpu.dma_semaphore, #tpu.memory_space<semaphore_mem>>)
    %dma_start3A_129 = arith.constant 1 : i32
    %dma_start3A_130 = arith.constant 3072 : i32
    %dma_start3A_131 = arith.constant 0 : i32
    %dma_start3A_132 = arith.constant 0 : i32
    %dma_start3A_133 = tpu.memref_slice %arg2[%dma_start3A_129, %dma_start3A_130, %dma_start3A_131, %dma_start3A_132] : memref<2x6144x16x128xf32, #tpu.memory_space<any>> -> memref<1x512x16x128xf32, #tpu.memory_space<any>>
    %dma_start3A_134 = tpu.memref_squeeze %dma_start3A_133 : memref<1x512x16x128xf32, #tpu.memory_space<any>> -> memref<512x16x128xf32, #tpu.memory_space<any>>
    tpu.enqueue_dma source(%arg4 : memref<512x16x128xf32, #tpu.memory_space<vmem>>) target(%dma_start3A_134 : memref<512x16x128xf32, #tpu.memory_space<any>>) target_semaphore(%arg8 : memref<!tpu.dma_semaphore, #tpu.memory_space<semaphore_mem>>)
    %dma_start3A_135 = arith.constant 1 : i32
    %dma_start3A_136 = arith.constant 3072 : i32
    %dma_start3A_137 = arith.constant 0 : i32
    %dma_start3A_138 = arith.constant 0 : i32
    %dma_start3A_139 = tpu.memref_slice %arg3[%dma_start3A_135, %dma_start3A_136, %dma_start3A_137, %dma_start3A_138] : memref<2x6144x16x64xf32, #tpu.memory_space<any>> -> memref<1x512x16x64xf32, #tpu.memory_space<any>>
    %dma_start3A_140 = tpu.memref_squeeze %dma_start3A_139 : memref<1x512x16x64xf32, #tpu.memory_space<any>> -> memref<512x16x64xf32, #tpu.memory_space<any>>
    tpu.enqueue_dma source(%arg5 : memref<512x16x64xf32, #tpu.memory_space<vmem>>) target(%dma_start3A_140 : memref<512x16x64xf32, #tpu.memory_space<any>>) target_semaphore(%arg8 : memref<!tpu.dma_semaphore, #tpu.memory_space<semaphore_mem>>)
    %dma_start3A_141 = arith.constant 1 : i32
    %dma_start3A_142 = arith.constant 3584 : i32
    %dma_start3A_143 = arith.constant 0 : i32
    %dma_start3A_144 = arith.constant 0 : i32
    %dma_start3A_145 = tpu.memref_slice %arg2[%dma_start3A_141, %dma_start3A_142, %dma_start3A_143, %dma_start3A_144] : memref<2x6144x16x128xf32, #tpu.memory_space<any>> -> memref<1x512x16x128xf32, #tpu.memory_space<any>>
    %dma_start3A_146 = tpu.memref_squeeze %dma_start3A_145 : memref<1x512x16x128xf32, #tpu.memory_space<any>> -> memref<512x16x128xf32, #tpu.memory_space<any>>
    tpu.enqueue_dma source(%arg4 : memref<512x16x128xf32, #tpu.memory_space<vmem>>) target(%dma_start3A_146 : memref<512x16x128xf32, #tpu.memory_space<any>>) target_semaphore(%arg8 : memref<!tpu.dma_semaphore, #tpu.memory_space<semaphore_mem>>)
    %dma_start3A_147 = arith.constant 1 : i32
    %dma_start3A_148 = arith.constant 3584 : i32
    %dma_start3A_149 = arith.constant 0 : i32
    %dma_start3A_150 = arith.constant 0 : i32
    %dma_start3A_151 = tpu.memref_slice %arg3[%dma_start3A_147, %dma_start3A_148, %dma_start3A_149, %dma_start3A_150] : memref<2x6144x16x64xf32, #tpu.memory_space<any>> -> memref<1x512x16x64xf32, #tpu.memory_space<any>>
    %dma_start3A_152 = tpu.memref_squeeze %dma_start3A_151 : memref<1x512x16x64xf32, #tpu.memory_space<any>> -> memref<512x16x64xf32, #tpu.memory_space<any>>
    tpu.enqueue_dma source(%arg5 : memref<512x16x64xf32, #tpu.memory_space<vmem>>) target(%dma_start3A_152 : memref<512x16x64xf32, #tpu.memory_space<any>>) target_semaphore(%arg8 : memref<!tpu.dma_semaphore, #tpu.memory_space<semaphore_mem>>)
    %dma_start3A_153 = arith.constant 1 : i32
    %dma_start3A_154 = arith.constant 4096 : i32
    %dma_start3A_155 = arith.constant 0 : i32
    %dma_start3A_156 = arith.constant 0 : i32
    %dma_start3A_157 = tpu.memref_slice %arg2[%dma_start3A_153, %dma_start3A_154, %dma_start3A_155, %dma_start3A_156] : memref<2x6144x16x128xf32, #tpu.memory_space<any>> -> memref<1x512x16x128xf32, #tpu.memory_space<any>>
    %dma_start3A_158 = tpu.memref_squeeze %dma_start3A_157 : memref<1x512x16x128xf32, #tpu.memory_space<any>> -> memref<512x16x128xf32, #tpu.memory_space<any>>
    tpu.enqueue_dma source(%arg4 : memref<512x16x128xf32, #tpu.memory_space<vmem>>) target(%dma_start3A_158 : memref<512x16x128xf32, #tpu.memory_space<any>>) target_semaphore(%arg8 : memref<!tpu.dma_semaphore, #tpu.memory_space<semaphore_mem>>)
    %dma_start3A_159 = arith.constant 1 : i32
    %dma_start3A_160 = arith.constant 4096 : i32
    %dma_start3A_161 = arith.constant 0 : i32
    %dma_start3A_162 = arith.constant 0 : i32
    %dma_start3A_163 = tpu.memref_slice %arg3[%dma_start3A_159, %dma_start3A_160, %dma_start3A_161, %dma_start3A_162] : memref<2x6144x16x64xf32, #tpu.memory_space<any>> -> memref<1x512x16x64xf32, #tpu.memory_space<any>>
    %dma_start3A_164 = tpu.memref_squeeze %dma_start3A_163 : memref<1x512x16x64xf32, #tpu.memory_space<any>> -> memref<512x16x64xf32, #tpu.memory_space<any>>
    tpu.enqueue_dma source(%arg5 : memref<512x16x64xf32, #tpu.memory_space<vmem>>) target(%dma_start3A_164 : memref<512x16x64xf32, #tpu.memory_space<any>>) target_semaphore(%arg8 : memref<!tpu.dma_semaphore, #tpu.memory_space<semaphore_mem>>)
    %dma_start3A_165 = arith.constant 1 : i32
    %dma_start3A_166 = arith.constant 4608 : i32
    %dma_start3A_167 = arith.constant 0 : i32
    %dma_start3A_168 = arith.constant 0 : i32
    %dma_start3A_169 = tpu.memref_slice %arg2[%dma_start3A_165, %dma_start3A_166, %dma_start3A_167, %dma_start3A_168] : memref<2x6144x16x128xf32, #tpu.memory_space<any>> -> memref<1x512x16x128xf32, #tpu.memory_space<any>>
    %dma_start3A_170 = tpu.memref_squeeze %dma_start3A_169 : memref<1x512x16x128xf32, #tpu.memory_space<any>> -> memref<512x16x128xf32, #tpu.memory_space<any>>
    tpu.enqueue_dma source(%arg4 : memref<512x16x128xf32, #tpu.memory_space<vmem>>) target(%dma_start3A_170 : memref<512x16x128xf32, #tpu.memory_space<any>>) target_semaphore(%arg8 : memref<!tpu.dma_semaphore, #tpu.memory_space<semaphore_mem>>)
    %dma_start3A_171 = arith.constant 1 : i32
    %dma_start3A_172 = arith.constant 4608 : i32
    %dma_start3A_173 = arith.constant 0 : i32
    %dma_start3A_174 = arith.constant 0 : i32
    %dma_start3A_175 = tpu.memref_slice %arg3[%dma_start3A_171, %dma_start3A_172, %dma_start3A_173, %dma_start3A_174] : memref<2x6144x16x64xf32, #tpu.memory_space<any>> -> memref<1x512x16x64xf32, #tpu.memory_space<any>>
    %dma_start3A_176 = tpu.memref_squeeze %dma_start3A_175 : memref<1x512x16x64xf32, #tpu.memory_space<any>> -> memref<512x16x64xf32, #tpu.memory_space<any>>
    tpu.enqueue_dma source(%arg5 : memref<512x16x64xf32, #tpu.memory_space<vmem>>) target(%dma_start3A_176 : memref<512x16x64xf32, #tpu.memory_space<any>>) target_semaphore(%arg8 : memref<!tpu.dma_semaphore, #tpu.memory_space<semaphore_mem>>)
    %dma_start3A_177 = arith.constant 1 : i32
    %dma_start3A_178 = arith.constant 5120 : i32
    %dma_start3A_179 = arith.constant 0 : i32
    %dma_start3A_180 = arith.constant 0 : i32
    %dma_start3A_181 = tpu.memref_slice %arg2[%dma_start3A_177, %dma_start3A_178, %dma_start3A_179, %dma_start3A_180] : memref<2x6144x16x128xf32, #tpu.memory_space<any>> -> memref<1x512x16x128xf32, #tpu.memory_space<any>>
    %dma_start3A_182 = tpu.memref_squeeze %dma_start3A_181 : memref<1x512x16x128xf32, #tpu.memory_space<any>> -> memref<512x16x128xf32, #tpu.memory_space<any>>
    tpu.enqueue_dma source(%arg4 : memref<512x16x128xf32, #tpu.memory_space<vmem>>) target(%dma_start3A_182 : memref<512x16x128xf32, #tpu.memory_space<any>>) target_semaphore(%arg8 : memref<!tpu.dma_semaphore, #tpu.memory_space<semaphore_mem>>)
    %dma_start3A_183 = arith.constant 1 : i32
    %dma_start3A_184 = arith.constant 5120 : i32
    %dma_start3A_185 = arith.constant 0 : i32
    %dma_start3A_186 = arith.constant 0 : i32
    %dma_start3A_187 = tpu.memref_slice %arg3[%dma_start3A_183, %dma_start3A_184, %dma_start3A_185, %dma_start3A_186] : memref<2x6144x16x64xf32, #tpu.memory_space<any>> -> memref<1x512x16x64xf32, #tpu.memory_space<any>>
    %dma_start3A_188 = tpu.memref_squeeze %dma_start3A_187 : memref<1x512x16x64xf32, #tpu.memory_space<any>> -> memref<512x16x64xf32, #tpu.memory_space<any>>
    tpu.enqueue_dma source(%arg5 : memref<512x16x64xf32, #tpu.memory_space<vmem>>) target(%dma_start3A_188 : memref<512x16x64xf32, #tpu.memory_space<any>>) target_semaphore(%arg8 : memref<!tpu.dma_semaphore, #tpu.memory_space<semaphore_mem>>)
    %dma_start3A_189 = arith.constant 1 : i32
    %dma_start3A_190 = arith.constant 5632 : i32
    %dma_start3A_191 = arith.constant 0 : i32
    %dma_start3A_192 = arith.constant 0 : i32
    %dma_start3A_193 = tpu.memref_slice %arg2[%dma_start3A_189, %dma_start3A_190, %dma_start3A_191, %dma_start3A_192] : memref<2x6144x16x128xf32, #tpu.memory_space<any>> -> memref<1x512x16x128xf32, #tpu.memory_space<any>>
    %dma_start3A_194 = tpu.memref_squeeze %dma_start3A_193 : memref<1x512x16x128xf32, #tpu.memory_space<any>> -> memref<512x16x128xf32, #tpu.memory_space<any>>
    tpu.enqueue_dma source(%arg4 : memref<512x16x128xf32, #tpu.memory_space<vmem>>) target(%dma_start3A_194 : memref<512x16x128xf32, #tpu.memory_space<any>>) target_semaphore(%arg8 : memref<!tpu.dma_semaphore, #tpu.memory_space<semaphore_mem>>)
    %dma_start3A_195 = arith.constant 1 : i32
    %dma_start3A_196 = arith.constant 5632 : i32
    %dma_start3A_197 = arith.constant 0 : i32
    %dma_start3A_198 = arith.constant 0 : i32
    %dma_start3A_199 = tpu.memref_slice %arg3[%dma_start3A_195, %dma_start3A_196, %dma_start3A_197, %dma_start3A_198] : memref<2x6144x16x64xf32, #tpu.memory_space<any>> -> memref<1x512x16x64xf32, #tpu.memory_space<any>>
    %dma_start3A_200 = tpu.memref_squeeze %dma_start3A_199 : memref<1x512x16x64xf32, #tpu.memory_space<any>> -> memref<512x16x64xf32, #tpu.memory_space<any>>
    tpu.enqueue_dma source(%arg5 : memref<512x16x64xf32, #tpu.memory_space<vmem>>) target(%dma_start3A_200 : memref<512x16x64xf32, #tpu.memory_space<any>>) target_semaphore(%arg8 : memref<!tpu.dma_semaphore, #tpu.memory_space<semaphore_mem>>)
    %dma_start3A_201 = arith.constant 0 : i32
    %dma_start3A_202 = arith.constant 0 : i32
    %dma_start3A_203 = arith.constant 0 : i32
    %dma_start3A_204 = tpu.memref_slice %arg9[%dma_start3A_203] : memref<2x!tpu.dma_semaphore, #tpu.memory_space<semaphore_mem>> -> memref<1x!tpu.dma_semaphore, #tpu.memory_space<semaphore_mem>>
    %dma_start3A_205 = tpu.memref_squeeze %dma_start3A_204 : memref<1x!tpu.dma_semaphore, #tpu.memory_space<semaphore_mem>> -> memref<!tpu.dma_semaphore, #tpu.memory_space<semaphore_mem>>
    %dma_start3A_206 = arith.constant 0 : i32
    %dma_start3A_207 = arith.constant 0 : i32
    %dma_start3A_208 = arith.constant 0 : i32
    %dma_start3A_209 = tpu.memref_slice %arg6[%dma_start3A_202, %dma_start3A_206, %dma_start3A_207, %dma_start3A_208] : memref<2x512x16x128xf32, #tpu.memory_space<vmem>> -> memref<1x512x16x128xf32, #tpu.memory_space<vmem>>
    %dma_start3A_210 = tpu.memref_squeeze %dma_start3A_209 : memref<1x512x16x128xf32, #tpu.memory_space<vmem>> -> memref<512x16x128xf32, #tpu.memory_space<vmem>>
    %dma_start3A_211 = arith.constant 0 : i32
    %dma_start3A_212 = arith.constant 0 : i32
    %dma_start3A_213 = arith.constant 0 : i32
    %dma_start3A_214 = tpu.memref_slice %arg0[%dma_start3A_201, %dma_start3A_211, %dma_start3A_212, %dma_start3A_213] : memref<2x2048x16x128xf32, #tpu.memory_space<any>> -> memref<1x512x16x128xf32, #tpu.memory_space<any>>
    %dma_start3A_215 = tpu.memref_squeeze %dma_start3A_214 : memref<1x512x16x128xf32, #tpu.memory_space<any>> -> memref<512x16x128xf32, #tpu.memory_space<any>>
    tpu.enqueue_dma source(%dma_start3A_215 : memref<512x16x128xf32, #tpu.memory_space<any>>) target(%dma_start3A_210 : memref<512x16x128xf32, #tpu.memory_space<vmem>>) target_semaphore(%dma_start3A_205 : memref<!tpu.dma_semaphore, #tpu.memory_space<semaphore_mem>>)
    %dma_start3A_216 = arith.constant 0 : i32
    %dma_start3A_217 = arith.constant 1 : i32
    %dma_start3A_218 = arith.constant 0 : i32
    %dma_start3A_219 = tpu.memref_slice %arg9[%dma_start3A_218] : memref<2x!tpu.dma_semaphore, #tpu.memory_space<semaphore_mem>> -> memref<1x!tpu.dma_semaphore, #tpu.memory_space<semaphore_mem>>
    %dma_start3A_220 = tpu.memref_squeeze %dma_start3A_219 : memref<1x!tpu.dma_semaphore, #tpu.memory_space<semaphore_mem>> -> memref<!tpu.dma_semaphore, #tpu.memory_space<semaphore_mem>>
    %dma_start3A_221 = arith.constant 0 : i32
    %dma_start3A_222 = arith.constant 0 : i32
    %dma_start3A_223 = arith.constant 0 : i32
    %dma_start3A_224 = tpu.memref_slice %arg6[%dma_start3A_217, %dma_start3A_221, %dma_start3A_222, %dma_start3A_223] : memref<2x512x16x128xf32, #tpu.memory_space<vmem>> -> memref<1x512x16x128xf32, #tpu.memory_space<vmem>>
    %dma_start3A_225 = tpu.memref_squeeze %dma_start3A_224 : memref<1x512x16x128xf32, #tpu.memory_space<vmem>> -> memref<512x16x128xf32, #tpu.memory_space<vmem>>
    %dma_start3A_226 = arith.constant 512 : i32
    %dma_start3A_227 = arith.constant 0 : i32
    %dma_start3A_228 = arith.constant 0 : i32
    %dma_start3A_229 = tpu.memref_slice %arg0[%dma_start3A_216, %dma_start3A_226, %dma_start3A_227, %dma_start3A_228] : memref<2x2048x16x128xf32, #tpu.memory_space<any>> -> memref<1x512x16x128xf32, #tpu.memory_space<any>>
    %dma_start3A_230 = tpu.memref_squeeze %dma_start3A_229 : memref<1x512x16x128xf32, #tpu.memory_space<any>> -> memref<512x16x128xf32, #tpu.memory_space<any>>
    tpu.enqueue_dma source(%dma_start3A_230 : memref<512x16x128xf32, #tpu.memory_space<any>>) target(%dma_start3A_225 : memref<512x16x128xf32, #tpu.memory_space<vmem>>) target_semaphore(%dma_start3A_220 : memref<!tpu.dma_semaphore, #tpu.memory_space<semaphore_mem>>)
    %dma_start3A_231 = arith.constant 0 : i32
    %dma_start3A_232 = arith.constant 0 : i32
    %dma_start3A_233 = arith.constant 1 : i32
    %dma_start3A_234 = tpu.memref_slice %arg9[%dma_start3A_233] : memref<2x!tpu.dma_semaphore, #tpu.memory_space<semaphore_mem>> -> memref<1x!tpu.dma_semaphore, #tpu.memory_space<semaphore_mem>>
    %dma_start3A_235 = tpu.memref_squeeze %dma_start3A_234 : memref<1x!tpu.dma_semaphore, #tpu.memory_space<semaphore_mem>> -> memref<!tpu.dma_semaphore, #tpu.memory_space<semaphore_mem>>
    %dma_start3A_236 = arith.constant 0 : i32
    %dma_start3A_237 = arith.constant 0 : i32
    %dma_start3A_238 = arith.constant 0 : i32
    %dma_start3A_239 = tpu.memref_slice %arg7[%dma_start3A_232, %dma_start3A_236, %dma_start3A_237, %dma_start3A_238] : memref<2x512x16x64xf32, #tpu.memory_space<vmem>> -> memref<1x512x16x64xf32, #tpu.memory_space<vmem>>
    %dma_start3A_240 = tpu.memref_squeeze %dma_start3A_239 : memref<1x512x16x64xf32, #tpu.memory_space<vmem>> -> memref<512x16x64xf32, #tpu.memory_space<vmem>>
    %dma_start3A_241 = arith.constant 0 : i32
    %dma_start3A_242 = arith.constant 0 : i32
    %dma_start3A_243 = arith.constant 0 : i32
    %dma_start3A_244 = tpu.memref_slice %arg1[%dma_start3A_231, %dma_start3A_241, %dma_start3A_242, %dma_start3A_243] : memref<2x2048x16x64xf32, #tpu.memory_space<any>> -> memref<1x512x16x64xf32, #tpu.memory_space<any>>
    %dma_start3A_245 = tpu.memref_squeeze %dma_start3A_244 : memref<1x512x16x64xf32, #tpu.memory_space<any>> -> memref<512x16x64xf32, #tpu.memory_space<any>>
    tpu.enqueue_dma source(%dma_start3A_245 : memref<512x16x64xf32, #tpu.memory_space<any>>) target(%dma_start3A_240 : memref<512x16x64xf32, #tpu.memory_space<vmem>>) target_semaphore(%dma_start3A_235 : memref<!tpu.dma_semaphore, #tpu.memory_space<semaphore_mem>>)
    %dma_start3A_246 = arith.constant 0 : i32
    %dma_start3A_247 = arith.constant 1 : i32
    %dma_start3A_248 = arith.constant 1 : i32
    %dma_start3A_249 = tpu.memref_slice %arg9[%dma_start3A_248] : memref<2x!tpu.dma_semaphore, #tpu.memory_space<semaphore_mem>> -> memref<1x!tpu.dma_semaphore, #tpu.memory_space<semaphore_mem>>
    %dma_start3A_250 = tpu.memref_squeeze %dma_start3A_249 : memref<1x!tpu.dma_semaphore, #tpu.memory_space<semaphore_mem>> -> memref<!tpu.dma_semaphore, #tpu.memory_space<semaphore_mem>>
    %dma_start3A_251 = arith.constant 0 : i32
    %dma_start3A_252 = arith.constant 0 : i32
    %dma_start3A_253 = arith.constant 0 : i32
    %dma_start3A_254 = tpu.memref_slice %arg7[%dma_start3A_247, %dma_start3A_251, %dma_start3A_252, %dma_start3A_253] : memref<2x512x16x64xf32, #tpu.memory_space<vmem>> -> memref<1x512x16x64xf32, #tpu.memory_space<vmem>>
    %dma_start3A_255 = tpu.memref_squeeze %dma_start3A_254 : memref<1x512x16x64xf32, #tpu.memory_space<vmem>> -> memref<512x16x64xf32, #tpu.memory_space<vmem>>
    %dma_start3A_256 = arith.constant 512 : i32
    %dma_start3A_257 = arith.constant 0 : i32
    %dma_start3A_258 = arith.constant 0 : i32
    %dma_start3A_259 = tpu.memref_slice %arg1[%dma_start3A_246, %dma_start3A_256, %dma_start3A_257, %dma_start3A_258] : memref<2x2048x16x64xf32, #tpu.memory_space<any>> -> memref<1x512x16x64xf32, #tpu.memory_space<any>>
    %dma_start3A_260 = tpu.memref_squeeze %dma_start3A_259 : memref<1x512x16x64xf32, #tpu.memory_space<any>> -> memref<512x16x64xf32, #tpu.memory_space<any>>
    tpu.enqueue_dma source(%dma_start3A_260 : memref<512x16x64xf32, #tpu.memory_space<any>>) target(%dma_start3A_255 : memref<512x16x64xf32, #tpu.memory_space<vmem>>) target_semaphore(%dma_start3A_250 : memref<!tpu.dma_semaphore, #tpu.memory_space<semaphore_mem>>)
    %dma_wait3A = arith.constant 0 : i32
    %dma_wait3A_261 = arith.constant 0 : i32
    %dma_wait3A_262 = arith.constant 0 : i32
    %dma_wait3A_263 = tpu.memref_slice %arg9[%dma_wait3A_262] : memref<2x!tpu.dma_semaphore, #tpu.memory_space<semaphore_mem>> -> memref<1x!tpu.dma_semaphore, #tpu.memory_space<semaphore_mem>>
    %dma_wait3A_264 = tpu.memref_squeeze %dma_wait3A_263 : memref<1x!tpu.dma_semaphore, #tpu.memory_space<semaphore_mem>> -> memref<!tpu.dma_semaphore, #tpu.memory_space<semaphore_mem>>
    %dma_wait3A_265 = arith.constant 0 : i32
    %dma_wait3A_266 = arith.constant 0 : i32
    %dma_wait3A_267 = arith.constant 0 : i32
    %dma_wait3A_268 = tpu.memref_slice %arg6[%dma_wait3A_261, %dma_wait3A_265, %dma_wait3A_266, %dma_wait3A_267] : memref<2x512x16x128xf32, #tpu.memory_space<vmem>> -> memref<1x512x16x128xf32, #tpu.memory_space<vmem>>
    %dma_wait3A_269 = tpu.memref_squeeze %dma_wait3A_268 : memref<1x512x16x128xf32, #tpu.memory_space<vmem>> -> memref<512x16x128xf32, #tpu.memory_space<vmem>>
    %dma_wait3A_270 = arith.constant 0 : i32
    %dma_wait3A_271 = arith.constant 0 : i32
    %dma_wait3A_272 = arith.constant 0 : i32
    %dma_wait3A_273 = tpu.memref_slice %arg0[%dma_wait3A, %dma_wait3A_270, %dma_wait3A_271, %dma_wait3A_272] : memref<2x2048x16x128xf32, #tpu.memory_space<any>> -> memref<1x512x16x128xf32, #tpu.memory_space<any>>
    %dma_wait3A_274 = tpu.memref_squeeze %dma_wait3A_273 : memref<1x512x16x128xf32, #tpu.memory_space<any>> -> memref<512x16x128xf32, #tpu.memory_space<any>>
    tpu.wait_dma2 semaphore(%dma_wait3A_264 : memref<!tpu.dma_semaphore, #tpu.memory_space<semaphore_mem>>) src(%dma_wait3A_274 : memref<512x16x128xf32, #tpu.memory_space<any>>) dst(%dma_wait3A_269 : memref<512x16x128xf32, #tpu.memory_space<vmem>>)
    %dma_start3A_275 = arith.constant 0 : i32
    %dma_start3A_276 = arith.constant 0 : i32
    %dma_start3A_277 = arith.constant 0 : i32
    %dma_start3A_278 = tpu.memref_slice %arg10[%dma_start3A_277] : memref<2x!tpu.dma_semaphore, #tpu.memory_space<semaphore_mem>> -> memref<1x!tpu.dma_semaphore, #tpu.memory_space<semaphore_mem>>
    %dma_start3A_279 = tpu.memref_squeeze %dma_start3A_278 : memref<1x!tpu.dma_semaphore, #tpu.memory_space<semaphore_mem>> -> memref<!tpu.dma_semaphore, #tpu.memory_space<semaphore_mem>>
    %dma_start3A_280 = arith.constant 0 : i32
    %dma_start3A_281 = arith.constant 0 : i32
    %dma_start3A_282 = arith.constant 0 : i32
    %dma_start3A_283 = tpu.memref_slice %arg2[%dma_start3A_276, %dma_start3A_280, %dma_start3A_281, %dma_start3A_282] : memref<2x6144x16x128xf32, #tpu.memory_space<any>> -> memref<1x512x16x128xf32, #tpu.memory_space<any>>
    %dma_start3A_284 = tpu.memref_squeeze %dma_start3A_283 : memref<1x512x16x128xf32, #tpu.memory_space<any>> -> memref<512x16x128xf32, #tpu.memory_space<any>>
    %dma_start3A_285 = arith.constant 0 : i32
    %dma_start3A_286 = arith.constant 0 : i32
    %dma_start3A_287 = arith.constant 0 : i32
    %dma_start3A_288 = tpu.memref_slice %arg6[%dma_start3A_275, %dma_start3A_285, %dma_start3A_286, %dma_start3A_287] : memref<2x512x16x128xf32, #tpu.memory_space<vmem>> -> memref<1x512x16x128xf32, #tpu.memory_space<vmem>>
    %dma_start3A_289 = tpu.memref_squeeze %dma_start3A_288 : memref<1x512x16x128xf32, #tpu.memory_space<vmem>> -> memref<512x16x128xf32, #tpu.memory_space<vmem>>
    tpu.enqueue_dma source(%dma_start3A_289 : memref<512x16x128xf32, #tpu.memory_space<vmem>>) target(%dma_start3A_284 : memref<512x16x128xf32, #tpu.memory_space<any>>) target_semaphore(%dma_start3A_279 : memref<!tpu.dma_semaphore, #tpu.memory_space<semaphore_mem>>)
    %dma_wait3A_290 = arith.constant 0 : i32
    %dma_wait3A_291 = arith.constant 0 : i32
    %dma_wait3A_292 = arith.constant 1 : i32
    %dma_wait3A_293 = tpu.memref_slice %arg9[%dma_wait3A_292] : memref<2x!tpu.dma_semaphore, #tpu.memory_space<semaphore_mem>> -> memref<1x!tpu.dma_semaphore, #tpu.memory_space<semaphore_mem>>
    %dma_wait3A_294 = tpu.memref_squeeze %dma_wait3A_293 : memref<1x!tpu.dma_semaphore, #tpu.memory_space<semaphore_mem>> -> memref<!tpu.dma_semaphore, #tpu.memory_space<semaphore_mem>>
    %dma_wait3A_295 = arith.constant 0 : i32
    %dma_wait3A_296 = arith.constant 0 : i32
    %dma_wait3A_297 = arith.constant 0 : i32
    %dma_wait3A_298 = tpu.memref_slice %arg7[%dma_wait3A_291, %dma_wait3A_295, %dma_wait3A_296, %dma_wait3A_297] : memref<2x512x16x64xf32, #tpu.memory_space<vmem>> -> memref<1x512x16x64xf32, #tpu.memory_space<vmem>>
    %dma_wait3A_299 = tpu.memref_squeeze %dma_wait3A_298 : memref<1x512x16x64xf32, #tpu.memory_space<vmem>> -> memref<512x16x64xf32, #tpu.memory_space<vmem>>
    %dma_wait3A_300 = arith.constant 0 : i32
    %dma_wait3A_301 = arith.constant 0 : i32
    %dma_wait3A_302 = arith.constant 0 : i32
    %dma_wait3A_303 = tpu.memref_slice %arg1[%dma_wait3A_290, %dma_wait3A_300, %dma_wait3A_301, %dma_wait3A_302] : memref<2x2048x16x64xf32, #tpu.memory_space<any>> -> memref<1x512x16x64xf32, #tpu.memory_space<any>>
    %dma_wait3A_304 = tpu.memref_squeeze %dma_wait3A_303 : memref<1x512x16x64xf32, #tpu.memory_space<any>> -> memref<512x16x64xf32, #tpu.memory_space<any>>
    tpu.wait_dma2 semaphore(%dma_wait3A_294 : memref<!tpu.dma_semaphore, #tpu.memory_space<semaphore_mem>>) src(%dma_wait3A_304 : memref<512x16x64xf32, #tpu.memory_space<any>>) dst(%dma_wait3A_299 : memref<512x16x64xf32, #tpu.memory_space<vmem>>)
    %dma_start3A_305 = arith.constant 0 : i32
    %dma_start3A_306 = arith.constant 0 : i32
    %dma_start3A_307 = arith.constant 1 : i32
    %dma_start3A_308 = tpu.memref_slice %arg10[%dma_start3A_307] : memref<2x!tpu.dma_semaphore, #tpu.memory_space<semaphore_mem>> -> memref<1x!tpu.dma_semaphore, #tpu.memory_space<semaphore_mem>>
    %dma_start3A_309 = tpu.memref_squeeze %dma_start3A_308 : memref<1x!tpu.dma_semaphore, #tpu.memory_space<semaphore_mem>> -> memref<!tpu.dma_semaphore, #tpu.memory_space<semaphore_mem>>
    %dma_start3A_310 = arith.constant 0 : i32
    %dma_start3A_311 = arith.constant 0 : i32
    %dma_start3A_312 = arith.constant 0 : i32
    %dma_start3A_313 = tpu.memref_slice %arg3[%dma_start3A_306, %dma_start3A_310, %dma_start3A_311, %dma_start3A_312] : memref<2x6144x16x64xf32, #tpu.memory_space<any>> -> memref<1x512x16x64xf32, #tpu.memory_space<any>>
    %dma_start3A_314 = tpu.memref_squeeze %dma_start3A_313 : memref<1x512x16x64xf32, #tpu.memory_space<any>> -> memref<512x16x64xf32, #tpu.memory_space<any>>
    %dma_start3A_315 = arith.constant 0 : i32
    %dma_start3A_316 = arith.constant 0 : i32
    %dma_start3A_317 = arith.constant 0 : i32
    %dma_start3A_318 = tpu.memref_slice %arg7[%dma_start3A_305, %dma_start3A_315, %dma_start3A_316, %dma_start3A_317] : memref<2x512x16x64xf32, #tpu.memory_space<vmem>> -> memref<1x512x16x64xf32, #tpu.memory_space<vmem>>
    %dma_start3A_319 = tpu.memref_squeeze %dma_start3A_318 : memref<1x512x16x64xf32, #tpu.memory_space<vmem>> -> memref<512x16x64xf32, #tpu.memory_space<vmem>>
    tpu.enqueue_dma source(%dma_start3A_319 : memref<512x16x64xf32, #tpu.memory_space<vmem>>) target(%dma_start3A_314 : memref<512x16x64xf32, #tpu.memory_space<any>>) target_semaphore(%dma_start3A_309 : memref<!tpu.dma_semaphore, #tpu.memory_space<semaphore_mem>>)
    %dma_wait3A_320 = arith.constant 0 : i32
    %dma_wait3A_321 = arith.constant 0 : i32
    %dma_wait3A_322 = arith.constant 0 : i32
    %dma_wait3A_323 = tpu.memref_slice %arg10[%dma_wait3A_322] : memref<2x!tpu.dma_semaphore, #tpu.memory_space<semaphore_mem>> -> memref<1x!tpu.dma_semaphore, #tpu.memory_space<semaphore_mem>>
    %dma_wait3A_324 = tpu.memref_squeeze %dma_wait3A_323 : memref<1x!tpu.dma_semaphore, #tpu.memory_space<semaphore_mem>> -> memref<!tpu.dma_semaphore, #tpu.memory_space<semaphore_mem>>
    %dma_wait3A_325 = arith.constant 0 : i32
    %dma_wait3A_326 = arith.constant 0 : i32
    %dma_wait3A_327 = arith.constant 0 : i32
    %dma_wait3A_328 = tpu.memref_slice %arg2[%dma_wait3A_321, %dma_wait3A_325, %dma_wait3A_326, %dma_wait3A_327] : memref<2x6144x16x128xf32, #tpu.memory_space<any>> -> memref<1x512x16x128xf32, #tpu.memory_space<any>>
    %dma_wait3A_329 = tpu.memref_squeeze %dma_wait3A_328 : memref<1x512x16x128xf32, #tpu.memory_space<any>> -> memref<512x16x128xf32, #tpu.memory_space<any>>
    %dma_wait3A_330 = arith.constant 0 : i32
    %dma_wait3A_331 = arith.constant 0 : i32
    %dma_wait3A_332 = arith.constant 0 : i32
    %dma_wait3A_333 = tpu.memref_slice %arg6[%dma_wait3A_320, %dma_wait3A_330, %dma_wait3A_331, %dma_wait3A_332] : memref<2x512x16x128xf32, #tpu.memory_space<vmem>> -> memref<1x512x16x128xf32, #tpu.memory_space<vmem>>
    %dma_wait3A_334 = tpu.memref_squeeze %dma_wait3A_333 : memref<1x512x16x128xf32, #tpu.memory_space<vmem>> -> memref<512x16x128xf32, #tpu.memory_space<vmem>>
    tpu.wait_dma2 semaphore(%dma_wait3A_324 : memref<!tpu.dma_semaphore, #tpu.memory_space<semaphore_mem>>) src(%dma_wait3A_334 : memref<512x16x128xf32, #tpu.memory_space<vmem>>) dst(%dma_wait3A_329 : memref<512x16x128xf32, #tpu.memory_space<any>>)
    %dma_start3A_335 = arith.constant 0 : i32
    %dma_start3A_336 = arith.constant 0 : i32
    %dma_start3A_337 = arith.constant 0 : i32
    %dma_start3A_338 = tpu.memref_slice %arg9[%dma_start3A_337] : memref<2x!tpu.dma_semaphore, #tpu.memory_space<semaphore_mem>> -> memref<1x!tpu.dma_semaphore, #tpu.memory_space<semaphore_mem>>
    %dma_start3A_339 = tpu.memref_squeeze %dma_start3A_338 : memref<1x!tpu.dma_semaphore, #tpu.memory_space<semaphore_mem>> -> memref<!tpu.dma_semaphore, #tpu.memory_space<semaphore_mem>>
    %dma_start3A_340 = arith.constant 0 : i32
    %dma_start3A_341 = arith.constant 0 : i32
    %dma_start3A_342 = arith.constant 0 : i32
    %dma_start3A_343 = tpu.memref_slice %arg6[%dma_start3A_336, %dma_start3A_340, %dma_start3A_341, %dma_start3A_342] : memref<2x512x16x128xf32, #tpu.memory_space<vmem>> -> memref<1x512x16x128xf32, #tpu.memory_space<vmem>>
    %dma_start3A_344 = tpu.memref_squeeze %dma_start3A_343 : memref<1x512x16x128xf32, #tpu.memory_space<vmem>> -> memref<512x16x128xf32, #tpu.memory_space<vmem>>
    %dma_start3A_345 = arith.constant 1024 : i32
    %dma_start3A_346 = arith.constant 0 : i32
    %dma_start3A_347 = arith.constant 0 : i32
    %dma_start3A_348 = tpu.memref_slice %arg0[%dma_start3A_335, %dma_start3A_345, %dma_start3A_346, %dma_start3A_347] : memref<2x2048x16x128xf32, #tpu.memory_space<any>> -> memref<1x512x16x128xf32, #tpu.memory_space<any>>
    %dma_start3A_349 = tpu.memref_squeeze %dma_start3A_348 : memref<1x512x16x128xf32, #tpu.memory_space<any>> -> memref<512x16x128xf32, #tpu.memory_space<any>>
    tpu.enqueue_dma source(%dma_start3A_349 : memref<512x16x128xf32, #tpu.memory_space<any>>) target(%dma_start3A_344 : memref<512x16x128xf32, #tpu.memory_space<vmem>>) target_semaphore(%dma_start3A_339 : memref<!tpu.dma_semaphore, #tpu.memory_space<semaphore_mem>>)
    %dma_wait3A_350 = arith.constant 0 : i32
    %dma_wait3A_351 = arith.constant 0 : i32
    %dma_wait3A_352 = arith.constant 1 : i32
    %dma_wait3A_353 = tpu.memref_slice %arg10[%dma_wait3A_352] : memref<2x!tpu.dma_semaphore, #tpu.memory_space<semaphore_mem>> -> memref<1x!tpu.dma_semaphore, #tpu.memory_space<semaphore_mem>>
    %dma_wait3A_354 = tpu.memref_squeeze %dma_wait3A_353 : memref<1x!tpu.dma_semaphore, #tpu.memory_space<semaphore_mem>> -> memref<!tpu.dma_semaphore, #tpu.memory_space<semaphore_mem>>
    %dma_wait3A_355 = arith.constant 0 : i32
    %dma_wait3A_356 = arith.constant 0 : i32
    %dma_wait3A_357 = arith.constant 0 : i32
    %dma_wait3A_358 = tpu.memref_slice %arg3[%dma_wait3A_351, %dma_wait3A_355, %dma_wait3A_356, %dma_wait3A_357] : memref<2x6144x16x64xf32, #tpu.memory_space<any>> -> memref<1x512x16x64xf32, #tpu.memory_space<any>>
    %dma_wait3A_359 = tpu.memref_squeeze %dma_wait3A_358 : memref<1x512x16x64xf32, #tpu.memory_space<any>> -> memref<512x16x64xf32, #tpu.memory_space<any>>
    %dma_wait3A_360 = arith.constant 0 : i32
    %dma_wait3A_361 = arith.constant 0 : i32
    %dma_wait3A_362 = arith.constant 0 : i32
    %dma_wait3A_363 = tpu.memref_slice %arg7[%dma_wait3A_350, %dma_wait3A_360, %dma_wait3A_361, %dma_wait3A_362] : memref<2x512x16x64xf32, #tpu.memory_space<vmem>> -> memref<1x512x16x64xf32, #tpu.memory_space<vmem>>
    %dma_wait3A_364 = tpu.memref_squeeze %dma_wait3A_363 : memref<1x512x16x64xf32, #tpu.memory_space<vmem>> -> memref<512x16x64xf32, #tpu.memory_space<vmem>>
    tpu.wait_dma2 semaphore(%dma_wait3A_354 : memref<!tpu.dma_semaphore, #tpu.memory_space<semaphore_mem>>) src(%dma_wait3A_364 : memref<512x16x64xf32, #tpu.memory_space<vmem>>) dst(%dma_wait3A_359 : memref<512x16x64xf32, #tpu.memory_space<any>>)
    %dma_start3A_365 = arith.constant 0 : i32
    %dma_start3A_366 = arith.constant 0 : i32
    %dma_start3A_367 = arith.constant 1 : i32
    %dma_start3A_368 = tpu.memref_slice %arg9[%dma_start3A_367] : memref<2x!tpu.dma_semaphore, #tpu.memory_space<semaphore_mem>> -> memref<1x!tpu.dma_semaphore, #tpu.memory_space<semaphore_mem>>
    %dma_start3A_369 = tpu.memref_squeeze %dma_start3A_368 : memref<1x!tpu.dma_semaphore, #tpu.memory_space<semaphore_mem>> -> memref<!tpu.dma_semaphore, #tpu.memory_space<semaphore_mem>>
    %dma_start3A_370 = arith.constant 0 : i32
    %dma_start3A_371 = arith.constant 0 : i32
    %dma_start3A_372 = arith.constant 0 : i32
    %dma_start3A_373 = tpu.memref_slice %arg7[%dma_start3A_366, %dma_start3A_370, %dma_start3A_371, %dma_start3A_372] : memref<2x512x16x64xf32, #tpu.memory_space<vmem>> -> memref<1x512x16x64xf32, #tpu.memory_space<vmem>>
    %dma_start3A_374 = tpu.memref_squeeze %dma_start3A_373 : memref<1x512x16x64xf32, #tpu.memory_space<vmem>> -> memref<512x16x64xf32, #tpu.memory_space<vmem>>
    %dma_start3A_375 = arith.constant 1024 : i32
    %dma_start3A_376 = arith.constant 0 : i32
    %dma_start3A_377 = arith.constant 0 : i32
    %dma_start3A_378 = tpu.memref_slice %arg1[%dma_start3A_365, %dma_start3A_375, %dma_start3A_376, %dma_start3A_377] : memref<2x2048x16x64xf32, #tpu.memory_space<any>> -> memref<1x512x16x64xf32, #tpu.memory_space<any>>
    %dma_start3A_379 = tpu.memref_squeeze %dma_start3A_378 : memref<1x512x16x64xf32, #tpu.memory_space<any>> -> memref<512x16x64xf32, #tpu.memory_space<any>>
    tpu.enqueue_dma source(%dma_start3A_379 : memref<512x16x64xf32, #tpu.memory_space<any>>) target(%dma_start3A_374 : memref<512x16x64xf32, #tpu.memory_space<vmem>>) target_semaphore(%dma_start3A_369 : memref<!tpu.dma_semaphore, #tpu.memory_space<semaphore_mem>>)
    %dma_wait3A_380 = arith.constant 0 : i32
    %dma_wait3A_381 = arith.constant 1 : i32
    %dma_wait3A_382 = arith.constant 0 : i32
    %dma_wait3A_383 = tpu.memref_slice %arg9[%dma_wait3A_382] : memref<2x!tpu.dma_semaphore, #tpu.memory_space<semaphore_mem>> -> memref<1x!tpu.dma_semaphore, #tpu.memory_space<semaphore_mem>>
    %dma_wait3A_384 = tpu.memref_squeeze %dma_wait3A_383 : memref<1x!tpu.dma_semaphore, #tpu.memory_space<semaphore_mem>> -> memref<!tpu.dma_semaphore, #tpu.memory_space<semaphore_mem>>
    %dma_wait3A_385 = arith.constant 0 : i32
    %dma_wait3A_386 = arith.constant 0 : i32
    %dma_wait3A_387 = arith.constant 0 : i32
    %dma_wait3A_388 = tpu.memref_slice %arg6[%dma_wait3A_381, %dma_wait3A_385, %dma_wait3A_386, %dma_wait3A_387] : memref<2x512x16x128xf32, #tpu.memory_space<vmem>> -> memref<1x512x16x128xf32, #tpu.memory_space<vmem>>
    %dma_wait3A_389 = tpu.memref_squeeze %dma_wait3A_388 : memref<1x512x16x128xf32, #tpu.memory_space<vmem>> -> memref<512x16x128xf32, #tpu.memory_space<vmem>>
    %dma_wait3A_390 = arith.constant 512 : i32
    %dma_wait3A_391 = arith.constant 0 : i32
    %dma_wait3A_392 = arith.constant 0 : i32
    %dma_wait3A_393 = tpu.memref_slice %arg0[%dma_wait3A_380, %dma_wait3A_390, %dma_wait3A_391, %dma_wait3A_392] : memref<2x2048x16x128xf32, #tpu.memory_space<any>> -> memref<1x512x16x128xf32, #tpu.memory_space<any>>
    %dma_wait3A_394 = tpu.memref_squeeze %dma_wait3A_393 : memref<1x512x16x128xf32, #tpu.memory_space<any>> -> memref<512x16x128xf32, #tpu.memory_space<any>>
    tpu.wait_dma2 semaphore(%dma_wait3A_384 : memref<!tpu.dma_semaphore, #tpu.memory_space<semaphore_mem>>) src(%dma_wait3A_394 : memref<512x16x128xf32, #tpu.memory_space<any>>) dst(%dma_wait3A_389 : memref<512x16x128xf32, #tpu.memory_space<vmem>>)
    %dma_start3A_395 = arith.constant 1 : i32
    %dma_start3A_396 = arith.constant 0 : i32
    %dma_start3A_397 = arith.constant 0 : i32
    %dma_start3A_398 = tpu.memref_slice %arg10[%dma_start3A_397] : memref<2x!tpu.dma_semaphore, #tpu.memory_space<semaphore_mem>> -> memref<1x!tpu.dma_semaphore, #tpu.memory_space<semaphore_mem>>
    %dma_start3A_399 = tpu.memref_squeeze %dma_start3A_398 : memref<1x!tpu.dma_semaphore, #tpu.memory_space<semaphore_mem>> -> memref<!tpu.dma_semaphore, #tpu.memory_space<semaphore_mem>>
    %dma_start3A_400 = arith.constant 512 : i32
    %dma_start3A_401 = arith.constant 0 : i32
    %dma_start3A_402 = arith.constant 0 : i32
    %dma_start3A_403 = tpu.memref_slice %arg2[%dma_start3A_396, %dma_start3A_400, %dma_start3A_401, %dma_start3A_402] : memref<2x6144x16x128xf32, #tpu.memory_space<any>> -> memref<1x512x16x128xf32, #tpu.memory_space<any>>
    %dma_start3A_404 = tpu.memref_squeeze %dma_start3A_403 : memref<1x512x16x128xf32, #tpu.memory_space<any>> -> memref<512x16x128xf32, #tpu.memory_space<any>>
    %dma_start3A_405 = arith.constant 0 : i32
    %dma_start3A_406 = arith.constant 0 : i32
    %dma_start3A_407 = arith.constant 0 : i32
    %dma_start3A_408 = tpu.memref_slice %arg6[%dma_start3A_395, %dma_start3A_405, %dma_start3A_406, %dma_start3A_407] : memref<2x512x16x128xf32, #tpu.memory_space<vmem>> -> memref<1x512x16x128xf32, #tpu.memory_space<vmem>>
    %dma_start3A_409 = tpu.memref_squeeze %dma_start3A_408 : memref<1x512x16x128xf32, #tpu.memory_space<vmem>> -> memref<512x16x128xf32, #tpu.memory_space<vmem>>
    tpu.enqueue_dma source(%dma_start3A_409 : memref<512x16x128xf32, #tpu.memory_space<vmem>>) target(%dma_start3A_404 : memref<512x16x128xf32, #tpu.memory_space<any>>) target_semaphore(%dma_start3A_399 : memref<!tpu.dma_semaphore, #tpu.memory_space<semaphore_mem>>)
    %dma_wait3A_410 = arith.constant 0 : i32
    %dma_wait3A_411 = arith.constant 1 : i32
    %dma_wait3A_412 = arith.constant 1 : i32
    %dma_wait3A_413 = tpu.memref_slice %arg9[%dma_wait3A_412] : memref<2x!tpu.dma_semaphore, #tpu.memory_space<semaphore_mem>> -> memref<1x!tpu.dma_semaphore, #tpu.memory_space<semaphore_mem>>
    %dma_wait3A_414 = tpu.memref_squeeze %dma_wait3A_413 : memref<1x!tpu.dma_semaphore, #tpu.memory_space<semaphore_mem>> -> memref<!tpu.dma_semaphore, #tpu.memory_space<semaphore_mem>>
    %dma_wait3A_415 = arith.constant 0 : i32
    %dma_wait3A_416 = arith.constant 0 : i32
    %dma_wait3A_417 = arith.constant 0 : i32
    %dma_wait3A_418 = tpu.memref_slice %arg7[%dma_wait3A_411, %dma_wait3A_415, %dma_wait3A_416, %dma_wait3A_417] : memref<2x512x16x64xf32, #tpu.memory_space<vmem>> -> memref<1x512x16x64xf32, #tpu.memory_space<vmem>>
    %dma_wait3A_419 = tpu.memref_squeeze %dma_wait3A_418 : memref<1x512x16x64xf32, #tpu.memory_space<vmem>> -> memref<512x16x64xf32, #tpu.memory_space<vmem>>
    %dma_wait3A_420 = arith.constant 512 : i32
    %dma_wait3A_421 = arith.constant 0 : i32
    %dma_wait3A_422 = arith.constant 0 : i32
    %dma_wait3A_423 = tpu.memref_slice %arg1[%dma_wait3A_410, %dma_wait3A_420, %dma_wait3A_421, %dma_wait3A_422] : memref<2x2048x16x64xf32, #tpu.memory_space<any>> -> memref<1x512x16x64xf32, #tpu.memory_space<any>>
    %dma_wait3A_424 = tpu.memref_squeeze %dma_wait3A_423 : memref<1x512x16x64xf32, #tpu.memory_space<any>> -> memref<512x16x64xf32, #tpu.memory_space<any>>
    tpu.wait_dma2 semaphore(%dma_wait3A_414 : memref<!tpu.dma_semaphore, #tpu.memory_space<semaphore_mem>>) src(%dma_wait3A_424 : memref<512x16x64xf32, #tpu.memory_space<any>>) dst(%dma_wait3A_419 : memref<512x16x64xf32, #tpu.memory_space<vmem>>)
    %dma_start3A_425 = arith.constant 1 : i32
    %dma_start3A_426 = arith.constant 0 : i32
    %dma_start3A_427 = arith.constant 1 : i32
    %dma_start3A_428 = tpu.memref_slice %arg10[%dma_start3A_427] : memref<2x!tpu.dma_semaphore, #tpu.memory_space<semaphore_mem>> -> memref<1x!tpu.dma_semaphore, #tpu.memory_space<semaphore_mem>>
    %dma_start3A_429 = tpu.memref_squeeze %dma_start3A_428 : memref<1x!tpu.dma_semaphore, #tpu.memory_space<semaphore_mem>> -> memref<!tpu.dma_semaphore, #tpu.memory_space<semaphore_mem>>
    %dma_start3A_430 = arith.constant 512 : i32
    %dma_start3A_431 = arith.constant 0 : i32
    %dma_start3A_432 = arith.constant 0 : i32
    %dma_start3A_433 = tpu.memref_slice %arg3[%dma_start3A_426, %dma_start3A_430, %dma_start3A_431, %dma_start3A_432] : memref<2x6144x16x64xf32, #tpu.memory_space<any>> -> memref<1x512x16x64xf32, #tpu.memory_space<any>>
    %dma_start3A_434 = tpu.memref_squeeze %dma_start3A_433 : memref<1x512x16x64xf32, #tpu.memory_space<any>> -> memref<512x16x64xf32, #tpu.memory_space<any>>
    %dma_start3A_435 = arith.constant 0 : i32
    %dma_start3A_436 = arith.constant 0 : i32
    %dma_start3A_437 = arith.constant 0 : i32
    %dma_start3A_438 = tpu.memref_slice %arg7[%dma_start3A_425, %dma_start3A_435, %dma_start3A_436, %dma_start3A_437] : memref<2x512x16x64xf32, #tpu.memory_space<vmem>> -> memref<1x512x16x64xf32, #tpu.memory_space<vmem>>
    %dma_start3A_439 = tpu.memref_squeeze %dma_start3A_438 : memref<1x512x16x64xf32, #tpu.memory_space<vmem>> -> memref<512x16x64xf32, #tpu.memory_space<vmem>>
    tpu.enqueue_dma source(%dma_start3A_439 : memref<512x16x64xf32, #tpu.memory_space<vmem>>) target(%dma_start3A_434 : memref<512x16x64xf32, #tpu.memory_space<any>>) target_semaphore(%dma_start3A_429 : memref<!tpu.dma_semaphore, #tpu.memory_space<semaphore_mem>>)
    %dma_wait3A_440 = arith.constant 1 : i32
    %dma_wait3A_441 = arith.constant 0 : i32
    %dma_wait3A_442 = arith.constant 0 : i32
    %dma_wait3A_443 = tpu.memref_slice %arg10[%dma_wait3A_442] : memref<2x!tpu.dma_semaphore, #tpu.memory_space<semaphore_mem>> -> memref<1x!tpu.dma_semaphore, #tpu.memory_space<semaphore_mem>>
    %dma_wait3A_444 = tpu.memref_squeeze %dma_wait3A_443 : memref<1x!tpu.dma_semaphore, #tpu.memory_space<semaphore_mem>> -> memref<!tpu.dma_semaphore, #tpu.memory_space<semaphore_mem>>
    %dma_wait3A_445 = arith.constant 512 : i32
    %dma_wait3A_446 = arith.constant 0 : i32
    %dma_wait3A_447 = arith.constant 0 : i32
    %dma_wait3A_448 = tpu.memref_slice %arg2[%dma_wait3A_441, %dma_wait3A_445, %dma_wait3A_446, %dma_wait3A_447] : memref<2x6144x16x128xf32, #tpu.memory_space<any>> -> memref<1x512x16x128xf32, #tpu.memory_space<any>>
    %dma_wait3A_449 = tpu.memref_squeeze %dma_wait3A_448 : memref<1x512x16x128xf32, #tpu.memory_space<any>> -> memref<512x16x128xf32, #tpu.memory_space<any>>
    %dma_wait3A_450 = arith.constant 0 : i32
    %dma_wait3A_451 = arith.constant 0 : i32
    %dma_wait3A_452 = arith.constant 0 : i32
    %dma_wait3A_453 = tpu.memref_slice %arg6[%dma_wait3A_440, %dma_wait3A_450, %dma_wait3A_451, %dma_wait3A_452] : memref<2x512x16x128xf32, #tpu.memory_space<vmem>> -> memref<1x512x16x128xf32, #tpu.memory_space<vmem>>
    %dma_wait3A_454 = tpu.memref_squeeze %dma_wait3A_453 : memref<1x512x16x128xf32, #tpu.memory_space<vmem>> -> memref<512x16x128xf32, #tpu.memory_space<vmem>>
    tpu.wait_dma2 semaphore(%dma_wait3A_444 : memref<!tpu.dma_semaphore, #tpu.memory_space<semaphore_mem>>) src(%dma_wait3A_454 : memref<512x16x128xf32, #tpu.memory_space<vmem>>) dst(%dma_wait3A_449 : memref<512x16x128xf32, #tpu.memory_space<any>>)
    %dma_start3A_455 = arith.constant 0 : i32
    %dma_start3A_456 = arith.constant 1 : i32
    %dma_start3A_457 = arith.constant 0 : i32
    %dma_start3A_458 = tpu.memref_slice %arg9[%dma_start3A_457] : memref<2x!tpu.dma_semaphore, #tpu.memory_space<semaphore_mem>> -> memref<1x!tpu.dma_semaphore, #tpu.memory_space<semaphore_mem>>
    %dma_start3A_459 = tpu.memref_squeeze %dma_start3A_458 : memref<1x!tpu.dma_semaphore, #tpu.memory_space<semaphore_mem>> -> memref<!tpu.dma_semaphore, #tpu.memory_space<semaphore_mem>>
    %dma_start3A_460 = arith.constant 0 : i32
    %dma_start3A_461 = arith.constant 0 : i32
    %dma_start3A_462 = arith.constant 0 : i32
    %dma_start3A_463 = tpu.memref_slice %arg6[%dma_start3A_456, %dma_start3A_460, %dma_start3A_461, %dma_start3A_462] : memref<2x512x16x128xf32, #tpu.memory_space<vmem>> -> memref<1x512x16x128xf32, #tpu.memory_space<vmem>>
    %dma_start3A_464 = tpu.memref_squeeze %dma_start3A_463 : memref<1x512x16x128xf32, #tpu.memory_space<vmem>> -> memref<512x16x128xf32, #tpu.memory_space<vmem>>
    %dma_start3A_465 = arith.constant 1536 : i32
    %dma_start3A_466 = arith.constant 0 : i32
    %dma_start3A_467 = arith.constant 0 : i32
    %dma_start3A_468 = tpu.memref_slice %arg0[%dma_start3A_455, %dma_start3A_465, %dma_start3A_466, %dma_start3A_467] : memref<2x2048x16x128xf32, #tpu.memory_space<any>> -> memref<1x512x16x128xf32, #tpu.memory_space<any>>
    %dma_start3A_469 = tpu.memref_squeeze %dma_start3A_468 : memref<1x512x16x128xf32, #tpu.memory_space<any>> -> memref<512x16x128xf32, #tpu.memory_space<any>>
    tpu.enqueue_dma source(%dma_start3A_469 : memref<512x16x128xf32, #tpu.memory_space<any>>) target(%dma_start3A_464 : memref<512x16x128xf32, #tpu.memory_space<vmem>>) target_semaphore(%dma_start3A_459 : memref<!tpu.dma_semaphore, #tpu.memory_space<semaphore_mem>>)
    %dma_wait3A_470 = arith.constant 1 : i32
    %dma_wait3A_471 = arith.constant 0 : i32
    %dma_wait3A_472 = arith.constant 1 : i32
    %dma_wait3A_473 = tpu.memref_slice %arg10[%dma_wait3A_472] : memref<2x!tpu.dma_semaphore, #tpu.memory_space<semaphore_mem>> -> memref<1x!tpu.dma_semaphore, #tpu.memory_space<semaphore_mem>>
    %dma_wait3A_474 = tpu.memref_squeeze %dma_wait3A_473 : memref<1x!tpu.dma_semaphore, #tpu.memory_space<semaphore_mem>> -> memref<!tpu.dma_semaphore, #tpu.memory_space<semaphore_mem>>
    %dma_wait3A_475 = arith.constant 512 : i32
    %dma_wait3A_476 = arith.constant 0 : i32
    %dma_wait3A_477 = arith.constant 0 : i32
    %dma_wait3A_478 = tpu.memref_slice %arg3[%dma_wait3A_471, %dma_wait3A_475, %dma_wait3A_476, %dma_wait3A_477] : memref<2x6144x16x64xf32, #tpu.memory_space<any>> -> memref<1x512x16x64xf32, #tpu.memory_space<any>>
    %dma_wait3A_479 = tpu.memref_squeeze %dma_wait3A_478 : memref<1x512x16x64xf32, #tpu.memory_space<any>> -> memref<512x16x64xf32, #tpu.memory_space<any>>
    %dma_wait3A_480 = arith.constant 0 : i32
    %dma_wait3A_481 = arith.constant 0 : i32
    %dma_wait3A_482 = arith.constant 0 : i32
    %dma_wait3A_483 = tpu.memref_slice %arg7[%dma_wait3A_470, %dma_wait3A_480, %dma_wait3A_481, %dma_wait3A_482] : memref<2x512x16x64xf32, #tpu.memory_space<vmem>> -> memref<1x512x16x64xf32, #tpu.memory_space<vmem>>
    %dma_wait3A_484 = tpu.memref_squeeze %dma_wait3A_483 : memref<1x512x16x64xf32, #tpu.memory_space<vmem>> -> memref<512x16x64xf32, #tpu.memory_space<vmem>>
    tpu.wait_dma2 semaphore(%dma_wait3A_474 : memref<!tpu.dma_semaphore, #tpu.memory_space<semaphore_mem>>) src(%dma_wait3A_484 : memref<512x16x64xf32, #tpu.memory_space<vmem>>) dst(%dma_wait3A_479 : memref<512x16x64xf32, #tpu.memory_space<any>>)
    %dma_start3A_485 = arith.constant 0 : i32
    %dma_start3A_486 = arith.constant 1 : i32
    %dma_start3A_487 = arith.constant 1 : i32
    %dma_start3A_488 = tpu.memref_slice %arg9[%dma_start3A_487] : memref<2x!tpu.dma_semaphore, #tpu.memory_space<semaphore_mem>> -> memref<1x!tpu.dma_semaphore, #tpu.memory_space<semaphore_mem>>
    %dma_start3A_489 = tpu.memref_squeeze %dma_start3A_488 : memref<1x!tpu.dma_semaphore, #tpu.memory_space<semaphore_mem>> -> memref<!tpu.dma_semaphore, #tpu.memory_space<semaphore_mem>>
    %dma_start3A_490 = arith.constant 0 : i32
    %dma_start3A_491 = arith.constant 0 : i32
    %dma_start3A_492 = arith.constant 0 : i32
    %dma_start3A_493 = tpu.memref_slice %arg7[%dma_start3A_486, %dma_start3A_490, %dma_start3A_491, %dma_start3A_492] : memref<2x512x16x64xf32, #tpu.memory_space<vmem>> -> memref<1x512x16x64xf32, #tpu.memory_space<vmem>>
    %dma_start3A_494 = tpu.memref_squeeze %dma_start3A_493 : memref<1x512x16x64xf32, #tpu.memory_space<vmem>> -> memref<512x16x64xf32, #tpu.memory_space<vmem>>
    %dma_start3A_495 = arith.constant 1536 : i32
    %dma_start3A_496 = arith.constant 0 : i32
    %dma_start3A_497 = arith.constant 0 : i32
    %dma_start3A_498 = tpu.memref_slice %arg1[%dma_start3A_485, %dma_start3A_495, %dma_start3A_496, %dma_start3A_497] : memref<2x2048x16x64xf32, #tpu.memory_space<any>> -> memref<1x512x16x64xf32, #tpu.memory_space<any>>
    %dma_start3A_499 = tpu.memref_squeeze %dma_start3A_498 : memref<1x512x16x64xf32, #tpu.memory_space<any>> -> memref<512x16x64xf32, #tpu.memory_space<any>>
    tpu.enqueue_dma source(%dma_start3A_499 : memref<512x16x64xf32, #tpu.memory_space<any>>) target(%dma_start3A_494 : memref<512x16x64xf32, #tpu.memory_space<vmem>>) target_semaphore(%dma_start3A_489 : memref<!tpu.dma_semaphore, #tpu.memory_space<semaphore_mem>>)
    %dma_wait3A_500 = arith.constant 0 : i32
    %dma_wait3A_501 = arith.constant 0 : i32
    %dma_wait3A_502 = arith.constant 0 : i32
    %dma_wait3A_503 = tpu.memref_slice %arg9[%dma_wait3A_502] : memref<2x!tpu.dma_semaphore, #tpu.memory_space<semaphore_mem>> -> memref<1x!tpu.dma_semaphore, #tpu.memory_space<semaphore_mem>>
    %dma_wait3A_504 = tpu.memref_squeeze %dma_wait3A_503 : memref<1x!tpu.dma_semaphore, #tpu.memory_space<semaphore_mem>> -> memref<!tpu.dma_semaphore, #tpu.memory_space<semaphore_mem>>
    %dma_wait3A_505 = arith.constant 0 : i32
    %dma_wait3A_506 = arith.constant 0 : i32
    %dma_wait3A_507 = arith.constant 0 : i32
    %dma_wait3A_508 = tpu.memref_slice %arg6[%dma_wait3A_501, %dma_wait3A_505, %dma_wait3A_506, %dma_wait3A_507] : memref<2x512x16x128xf32, #tpu.memory_space<vmem>> -> memref<1x512x16x128xf32, #tpu.memory_space<vmem>>
    %dma_wait3A_509 = tpu.memref_squeeze %dma_wait3A_508 : memref<1x512x16x128xf32, #tpu.memory_space<vmem>> -> memref<512x16x128xf32, #tpu.memory_space<vmem>>
    %dma_wait3A_510 = arith.constant 1024 : i32
    %dma_wait3A_511 = arith.constant 0 : i32
    %dma_wait3A_512 = arith.constant 0 : i32
    %dma_wait3A_513 = tpu.memref_slice %arg0[%dma_wait3A_500, %dma_wait3A_510, %dma_wait3A_511, %dma_wait3A_512] : memref<2x2048x16x128xf32, #tpu.memory_space<any>> -> memref<1x512x16x128xf32, #tpu.memory_space<any>>
    %dma_wait3A_514 = tpu.memref_squeeze %dma_wait3A_513 : memref<1x512x16x128xf32, #tpu.memory_space<any>> -> memref<512x16x128xf32, #tpu.memory_space<any>>
    tpu.wait_dma2 semaphore(%dma_wait3A_504 : memref<!tpu.dma_semaphore, #tpu.memory_space<semaphore_mem>>) src(%dma_wait3A_514 : memref<512x16x128xf32, #tpu.memory_space<any>>) dst(%dma_wait3A_509 : memref<512x16x128xf32, #tpu.memory_space<vmem>>)
    %dma_start3A_515 = arith.constant 0 : i32
    %dma_start3A_516 = arith.constant 0 : i32
    %dma_start3A_517 = arith.constant 0 : i32
    %dma_start3A_518 = tpu.memref_slice %arg10[%dma_start3A_517] : memref<2x!tpu.dma_semaphore, #tpu.memory_space<semaphore_mem>> -> memref<1x!tpu.dma_semaphore, #tpu.memory_space<semaphore_mem>>
    %dma_start3A_519 = tpu.memref_squeeze %dma_start3A_518 : memref<1x!tpu.dma_semaphore, #tpu.memory_space<semaphore_mem>> -> memref<!tpu.dma_semaphore, #tpu.memory_space<semaphore_mem>>
    %dma_start3A_520 = arith.constant 1024 : i32
    %dma_start3A_521 = arith.constant 0 : i32
    %dma_start3A_522 = arith.constant 0 : i32
    %dma_start3A_523 = tpu.memref_slice %arg2[%dma_start3A_516, %dma_start3A_520, %dma_start3A_521, %dma_start3A_522] : memref<2x6144x16x128xf32, #tpu.memory_space<any>> -> memref<1x512x16x128xf32, #tpu.memory_space<any>>
    %dma_start3A_524 = tpu.memref_squeeze %dma_start3A_523 : memref<1x512x16x128xf32, #tpu.memory_space<any>> -> memref<512x16x128xf32, #tpu.memory_space<any>>
    %dma_start3A_525 = arith.constant 0 : i32
    %dma_start3A_526 = arith.constant 0 : i32
    %dma_start3A_527 = arith.constant 0 : i32
    %dma_start3A_528 = tpu.memref_slice %arg6[%dma_start3A_515, %dma_start3A_525, %dma_start3A_526, %dma_start3A_527] : memref<2x512x16x128xf32, #tpu.memory_space<vmem>> -> memref<1x512x16x128xf32, #tpu.memory_space<vmem>>
    %dma_start3A_529 = tpu.memref_squeeze %dma_start3A_528 : memref<1x512x16x128xf32, #tpu.memory_space<vmem>> -> memref<512x16x128xf32, #tpu.memory_space<vmem>>
    tpu.enqueue_dma source(%dma_start3A_529 : memref<512x16x128xf32, #tpu.memory_space<vmem>>) target(%dma_start3A_524 : memref<512x16x128xf32, #tpu.memory_space<any>>) target_semaphore(%dma_start3A_519 : memref<!tpu.dma_semaphore, #tpu.memory_space<semaphore_mem>>)
    %dma_wait3A_530 = arith.constant 0 : i32
    %dma_wait3A_531 = arith.constant 0 : i32
    %dma_wait3A_532 = arith.constant 1 : i32
    %dma_wait3A_533 = tpu.memref_slice %arg9[%dma_wait3A_532] : memref<2x!tpu.dma_semaphore, #tpu.memory_space<semaphore_mem>> -> memref<1x!tpu.dma_semaphore, #tpu.memory_space<semaphore_mem>>
    %dma_wait3A_534 = tpu.memref_squeeze %dma_wait3A_533 : memref<1x!tpu.dma_semaphore, #tpu.memory_space<semaphore_mem>> -> memref<!tpu.dma_semaphore, #tpu.memory_space<semaphore_mem>>
    %dma_wait3A_535 = arith.constant 0 : i32
    %dma_wait3A_536 = arith.constant 0 : i32
    %dma_wait3A_537 = arith.constant 0 : i32
    %dma_wait3A_538 = tpu.memref_slice %arg7[%dma_wait3A_531, %dma_wait3A_535, %dma_wait3A_536, %dma_wait3A_537] : memref<2x512x16x64xf32, #tpu.memory_space<vmem>> -> memref<1x512x16x64xf32, #tpu.memory_space<vmem>>
    %dma_wait3A_539 = tpu.memref_squeeze %dma_wait3A_538 : memref<1x512x16x64xf32, #tpu.memory_space<vmem>> -> memref<512x16x64xf32, #tpu.memory_space<vmem>>
    %dma_wait3A_540 = arith.constant 1024 : i32
    %dma_wait3A_541 = arith.constant 0 : i32
    %dma_wait3A_542 = arith.constant 0 : i32
    %dma_wait3A_543 = tpu.memref_slice %arg1[%dma_wait3A_530, %dma_wait3A_540, %dma_wait3A_541, %dma_wait3A_542] : memref<2x2048x16x64xf32, #tpu.memory_space<any>> -> memref<1x512x16x64xf32, #tpu.memory_space<any>>
    %dma_wait3A_544 = tpu.memref_squeeze %dma_wait3A_543 : memref<1x512x16x64xf32, #tpu.memory_space<any>> -> memref<512x16x64xf32, #tpu.memory_space<any>>
    tpu.wait_dma2 semaphore(%dma_wait3A_534 : memref<!tpu.dma_semaphore, #tpu.memory_space<semaphore_mem>>) src(%dma_wait3A_544 : memref<512x16x64xf32, #tpu.memory_space<any>>) dst(%dma_wait3A_539 : memref<512x16x64xf32, #tpu.memory_space<vmem>>)
    %dma_start3A_545 = arith.constant 0 : i32
    %dma_start3A_546 = arith.constant 0 : i32
    %dma_start3A_547 = arith.constant 1 : i32
    %dma_start3A_548 = tpu.memref_slice %arg10[%dma_start3A_547] : memref<2x!tpu.dma_semaphore, #tpu.memory_space<semaphore_mem>> -> memref<1x!tpu.dma_semaphore, #tpu.memory_space<semaphore_mem>>
    %dma_start3A_549 = tpu.memref_squeeze %dma_start3A_548 : memref<1x!tpu.dma_semaphore, #tpu.memory_space<semaphore_mem>> -> memref<!tpu.dma_semaphore, #tpu.memory_space<semaphore_mem>>
    %dma_start3A_550 = arith.constant 1024 : i32
    %dma_start3A_551 = arith.constant 0 : i32
    %dma_start3A_552 = arith.constant 0 : i32
    %dma_start3A_553 = tpu.memref_slice %arg3[%dma_start3A_546, %dma_start3A_550, %dma_start3A_551, %dma_start3A_552] : memref<2x6144x16x64xf32, #tpu.memory_space<any>> -> memref<1x512x16x64xf32, #tpu.memory_space<any>>
    %dma_start3A_554 = tpu.memref_squeeze %dma_start3A_553 : memref<1x512x16x64xf32, #tpu.memory_space<any>> -> memref<512x16x64xf32, #tpu.memory_space<any>>
    %dma_start3A_555 = arith.constant 0 : i32
    %dma_start3A_556 = arith.constant 0 : i32
    %dma_start3A_557 = arith.constant 0 : i32
    %dma_start3A_558 = tpu.memref_slice %arg7[%dma_start3A_545, %dma_start3A_555, %dma_start3A_556, %dma_start3A_557] : memref<2x512x16x64xf32, #tpu.memory_space<vmem>> -> memref<1x512x16x64xf32, #tpu.memory_space<vmem>>
    %dma_start3A_559 = tpu.memref_squeeze %dma_start3A_558 : memref<1x512x16x64xf32, #tpu.memory_space<vmem>> -> memref<512x16x64xf32, #tpu.memory_space<vmem>>
    tpu.enqueue_dma source(%dma_start3A_559 : memref<512x16x64xf32, #tpu.memory_space<vmem>>) target(%dma_start3A_554 : memref<512x16x64xf32, #tpu.memory_space<any>>) target_semaphore(%dma_start3A_549 : memref<!tpu.dma_semaphore, #tpu.memory_space<semaphore_mem>>)
    %dma_wait3A_560 = arith.constant 0 : i32
    %dma_wait3A_561 = arith.constant 0 : i32
    %dma_wait3A_562 = arith.constant 0 : i32
    %dma_wait3A_563 = tpu.memref_slice %arg10[%dma_wait3A_562] : memref<2x!tpu.dma_semaphore, #tpu.memory_space<semaphore_mem>> -> memref<1x!tpu.dma_semaphore, #tpu.memory_space<semaphore_mem>>
    %dma_wait3A_564 = tpu.memref_squeeze %dma_wait3A_563 : memref<1x!tpu.dma_semaphore, #tpu.memory_space<semaphore_mem>> -> memref<!tpu.dma_semaphore, #tpu.memory_space<semaphore_mem>>
    %dma_wait3A_565 = arith.constant 1024 : i32
    %dma_wait3A_566 = arith.constant 0 : i32
    %dma_wait3A_567 = arith.constant 0 : i32
    %dma_wait3A_568 = tpu.memref_slice %arg2[%dma_wait3A_561, %dma_wait3A_565, %dma_wait3A_566, %dma_wait3A_567] : memref<2x6144x16x128xf32, #tpu.memory_space<any>> -> memref<1x512x16x128xf32, #tpu.memory_space<any>>
    %dma_wait3A_569 = tpu.memref_squeeze %dma_wait3A_568 : memref<1x512x16x128xf32, #tpu.memory_space<any>> -> memref<512x16x128xf32, #tpu.memory_space<any>>
    %dma_wait3A_570 = arith.constant 0 : i32
    %dma_wait3A_571 = arith.constant 0 : i32
    %dma_wait3A_572 = arith.constant 0 : i32
    %dma_wait3A_573 = tpu.memref_slice %arg6[%dma_wait3A_560, %dma_wait3A_570, %dma_wait3A_571, %dma_wait3A_572] : memref<2x512x16x128xf32, #tpu.memory_space<vmem>> -> memref<1x512x16x128xf32, #tpu.memory_space<vmem>>
    %dma_wait3A_574 = tpu.memref_squeeze %dma_wait3A_573 : memref<1x512x16x128xf32, #tpu.memory_space<vmem>> -> memref<512x16x128xf32, #tpu.memory_space<vmem>>
    tpu.wait_dma2 semaphore(%dma_wait3A_564 : memref<!tpu.dma_semaphore, #tpu.memory_space<semaphore_mem>>) src(%dma_wait3A_574 : memref<512x16x128xf32, #tpu.memory_space<vmem>>) dst(%dma_wait3A_569 : memref<512x16x128xf32, #tpu.memory_space<any>>)
    %dma_start3A_575 = arith.constant 1 : i32
    %dma_start3A_576 = arith.constant 0 : i32
    %dma_start3A_577 = arith.constant 0 : i32
    %dma_start3A_578 = tpu.memref_slice %arg9[%dma_start3A_577] : memref<2x!tpu.dma_semaphore, #tpu.memory_space<semaphore_mem>> -> memref<1x!tpu.dma_semaphore, #tpu.memory_space<semaphore_mem>>
    %dma_start3A_579 = tpu.memref_squeeze %dma_start3A_578 : memref<1x!tpu.dma_semaphore, #tpu.memory_space<semaphore_mem>> -> memref<!tpu.dma_semaphore, #tpu.memory_space<semaphore_mem>>
    %dma_start3A_580 = arith.constant 0 : i32
    %dma_start3A_581 = arith.constant 0 : i32
    %dma_start3A_582 = arith.constant 0 : i32
    %dma_start3A_583 = tpu.memref_slice %arg6[%dma_start3A_576, %dma_start3A_580, %dma_start3A_581, %dma_start3A_582] : memref<2x512x16x128xf32, #tpu.memory_space<vmem>> -> memref<1x512x16x128xf32, #tpu.memory_space<vmem>>
    %dma_start3A_584 = tpu.memref_squeeze %dma_start3A_583 : memref<1x512x16x128xf32, #tpu.memory_space<vmem>> -> memref<512x16x128xf32, #tpu.memory_space<vmem>>
    %dma_start3A_585 = arith.constant 0 : i32
    %dma_start3A_586 = arith.constant 0 : i32
    %dma_start3A_587 = arith.constant 0 : i32
    %dma_start3A_588 = tpu.memref_slice %arg0[%dma_start3A_575, %dma_start3A_585, %dma_start3A_586, %dma_start3A_587] : memref<2x2048x16x128xf32, #tpu.memory_space<any>> -> memref<1x512x16x128xf32, #tpu.memory_space<any>>
    %dma_start3A_589 = tpu.memref_squeeze %dma_start3A_588 : memref<1x512x16x128xf32, #tpu.memory_space<any>> -> memref<512x16x128xf32, #tpu.memory_space<any>>
    tpu.enqueue_dma source(%dma_start3A_589 : memref<512x16x128xf32, #tpu.memory_space<any>>) target(%dma_start3A_584 : memref<512x16x128xf32, #tpu.memory_space<vmem>>) target_semaphore(%dma_start3A_579 : memref<!tpu.dma_semaphore, #tpu.memory_space<semaphore_mem>>)
    %dma_wait3A_590 = arith.constant 0 : i32
    %dma_wait3A_591 = arith.constant 0 : i32
    %dma_wait3A_592 = arith.constant 1 : i32
    %dma_wait3A_593 = tpu.memref_slice %arg10[%dma_wait3A_592] : memref<2x!tpu.dma_semaphore, #tpu.memory_space<semaphore_mem>> -> memref<1x!tpu.dma_semaphore, #tpu.memory_space<semaphore_mem>>
    %dma_wait3A_594 = tpu.memref_squeeze %dma_wait3A_593 : memref<1x!tpu.dma_semaphore, #tpu.memory_space<semaphore_mem>> -> memref<!tpu.dma_semaphore, #tpu.memory_space<semaphore_mem>>
    %dma_wait3A_595 = arith.constant 1024 : i32
    %dma_wait3A_596 = arith.constant 0 : i32
    %dma_wait3A_597 = arith.constant 0 : i32
    %dma_wait3A_598 = tpu.memref_slice %arg3[%dma_wait3A_591, %dma_wait3A_595, %dma_wait3A_596, %dma_wait3A_597] : memref<2x6144x16x64xf32, #tpu.memory_space<any>> -> memref<1x512x16x64xf32, #tpu.memory_space<any>>
    %dma_wait3A_599 = tpu.memref_squeeze %dma_wait3A_598 : memref<1x512x16x64xf32, #tpu.memory_space<any>> -> memref<512x16x64xf32, #tpu.memory_space<any>>
    %dma_wait3A_600 = arith.constant 0 : i32
    %dma_wait3A_601 = arith.constant 0 : i32
    %dma_wait3A_602 = arith.constant 0 : i32
    %dma_wait3A_603 = tpu.memref_slice %arg7[%dma_wait3A_590, %dma_wait3A_600, %dma_wait3A_601, %dma_wait3A_602] : memref<2x512x16x64xf32, #tpu.memory_space<vmem>> -> memref<1x512x16x64xf32, #tpu.memory_space<vmem>>
    %dma_wait3A_604 = tpu.memref_squeeze %dma_wait3A_603 : memref<1x512x16x64xf32, #tpu.memory_space<vmem>> -> memref<512x16x64xf32, #tpu.memory_space<vmem>>
    tpu.wait_dma2 semaphore(%dma_wait3A_594 : memref<!tpu.dma_semaphore, #tpu.memory_space<semaphore_mem>>) src(%dma_wait3A_604 : memref<512x16x64xf32, #tpu.memory_space<vmem>>) dst(%dma_wait3A_599 : memref<512x16x64xf32, #tpu.memory_space<any>>)
    %dma_start3A_605 = arith.constant 1 : i32
    %dma_start3A_606 = arith.constant 0 : i32
    %dma_start3A_607 = arith.constant 1 : i32
    %dma_start3A_608 = tpu.memref_slice %arg9[%dma_start3A_607] : memref<2x!tpu.dma_semaphore, #tpu.memory_space<semaphore_mem>> -> memref<1x!tpu.dma_semaphore, #tpu.memory_space<semaphore_mem>>
    %dma_start3A_609 = tpu.memref_squeeze %dma_start3A_608 : memref<1x!tpu.dma_semaphore, #tpu.memory_space<semaphore_mem>> -> memref<!tpu.dma_semaphore, #tpu.memory_space<semaphore_mem>>
    %dma_start3A_610 = arith.constant 0 : i32
    %dma_start3A_611 = arith.constant 0 : i32
    %dma_start3A_612 = arith.constant 0 : i32
    %dma_start3A_613 = tpu.memref_slice %arg7[%dma_start3A_606, %dma_start3A_610, %dma_start3A_611, %dma_start3A_612] : memref<2x512x16x64xf32, #tpu.memory_space<vmem>> -> memref<1x512x16x64xf32, #tpu.memory_space<vmem>>
    %dma_start3A_614 = tpu.memref_squeeze %dma_start3A_613 : memref<1x512x16x64xf32, #tpu.memory_space<vmem>> -> memref<512x16x64xf32, #tpu.memory_space<vmem>>
    %dma_start3A_615 = arith.constant 0 : i32
    %dma_start3A_616 = arith.constant 0 : i32
    %dma_start3A_617 = arith.constant 0 : i32
    %dma_start3A_618 = tpu.memref_slice %arg1[%dma_start3A_605, %dma_start3A_615, %dma_start3A_616, %dma_start3A_617] : memref<2x2048x16x64xf32, #tpu.memory_space<any>> -> memref<1x512x16x64xf32, #tpu.memory_space<any>>
    %dma_start3A_619 = tpu.memref_squeeze %dma_start3A_618 : memref<1x512x16x64xf32, #tpu.memory_space<any>> -> memref<512x16x64xf32, #tpu.memory_space<any>>
    tpu.enqueue_dma source(%dma_start3A_619 : memref<512x16x64xf32, #tpu.memory_space<any>>) target(%dma_start3A_614 : memref<512x16x64xf32, #tpu.memory_space<vmem>>) target_semaphore(%dma_start3A_609 : memref<!tpu.dma_semaphore, #tpu.memory_space<semaphore_mem>>)
    %dma_wait3A_620 = arith.constant 0 : i32
    %dma_wait3A_621 = arith.constant 1 : i32
    %dma_wait3A_622 = arith.constant 0 : i32
    %dma_wait3A_623 = tpu.memref_slice %arg9[%dma_wait3A_622] : memref<2x!tpu.dma_semaphore, #tpu.memory_space<semaphore_mem>> -> memref<1x!tpu.dma_semaphore, #tpu.memory_space<semaphore_mem>>
    %dma_wait3A_624 = tpu.memref_squeeze %dma_wait3A_623 : memref<1x!tpu.dma_semaphore, #tpu.memory_space<semaphore_mem>> -> memref<!tpu.dma_semaphore, #tpu.memory_space<semaphore_mem>>
    %dma_wait3A_625 = arith.constant 0 : i32
    %dma_wait3A_626 = arith.constant 0 : i32
    %dma_wait3A_627 = arith.constant 0 : i32
    %dma_wait3A_628 = tpu.memref_slice %arg6[%dma_wait3A_621, %dma_wait3A_625, %dma_wait3A_626, %dma_wait3A_627] : memref<2x512x16x128xf32, #tpu.memory_space<vmem>> -> memref<1x512x16x128xf32, #tpu.memory_space<vmem>>
    %dma_wait3A_629 = tpu.memref_squeeze %dma_wait3A_628 : memref<1x512x16x128xf32, #tpu.memory_space<vmem>> -> memref<512x16x128xf32, #tpu.memory_space<vmem>>
    %dma_wait3A_630 = arith.constant 1536 : i32
    %dma_wait3A_631 = arith.constant 0 : i32
    %dma_wait3A_632 = arith.constant 0 : i32
    %dma_wait3A_633 = tpu.memref_slice %arg0[%dma_wait3A_620, %dma_wait3A_630, %dma_wait3A_631, %dma_wait3A_632] : memref<2x2048x16x128xf32, #tpu.memory_space<any>> -> memref<1x512x16x128xf32, #tpu.memory_space<any>>
    %dma_wait3A_634 = tpu.memref_squeeze %dma_wait3A_633 : memref<1x512x16x128xf32, #tpu.memory_space<any>> -> memref<512x16x128xf32, #tpu.memory_space<any>>
    tpu.wait_dma2 semaphore(%dma_wait3A_624 : memref<!tpu.dma_semaphore, #tpu.memory_space<semaphore_mem>>) src(%dma_wait3A_634 : memref<512x16x128xf32, #tpu.memory_space<any>>) dst(%dma_wait3A_629 : memref<512x16x128xf32, #tpu.memory_space<vmem>>)
    %dma_start3A_635 = arith.constant 1 : i32
    %dma_start3A_636 = arith.constant 0 : i32
    %dma_start3A_637 = arith.constant 0 : i32
    %dma_start3A_638 = tpu.memref_slice %arg10[%dma_start3A_637] : memref<2x!tpu.dma_semaphore, #tpu.memory_space<semaphore_mem>> -> memref<1x!tpu.dma_semaphore, #tpu.memory_space<semaphore_mem>>
    %dma_start3A_639 = tpu.memref_squeeze %dma_start3A_638 : memref<1x!tpu.dma_semaphore, #tpu.memory_space<semaphore_mem>> -> memref<!tpu.dma_semaphore, #tpu.memory_space<semaphore_mem>>
    %dma_start3A_640 = arith.constant 1536 : i32
    %dma_start3A_641 = arith.constant 0 : i32
    %dma_start3A_642 = arith.constant 0 : i32
    %dma_start3A_643 = tpu.memref_slice %arg2[%dma_start3A_636, %dma_start3A_640, %dma_start3A_641, %dma_start3A_642] : memref<2x6144x16x128xf32, #tpu.memory_space<any>> -> memref<1x512x16x128xf32, #tpu.memory_space<any>>
    %dma_start3A_644 = tpu.memref_squeeze %dma_start3A_643 : memref<1x512x16x128xf32, #tpu.memory_space<any>> -> memref<512x16x128xf32, #tpu.memory_space<any>>
    %dma_start3A_645 = arith.constant 0 : i32
    %dma_start3A_646 = arith.constant 0 : i32
    %dma_start3A_647 = arith.constant 0 : i32
    %dma_start3A_648 = tpu.memref_slice %arg6[%dma_start3A_635, %dma_start3A_645, %dma_start3A_646, %dma_start3A_647] : memref<2x512x16x128xf32, #tpu.memory_space<vmem>> -> memref<1x512x16x128xf32, #tpu.memory_space<vmem>>
    %dma_start3A_649 = tpu.memref_squeeze %dma_start3A_648 : memref<1x512x16x128xf32, #tpu.memory_space<vmem>> -> memref<512x16x128xf32, #tpu.memory_space<vmem>>
    tpu.enqueue_dma source(%dma_start3A_649 : memref<512x16x128xf32, #tpu.memory_space<vmem>>) target(%dma_start3A_644 : memref<512x16x128xf32, #tpu.memory_space<any>>) target_semaphore(%dma_start3A_639 : memref<!tpu.dma_semaphore, #tpu.memory_space<semaphore_mem>>)
    %dma_wait3A_650 = arith.constant 0 : i32
    %dma_wait3A_651 = arith.constant 1 : i32
    %dma_wait3A_652 = arith.constant 1 : i32
    %dma_wait3A_653 = tpu.memref_slice %arg9[%dma_wait3A_652] : memref<2x!tpu.dma_semaphore, #tpu.memory_space<semaphore_mem>> -> memref<1x!tpu.dma_semaphore, #tpu.memory_space<semaphore_mem>>
    %dma_wait3A_654 = tpu.memref_squeeze %dma_wait3A_653 : memref<1x!tpu.dma_semaphore, #tpu.memory_space<semaphore_mem>> -> memref<!tpu.dma_semaphore, #tpu.memory_space<semaphore_mem>>
    %dma_wait3A_655 = arith.constant 0 : i32
    %dma_wait3A_656 = arith.constant 0 : i32
    %dma_wait3A_657 = arith.constant 0 : i32
    %dma_wait3A_658 = tpu.memref_slice %arg7[%dma_wait3A_651, %dma_wait3A_655, %dma_wait3A_656, %dma_wait3A_657] : memref<2x512x16x64xf32, #tpu.memory_space<vmem>> -> memref<1x512x16x64xf32, #tpu.memory_space<vmem>>
    %dma_wait3A_659 = tpu.memref_squeeze %dma_wait3A_658 : memref<1x512x16x64xf32, #tpu.memory_space<vmem>> -> memref<512x16x64xf32, #tpu.memory_space<vmem>>
    %dma_wait3A_660 = arith.constant 1536 : i32
    %dma_wait3A_661 = arith.constant 0 : i32
    %dma_wait3A_662 = arith.constant 0 : i32
    %dma_wait3A_663 = tpu.memref_slice %arg1[%dma_wait3A_650, %dma_wait3A_660, %dma_wait3A_661, %dma_wait3A_662] : memref<2x2048x16x64xf32, #tpu.memory_space<any>> -> memref<1x512x16x64xf32, #tpu.memory_space<any>>
    %dma_wait3A_664 = tpu.memref_squeeze %dma_wait3A_663 : memref<1x512x16x64xf32, #tpu.memory_space<any>> -> memref<512x16x64xf32, #tpu.memory_space<any>>
    tpu.wait_dma2 semaphore(%dma_wait3A_654 : memref<!tpu.dma_semaphore, #tpu.memory_space<semaphore_mem>>) src(%dma_wait3A_664 : memref<512x16x64xf32, #tpu.memory_space<any>>) dst(%dma_wait3A_659 : memref<512x16x64xf32, #tpu.memory_space<vmem>>)
    %dma_start3A_665 = arith.constant 1 : i32
    %dma_start3A_666 = arith.constant 0 : i32
    %dma_start3A_667 = arith.constant 1 : i32
    %dma_start3A_668 = tpu.memref_slice %arg10[%dma_start3A_667] : memref<2x!tpu.dma_semaphore, #tpu.memory_space<semaphore_mem>> -> memref<1x!tpu.dma_semaphore, #tpu.memory_space<semaphore_mem>>
    %dma_start3A_669 = tpu.memref_squeeze %dma_start3A_668 : memref<1x!tpu.dma_semaphore, #tpu.memory_space<semaphore_mem>> -> memref<!tpu.dma_semaphore, #tpu.memory_space<semaphore_mem>>
    %dma_start3A_670 = arith.constant 1536 : i32
    %dma_start3A_671 = arith.constant 0 : i32
    %dma_start3A_672 = arith.constant 0 : i32
    %dma_start3A_673 = tpu.memref_slice %arg3[%dma_start3A_666, %dma_start3A_670, %dma_start3A_671, %dma_start3A_672] : memref<2x6144x16x64xf32, #tpu.memory_space<any>> -> memref<1x512x16x64xf32, #tpu.memory_space<any>>
    %dma_start3A_674 = tpu.memref_squeeze %dma_start3A_673 : memref<1x512x16x64xf32, #tpu.memory_space<any>> -> memref<512x16x64xf32, #tpu.memory_space<any>>
    %dma_start3A_675 = arith.constant 0 : i32
    %dma_start3A_676 = arith.constant 0 : i32
    %dma_start3A_677 = arith.constant 0 : i32
    %dma_start3A_678 = tpu.memref_slice %arg7[%dma_start3A_665, %dma_start3A_675, %dma_start3A_676, %dma_start3A_677] : memref<2x512x16x64xf32, #tpu.memory_space<vmem>> -> memref<1x512x16x64xf32, #tpu.memory_space<vmem>>
    %dma_start3A_679 = tpu.memref_squeeze %dma_start3A_678 : memref<1x512x16x64xf32, #tpu.memory_space<vmem>> -> memref<512x16x64xf32, #tpu.memory_space<vmem>>
    tpu.enqueue_dma source(%dma_start3A_679 : memref<512x16x64xf32, #tpu.memory_space<vmem>>) target(%dma_start3A_674 : memref<512x16x64xf32, #tpu.memory_space<any>>) target_semaphore(%dma_start3A_669 : memref<!tpu.dma_semaphore, #tpu.memory_space<semaphore_mem>>)
    %dma_wait3A_680 = arith.constant 1 : i32
    %dma_wait3A_681 = arith.constant 0 : i32
    %dma_wait3A_682 = arith.constant 0 : i32
    %dma_wait3A_683 = tpu.memref_slice %arg10[%dma_wait3A_682] : memref<2x!tpu.dma_semaphore, #tpu.memory_space<semaphore_mem>> -> memref<1x!tpu.dma_semaphore, #tpu.memory_space<semaphore_mem>>
    %dma_wait3A_684 = tpu.memref_squeeze %dma_wait3A_683 : memref<1x!tpu.dma_semaphore, #tpu.memory_space<semaphore_mem>> -> memref<!tpu.dma_semaphore, #tpu.memory_space<semaphore_mem>>
    %dma_wait3A_685 = arith.constant 1536 : i32
    %dma_wait3A_686 = arith.constant 0 : i32
    %dma_wait3A_687 = arith.constant 0 : i32
    %dma_wait3A_688 = tpu.memref_slice %arg2[%dma_wait3A_681, %dma_wait3A_685, %dma_wait3A_686, %dma_wait3A_687] : memref<2x6144x16x128xf32, #tpu.memory_space<any>> -> memref<1x512x16x128xf32, #tpu.memory_space<any>>
    %dma_wait3A_689 = tpu.memref_squeeze %dma_wait3A_688 : memref<1x512x16x128xf32, #tpu.memory_space<any>> -> memref<512x16x128xf32, #tpu.memory_space<any>>
    %dma_wait3A_690 = arith.constant 0 : i32
    %dma_wait3A_691 = arith.constant 0 : i32
    %dma_wait3A_692 = arith.constant 0 : i32
    %dma_wait3A_693 = tpu.memref_slice %arg6[%dma_wait3A_680, %dma_wait3A_690, %dma_wait3A_691, %dma_wait3A_692] : memref<2x512x16x128xf32, #tpu.memory_space<vmem>> -> memref<1x512x16x128xf32, #tpu.memory_space<vmem>>
    %dma_wait3A_694 = tpu.memref_squeeze %dma_wait3A_693 : memref<1x512x16x128xf32, #tpu.memory_space<vmem>> -> memref<512x16x128xf32, #tpu.memory_space<vmem>>
    tpu.wait_dma2 semaphore(%dma_wait3A_684 : memref<!tpu.dma_semaphore, #tpu.memory_space<semaphore_mem>>) src(%dma_wait3A_694 : memref<512x16x128xf32, #tpu.memory_space<vmem>>) dst(%dma_wait3A_689 : memref<512x16x128xf32, #tpu.memory_space<any>>)
    %dma_start3A_695 = arith.constant 1 : i32
    %dma_start3A_696 = arith.constant 1 : i32
    %dma_start3A_697 = arith.constant 0 : i32
    %dma_start3A_698 = tpu.memref_slice %arg9[%dma_start3A_697] : memref<2x!tpu.dma_semaphore, #tpu.memory_space<semaphore_mem>> -> memref<1x!tpu.dma_semaphore, #tpu.memory_space<semaphore_mem>>
    %dma_start3A_699 = tpu.memref_squeeze %dma_start3A_698 : memref<1x!tpu.dma_semaphore, #tpu.memory_space<semaphore_mem>> -> memref<!tpu.dma_semaphore, #tpu.memory_space<semaphore_mem>>
    %dma_start3A_700 = arith.constant 0 : i32
    %dma_start3A_701 = arith.constant 0 : i32
    %dma_start3A_702 = arith.constant 0 : i32
    %dma_start3A_703 = tpu.memref_slice %arg6[%dma_start3A_696, %dma_start3A_700, %dma_start3A_701, %dma_start3A_702] : memref<2x512x16x128xf32, #tpu.memory_space<vmem>> -> memref<1x512x16x128xf32, #tpu.memory_space<vmem>>
    %dma_start3A_704 = tpu.memref_squeeze %dma_start3A_703 : memref<1x512x16x128xf32, #tpu.memory_space<vmem>> -> memref<512x16x128xf32, #tpu.memory_space<vmem>>
    %dma_start3A_705 = arith.constant 512 : i32
    %dma_start3A_706 = arith.constant 0 : i32
    %dma_start3A_707 = arith.constant 0 : i32
    %dma_start3A_708 = tpu.memref_slice %arg0[%dma_start3A_695, %dma_start3A_705, %dma_start3A_706, %dma_start3A_707] : memref<2x2048x16x128xf32, #tpu.memory_space<any>> -> memref<1x512x16x128xf32, #tpu.memory_space<any>>
    %dma_start3A_709 = tpu.memref_squeeze %dma_start3A_708 : memref<1x512x16x128xf32, #tpu.memory_space<any>> -> memref<512x16x128xf32, #tpu.memory_space<any>>
    tpu.enqueue_dma source(%dma_start3A_709 : memref<512x16x128xf32, #tpu.memory_space<any>>) target(%dma_start3A_704 : memref<512x16x128xf32, #tpu.memory_space<vmem>>) target_semaphore(%dma_start3A_699 : memref<!tpu.dma_semaphore, #tpu.memory_space<semaphore_mem>>)
    %dma_wait3A_710 = arith.constant 1 : i32
    %dma_wait3A_711 = arith.constant 0 : i32
    %dma_wait3A_712 = arith.constant 1 : i32
    %dma_wait3A_713 = tpu.memref_slice %arg10[%dma_wait3A_712] : memref<2x!tpu.dma_semaphore, #tpu.memory_space<semaphore_mem>> -> memref<1x!tpu.dma_semaphore, #tpu.memory_space<semaphore_mem>>
    %dma_wait3A_714 = tpu.memref_squeeze %dma_wait3A_713 : memref<1x!tpu.dma_semaphore, #tpu.memory_space<semaphore_mem>> -> memref<!tpu.dma_semaphore, #tpu.memory_space<semaphore_mem>>
    %dma_wait3A_715 = arith.constant 1536 : i32
    %dma_wait3A_716 = arith.constant 0 : i32
    %dma_wait3A_717 = arith.constant 0 : i32
    %dma_wait3A_718 = tpu.memref_slice %arg3[%dma_wait3A_711, %dma_wait3A_715, %dma_wait3A_716, %dma_wait3A_717] : memref<2x6144x16x64xf32, #tpu.memory_space<any>> -> memref<1x512x16x64xf32, #tpu.memory_space<any>>
    %dma_wait3A_719 = tpu.memref_squeeze %dma_wait3A_718 : memref<1x512x16x64xf32, #tpu.memory_space<any>> -> memref<512x16x64xf32, #tpu.memory_space<any>>
    %dma_wait3A_720 = arith.constant 0 : i32
    %dma_wait3A_721 = arith.constant 0 : i32
    %dma_wait3A_722 = arith.constant 0 : i32
    %dma_wait3A_723 = tpu.memref_slice %arg7[%dma_wait3A_710, %dma_wait3A_720, %dma_wait3A_721, %dma_wait3A_722] : memref<2x512x16x64xf32, #tpu.memory_space<vmem>> -> memref<1x512x16x64xf32, #tpu.memory_space<vmem>>
    %dma_wait3A_724 = tpu.memref_squeeze %dma_wait3A_723 : memref<1x512x16x64xf32, #tpu.memory_space<vmem>> -> memref<512x16x64xf32, #tpu.memory_space<vmem>>
    tpu.wait_dma2 semaphore(%dma_wait3A_714 : memref<!tpu.dma_semaphore, #tpu.memory_space<semaphore_mem>>) src(%dma_wait3A_724 : memref<512x16x64xf32, #tpu.memory_space<vmem>>) dst(%dma_wait3A_719 : memref<512x16x64xf32, #tpu.memory_space<any>>)
    %dma_start3A_725 = arith.constant 1 : i32
    %dma_start3A_726 = arith.constant 1 : i32
    %dma_start3A_727 = arith.constant 1 : i32
    %dma_start3A_728 = tpu.memref_slice %arg9[%dma_start3A_727] : memref<2x!tpu.dma_semaphore, #tpu.memory_space<semaphore_mem>> -> memref<1x!tpu.dma_semaphore, #tpu.memory_space<semaphore_mem>>
    %dma_start3A_729 = tpu.memref_squeeze %dma_start3A_728 : memref<1x!tpu.dma_semaphore, #tpu.memory_space<semaphore_mem>> -> memref<!tpu.dma_semaphore, #tpu.memory_space<semaphore_mem>>
    %dma_start3A_730 = arith.constant 0 : i32
    %dma_start3A_731 = arith.constant 0 : i32
    %dma_start3A_732 = arith.constant 0 : i32
    %dma_start3A_733 = tpu.memref_slice %arg7[%dma_start3A_726, %dma_start3A_730, %dma_start3A_731, %dma_start3A_732] : memref<2x512x16x64xf32, #tpu.memory_space<vmem>> -> memref<1x512x16x64xf32, #tpu.memory_space<vmem>>
    %dma_start3A_734 = tpu.memref_squeeze %dma_start3A_733 : memref<1x512x16x64xf32, #tpu.memory_space<vmem>> -> memref<512x16x64xf32, #tpu.memory_space<vmem>>
    %dma_start3A_735 = arith.constant 512 : i32
    %dma_start3A_736 = arith.constant 0 : i32
    %dma_start3A_737 = arith.constant 0 : i32
    %dma_start3A_738 = tpu.memref_slice %arg1[%dma_start3A_725, %dma_start3A_735, %dma_start3A_736, %dma_start3A_737] : memref<2x2048x16x64xf32, #tpu.memory_space<any>> -> memref<1x512x16x64xf32, #tpu.memory_space<any>>
    %dma_start3A_739 = tpu.memref_squeeze %dma_start3A_738 : memref<1x512x16x64xf32, #tpu.memory_space<any>> -> memref<512x16x64xf32, #tpu.memory_space<any>>
    tpu.enqueue_dma source(%dma_start3A_739 : memref<512x16x64xf32, #tpu.memory_space<any>>) target(%dma_start3A_734 : memref<512x16x64xf32, #tpu.memory_space<vmem>>) target_semaphore(%dma_start3A_729 : memref<!tpu.dma_semaphore, #tpu.memory_space<semaphore_mem>>)
    %dma_wait3A_740 = arith.constant 1 : i32
    %dma_wait3A_741 = arith.constant 0 : i32
    %dma_wait3A_742 = arith.constant 0 : i32
    %dma_wait3A_743 = tpu.memref_slice %arg9[%dma_wait3A_742] : memref<2x!tpu.dma_semaphore, #tpu.memory_space<semaphore_mem>> -> memref<1x!tpu.dma_semaphore, #tpu.memory_space<semaphore_mem>>
    %dma_wait3A_744 = tpu.memref_squeeze %dma_wait3A_743 : memref<1x!tpu.dma_semaphore, #tpu.memory_space<semaphore_mem>> -> memref<!tpu.dma_semaphore, #tpu.memory_space<semaphore_mem>>
    %dma_wait3A_745 = arith.constant 0 : i32
    %dma_wait3A_746 = arith.constant 0 : i32
    %dma_wait3A_747 = arith.constant 0 : i32
    %dma_wait3A_748 = tpu.memref_slice %arg6[%dma_wait3A_741, %dma_wait3A_745, %dma_wait3A_746, %dma_wait3A_747] : memref<2x512x16x128xf32, #tpu.memory_space<vmem>> -> memref<1x512x16x128xf32, #tpu.memory_space<vmem>>
    %dma_wait3A_749 = tpu.memref_squeeze %dma_wait3A_748 : memref<1x512x16x128xf32, #tpu.memory_space<vmem>> -> memref<512x16x128xf32, #tpu.memory_space<vmem>>
    %dma_wait3A_750 = arith.constant 0 : i32
    %dma_wait3A_751 = arith.constant 0 : i32
    %dma_wait3A_752 = arith.constant 0 : i32
    %dma_wait3A_753 = tpu.memref_slice %arg0[%dma_wait3A_740, %dma_wait3A_750, %dma_wait3A_751, %dma_wait3A_752] : memref<2x2048x16x128xf32, #tpu.memory_space<any>> -> memref<1x512x16x128xf32, #tpu.memory_space<any>>
    %dma_wait3A_754 = tpu.memref_squeeze %dma_wait3A_753 : memref<1x512x16x128xf32, #tpu.memory_space<any>> -> memref<512x16x128xf32, #tpu.memory_space<any>>
    tpu.wait_dma2 semaphore(%dma_wait3A_744 : memref<!tpu.dma_semaphore, #tpu.memory_space<semaphore_mem>>) src(%dma_wait3A_754 : memref<512x16x128xf32, #tpu.memory_space<any>>) dst(%dma_wait3A_749 : memref<512x16x128xf32, #tpu.memory_space<vmem>>)
    %dma_start3A_755 = arith.constant 0 : i32
    %dma_start3A_756 = arith.constant 1 : i32
    %dma_start3A_757 = arith.constant 0 : i32
    %dma_start3A_758 = tpu.memref_slice %arg10[%dma_start3A_757] : memref<2x!tpu.dma_semaphore, #tpu.memory_space<semaphore_mem>> -> memref<1x!tpu.dma_semaphore, #tpu.memory_space<semaphore_mem>>
    %dma_start3A_759 = tpu.memref_squeeze %dma_start3A_758 : memref<1x!tpu.dma_semaphore, #tpu.memory_space<semaphore_mem>> -> memref<!tpu.dma_semaphore, #tpu.memory_space<semaphore_mem>>
    %dma_start3A_760 = arith.constant 0 : i32
    %dma_start3A_761 = arith.constant 0 : i32
    %dma_start3A_762 = arith.constant 0 : i32
    %dma_start3A_763 = tpu.memref_slice %arg2[%dma_start3A_756, %dma_start3A_760, %dma_start3A_761, %dma_start3A_762] : memref<2x6144x16x128xf32, #tpu.memory_space<any>> -> memref<1x512x16x128xf32, #tpu.memory_space<any>>
    %dma_start3A_764 = tpu.memref_squeeze %dma_start3A_763 : memref<1x512x16x128xf32, #tpu.memory_space<any>> -> memref<512x16x128xf32, #tpu.memory_space<any>>
    %dma_start3A_765 = arith.constant 0 : i32
    %dma_start3A_766 = arith.constant 0 : i32
    %dma_start3A_767 = arith.constant 0 : i32
    %dma_start3A_768 = tpu.memref_slice %arg6[%dma_start3A_755, %dma_start3A_765, %dma_start3A_766, %dma_start3A_767] : memref<2x512x16x128xf32, #tpu.memory_space<vmem>> -> memref<1x512x16x128xf32, #tpu.memory_space<vmem>>
    %dma_start3A_769 = tpu.memref_squeeze %dma_start3A_768 : memref<1x512x16x128xf32, #tpu.memory_space<vmem>> -> memref<512x16x128xf32, #tpu.memory_space<vmem>>
    tpu.enqueue_dma source(%dma_start3A_769 : memref<512x16x128xf32, #tpu.memory_space<vmem>>) target(%dma_start3A_764 : memref<512x16x128xf32, #tpu.memory_space<any>>) target_semaphore(%dma_start3A_759 : memref<!tpu.dma_semaphore, #tpu.memory_space<semaphore_mem>>)
    %dma_wait3A_770 = arith.constant 1 : i32
    %dma_wait3A_771 = arith.constant 0 : i32
    %dma_wait3A_772 = arith.constant 1 : i32
    %dma_wait3A_773 = tpu.memref_slice %arg9[%dma_wait3A_772] : memref<2x!tpu.dma_semaphore, #tpu.memory_space<semaphore_mem>> -> memref<1x!tpu.dma_semaphore, #tpu.memory_space<semaphore_mem>>
    %dma_wait3A_774 = tpu.memref_squeeze %dma_wait3A_773 : memref<1x!tpu.dma_semaphore, #tpu.memory_space<semaphore_mem>> -> memref<!tpu.dma_semaphore, #tpu.memory_space<semaphore_mem>>
    %dma_wait3A_775 = arith.constant 0 : i32
    %dma_wait3A_776 = arith.constant 0 : i32
    %dma_wait3A_777 = arith.constant 0 : i32
    %dma_wait3A_778 = tpu.memref_slice %arg7[%dma_wait3A_771, %dma_wait3A_775, %dma_wait3A_776, %dma_wait3A_777] : memref<2x512x16x64xf32, #tpu.memory_space<vmem>> -> memref<1x512x16x64xf32, #tpu.memory_space<vmem>>
    %dma_wait3A_779 = tpu.memref_squeeze %dma_wait3A_778 : memref<1x512x16x64xf32, #tpu.memory_space<vmem>> -> memref<512x16x64xf32, #tpu.memory_space<vmem>>
    %dma_wait3A_780 = arith.constant 0 : i32
    %dma_wait3A_781 = arith.constant 0 : i32
    %dma_wait3A_782 = arith.constant 0 : i32
    %dma_wait3A_783 = tpu.memref_slice %arg1[%dma_wait3A_770, %dma_wait3A_780, %dma_wait3A_781, %dma_wait3A_782] : memref<2x2048x16x64xf32, #tpu.memory_space<any>> -> memref<1x512x16x64xf32, #tpu.memory_space<any>>
    %dma_wait3A_784 = tpu.memref_squeeze %dma_wait3A_783 : memref<1x512x16x64xf32, #tpu.memory_space<any>> -> memref<512x16x64xf32, #tpu.memory_space<any>>
    tpu.wait_dma2 semaphore(%dma_wait3A_774 : memref<!tpu.dma_semaphore, #tpu.memory_space<semaphore_mem>>) src(%dma_wait3A_784 : memref<512x16x64xf32, #tpu.memory_space<any>>) dst(%dma_wait3A_779 : memref<512x16x64xf32, #tpu.memory_space<vmem>>)
    %dma_start3A_785 = arith.constant 0 : i32
    %dma_start3A_786 = arith.constant 1 : i32
    %dma_start3A_787 = arith.constant 1 : i32
    %dma_start3A_788 = tpu.memref_slice %arg10[%dma_start3A_787] : memref<2x!tpu.dma_semaphore, #tpu.memory_space<semaphore_mem>> -> memref<1x!tpu.dma_semaphore, #tpu.memory_space<semaphore_mem>>
    %dma_start3A_789 = tpu.memref_squeeze %dma_start3A_788 : memref<1x!tpu.dma_semaphore, #tpu.memory_space<semaphore_mem>> -> memref<!tpu.dma_semaphore, #tpu.memory_space<semaphore_mem>>
    %dma_start3A_790 = arith.constant 0 : i32
    %dma_start3A_791 = arith.constant 0 : i32
    %dma_start3A_792 = arith.constant 0 : i32
    %dma_start3A_793 = tpu.memref_slice %arg3[%dma_start3A_786, %dma_start3A_790, %dma_start3A_791, %dma_start3A_792] : memref<2x6144x16x64xf32, #tpu.memory_space<any>> -> memref<1x512x16x64xf32, #tpu.memory_space<any>>
    %dma_start3A_794 = tpu.memref_squeeze %dma_start3A_793 : memref<1x512x16x64xf32, #tpu.memory_space<any>> -> memref<512x16x64xf32, #tpu.memory_space<any>>
    %dma_start3A_795 = arith.constant 0 : i32
    %dma_start3A_796 = arith.constant 0 : i32
    %dma_start3A_797 = arith.constant 0 : i32
    %dma_start3A_798 = tpu.memref_slice %arg7[%dma_start3A_785, %dma_start3A_795, %dma_start3A_796, %dma_start3A_797] : memref<2x512x16x64xf32, #tpu.memory_space<vmem>> -> memref<1x512x16x64xf32, #tpu.memory_space<vmem>>
    %dma_start3A_799 = tpu.memref_squeeze %dma_start3A_798 : memref<1x512x16x64xf32, #tpu.memory_space<vmem>> -> memref<512x16x64xf32, #tpu.memory_space<vmem>>
    tpu.enqueue_dma source(%dma_start3A_799 : memref<512x16x64xf32, #tpu.memory_space<vmem>>) target(%dma_start3A_794 : memref<512x16x64xf32, #tpu.memory_space<any>>) target_semaphore(%dma_start3A_789 : memref<!tpu.dma_semaphore, #tpu.memory_space<semaphore_mem>>)
    %dma_wait3A_800 = arith.constant 0 : i32
    %dma_wait3A_801 = arith.constant 1 : i32
    %dma_wait3A_802 = arith.constant 0 : i32
    %dma_wait3A_803 = tpu.memref_slice %arg10[%dma_wait3A_802] : memref<2x!tpu.dma_semaphore, #tpu.memory_space<semaphore_mem>> -> memref<1x!tpu.dma_semaphore, #tpu.memory_space<semaphore_mem>>
    %dma_wait3A_804 = tpu.memref_squeeze %dma_wait3A_803 : memref<1x!tpu.dma_semaphore, #tpu.memory_space<semaphore_mem>> -> memref<!tpu.dma_semaphore, #tpu.memory_space<semaphore_mem>>
    %dma_wait3A_805 = arith.constant 0 : i32
    %dma_wait3A_806 = arith.constant 0 : i32
    %dma_wait3A_807 = arith.constant 0 : i32
    %dma_wait3A_808 = tpu.memref_slice %arg2[%dma_wait3A_801, %dma_wait3A_805, %dma_wait3A_806, %dma_wait3A_807] : memref<2x6144x16x128xf32, #tpu.memory_space<any>> -> memref<1x512x16x128xf32, #tpu.memory_space<any>>
    %dma_wait3A_809 = tpu.memref_squeeze %dma_wait3A_808 : memref<1x512x16x128xf32, #tpu.memory_space<any>> -> memref<512x16x128xf32, #tpu.memory_space<any>>
    %dma_wait3A_810 = arith.constant 0 : i32
    %dma_wait3A_811 = arith.constant 0 : i32
    %dma_wait3A_812 = arith.constant 0 : i32
    %dma_wait3A_813 = tpu.memref_slice %arg6[%dma_wait3A_800, %dma_wait3A_810, %dma_wait3A_811, %dma_wait3A_812] : memref<2x512x16x128xf32, #tpu.memory_space<vmem>> -> memref<1x512x16x128xf32, #tpu.memory_space<vmem>>
    %dma_wait3A_814 = tpu.memref_squeeze %dma_wait3A_813 : memref<1x512x16x128xf32, #tpu.memory_space<vmem>> -> memref<512x16x128xf32, #tpu.memory_space<vmem>>
    tpu.wait_dma2 semaphore(%dma_wait3A_804 : memref<!tpu.dma_semaphore, #tpu.memory_space<semaphore_mem>>) src(%dma_wait3A_814 : memref<512x16x128xf32, #tpu.memory_space<vmem>>) dst(%dma_wait3A_809 : memref<512x16x128xf32, #tpu.memory_space<any>>)
    %dma_start3A_815 = arith.constant 1 : i32
    %dma_start3A_816 = arith.constant 0 : i32
    %dma_start3A_817 = arith.constant 0 : i32
    %dma_start3A_818 = tpu.memref_slice %arg9[%dma_start3A_817] : memref<2x!tpu.dma_semaphore, #tpu.memory_space<semaphore_mem>> -> memref<1x!tpu.dma_semaphore, #tpu.memory_space<semaphore_mem>>
    %dma_start3A_819 = tpu.memref_squeeze %dma_start3A_818 : memref<1x!tpu.dma_semaphore, #tpu.memory_space<semaphore_mem>> -> memref<!tpu.dma_semaphore, #tpu.memory_space<semaphore_mem>>
    %dma_start3A_820 = arith.constant 0 : i32
    %dma_start3A_821 = arith.constant 0 : i32
    %dma_start3A_822 = arith.constant 0 : i32
    %dma_start3A_823 = tpu.memref_slice %arg6[%dma_start3A_816, %dma_start3A_820, %dma_start3A_821, %dma_start3A_822] : memref<2x512x16x128xf32, #tpu.memory_space<vmem>> -> memref<1x512x16x128xf32, #tpu.memory_space<vmem>>
    %dma_start3A_824 = tpu.memref_squeeze %dma_start3A_823 : memref<1x512x16x128xf32, #tpu.memory_space<vmem>> -> memref<512x16x128xf32, #tpu.memory_space<vmem>>
    %dma_start3A_825 = arith.constant 1024 : i32
    %dma_start3A_826 = arith.constant 0 : i32
    %dma_start3A_827 = arith.constant 0 : i32
    %dma_start3A_828 = tpu.memref_slice %arg0[%dma_start3A_815, %dma_start3A_825, %dma_start3A_826, %dma_start3A_827] : memref<2x2048x16x128xf32, #tpu.memory_space<any>> -> memref<1x512x16x128xf32, #tpu.memory_space<any>>
    %dma_start3A_829 = tpu.memref_squeeze %dma_start3A_828 : memref<1x512x16x128xf32, #tpu.memory_space<any>> -> memref<512x16x128xf32, #tpu.memory_space<any>>
    tpu.enqueue_dma source(%dma_start3A_829 : memref<512x16x128xf32, #tpu.memory_space<any>>) target(%dma_start3A_824 : memref<512x16x128xf32, #tpu.memory_space<vmem>>) target_semaphore(%dma_start3A_819 : memref<!tpu.dma_semaphore, #tpu.memory_space<semaphore_mem>>)
    %dma_wait3A_830 = arith.constant 0 : i32
    %dma_wait3A_831 = arith.constant 1 : i32
    %dma_wait3A_832 = arith.constant 1 : i32
    %dma_wait3A_833 = tpu.memref_slice %arg10[%dma_wait3A_832] : memref<2x!tpu.dma_semaphore, #tpu.memory_space<semaphore_mem>> -> memref<1x!tpu.dma_semaphore, #tpu.memory_space<semaphore_mem>>
    %dma_wait3A_834 = tpu.memref_squeeze %dma_wait3A_833 : memref<1x!tpu.dma_semaphore, #tpu.memory_space<semaphore_mem>> -> memref<!tpu.dma_semaphore, #tpu.memory_space<semaphore_mem>>
    %dma_wait3A_835 = arith.constant 0 : i32
    %dma_wait3A_836 = arith.constant 0 : i32
    %dma_wait3A_837 = arith.constant 0 : i32
    %dma_wait3A_838 = tpu.memref_slice %arg3[%dma_wait3A_831, %dma_wait3A_835, %dma_wait3A_836, %dma_wait3A_837] : memref<2x6144x16x64xf32, #tpu.memory_space<any>> -> memref<1x512x16x64xf32, #tpu.memory_space<any>>
    %dma_wait3A_839 = tpu.memref_squeeze %dma_wait3A_838 : memref<1x512x16x64xf32, #tpu.memory_space<any>> -> memref<512x16x64xf32, #tpu.memory_space<any>>
    %dma_wait3A_840 = arith.constant 0 : i32
    %dma_wait3A_841 = arith.constant 0 : i32
    %dma_wait3A_842 = arith.constant 0 : i32
    %dma_wait3A_843 = tpu.memref_slice %arg7[%dma_wait3A_830, %dma_wait3A_840, %dma_wait3A_841, %dma_wait3A_842] : memref<2x512x16x64xf32, #tpu.memory_space<vmem>> -> memref<1x512x16x64xf32, #tpu.memory_space<vmem>>
    %dma_wait3A_844 = tpu.memref_squeeze %dma_wait3A_843 : memref<1x512x16x64xf32, #tpu.memory_space<vmem>> -> memref<512x16x64xf32, #tpu.memory_space<vmem>>
    tpu.wait_dma2 semaphore(%dma_wait3A_834 : memref<!tpu.dma_semaphore, #tpu.memory_space<semaphore_mem>>) src(%dma_wait3A_844 : memref<512x16x64xf32, #tpu.memory_space<vmem>>) dst(%dma_wait3A_839 : memref<512x16x64xf32, #tpu.memory_space<any>>)
    %dma_start3A_845 = arith.constant 1 : i32
    %dma_start3A_846 = arith.constant 0 : i32
    %dma_start3A_847 = arith.constant 1 : i32
    %dma_start3A_848 = tpu.memref_slice %arg9[%dma_start3A_847] : memref<2x!tpu.dma_semaphore, #tpu.memory_space<semaphore_mem>> -> memref<1x!tpu.dma_semaphore, #tpu.memory_space<semaphore_mem>>
    %dma_start3A_849 = tpu.memref_squeeze %dma_start3A_848 : memref<1x!tpu.dma_semaphore, #tpu.memory_space<semaphore_mem>> -> memref<!tpu.dma_semaphore, #tpu.memory_space<semaphore_mem>>
    %dma_start3A_850 = arith.constant 0 : i32
    %dma_start3A_851 = arith.constant 0 : i32
    %dma_start3A_852 = arith.constant 0 : i32
    %dma_start3A_853 = tpu.memref_slice %arg7[%dma_start3A_846, %dma_start3A_850, %dma_start3A_851, %dma_start3A_852] : memref<2x512x16x64xf32, #tpu.memory_space<vmem>> -> memref<1x512x16x64xf32, #tpu.memory_space<vmem>>
    %dma_start3A_854 = tpu.memref_squeeze %dma_start3A_853 : memref<1x512x16x64xf32, #tpu.memory_space<vmem>> -> memref<512x16x64xf32, #tpu.memory_space<vmem>>
    %dma_start3A_855 = arith.constant 1024 : i32
    %dma_start3A_856 = arith.constant 0 : i32
    %dma_start3A_857 = arith.constant 0 : i32
    %dma_start3A_858 = tpu.memref_slice %arg1[%dma_start3A_845, %dma_start3A_855, %dma_start3A_856, %dma_start3A_857] : memref<2x2048x16x64xf32, #tpu.memory_space<any>> -> memref<1x512x16x64xf32, #tpu.memory_space<any>>
    %dma_start3A_859 = tpu.memref_squeeze %dma_start3A_858 : memref<1x512x16x64xf32, #tpu.memory_space<any>> -> memref<512x16x64xf32, #tpu.memory_space<any>>
    tpu.enqueue_dma source(%dma_start3A_859 : memref<512x16x64xf32, #tpu.memory_space<any>>) target(%dma_start3A_854 : memref<512x16x64xf32, #tpu.memory_space<vmem>>) target_semaphore(%dma_start3A_849 : memref<!tpu.dma_semaphore, #tpu.memory_space<semaphore_mem>>)
    %dma_wait3A_860 = arith.constant 1 : i32
    %dma_wait3A_861 = arith.constant 1 : i32
    %dma_wait3A_862 = arith.constant 0 : i32
    %dma_wait3A_863 = tpu.memref_slice %arg9[%dma_wait3A_862] : memref<2x!tpu.dma_semaphore, #tpu.memory_space<semaphore_mem>> -> memref<1x!tpu.dma_semaphore, #tpu.memory_space<semaphore_mem>>
    %dma_wait3A_864 = tpu.memref_squeeze %dma_wait3A_863 : memref<1x!tpu.dma_semaphore, #tpu.memory_space<semaphore_mem>> -> memref<!tpu.dma_semaphore, #tpu.memory_space<semaphore_mem>>
    %dma_wait3A_865 = arith.constant 0 : i32
    %dma_wait3A_866 = arith.constant 0 : i32
    %dma_wait3A_867 = arith.constant 0 : i32
    %dma_wait3A_868 = tpu.memref_slice %arg6[%dma_wait3A_861, %dma_wait3A_865, %dma_wait3A_866, %dma_wait3A_867] : memref<2x512x16x128xf32, #tpu.memory_space<vmem>> -> memref<1x512x16x128xf32, #tpu.memory_space<vmem>>
    %dma_wait3A_869 = tpu.memref_squeeze %dma_wait3A_868 : memref<1x512x16x128xf32, #tpu.memory_space<vmem>> -> memref<512x16x128xf32, #tpu.memory_space<vmem>>
    %dma_wait3A_870 = arith.constant 512 : i32
    %dma_wait3A_871 = arith.constant 0 : i32
    %dma_wait3A_872 = arith.constant 0 : i32
    %dma_wait3A_873 = tpu.memref_slice %arg0[%dma_wait3A_860, %dma_wait3A_870, %dma_wait3A_871, %dma_wait3A_872] : memref<2x2048x16x128xf32, #tpu.memory_space<any>> -> memref<1x512x16x128xf32, #tpu.memory_space<any>>
    %dma_wait3A_874 = tpu.memref_squeeze %dma_wait3A_873 : memref<1x512x16x128xf32, #tpu.memory_space<any>> -> memref<512x16x128xf32, #tpu.memory_space<any>>
    tpu.wait_dma2 semaphore(%dma_wait3A_864 : memref<!tpu.dma_semaphore, #tpu.memory_space<semaphore_mem>>) src(%dma_wait3A_874 : memref<512x16x128xf32, #tpu.memory_space<any>>) dst(%dma_wait3A_869 : memref<512x16x128xf32, #tpu.memory_space<vmem>>)
    %dma_start3A_875 = arith.constant 1 : i32
    %dma_start3A_876 = arith.constant 1 : i32
    %dma_start3A_877 = arith.constant 0 : i32
    %dma_start3A_878 = tpu.memref_slice %arg10[%dma_start3A_877] : memref<2x!tpu.dma_semaphore, #tpu.memory_space<semaphore_mem>> -> memref<1x!tpu.dma_semaphore, #tpu.memory_space<semaphore_mem>>
    %dma_start3A_879 = tpu.memref_squeeze %dma_start3A_878 : memref<1x!tpu.dma_semaphore, #tpu.memory_space<semaphore_mem>> -> memref<!tpu.dma_semaphore, #tpu.memory_space<semaphore_mem>>
    %dma_start3A_880 = arith.constant 512 : i32
    %dma_start3A_881 = arith.constant 0 : i32
    %dma_start3A_882 = arith.constant 0 : i32
    %dma_start3A_883 = tpu.memref_slice %arg2[%dma_start3A_876, %dma_start3A_880, %dma_start3A_881, %dma_start3A_882] : memref<2x6144x16x128xf32, #tpu.memory_space<any>> -> memref<1x512x16x128xf32, #tpu.memory_space<any>>
    %dma_start3A_884 = tpu.memref_squeeze %dma_start3A_883 : memref<1x512x16x128xf32, #tpu.memory_space<any>> -> memref<512x16x128xf32, #tpu.memory_space<any>>
    %dma_start3A_885 = arith.constant 0 : i32
    %dma_start3A_886 = arith.constant 0 : i32
    %dma_start3A_887 = arith.constant 0 : i32
    %dma_start3A_888 = tpu.memref_slice %arg6[%dma_start3A_875, %dma_start3A_885, %dma_start3A_886, %dma_start3A_887] : memref<2x512x16x128xf32, #tpu.memory_space<vmem>> -> memref<1x512x16x128xf32, #tpu.memory_space<vmem>>
    %dma_start3A_889 = tpu.memref_squeeze %dma_start3A_888 : memref<1x512x16x128xf32, #tpu.memory_space<vmem>> -> memref<512x16x128xf32, #tpu.memory_space<vmem>>
    tpu.enqueue_dma source(%dma_start3A_889 : memref<512x16x128xf32, #tpu.memory_space<vmem>>) target(%dma_start3A_884 : memref<512x16x128xf32, #tpu.memory_space<any>>) target_semaphore(%dma_start3A_879 : memref<!tpu.dma_semaphore, #tpu.memory_space<semaphore_mem>>)
    %dma_wait3A_890 = arith.constant 1 : i32
    %dma_wait3A_891 = arith.constant 1 : i32
    %dma_wait3A_892 = arith.constant 1 : i32
    %dma_wait3A_893 = tpu.memref_slice %arg9[%dma_wait3A_892] : memref<2x!tpu.dma_semaphore, #tpu.memory_space<semaphore_mem>> -> memref<1x!tpu.dma_semaphore, #tpu.memory_space<semaphore_mem>>
    %dma_wait3A_894 = tpu.memref_squeeze %dma_wait3A_893 : memref<1x!tpu.dma_semaphore, #tpu.memory_space<semaphore_mem>> -> memref<!tpu.dma_semaphore, #tpu.memory_space<semaphore_mem>>
    %dma_wait3A_895 = arith.constant 0 : i32
    %dma_wait3A_896 = arith.constant 0 : i32
    %dma_wait3A_897 = arith.constant 0 : i32
    %dma_wait3A_898 = tpu.memref_slice %arg7[%dma_wait3A_891, %dma_wait3A_895, %dma_wait3A_896, %dma_wait3A_897] : memref<2x512x16x64xf32, #tpu.memory_space<vmem>> -> memref<1x512x16x64xf32, #tpu.memory_space<vmem>>
    %dma_wait3A_899 = tpu.memref_squeeze %dma_wait3A_898 : memref<1x512x16x64xf32, #tpu.memory_space<vmem>> -> memref<512x16x64xf32, #tpu.memory_space<vmem>>
    %dma_wait3A_900 = arith.constant 512 : i32
    %dma_wait3A_901 = arith.constant 0 : i32
    %dma_wait3A_902 = arith.constant 0 : i32
    %dma_wait3A_903 = tpu.memref_slice %arg1[%dma_wait3A_890, %dma_wait3A_900, %dma_wait3A_901, %dma_wait3A_902] : memref<2x2048x16x64xf32, #tpu.memory_space<any>> -> memref<1x512x16x64xf32, #tpu.memory_space<any>>
    %dma_wait3A_904 = tpu.memref_squeeze %dma_wait3A_903 : memref<1x512x16x64xf32, #tpu.memory_space<any>> -> memref<512x16x64xf32, #tpu.memory_space<any>>
    tpu.wait_dma2 semaphore(%dma_wait3A_894 : memref<!tpu.dma_semaphore, #tpu.memory_space<semaphore_mem>>) src(%dma_wait3A_904 : memref<512x16x64xf32, #tpu.memory_space<any>>) dst(%dma_wait3A_899 : memref<512x16x64xf32, #tpu.memory_space<vmem>>)
    %dma_start3A_905 = arith.constant 1 : i32
    %dma_start3A_906 = arith.constant 1 : i32
    %dma_start3A_907 = arith.constant 1 : i32
    %dma_start3A_908 = tpu.memref_slice %arg10[%dma_start3A_907] : memref<2x!tpu.dma_semaphore, #tpu.memory_space<semaphore_mem>> -> memref<1x!tpu.dma_semaphore, #tpu.memory_space<semaphore_mem>>
    %dma_start3A_909 = tpu.memref_squeeze %dma_start3A_908 : memref<1x!tpu.dma_semaphore, #tpu.memory_space<semaphore_mem>> -> memref<!tpu.dma_semaphore, #tpu.memory_space<semaphore_mem>>
    %dma_start3A_910 = arith.constant 512 : i32
    %dma_start3A_911 = arith.constant 0 : i32
    %dma_start3A_912 = arith.constant 0 : i32
    %dma_start3A_913 = tpu.memref_slice %arg3[%dma_start3A_906, %dma_start3A_910, %dma_start3A_911, %dma_start3A_912] : memref<2x6144x16x64xf32, #tpu.memory_space<any>> -> memref<1x512x16x64xf32, #tpu.memory_space<any>>
    %dma_start3A_914 = tpu.memref_squeeze %dma_start3A_913 : memref<1x512x16x64xf32, #tpu.memory_space<any>> -> memref<512x16x64xf32, #tpu.memory_space<any>>
    %dma_start3A_915 = arith.constant 0 : i32
    %dma_start3A_916 = arith.constant 0 : i32
    %dma_start3A_917 = arith.constant 0 : i32
    %dma_start3A_918 = tpu.memref_slice %arg7[%dma_start3A_905, %dma_start3A_915, %dma_start3A_916, %dma_start3A_917] : memref<2x512x16x64xf32, #tpu.memory_space<vmem>> -> memref<1x512x16x64xf32, #tpu.memory_space<vmem>>
    %dma_start3A_919 = tpu.memref_squeeze %dma_start3A_918 : memref<1x512x16x64xf32, #tpu.memory_space<vmem>> -> memref<512x16x64xf32, #tpu.memory_space<vmem>>
    tpu.enqueue_dma source(%dma_start3A_919 : memref<512x16x64xf32, #tpu.memory_space<vmem>>) target(%dma_start3A_914 : memref<512x16x64xf32, #tpu.memory_space<any>>) target_semaphore(%dma_start3A_909 : memref<!tpu.dma_semaphore, #tpu.memory_space<semaphore_mem>>)
    %dma_wait3A_920 = arith.constant 1 : i32
    %dma_wait3A_921 = arith.constant 1 : i32
    %dma_wait3A_922 = arith.constant 0 : i32
    %dma_wait3A_923 = tpu.memref_slice %arg10[%dma_wait3A_922] : memref<2x!tpu.dma_semaphore, #tpu.memory_space<semaphore_mem>> -> memref<1x!tpu.dma_semaphore, #tpu.memory_space<semaphore_mem>>
    %dma_wait3A_924 = tpu.memref_squeeze %dma_wait3A_923 : memref<1x!tpu.dma_semaphore, #tpu.memory_space<semaphore_mem>> -> memref<!tpu.dma_semaphore, #tpu.memory_space<semaphore_mem>>
    %dma_wait3A_925 = arith.constant 512 : i32
    %dma_wait3A_926 = arith.constant 0 : i32
    %dma_wait3A_927 = arith.constant 0 : i32
    %dma_wait3A_928 = tpu.memref_slice %arg2[%dma_wait3A_921, %dma_wait3A_925, %dma_wait3A_926, %dma_wait3A_927] : memref<2x6144x16x128xf32, #tpu.memory_space<any>> -> memref<1x512x16x128xf32, #tpu.memory_space<any>>
    %dma_wait3A_929 = tpu.memref_squeeze %dma_wait3A_928 : memref<1x512x16x128xf32, #tpu.memory_space<any>> -> memref<512x16x128xf32, #tpu.memory_space<any>>
    %dma_wait3A_930 = arith.constant 0 : i32
    %dma_wait3A_931 = arith.constant 0 : i32
    %dma_wait3A_932 = arith.constant 0 : i32
    %dma_wait3A_933 = tpu.memref_slice %arg6[%dma_wait3A_920, %dma_wait3A_930, %dma_wait3A_931, %dma_wait3A_932] : memref<2x512x16x128xf32, #tpu.memory_space<vmem>> -> memref<1x512x16x128xf32, #tpu.memory_space<vmem>>
    %dma_wait3A_934 = tpu.memref_squeeze %dma_wait3A_933 : memref<1x512x16x128xf32, #tpu.memory_space<vmem>> -> memref<512x16x128xf32, #tpu.memory_space<vmem>>
    tpu.wait_dma2 semaphore(%dma_wait3A_924 : memref<!tpu.dma_semaphore, #tpu.memory_space<semaphore_mem>>) src(%dma_wait3A_934 : memref<512x16x128xf32, #tpu.memory_space<vmem>>) dst(%dma_wait3A_929 : memref<512x16x128xf32, #tpu.memory_space<any>>)
    %dma_start3A_935 = arith.constant 1 : i32
    %dma_start3A_936 = arith.constant 1 : i32
    %dma_start3A_937 = arith.constant 0 : i32
    %dma_start3A_938 = tpu.memref_slice %arg9[%dma_start3A_937] : memref<2x!tpu.dma_semaphore, #tpu.memory_space<semaphore_mem>> -> memref<1x!tpu.dma_semaphore, #tpu.memory_space<semaphore_mem>>
    %dma_start3A_939 = tpu.memref_squeeze %dma_start3A_938 : memref<1x!tpu.dma_semaphore, #tpu.memory_space<semaphore_mem>> -> memref<!tpu.dma_semaphore, #tpu.memory_space<semaphore_mem>>
    %dma_start3A_940 = arith.constant 0 : i32
    %dma_start3A_941 = arith.constant 0 : i32
    %dma_start3A_942 = arith.constant 0 : i32
    %dma_start3A_943 = tpu.memref_slice %arg6[%dma_start3A_936, %dma_start3A_940, %dma_start3A_941, %dma_start3A_942] : memref<2x512x16x128xf32, #tpu.memory_space<vmem>> -> memref<1x512x16x128xf32, #tpu.memory_space<vmem>>
    %dma_start3A_944 = tpu.memref_squeeze %dma_start3A_943 : memref<1x512x16x128xf32, #tpu.memory_space<vmem>> -> memref<512x16x128xf32, #tpu.memory_space<vmem>>
    %dma_start3A_945 = arith.constant 1536 : i32
    %dma_start3A_946 = arith.constant 0 : i32
    %dma_start3A_947 = arith.constant 0 : i32
    %dma_start3A_948 = tpu.memref_slice %arg0[%dma_start3A_935, %dma_start3A_945, %dma_start3A_946, %dma_start3A_947] : memref<2x2048x16x128xf32, #tpu.memory_space<any>> -> memref<1x512x16x128xf32, #tpu.memory_space<any>>
    %dma_start3A_949 = tpu.memref_squeeze %dma_start3A_948 : memref<1x512x16x128xf32, #tpu.memory_space<any>> -> memref<512x16x128xf32, #tpu.memory_space<any>>
    tpu.enqueue_dma source(%dma_start3A_949 : memref<512x16x128xf32, #tpu.memory_space<any>>) target(%dma_start3A_944 : memref<512x16x128xf32, #tpu.memory_space<vmem>>) target_semaphore(%dma_start3A_939 : memref<!tpu.dma_semaphore, #tpu.memory_space<semaphore_mem>>)
    %dma_wait3A_950 = arith.constant 1 : i32
    %dma_wait3A_951 = arith.constant 1 : i32
    %dma_wait3A_952 = arith.constant 1 : i32
    %dma_wait3A_953 = tpu.memref_slice %arg10[%dma_wait3A_952] : memref<2x!tpu.dma_semaphore, #tpu.memory_space<semaphore_mem>> -> memref<1x!tpu.dma_semaphore, #tpu.memory_space<semaphore_mem>>
    %dma_wait3A_954 = tpu.memref_squeeze %dma_wait3A_953 : memref<1x!tpu.dma_semaphore, #tpu.memory_space<semaphore_mem>> -> memref<!tpu.dma_semaphore, #tpu.memory_space<semaphore_mem>>
    %dma_wait3A_955 = arith.constant 512 : i32
    %dma_wait3A_956 = arith.constant 0 : i32
    %dma_wait3A_957 = arith.constant 0 : i32
    %dma_wait3A_958 = tpu.memref_slice %arg3[%dma_wait3A_951, %dma_wait3A_955, %dma_wait3A_956, %dma_wait3A_957] : memref<2x6144x16x64xf32, #tpu.memory_space<any>> -> memref<1x512x16x64xf32, #tpu.memory_space<any>>
    %dma_wait3A_959 = tpu.memref_squeeze %dma_wait3A_958 : memref<1x512x16x64xf32, #tpu.memory_space<any>> -> memref<512x16x64xf32, #tpu.memory_space<any>>
    %dma_wait3A_960 = arith.constant 0 : i32
    %dma_wait3A_961 = arith.constant 0 : i32
    %dma_wait3A_962 = arith.constant 0 : i32
    %dma_wait3A_963 = tpu.memref_slice %arg7[%dma_wait3A_950, %dma_wait3A_960, %dma_wait3A_961, %dma_wait3A_962] : memref<2x512x16x64xf32, #tpu.memory_space<vmem>> -> memref<1x512x16x64xf32, #tpu.memory_space<vmem>>
    %dma_wait3A_964 = tpu.memref_squeeze %dma_wait3A_963 : memref<1x512x16x64xf32, #tpu.memory_space<vmem>> -> memref<512x16x64xf32, #tpu.memory_space<vmem>>
    tpu.wait_dma2 semaphore(%dma_wait3A_954 : memref<!tpu.dma_semaphore, #tpu.memory_space<semaphore_mem>>) src(%dma_wait3A_964 : memref<512x16x64xf32, #tpu.memory_space<vmem>>) dst(%dma_wait3A_959 : memref<512x16x64xf32, #tpu.memory_space<any>>)
    %dma_start3A_965 = arith.constant 1 : i32
    %dma_start3A_966 = arith.constant 1 : i32
    %dma_start3A_967 = arith.constant 1 : i32
    %dma_start3A_968 = tpu.memref_slice %arg9[%dma_start3A_967] : memref<2x!tpu.dma_semaphore, #tpu.memory_space<semaphore_mem>> -> memref<1x!tpu.dma_semaphore, #tpu.memory_space<semaphore_mem>>
    %dma_start3A_969 = tpu.memref_squeeze %dma_start3A_968 : memref<1x!tpu.dma_semaphore, #tpu.memory_space<semaphore_mem>> -> memref<!tpu.dma_semaphore, #tpu.memory_space<semaphore_mem>>
    %dma_start3A_970 = arith.constant 0 : i32
    %dma_start3A_971 = arith.constant 0 : i32
    %dma_start3A_972 = arith.constant 0 : i32
    %dma_start3A_973 = tpu.memref_slice %arg7[%dma_start3A_966, %dma_start3A_970, %dma_start3A_971, %dma_start3A_972] : memref<2x512x16x64xf32, #tpu.memory_space<vmem>> -> memref<1x512x16x64xf32, #tpu.memory_space<vmem>>
    %dma_start3A_974 = tpu.memref_squeeze %dma_start3A_973 : memref<1x512x16x64xf32, #tpu.memory_space<vmem>> -> memref<512x16x64xf32, #tpu.memory_space<vmem>>
    %dma_start3A_975 = arith.constant 1536 : i32
    %dma_start3A_976 = arith.constant 0 : i32
    %dma_start3A_977 = arith.constant 0 : i32
    %dma_start3A_978 = tpu.memref_slice %arg1[%dma_start3A_965, %dma_start3A_975, %dma_start3A_976, %dma_start3A_977] : memref<2x2048x16x64xf32, #tpu.memory_space<any>> -> memref<1x512x16x64xf32, #tpu.memory_space<any>>
    %dma_start3A_979 = tpu.memref_squeeze %dma_start3A_978 : memref<1x512x16x64xf32, #tpu.memory_space<any>> -> memref<512x16x64xf32, #tpu.memory_space<any>>
    tpu.enqueue_dma source(%dma_start3A_979 : memref<512x16x64xf32, #tpu.memory_space<any>>) target(%dma_start3A_974 : memref<512x16x64xf32, #tpu.memory_space<vmem>>) target_semaphore(%dma_start3A_969 : memref<!tpu.dma_semaphore, #tpu.memory_space<semaphore_mem>>)
    %dma_wait3A_980 = arith.constant 1 : i32
    %dma_wait3A_981 = arith.constant 0 : i32
    %dma_wait3A_982 = arith.constant 0 : i32
    %dma_wait3A_983 = tpu.memref_slice %arg9[%dma_wait3A_982] : memref<2x!tpu.dma_semaphore, #tpu.memory_space<semaphore_mem>> -> memref<1x!tpu.dma_semaphore, #tpu.memory_space<semaphore_mem>>
    %dma_wait3A_984 = tpu.memref_squeeze %dma_wait3A_983 : memref<1x!tpu.dma_semaphore, #tpu.memory_space<semaphore_mem>> -> memref<!tpu.dma_semaphore, #tpu.memory_space<semaphore_mem>>
    %dma_wait3A_985 = arith.constant 0 : i32
    %dma_wait3A_986 = arith.constant 0 : i32
    %dma_wait3A_987 = arith.constant 0 : i32
    %dma_wait3A_988 = tpu.memref_slice %arg6[%dma_wait3A_981, %dma_wait3A_985, %dma_wait3A_986, %dma_wait3A_987] : memref<2x512x16x128xf32, #tpu.memory_space<vmem>> -> memref<1x512x16x128xf32, #tpu.memory_space<vmem>>
    %dma_wait3A_989 = tpu.memref_squeeze %dma_wait3A_988 : memref<1x512x16x128xf32, #tpu.memory_space<vmem>> -> memref<512x16x128xf32, #tpu.memory_space<vmem>>
    %dma_wait3A_990 = arith.constant 1024 : i32
    %dma_wait3A_991 = arith.constant 0 : i32
    %dma_wait3A_992 = arith.constant 0 : i32
    %dma_wait3A_993 = tpu.memref_slice %arg0[%dma_wait3A_980, %dma_wait3A_990, %dma_wait3A_991, %dma_wait3A_992] : memref<2x2048x16x128xf32, #tpu.memory_space<any>> -> memref<1x512x16x128xf32, #tpu.memory_space<any>>
    %dma_wait3A_994 = tpu.memref_squeeze %dma_wait3A_993 : memref<1x512x16x128xf32, #tpu.memory_space<any>> -> memref<512x16x128xf32, #tpu.memory_space<any>>
    tpu.wait_dma2 semaphore(%dma_wait3A_984 : memref<!tpu.dma_semaphore, #tpu.memory_space<semaphore_mem>>) src(%dma_wait3A_994 : memref<512x16x128xf32, #tpu.memory_space<any>>) dst(%dma_wait3A_989 : memref<512x16x128xf32, #tpu.memory_space<vmem>>)
    %dma_start3A_995 = arith.constant 0 : i32
    %dma_start3A_996 = arith.constant 1 : i32
    %dma_start3A_997 = arith.constant 0 : i32
    %dma_start3A_998 = tpu.memref_slice %arg10[%dma_start3A_997] : memref<2x!tpu.dma_semaphore, #tpu.memory_space<semaphore_mem>> -> memref<1x!tpu.dma_semaphore, #tpu.memory_space<semaphore_mem>>
    %dma_start3A_999 = tpu.memref_squeeze %dma_start3A_998 : memref<1x!tpu.dma_semaphore, #tpu.memory_space<semaphore_mem>> -> memref<!tpu.dma_semaphore, #tpu.memory_space<semaphore_mem>>
    %dma_start3A_1000 = arith.constant 1024 : i32
    %dma_start3A_1001 = arith.constant 0 : i32
    %dma_start3A_1002 = arith.constant 0 : i32
    %dma_start3A_1003 = tpu.memref_slice %arg2[%dma_start3A_996, %dma_start3A_1000, %dma_start3A_1001, %dma_start3A_1002] : memref<2x6144x16x128xf32, #tpu.memory_space<any>> -> memref<1x512x16x128xf32, #tpu.memory_space<any>>
    %dma_start3A_1004 = tpu.memref_squeeze %dma_start3A_1003 : memref<1x512x16x128xf32, #tpu.memory_space<any>> -> memref<512x16x128xf32, #tpu.memory_space<any>>
    %dma_start3A_1005 = arith.constant 0 : i32
    %dma_start3A_1006 = arith.constant 0 : i32
    %dma_start3A_1007 = arith.constant 0 : i32
    %dma_start3A_1008 = tpu.memref_slice %arg6[%dma_start3A_995, %dma_start3A_1005, %dma_start3A_1006, %dma_start3A_1007] : memref<2x512x16x128xf32, #tpu.memory_space<vmem>> -> memref<1x512x16x128xf32, #tpu.memory_space<vmem>>
    %dma_start3A_1009 = tpu.memref_squeeze %dma_start3A_1008 : memref<1x512x16x128xf32, #tpu.memory_space<vmem>> -> memref<512x16x128xf32, #tpu.memory_space<vmem>>
    tpu.enqueue_dma source(%dma_start3A_1009 : memref<512x16x128xf32, #tpu.memory_space<vmem>>) target(%dma_start3A_1004 : memref<512x16x128xf32, #tpu.memory_space<any>>) target_semaphore(%dma_start3A_999 : memref<!tpu.dma_semaphore, #tpu.memory_space<semaphore_mem>>)
    %dma_wait3A_1010 = arith.constant 1 : i32
    %dma_wait3A_1011 = arith.constant 0 : i32
    %dma_wait3A_1012 = arith.constant 1 : i32
    %dma_wait3A_1013 = tpu.memref_slice %arg9[%dma_wait3A_1012] : memref<2x!tpu.dma_semaphore, #tpu.memory_space<semaphore_mem>> -> memref<1x!tpu.dma_semaphore, #tpu.memory_space<semaphore_mem>>
    %dma_wait3A_1014 = tpu.memref_squeeze %dma_wait3A_1013 : memref<1x!tpu.dma_semaphore, #tpu.memory_space<semaphore_mem>> -> memref<!tpu.dma_semaphore, #tpu.memory_space<semaphore_mem>>
    %dma_wait3A_1015 = arith.constant 0 : i32
    %dma_wait3A_1016 = arith.constant 0 : i32
    %dma_wait3A_1017 = arith.constant 0 : i32
    %dma_wait3A_1018 = tpu.memref_slice %arg7[%dma_wait3A_1011, %dma_wait3A_1015, %dma_wait3A_1016, %dma_wait3A_1017] : memref<2x512x16x64xf32, #tpu.memory_space<vmem>> -> memref<1x512x16x64xf32, #tpu.memory_space<vmem>>
    %dma_wait3A_1019 = tpu.memref_squeeze %dma_wait3A_1018 : memref<1x512x16x64xf32, #tpu.memory_space<vmem>> -> memref<512x16x64xf32, #tpu.memory_space<vmem>>
    %dma_wait3A_1020 = arith.constant 1024 : i32
    %dma_wait3A_1021 = arith.constant 0 : i32
    %dma_wait3A_1022 = arith.constant 0 : i32
    %dma_wait3A_1023 = tpu.memref_slice %arg1[%dma_wait3A_1010, %dma_wait3A_1020, %dma_wait3A_1021, %dma_wait3A_1022] : memref<2x2048x16x64xf32, #tpu.memory_space<any>> -> memref<1x512x16x64xf32, #tpu.memory_space<any>>
    %dma_wait3A_1024 = tpu.memref_squeeze %dma_wait3A_1023 : memref<1x512x16x64xf32, #tpu.memory_space<any>> -> memref<512x16x64xf32, #tpu.memory_space<any>>
    tpu.wait_dma2 semaphore(%dma_wait3A_1014 : memref<!tpu.dma_semaphore, #tpu.memory_space<semaphore_mem>>) src(%dma_wait3A_1024 : memref<512x16x64xf32, #tpu.memory_space<any>>) dst(%dma_wait3A_1019 : memref<512x16x64xf32, #tpu.memory_space<vmem>>)
    %dma_start3A_1025 = arith.constant 0 : i32
    %dma_start3A_1026 = arith.constant 1 : i32
    %dma_start3A_1027 = arith.constant 1 : i32
    %dma_start3A_1028 = tpu.memref_slice %arg10[%dma_start3A_1027] : memref<2x!tpu.dma_semaphore, #tpu.memory_space<semaphore_mem>> -> memref<1x!tpu.dma_semaphore, #tpu.memory_space<semaphore_mem>>
    %dma_start3A_1029 = tpu.memref_squeeze %dma_start3A_1028 : memref<1x!tpu.dma_semaphore, #tpu.memory_space<semaphore_mem>> -> memref<!tpu.dma_semaphore, #tpu.memory_space<semaphore_mem>>
    %dma_start3A_1030 = arith.constant 1024 : i32
    %dma_start3A_1031 = arith.constant 0 : i32
    %dma_start3A_1032 = arith.constant 0 : i32
    %dma_start3A_1033 = tpu.memref_slice %arg3[%dma_start3A_1026, %dma_start3A_1030, %dma_start3A_1031, %dma_start3A_1032] : memref<2x6144x16x64xf32, #tpu.memory_space<any>> -> memref<1x512x16x64xf32, #tpu.memory_space<any>>
    %dma_start3A_1034 = tpu.memref_squeeze %dma_start3A_1033 : memref<1x512x16x64xf32, #tpu.memory_space<any>> -> memref<512x16x64xf32, #tpu.memory_space<any>>
    %dma_start3A_1035 = arith.constant 0 : i32
    %dma_start3A_1036 = arith.constant 0 : i32
    %dma_start3A_1037 = arith.constant 0 : i32
    %dma_start3A_1038 = tpu.memref_slice %arg7[%dma_start3A_1025, %dma_start3A_1035, %dma_start3A_1036, %dma_start3A_1037] : memref<2x512x16x64xf32, #tpu.memory_space<vmem>> -> memref<1x512x16x64xf32, #tpu.memory_space<vmem>>
    %dma_start3A_1039 = tpu.memref_squeeze %dma_start3A_1038 : memref<1x512x16x64xf32, #tpu.memory_space<vmem>> -> memref<512x16x64xf32, #tpu.memory_space<vmem>>
    tpu.enqueue_dma source(%dma_start3A_1039 : memref<512x16x64xf32, #tpu.memory_space<vmem>>) target(%dma_start3A_1034 : memref<512x16x64xf32, #tpu.memory_space<any>>) target_semaphore(%dma_start3A_1029 : memref<!tpu.dma_semaphore, #tpu.memory_space<semaphore_mem>>)
    %dma_wait3A_1040 = arith.constant 1 : i32
    %dma_wait3A_1041 = arith.constant 1 : i32
    %dma_wait3A_1042 = arith.constant 0 : i32
    %dma_wait3A_1043 = tpu.memref_slice %arg9[%dma_wait3A_1042] : memref<2x!tpu.dma_semaphore, #tpu.memory_space<semaphore_mem>> -> memref<1x!tpu.dma_semaphore, #tpu.memory_space<semaphore_mem>>
    %dma_wait3A_1044 = tpu.memref_squeeze %dma_wait3A_1043 : memref<1x!tpu.dma_semaphore, #tpu.memory_space<semaphore_mem>> -> memref<!tpu.dma_semaphore, #tpu.memory_space<semaphore_mem>>
    %dma_wait3A_1045 = arith.constant 0 : i32
    %dma_wait3A_1046 = arith.constant 0 : i32
    %dma_wait3A_1047 = arith.constant 0 : i32
    %dma_wait3A_1048 = tpu.memref_slice %arg6[%dma_wait3A_1041, %dma_wait3A_1045, %dma_wait3A_1046, %dma_wait3A_1047] : memref<2x512x16x128xf32, #tpu.memory_space<vmem>> -> memref<1x512x16x128xf32, #tpu.memory_space<vmem>>
    %dma_wait3A_1049 = tpu.memref_squeeze %dma_wait3A_1048 : memref<1x512x16x128xf32, #tpu.memory_space<vmem>> -> memref<512x16x128xf32, #tpu.memory_space<vmem>>
    %dma_wait3A_1050 = arith.constant 1536 : i32
    %dma_wait3A_1051 = arith.constant 0 : i32
    %dma_wait3A_1052 = arith.constant 0 : i32
    %dma_wait3A_1053 = tpu.memref_slice %arg0[%dma_wait3A_1040, %dma_wait3A_1050, %dma_wait3A_1051, %dma_wait3A_1052] : memref<2x2048x16x128xf32, #tpu.memory_space<any>> -> memref<1x512x16x128xf32, #tpu.memory_space<any>>
    %dma_wait3A_1054 = tpu.memref_squeeze %dma_wait3A_1053 : memref<1x512x16x128xf32, #tpu.memory_space<any>> -> memref<512x16x128xf32, #tpu.memory_space<any>>
    tpu.wait_dma2 semaphore(%dma_wait3A_1044 : memref<!tpu.dma_semaphore, #tpu.memory_space<semaphore_mem>>) src(%dma_wait3A_1054 : memref<512x16x128xf32, #tpu.memory_space<any>>) dst(%dma_wait3A_1049 : memref<512x16x128xf32, #tpu.memory_space<vmem>>)
    %dma_start3A_1055 = arith.constant 1 : i32
    %dma_start3A_1056 = arith.constant 1 : i32
    %dma_start3A_1057 = arith.constant 0 : i32
    %dma_start3A_1058 = tpu.memref_slice %arg10[%dma_start3A_1057] : memref<2x!tpu.dma_semaphore, #tpu.memory_space<semaphore_mem>> -> memref<1x!tpu.dma_semaphore, #tpu.memory_space<semaphore_mem>>
    %dma_start3A_1059 = tpu.memref_squeeze %dma_start3A_1058 : memref<1x!tpu.dma_semaphore, #tpu.memory_space<semaphore_mem>> -> memref<!tpu.dma_semaphore, #tpu.memory_space<semaphore_mem>>
    %dma_start3A_1060 = arith.constant 1536 : i32
    %dma_start3A_1061 = arith.constant 0 : i32
    %dma_start3A_1062 = arith.constant 0 : i32
    %dma_start3A_1063 = tpu.memref_slice %arg2[%dma_start3A_1056, %dma_start3A_1060, %dma_start3A_1061, %dma_start3A_1062] : memref<2x6144x16x128xf32, #tpu.memory_space<any>> -> memref<1x512x16x128xf32, #tpu.memory_space<any>>
    %dma_start3A_1064 = tpu.memref_squeeze %dma_start3A_1063 : memref<1x512x16x128xf32, #tpu.memory_space<any>> -> memref<512x16x128xf32, #tpu.memory_space<any>>
    %dma_start3A_1065 = arith.constant 0 : i32
    %dma_start3A_1066 = arith.constant 0 : i32
    %dma_start3A_1067 = arith.constant 0 : i32
    %dma_start3A_1068 = tpu.memref_slice %arg6[%dma_start3A_1055, %dma_start3A_1065, %dma_start3A_1066, %dma_start3A_1067] : memref<2x512x16x128xf32, #tpu.memory_space<vmem>> -> memref<1x512x16x128xf32, #tpu.memory_space<vmem>>
    %dma_start3A_1069 = tpu.memref_squeeze %dma_start3A_1068 : memref<1x512x16x128xf32, #tpu.memory_space<vmem>> -> memref<512x16x128xf32, #tpu.memory_space<vmem>>
    tpu.enqueue_dma source(%dma_start3A_1069 : memref<512x16x128xf32, #tpu.memory_space<vmem>>) target(%dma_start3A_1064 : memref<512x16x128xf32, #tpu.memory_space<any>>) target_semaphore(%dma_start3A_1059 : memref<!tpu.dma_semaphore, #tpu.memory_space<semaphore_mem>>)
    %dma_wait3A_1070 = arith.constant 1 : i32
    %dma_wait3A_1071 = arith.constant 1 : i32
    %dma_wait3A_1072 = arith.constant 1 : i32
    %dma_wait3A_1073 = tpu.memref_slice %arg9[%dma_wait3A_1072] : memref<2x!tpu.dma_semaphore, #tpu.memory_space<semaphore_mem>> -> memref<1x!tpu.dma_semaphore, #tpu.memory_space<semaphore_mem>>
    %dma_wait3A_1074 = tpu.memref_squeeze %dma_wait3A_1073 : memref<1x!tpu.dma_semaphore, #tpu.memory_space<semaphore_mem>> -> memref<!tpu.dma_semaphore, #tpu.memory_space<semaphore_mem>>
    %dma_wait3A_1075 = arith.constant 0 : i32
    %dma_wait3A_1076 = arith.constant 0 : i32
    %dma_wait3A_1077 = arith.constant 0 : i32
    %dma_wait3A_1078 = tpu.memref_slice %arg7[%dma_wait3A_1071, %dma_wait3A_1075, %dma_wait3A_1076, %dma_wait3A_1077] : memref<2x512x16x64xf32, #tpu.memory_space<vmem>> -> memref<1x512x16x64xf32, #tpu.memory_space<vmem>>
    %dma_wait3A_1079 = tpu.memref_squeeze %dma_wait3A_1078 : memref<1x512x16x64xf32, #tpu.memory_space<vmem>> -> memref<512x16x64xf32, #tpu.memory_space<vmem>>
    %dma_wait3A_1080 = arith.constant 1536 : i32
    %dma_wait3A_1081 = arith.constant 0 : i32
    %dma_wait3A_1082 = arith.constant 0 : i32
    %dma_wait3A_1083 = tpu.memref_slice %arg1[%dma_wait3A_1070, %dma_wait3A_1080, %dma_wait3A_1081, %dma_wait3A_1082] : memref<2x2048x16x64xf32, #tpu.memory_space<any>> -> memref<1x512x16x64xf32, #tpu.memory_space<any>>
    %dma_wait3A_1084 = tpu.memref_squeeze %dma_wait3A_1083 : memref<1x512x16x64xf32, #tpu.memory_space<any>> -> memref<512x16x64xf32, #tpu.memory_space<any>>
    tpu.wait_dma2 semaphore(%dma_wait3A_1074 : memref<!tpu.dma_semaphore, #tpu.memory_space<semaphore_mem>>) src(%dma_wait3A_1084 : memref<512x16x64xf32, #tpu.memory_space<any>>) dst(%dma_wait3A_1079 : memref<512x16x64xf32, #tpu.memory_space<vmem>>)
    %dma_start3A_1085 = arith.constant 1 : i32
    %dma_start3A_1086 = arith.constant 1 : i32
    %dma_start3A_1087 = arith.constant 1 : i32
    %dma_start3A_1088 = tpu.memref_slice %arg10[%dma_start3A_1087] : memref<2x!tpu.dma_semaphore, #tpu.memory_space<semaphore_mem>> -> memref<1x!tpu.dma_semaphore, #tpu.memory_space<semaphore_mem>>
    %dma_start3A_1089 = tpu.memref_squeeze %dma_start3A_1088 : memref<1x!tpu.dma_semaphore, #tpu.memory_space<semaphore_mem>> -> memref<!tpu.dma_semaphore, #tpu.memory_space<semaphore_mem>>
    %dma_start3A_1090 = arith.constant 1536 : i32
    %dma_start3A_1091 = arith.constant 0 : i32
    %dma_start3A_1092 = arith.constant 0 : i32
    %dma_start3A_1093 = tpu.memref_slice %arg3[%dma_start3A_1086, %dma_start3A_1090, %dma_start3A_1091, %dma_start3A_1092] : memref<2x6144x16x64xf32, #tpu.memory_space<any>> -> memref<1x512x16x64xf32, #tpu.memory_space<any>>
    %dma_start3A_1094 = tpu.memref_squeeze %dma_start3A_1093 : memref<1x512x16x64xf32, #tpu.memory_space<any>> -> memref<512x16x64xf32, #tpu.memory_space<any>>
    %dma_start3A_1095 = arith.constant 0 : i32
    %dma_start3A_1096 = arith.constant 0 : i32
    %dma_start3A_1097 = arith.constant 0 : i32
    %dma_start3A_1098 = tpu.memref_slice %arg7[%dma_start3A_1085, %dma_start3A_1095, %dma_start3A_1096, %dma_start3A_1097] : memref<2x512x16x64xf32, #tpu.memory_space<vmem>> -> memref<1x512x16x64xf32, #tpu.memory_space<vmem>>
    %dma_start3A_1099 = tpu.memref_squeeze %dma_start3A_1098 : memref<1x512x16x64xf32, #tpu.memory_space<vmem>> -> memref<512x16x64xf32, #tpu.memory_space<vmem>>
    tpu.enqueue_dma source(%dma_start3A_1099 : memref<512x16x64xf32, #tpu.memory_space<vmem>>) target(%dma_start3A_1094 : memref<512x16x64xf32, #tpu.memory_space<any>>) target_semaphore(%dma_start3A_1089 : memref<!tpu.dma_semaphore, #tpu.memory_space<semaphore_mem>>)
    %dma_wait3A_1100 = arith.constant 0 : i32
    %dma_wait3A_1101 = arith.constant 1 : i32
    %dma_wait3A_1102 = arith.constant 0 : i32
    %dma_wait3A_1103 = tpu.memref_slice %arg10[%dma_wait3A_1102] : memref<2x!tpu.dma_semaphore, #tpu.memory_space<semaphore_mem>> -> memref<1x!tpu.dma_semaphore, #tpu.memory_space<semaphore_mem>>
    %dma_wait3A_1104 = tpu.memref_squeeze %dma_wait3A_1103 : memref<1x!tpu.dma_semaphore, #tpu.memory_space<semaphore_mem>> -> memref<!tpu.dma_semaphore, #tpu.memory_space<semaphore_mem>>
    %dma_wait3A_1105 = arith.constant 1024 : i32
    %dma_wait3A_1106 = arith.constant 0 : i32
    %dma_wait3A_1107 = arith.constant 0 : i32
    %dma_wait3A_1108 = tpu.memref_slice %arg2[%dma_wait3A_1101, %dma_wait3A_1105, %dma_wait3A_1106, %dma_wait3A_1107] : memref<2x6144x16x128xf32, #tpu.memory_space<any>> -> memref<1x512x16x128xf32, #tpu.memory_space<any>>
    %dma_wait3A_1109 = tpu.memref_squeeze %dma_wait3A_1108 : memref<1x512x16x128xf32, #tpu.memory_space<any>> -> memref<512x16x128xf32, #tpu.memory_space<any>>
    %dma_wait3A_1110 = arith.constant 0 : i32
    %dma_wait3A_1111 = arith.constant 0 : i32
    %dma_wait3A_1112 = arith.constant 0 : i32
    %dma_wait3A_1113 = tpu.memref_slice %arg6[%dma_wait3A_1100, %dma_wait3A_1110, %dma_wait3A_1111, %dma_wait3A_1112] : memref<2x512x16x128xf32, #tpu.memory_space<vmem>> -> memref<1x512x16x128xf32, #tpu.memory_space<vmem>>
    %dma_wait3A_1114 = tpu.memref_squeeze %dma_wait3A_1113 : memref<1x512x16x128xf32, #tpu.memory_space<vmem>> -> memref<512x16x128xf32, #tpu.memory_space<vmem>>
    tpu.wait_dma2 semaphore(%dma_wait3A_1104 : memref<!tpu.dma_semaphore, #tpu.memory_space<semaphore_mem>>) src(%dma_wait3A_1114 : memref<512x16x128xf32, #tpu.memory_space<vmem>>) dst(%dma_wait3A_1109 : memref<512x16x128xf32, #tpu.memory_space<any>>)
    %dma_wait3A_1115 = arith.constant 1 : i32
    %dma_wait3A_1116 = arith.constant 1 : i32
    %dma_wait3A_1117 = arith.constant 0 : i32
    %dma_wait3A_1118 = tpu.memref_slice %arg10[%dma_wait3A_1117] : memref<2x!tpu.dma_semaphore, #tpu.memory_space<semaphore_mem>> -> memref<1x!tpu.dma_semaphore, #tpu.memory_space<semaphore_mem>>
    %dma_wait3A_1119 = tpu.memref_squeeze %dma_wait3A_1118 : memref<1x!tpu.dma_semaphore, #tpu.memory_space<semaphore_mem>> -> memref<!tpu.dma_semaphore, #tpu.memory_space<semaphore_mem>>
    %dma_wait3A_1120 = arith.constant 1536 : i32
    %dma_wait3A_1121 = arith.constant 0 : i32
    %dma_wait3A_1122 = arith.constant 0 : i32
    %dma_wait3A_1123 = tpu.memref_slice %arg2[%dma_wait3A_1116, %dma_wait3A_1120, %dma_wait3A_1121, %dma_wait3A_1122] : memref<2x6144x16x128xf32, #tpu.memory_space<any>> -> memref<1x512x16x128xf32, #tpu.memory_space<any>>
    %dma_wait3A_1124 = tpu.memref_squeeze %dma_wait3A_1123 : memref<1x512x16x128xf32, #tpu.memory_space<any>> -> memref<512x16x128xf32, #tpu.memory_space<any>>
    %dma_wait3A_1125 = arith.constant 0 : i32
    %dma_wait3A_1126 = arith.constant 0 : i32
    %dma_wait3A_1127 = arith.constant 0 : i32
    %dma_wait3A_1128 = tpu.memref_slice %arg6[%dma_wait3A_1115, %dma_wait3A_1125, %dma_wait3A_1126, %dma_wait3A_1127] : memref<2x512x16x128xf32, #tpu.memory_space<vmem>> -> memref<1x512x16x128xf32, #tpu.memory_space<vmem>>
    %dma_wait3A_1129 = tpu.memref_squeeze %dma_wait3A_1128 : memref<1x512x16x128xf32, #tpu.memory_space<vmem>> -> memref<512x16x128xf32, #tpu.memory_space<vmem>>
    tpu.wait_dma2 semaphore(%dma_wait3A_1119 : memref<!tpu.dma_semaphore, #tpu.memory_space<semaphore_mem>>) src(%dma_wait3A_1129 : memref<512x16x128xf32, #tpu.memory_space<vmem>>) dst(%dma_wait3A_1124 : memref<512x16x128xf32, #tpu.memory_space<any>>)
    %dma_wait3A_1130 = arith.constant 0 : i32
    %dma_wait3A_1131 = arith.constant 1 : i32
    %dma_wait3A_1132 = arith.constant 1 : i32
    %dma_wait3A_1133 = tpu.memref_slice %arg10[%dma_wait3A_1132] : memref<2x!tpu.dma_semaphore, #tpu.memory_space<semaphore_mem>> -> memref<1x!tpu.dma_semaphore, #tpu.memory_space<semaphore_mem>>
    %dma_wait3A_1134 = tpu.memref_squeeze %dma_wait3A_1133 : memref<1x!tpu.dma_semaphore, #tpu.memory_space<semaphore_mem>> -> memref<!tpu.dma_semaphore, #tpu.memory_space<semaphore_mem>>
    %dma_wait3A_1135 = arith.constant 1024 : i32
    %dma_wait3A_1136 = arith.constant 0 : i32
    %dma_wait3A_1137 = arith.constant 0 : i32
    %dma_wait3A_1138 = tpu.memref_slice %arg3[%dma_wait3A_1131, %dma_wait3A_1135, %dma_wait3A_1136, %dma_wait3A_1137] : memref<2x6144x16x64xf32, #tpu.memory_space<any>> -> memref<1x512x16x64xf32, #tpu.memory_space<any>>
    %dma_wait3A_1139 = tpu.memref_squeeze %dma_wait3A_1138 : memref<1x512x16x64xf32, #tpu.memory_space<any>> -> memref<512x16x64xf32, #tpu.memory_space<any>>
    %dma_wait3A_1140 = arith.constant 0 : i32
    %dma_wait3A_1141 = arith.constant 0 : i32
    %dma_wait3A_1142 = arith.constant 0 : i32
    %dma_wait3A_1143 = tpu.memref_slice %arg7[%dma_wait3A_1130, %dma_wait3A_1140, %dma_wait3A_1141, %dma_wait3A_1142] : memref<2x512x16x64xf32, #tpu.memory_space<vmem>> -> memref<1x512x16x64xf32, #tpu.memory_space<vmem>>
    %dma_wait3A_1144 = tpu.memref_squeeze %dma_wait3A_1143 : memref<1x512x16x64xf32, #tpu.memory_space<vmem>> -> memref<512x16x64xf32, #tpu.memory_space<vmem>>
    tpu.wait_dma2 semaphore(%dma_wait3A_1134 : memref<!tpu.dma_semaphore, #tpu.memory_space<semaphore_mem>>) src(%dma_wait3A_1144 : memref<512x16x64xf32, #tpu.memory_space<vmem>>) dst(%dma_wait3A_1139 : memref<512x16x64xf32, #tpu.memory_space<any>>)
    %dma_wait3A_1145 = arith.constant 1 : i32
    %dma_wait3A_1146 = arith.constant 1 : i32
    %dma_wait3A_1147 = arith.constant 1 : i32
    %dma_wait3A_1148 = tpu.memref_slice %arg10[%dma_wait3A_1147] : memref<2x!tpu.dma_semaphore, #tpu.memory_space<semaphore_mem>> -> memref<1x!tpu.dma_semaphore, #tpu.memory_space<semaphore_mem>>
    %dma_wait3A_1149 = tpu.memref_squeeze %dma_wait3A_1148 : memref<1x!tpu.dma_semaphore, #tpu.memory_space<semaphore_mem>> -> memref<!tpu.dma_semaphore, #tpu.memory_space<semaphore_mem>>
    %dma_wait3A_1150 = arith.constant 1536 : i32
    %dma_wait3A_1151 = arith.constant 0 : i32
    %dma_wait3A_1152 = arith.constant 0 : i32
    %dma_wait3A_1153 = tpu.memref_slice %arg3[%dma_wait3A_1146, %dma_wait3A_1150, %dma_wait3A_1151, %dma_wait3A_1152] : memref<2x6144x16x64xf32, #tpu.memory_space<any>> -> memref<1x512x16x64xf32, #tpu.memory_space<any>>
    %dma_wait3A_1154 = tpu.memref_squeeze %dma_wait3A_1153 : memref<1x512x16x64xf32, #tpu.memory_space<any>> -> memref<512x16x64xf32, #tpu.memory_space<any>>
    %dma_wait3A_1155 = arith.constant 0 : i32
    %dma_wait3A_1156 = arith.constant 0 : i32
    %dma_wait3A_1157 = arith.constant 0 : i32
    %dma_wait3A_1158 = tpu.memref_slice %arg7[%dma_wait3A_1145, %dma_wait3A_1155, %dma_wait3A_1156, %dma_wait3A_1157] : memref<2x512x16x64xf32, #tpu.memory_space<vmem>> -> memref<1x512x16x64xf32, #tpu.memory_space<vmem>>
    %dma_wait3A_1159 = tpu.memref_squeeze %dma_wait3A_1158 : memref<1x512x16x64xf32, #tpu.memory_space<vmem>> -> memref<512x16x64xf32, #tpu.memory_space<vmem>>
    tpu.wait_dma2 semaphore(%dma_wait3A_1149 : memref<!tpu.dma_semaphore, #tpu.memory_space<semaphore_mem>>) src(%dma_wait3A_1159 : memref<512x16x64xf32, #tpu.memory_space<vmem>>) dst(%dma_wait3A_1154 : memref<512x16x64xf32, #tpu.memory_space<any>>)
    %dma_wait3A_1160 = arith.constant 0 : i32
    %dma_wait3A_1161 = arith.constant 2048 : i32
    %dma_wait3A_1162 = arith.constant 0 : i32
    %dma_wait3A_1163 = arith.constant 0 : i32
    %dma_wait3A_1164 = tpu.memref_slice %arg2[%dma_wait3A_1160, %dma_wait3A_1161, %dma_wait3A_1162, %dma_wait3A_1163] : memref<2x6144x16x128xf32, #tpu.memory_space<any>> -> memref<1x512x16x128xf32, #tpu.memory_space<any>>
    %dma_wait3A_1165 = tpu.memref_squeeze %dma_wait3A_1164 : memref<1x512x16x128xf32, #tpu.memory_space<any>> -> memref<512x16x128xf32, #tpu.memory_space<any>>
    tpu.wait_dma2 semaphore(%arg8 : memref<!tpu.dma_semaphore, #tpu.memory_space<semaphore_mem>>) src(%arg4 : memref<512x16x128xf32, #tpu.memory_space<vmem>>) dst(%dma_wait3A_1165 : memref<512x16x128xf32, #tpu.memory_space<any>>)
    %dma_wait3A_1166 = arith.constant 0 : i32
    %dma_wait3A_1167 = arith.constant 2048 : i32
    %dma_wait3A_1168 = arith.constant 0 : i32
    %dma_wait3A_1169 = arith.constant 0 : i32
    %dma_wait3A_1170 = tpu.memref_slice %arg3[%dma_wait3A_1166, %dma_wait3A_1167, %dma_wait3A_1168, %dma_wait3A_1169] : memref<2x6144x16x64xf32, #tpu.memory_space<any>> -> memref<1x512x16x64xf32, #tpu.memory_space<any>>
    %dma_wait3A_1171 = tpu.memref_squeeze %dma_wait3A_1170 : memref<1x512x16x64xf32, #tpu.memory_space<any>> -> memref<512x16x64xf32, #tpu.memory_space<any>>
    tpu.wait_dma2 semaphore(%arg8 : memref<!tpu.dma_semaphore, #tpu.memory_space<semaphore_mem>>) src(%arg5 : memref<512x16x64xf32, #tpu.memory_space<vmem>>) dst(%dma_wait3A_1171 : memref<512x16x64xf32, #tpu.memory_space<any>>)
    %dma_wait3A_1172 = arith.constant 0 : i32
    %dma_wait3A_1173 = arith.constant 2560 : i32
    %dma_wait3A_1174 = arith.constant 0 : i32
    %dma_wait3A_1175 = arith.constant 0 : i32
    %dma_wait3A_1176 = tpu.memref_slice %arg2[%dma_wait3A_1172, %dma_wait3A_1173, %dma_wait3A_1174, %dma_wait3A_1175] : memref<2x6144x16x128xf32, #tpu.memory_space<any>> -> memref<1x512x16x128xf32, #tpu.memory_space<any>>
    %dma_wait3A_1177 = tpu.memref_squeeze %dma_wait3A_1176 : memref<1x512x16x128xf32, #tpu.memory_space<any>> -> memref<512x16x128xf32, #tpu.memory_space<any>>
    tpu.wait_dma2 semaphore(%arg8 : memref<!tpu.dma_semaphore, #tpu.memory_space<semaphore_mem>>) src(%arg4 : memref<512x16x128xf32, #tpu.memory_space<vmem>>) dst(%dma_wait3A_1177 : memref<512x16x128xf32, #tpu.memory_space<any>>)
    %dma_wait3A_1178 = arith.constant 0 : i32
    %dma_wait3A_1179 = arith.constant 2560 : i32
    %dma_wait3A_1180 = arith.constant 0 : i32
    %dma_wait3A_1181 = arith.constant 0 : i32
    %dma_wait3A_1182 = tpu.memref_slice %arg3[%dma_wait3A_1178, %dma_wait3A_1179, %dma_wait3A_1180, %dma_wait3A_1181] : memref<2x6144x16x64xf32, #tpu.memory_space<any>> -> memref<1x512x16x64xf32, #tpu.memory_space<any>>
    %dma_wait3A_1183 = tpu.memref_squeeze %dma_wait3A_1182 : memref<1x512x16x64xf32, #tpu.memory_space<any>> -> memref<512x16x64xf32, #tpu.memory_space<any>>
    tpu.wait_dma2 semaphore(%arg8 : memref<!tpu.dma_semaphore, #tpu.memory_space<semaphore_mem>>) src(%arg5 : memref<512x16x64xf32, #tpu.memory_space<vmem>>) dst(%dma_wait3A_1183 : memref<512x16x64xf32, #tpu.memory_space<any>>)
    %dma_wait3A_1184 = arith.constant 0 : i32
    %dma_wait3A_1185 = arith.constant 3072 : i32
    %dma_wait3A_1186 = arith.constant 0 : i32
    %dma_wait3A_1187 = arith.constant 0 : i32
    %dma_wait3A_1188 = tpu.memref_slice %arg2[%dma_wait3A_1184, %dma_wait3A_1185, %dma_wait3A_1186, %dma_wait3A_1187] : memref<2x6144x16x128xf32, #tpu.memory_space<any>> -> memref<1x512x16x128xf32, #tpu.memory_space<any>>
    %dma_wait3A_1189 = tpu.memref_squeeze %dma_wait3A_1188 : memref<1x512x16x128xf32, #tpu.memory_space<any>> -> memref<512x16x128xf32, #tpu.memory_space<any>>
    tpu.wait_dma2 semaphore(%arg8 : memref<!tpu.dma_semaphore, #tpu.memory_space<semaphore_mem>>) src(%arg4 : memref<512x16x128xf32, #tpu.memory_space<vmem>>) dst(%dma_wait3A_1189 : memref<512x16x128xf32, #tpu.memory_space<any>>)
    %dma_wait3A_1190 = arith.constant 0 : i32
    %dma_wait3A_1191 = arith.constant 3072 : i32
    %dma_wait3A_1192 = arith.constant 0 : i32
    %dma_wait3A_1193 = arith.constant 0 : i32
    %dma_wait3A_1194 = tpu.memref_slice %arg3[%dma_wait3A_1190, %dma_wait3A_1191, %dma_wait3A_1192, %dma_wait3A_1193] : memref<2x6144x16x64xf32, #tpu.memory_space<any>> -> memref<1x512x16x64xf32, #tpu.memory_space<any>>
    %dma_wait3A_1195 = tpu.memref_squeeze %dma_wait3A_1194 : memref<1x512x16x64xf32, #tpu.memory_space<any>> -> memref<512x16x64xf32, #tpu.memory_space<any>>
    tpu.wait_dma2 semaphore(%arg8 : memref<!tpu.dma_semaphore, #tpu.memory_space<semaphore_mem>>) src(%arg5 : memref<512x16x64xf32, #tpu.memory_space<vmem>>) dst(%dma_wait3A_1195 : memref<512x16x64xf32, #tpu.memory_space<any>>)
    %dma_wait3A_1196 = arith.constant 0 : i32
    %dma_wait3A_1197 = arith.constant 3584 : i32
    %dma_wait3A_1198 = arith.constant 0 : i32
    %dma_wait3A_1199 = arith.constant 0 : i32
    %dma_wait3A_1200 = tpu.memref_slice %arg2[%dma_wait3A_1196, %dma_wait3A_1197, %dma_wait3A_1198, %dma_wait3A_1199] : memref<2x6144x16x128xf32, #tpu.memory_space<any>> -> memref<1x512x16x128xf32, #tpu.memory_space<any>>
    %dma_wait3A_1201 = tpu.memref_squeeze %dma_wait3A_1200 : memref<1x512x16x128xf32, #tpu.memory_space<any>> -> memref<512x16x128xf32, #tpu.memory_space<any>>
    tpu.wait_dma2 semaphore(%arg8 : memref<!tpu.dma_semaphore, #tpu.memory_space<semaphore_mem>>) src(%arg4 : memref<512x16x128xf32, #tpu.memory_space<vmem>>) dst(%dma_wait3A_1201 : memref<512x16x128xf32, #tpu.memory_space<any>>)
    %dma_wait3A_1202 = arith.constant 0 : i32
    %dma_wait3A_1203 = arith.constant 3584 : i32
    %dma_wait3A_1204 = arith.constant 0 : i32
    %dma_wait3A_1205 = arith.constant 0 : i32
    %dma_wait3A_1206 = tpu.memref_slice %arg3[%dma_wait3A_1202, %dma_wait3A_1203, %dma_wait3A_1204, %dma_wait3A_1205] : memref<2x6144x16x64xf32, #tpu.memory_space<any>> -> memref<1x512x16x64xf32, #tpu.memory_space<any>>
    %dma_wait3A_1207 = tpu.memref_squeeze %dma_wait3A_1206 : memref<1x512x16x64xf32, #tpu.memory_space<any>> -> memref<512x16x64xf32, #tpu.memory_space<any>>
    tpu.wait_dma2 semaphore(%arg8 : memref<!tpu.dma_semaphore, #tpu.memory_space<semaphore_mem>>) src(%arg5 : memref<512x16x64xf32, #tpu.memory_space<vmem>>) dst(%dma_wait3A_1207 : memref<512x16x64xf32, #tpu.memory_space<any>>)
    %dma_wait3A_1208 = arith.constant 0 : i32
    %dma_wait3A_1209 = arith.constant 4096 : i32
    %dma_wait3A_1210 = arith.constant 0 : i32
    %dma_wait3A_1211 = arith.constant 0 : i32
    %dma_wait3A_1212 = tpu.memref_slice %arg2[%dma_wait3A_1208, %dma_wait3A_1209, %dma_wait3A_1210, %dma_wait3A_1211] : memref<2x6144x16x128xf32, #tpu.memory_space<any>> -> memref<1x512x16x128xf32, #tpu.memory_space<any>>
    %dma_wait3A_1213 = tpu.memref_squeeze %dma_wait3A_1212 : memref<1x512x16x128xf32, #tpu.memory_space<any>> -> memref<512x16x128xf32, #tpu.memory_space<any>>
    tpu.wait_dma2 semaphore(%arg8 : memref<!tpu.dma_semaphore, #tpu.memory_space<semaphore_mem>>) src(%arg4 : memref<512x16x128xf32, #tpu.memory_space<vmem>>) dst(%dma_wait3A_1213 : memref<512x16x128xf32, #tpu.memory_space<any>>)
    %dma_wait3A_1214 = arith.constant 0 : i32
    %dma_wait3A_1215 = arith.constant 4096 : i32
    %dma_wait3A_1216 = arith.constant 0 : i32
    %dma_wait3A_1217 = arith.constant 0 : i32
    %dma_wait3A_1218 = tpu.memref_slice %arg3[%dma_wait3A_1214, %dma_wait3A_1215, %dma_wait3A_1216, %dma_wait3A_1217] : memref<2x6144x16x64xf32, #tpu.memory_space<any>> -> memref<1x512x16x64xf32, #tpu.memory_space<any>>
    %dma_wait3A_1219 = tpu.memref_squeeze %dma_wait3A_1218 : memref<1x512x16x64xf32, #tpu.memory_space<any>> -> memref<512x16x64xf32, #tpu.memory_space<any>>
    tpu.wait_dma2 semaphore(%arg8 : memref<!tpu.dma_semaphore, #tpu.memory_space<semaphore_mem>>) src(%arg5 : memref<512x16x64xf32, #tpu.memory_space<vmem>>) dst(%dma_wait3A_1219 : memref<512x16x64xf32, #tpu.memory_space<any>>)
    %dma_wait3A_1220 = arith.constant 0 : i32
    %dma_wait3A_1221 = arith.constant 4608 : i32
    %dma_wait3A_1222 = arith.constant 0 : i32
    %dma_wait3A_1223 = arith.constant 0 : i32
    %dma_wait3A_1224 = tpu.memref_slice %arg2[%dma_wait3A_1220, %dma_wait3A_1221, %dma_wait3A_1222, %dma_wait3A_1223] : memref<2x6144x16x128xf32, #tpu.memory_space<any>> -> memref<1x512x16x128xf32, #tpu.memory_space<any>>
    %dma_wait3A_1225 = tpu.memref_squeeze %dma_wait3A_1224 : memref<1x512x16x128xf32, #tpu.memory_space<any>> -> memref<512x16x128xf32, #tpu.memory_space<any>>
    tpu.wait_dma2 semaphore(%arg8 : memref<!tpu.dma_semaphore, #tpu.memory_space<semaphore_mem>>) src(%arg4 : memref<512x16x128xf32, #tpu.memory_space<vmem>>) dst(%dma_wait3A_1225 : memref<512x16x128xf32, #tpu.memory_space<any>>)
    %dma_wait3A_1226 = arith.constant 0 : i32
    %dma_wait3A_1227 = arith.constant 4608 : i32
    %dma_wait3A_1228 = arith.constant 0 : i32
    %dma_wait3A_1229 = arith.constant 0 : i32
    %dma_wait3A_1230 = tpu.memref_slice %arg3[%dma_wait3A_1226, %dma_wait3A_1227, %dma_wait3A_1228, %dma_wait3A_1229] : memref<2x6144x16x64xf32, #tpu.memory_space<any>> -> memref<1x512x16x64xf32, #tpu.memory_space<any>>
    %dma_wait3A_1231 = tpu.memref_squeeze %dma_wait3A_1230 : memref<1x512x16x64xf32, #tpu.memory_space<any>> -> memref<512x16x64xf32, #tpu.memory_space<any>>
    tpu.wait_dma2 semaphore(%arg8 : memref<!tpu.dma_semaphore, #tpu.memory_space<semaphore_mem>>) src(%arg5 : memref<512x16x64xf32, #tpu.memory_space<vmem>>) dst(%dma_wait3A_1231 : memref<512x16x64xf32, #tpu.memory_space<any>>)
    %dma_wait3A_1232 = arith.constant 0 : i32
    %dma_wait3A_1233 = arith.constant 5120 : i32
    %dma_wait3A_1234 = arith.constant 0 : i32
    %dma_wait3A_1235 = arith.constant 0 : i32
    %dma_wait3A_1236 = tpu.memref_slice %arg2[%dma_wait3A_1232, %dma_wait3A_1233, %dma_wait3A_1234, %dma_wait3A_1235] : memref<2x6144x16x128xf32, #tpu.memory_space<any>> -> memref<1x512x16x128xf32, #tpu.memory_space<any>>
    %dma_wait3A_1237 = tpu.memref_squeeze %dma_wait3A_1236 : memref<1x512x16x128xf32, #tpu.memory_space<any>> -> memref<512x16x128xf32, #tpu.memory_space<any>>
    tpu.wait_dma2 semaphore(%arg8 : memref<!tpu.dma_semaphore, #tpu.memory_space<semaphore_mem>>) src(%arg4 : memref<512x16x128xf32, #tpu.memory_space<vmem>>) dst(%dma_wait3A_1237 : memref<512x16x128xf32, #tpu.memory_space<any>>)
    %dma_wait3A_1238 = arith.constant 0 : i32
    %dma_wait3A_1239 = arith.constant 5120 : i32
    %dma_wait3A_1240 = arith.constant 0 : i32
    %dma_wait3A_1241 = arith.constant 0 : i32
    %dma_wait3A_1242 = tpu.memref_slice %arg3[%dma_wait3A_1238, %dma_wait3A_1239, %dma_wait3A_1240, %dma_wait3A_1241] : memref<2x6144x16x64xf32, #tpu.memory_space<any>> -> memref<1x512x16x64xf32, #tpu.memory_space<any>>
    %dma_wait3A_1243 = tpu.memref_squeeze %dma_wait3A_1242 : memref<1x512x16x64xf32, #tpu.memory_space<any>> -> memref<512x16x64xf32, #tpu.memory_space<any>>
    tpu.wait_dma2 semaphore(%arg8 : memref<!tpu.dma_semaphore, #tpu.memory_space<semaphore_mem>>) src(%arg5 : memref<512x16x64xf32, #tpu.memory_space<vmem>>) dst(%dma_wait3A_1243 : memref<512x16x64xf32, #tpu.memory_space<any>>)
    %dma_wait3A_1244 = arith.constant 0 : i32
    %dma_wait3A_1245 = arith.constant 5632 : i32
    %dma_wait3A_1246 = arith.constant 0 : i32
    %dma_wait3A_1247 = arith.constant 0 : i32
    %dma_wait3A_1248 = tpu.memref_slice %arg2[%dma_wait3A_1244, %dma_wait3A_1245, %dma_wait3A_1246, %dma_wait3A_1247] : memref<2x6144x16x128xf32, #tpu.memory_space<any>> -> memref<1x512x16x128xf32, #tpu.memory_space<any>>
    %dma_wait3A_1249 = tpu.memref_squeeze %dma_wait3A_1248 : memref<1x512x16x128xf32, #tpu.memory_space<any>> -> memref<512x16x128xf32, #tpu.memory_space<any>>
    tpu.wait_dma2 semaphore(%arg8 : memref<!tpu.dma_semaphore, #tpu.memory_space<semaphore_mem>>) src(%arg4 : memref<512x16x128xf32, #tpu.memory_space<vmem>>) dst(%dma_wait3A_1249 : memref<512x16x128xf32, #tpu.memory_space<any>>)
    %dma_wait3A_1250 = arith.constant 0 : i32
    %dma_wait3A_1251 = arith.constant 5632 : i32
    %dma_wait3A_1252 = arith.constant 0 : i32
    %dma_wait3A_1253 = arith.constant 0 : i32
    %dma_wait3A_1254 = tpu.memref_slice %arg3[%dma_wait3A_1250, %dma_wait3A_1251, %dma_wait3A_1252, %dma_wait3A_1253] : memref<2x6144x16x64xf32, #tpu.memory_space<any>> -> memref<1x512x16x64xf32, #tpu.memory_space<any>>
    %dma_wait3A_1255 = tpu.memref_squeeze %dma_wait3A_1254 : memref<1x512x16x64xf32, #tpu.memory_space<any>> -> memref<512x16x64xf32, #tpu.memory_space<any>>
    tpu.wait_dma2 semaphore(%arg8 : memref<!tpu.dma_semaphore, #tpu.memory_space<semaphore_mem>>) src(%arg5 : memref<512x16x64xf32, #tpu.memory_space<vmem>>) dst(%dma_wait3A_1255 : memref<512x16x64xf32, #tpu.memory_space<any>>)
    %dma_wait3A_1256 = arith.constant 1 : i32
    %dma_wait3A_1257 = arith.constant 2048 : i32
    %dma_wait3A_1258 = arith.constant 0 : i32
    %dma_wait3A_1259 = arith.constant 0 : i32
    %dma_wait3A_1260 = tpu.memref_slice %arg2[%dma_wait3A_1256, %dma_wait3A_1257, %dma_wait3A_1258, %dma_wait3A_1259] : memref<2x6144x16x128xf32, #tpu.memory_space<any>> -> memref<1x512x16x128xf32, #tpu.memory_space<any>>
    %dma_wait3A_1261 = tpu.memref_squeeze %dma_wait3A_1260 : memref<1x512x16x128xf32, #tpu.memory_space<any>> -> memref<512x16x128xf32, #tpu.memory_space<any>>
    tpu.wait_dma2 semaphore(%arg8 : memref<!tpu.dma_semaphore, #tpu.memory_space<semaphore_mem>>) src(%arg4 : memref<512x16x128xf32, #tpu.memory_space<vmem>>) dst(%dma_wait3A_1261 : memref<512x16x128xf32, #tpu.memory_space<any>>)
    %dma_wait3A_1262 = arith.constant 1 : i32
    %dma_wait3A_1263 = arith.constant 2048 : i32
    %dma_wait3A_1264 = arith.constant 0 : i32
    %dma_wait3A_1265 = arith.constant 0 : i32
    %dma_wait3A_1266 = tpu.memref_slice %arg3[%dma_wait3A_1262, %dma_wait3A_1263, %dma_wait3A_1264, %dma_wait3A_1265] : memref<2x6144x16x64xf32, #tpu.memory_space<any>> -> memref<1x512x16x64xf32, #tpu.memory_space<any>>
    %dma_wait3A_1267 = tpu.memref_squeeze %dma_wait3A_1266 : memref<1x512x16x64xf32, #tpu.memory_space<any>> -> memref<512x16x64xf32, #tpu.memory_space<any>>
    tpu.wait_dma2 semaphore(%arg8 : memref<!tpu.dma_semaphore, #tpu.memory_space<semaphore_mem>>) src(%arg5 : memref<512x16x64xf32, #tpu.memory_space<vmem>>) dst(%dma_wait3A_1267 : memref<512x16x64xf32, #tpu.memory_space<any>>)
    %dma_wait3A_1268 = arith.constant 1 : i32
    %dma_wait3A_1269 = arith.constant 2560 : i32
    %dma_wait3A_1270 = arith.constant 0 : i32
    %dma_wait3A_1271 = arith.constant 0 : i32
    %dma_wait3A_1272 = tpu.memref_slice %arg2[%dma_wait3A_1268, %dma_wait3A_1269, %dma_wait3A_1270, %dma_wait3A_1271] : memref<2x6144x16x128xf32, #tpu.memory_space<any>> -> memref<1x512x16x128xf32, #tpu.memory_space<any>>
    %dma_wait3A_1273 = tpu.memref_squeeze %dma_wait3A_1272 : memref<1x512x16x128xf32, #tpu.memory_space<any>> -> memref<512x16x128xf32, #tpu.memory_space<any>>
    tpu.wait_dma2 semaphore(%arg8 : memref<!tpu.dma_semaphore, #tpu.memory_space<semaphore_mem>>) src(%arg4 : memref<512x16x128xf32, #tpu.memory_space<vmem>>) dst(%dma_wait3A_1273 : memref<512x16x128xf32, #tpu.memory_space<any>>)
    %dma_wait3A_1274 = arith.constant 1 : i32
    %dma_wait3A_1275 = arith.constant 2560 : i32
    %dma_wait3A_1276 = arith.constant 0 : i32
    %dma_wait3A_1277 = arith.constant 0 : i32
    %dma_wait3A_1278 = tpu.memref_slice %arg3[%dma_wait3A_1274, %dma_wait3A_1275, %dma_wait3A_1276, %dma_wait3A_1277] : memref<2x6144x16x64xf32, #tpu.memory_space<any>> -> memref<1x512x16x64xf32, #tpu.memory_space<any>>
    %dma_wait3A_1279 = tpu.memref_squeeze %dma_wait3A_1278 : memref<1x512x16x64xf32, #tpu.memory_space<any>> -> memref<512x16x64xf32, #tpu.memory_space<any>>
    tpu.wait_dma2 semaphore(%arg8 : memref<!tpu.dma_semaphore, #tpu.memory_space<semaphore_mem>>) src(%arg5 : memref<512x16x64xf32, #tpu.memory_space<vmem>>) dst(%dma_wait3A_1279 : memref<512x16x64xf32, #tpu.memory_space<any>>)
    %dma_wait3A_1280 = arith.constant 1 : i32
    %dma_wait3A_1281 = arith.constant 3072 : i32
    %dma_wait3A_1282 = arith.constant 0 : i32
    %dma_wait3A_1283 = arith.constant 0 : i32
    %dma_wait3A_1284 = tpu.memref_slice %arg2[%dma_wait3A_1280, %dma_wait3A_1281, %dma_wait3A_1282, %dma_wait3A_1283] : memref<2x6144x16x128xf32, #tpu.memory_space<any>> -> memref<1x512x16x128xf32, #tpu.memory_space<any>>
    %dma_wait3A_1285 = tpu.memref_squeeze %dma_wait3A_1284 : memref<1x512x16x128xf32, #tpu.memory_space<any>> -> memref<512x16x128xf32, #tpu.memory_space<any>>
    tpu.wait_dma2 semaphore(%arg8 : memref<!tpu.dma_semaphore, #tpu.memory_space<semaphore_mem>>) src(%arg4 : memref<512x16x128xf32, #tpu.memory_space<vmem>>) dst(%dma_wait3A_1285 : memref<512x16x128xf32, #tpu.memory_space<any>>)
    %dma_wait3A_1286 = arith.constant 1 : i32
    %dma_wait3A_1287 = arith.constant 3072 : i32
    %dma_wait3A_1288 = arith.constant 0 : i32
    %dma_wait3A_1289 = arith.constant 0 : i32
    %dma_wait3A_1290 = tpu.memref_slice %arg3[%dma_wait3A_1286, %dma_wait3A_1287, %dma_wait3A_1288, %dma_wait3A_1289] : memref<2x6144x16x64xf32, #tpu.memory_space<any>> -> memref<1x512x16x64xf32, #tpu.memory_space<any>>
    %dma_wait3A_1291 = tpu.memref_squeeze %dma_wait3A_1290 : memref<1x512x16x64xf32, #tpu.memory_space<any>> -> memref<512x16x64xf32, #tpu.memory_space<any>>
    tpu.wait_dma2 semaphore(%arg8 : memref<!tpu.dma_semaphore, #tpu.memory_space<semaphore_mem>>) src(%arg5 : memref<512x16x64xf32, #tpu.memory_space<vmem>>) dst(%dma_wait3A_1291 : memref<512x16x64xf32, #tpu.memory_space<any>>)
    %dma_wait3A_1292 = arith.constant 1 : i32
    %dma_wait3A_1293 = arith.constant 3584 : i32
    %dma_wait3A_1294 = arith.constant 0 : i32
    %dma_wait3A_1295 = arith.constant 0 : i32
    %dma_wait3A_1296 = tpu.memref_slice %arg2[%dma_wait3A_1292, %dma_wait3A_1293, %dma_wait3A_1294, %dma_wait3A_1295] : memref<2x6144x16x128xf32, #tpu.memory_space<any>> -> memref<1x512x16x128xf32, #tpu.memory_space<any>>
    %dma_wait3A_1297 = tpu.memref_squeeze %dma_wait3A_1296 : memref<1x512x16x128xf32, #tpu.memory_space<any>> -> memref<512x16x128xf32, #tpu.memory_space<any>>
    tpu.wait_dma2 semaphore(%arg8 : memref<!tpu.dma_semaphore, #tpu.memory_space<semaphore_mem>>) src(%arg4 : memref<512x16x128xf32, #tpu.memory_space<vmem>>) dst(%dma_wait3A_1297 : memref<512x16x128xf32, #tpu.memory_space<any>>)
    %dma_wait3A_1298 = arith.constant 1 : i32
    %dma_wait3A_1299 = arith.constant 3584 : i32
    %dma_wait3A_1300 = arith.constant 0 : i32
    %dma_wait3A_1301 = arith.constant 0 : i32
    %dma_wait3A_1302 = tpu.memref_slice %arg3[%dma_wait3A_1298, %dma_wait3A_1299, %dma_wait3A_1300, %dma_wait3A_1301] : memref<2x6144x16x64xf32, #tpu.memory_space<any>> -> memref<1x512x16x64xf32, #tpu.memory_space<any>>
    %dma_wait3A_1303 = tpu.memref_squeeze %dma_wait3A_1302 : memref<1x512x16x64xf32, #tpu.memory_space<any>> -> memref<512x16x64xf32, #tpu.memory_space<any>>
    tpu.wait_dma2 semaphore(%arg8 : memref<!tpu.dma_semaphore, #tpu.memory_space<semaphore_mem>>) src(%arg5 : memref<512x16x64xf32, #tpu.memory_space<vmem>>) dst(%dma_wait3A_1303 : memref<512x16x64xf32, #tpu.memory_space<any>>)
    %dma_wait3A_1304 = arith.constant 1 : i32
    %dma_wait3A_1305 = arith.constant 4096 : i32
    %dma_wait3A_1306 = arith.constant 0 : i32
    %dma_wait3A_1307 = arith.constant 0 : i32
    %dma_wait3A_1308 = tpu.memref_slice %arg2[%dma_wait3A_1304, %dma_wait3A_1305, %dma_wait3A_1306, %dma_wait3A_1307] : memref<2x6144x16x128xf32, #tpu.memory_space<any>> -> memref<1x512x16x128xf32, #tpu.memory_space<any>>
    %dma_wait3A_1309 = tpu.memref_squeeze %dma_wait3A_1308 : memref<1x512x16x128xf32, #tpu.memory_space<any>> -> memref<512x16x128xf32, #tpu.memory_space<any>>
    tpu.wait_dma2 semaphore(%arg8 : memref<!tpu.dma_semaphore, #tpu.memory_space<semaphore_mem>>) src(%arg4 : memref<512x16x128xf32, #tpu.memory_space<vmem>>) dst(%dma_wait3A_1309 : memref<512x16x128xf32, #tpu.memory_space<any>>)
    %dma_wait3A_1310 = arith.constant 1 : i32
    %dma_wait3A_1311 = arith.constant 4096 : i32
    %dma_wait3A_1312 = arith.constant 0 : i32
    %dma_wait3A_1313 = arith.constant 0 : i32
    %dma_wait3A_1314 = tpu.memref_slice %arg3[%dma_wait3A_1310, %dma_wait3A_1311, %dma_wait3A_1312, %dma_wait3A_1313] : memref<2x6144x16x64xf32, #tpu.memory_space<any>> -> memref<1x512x16x64xf32, #tpu.memory_space<any>>
    %dma_wait3A_1315 = tpu.memref_squeeze %dma_wait3A_1314 : memref<1x512x16x64xf32, #tpu.memory_space<any>> -> memref<512x16x64xf32, #tpu.memory_space<any>>
    tpu.wait_dma2 semaphore(%arg8 : memref<!tpu.dma_semaphore, #tpu.memory_space<semaphore_mem>>) src(%arg5 : memref<512x16x64xf32, #tpu.memory_space<vmem>>) dst(%dma_wait3A_1315 : memref<512x16x64xf32, #tpu.memory_space<any>>)
    %dma_wait3A_1316 = arith.constant 1 : i32
    %dma_wait3A_1317 = arith.constant 4608 : i32
    %dma_wait3A_1318 = arith.constant 0 : i32
    %dma_wait3A_1319 = arith.constant 0 : i32
    %dma_wait3A_1320 = tpu.memref_slice %arg2[%dma_wait3A_1316, %dma_wait3A_1317, %dma_wait3A_1318, %dma_wait3A_1319] : memref<2x6144x16x128xf32, #tpu.memory_space<any>> -> memref<1x512x16x128xf32, #tpu.memory_space<any>>
    %dma_wait3A_1321 = tpu.memref_squeeze %dma_wait3A_1320 : memref<1x512x16x128xf32, #tpu.memory_space<any>> -> memref<512x16x128xf32, #tpu.memory_space<any>>
    tpu.wait_dma2 semaphore(%arg8 : memref<!tpu.dma_semaphore, #tpu.memory_space<semaphore_mem>>) src(%arg4 : memref<512x16x128xf32, #tpu.memory_space<vmem>>) dst(%dma_wait3A_1321 : memref<512x16x128xf32, #tpu.memory_space<any>>)
    %dma_wait3A_1322 = arith.constant 1 : i32
    %dma_wait3A_1323 = arith.constant 4608 : i32
    %dma_wait3A_1324 = arith.constant 0 : i32
    %dma_wait3A_1325 = arith.constant 0 : i32
    %dma_wait3A_1326 = tpu.memref_slice %arg3[%dma_wait3A_1322, %dma_wait3A_1323, %dma_wait3A_1324, %dma_wait3A_1325] : memref<2x6144x16x64xf32, #tpu.memory_space<any>> -> memref<1x512x16x64xf32, #tpu.memory_space<any>>
    %dma_wait3A_1327 = tpu.memref_squeeze %dma_wait3A_1326 : memref<1x512x16x64xf32, #tpu.memory_space<any>> -> memref<512x16x64xf32, #tpu.memory_space<any>>
    tpu.wait_dma2 semaphore(%arg8 : memref<!tpu.dma_semaphore, #tpu.memory_space<semaphore_mem>>) src(%arg5 : memref<512x16x64xf32, #tpu.memory_space<vmem>>) dst(%dma_wait3A_1327 : memref<512x16x64xf32, #tpu.memory_space<any>>)
    %dma_wait3A_1328 = arith.constant 1 : i32
    %dma_wait3A_1329 = arith.constant 5120 : i32
    %dma_wait3A_1330 = arith.constant 0 : i32
    %dma_wait3A_1331 = arith.constant 0 : i32
    %dma_wait3A_1332 = tpu.memref_slice %arg2[%dma_wait3A_1328, %dma_wait3A_1329, %dma_wait3A_1330, %dma_wait3A_1331] : memref<2x6144x16x128xf32, #tpu.memory_space<any>> -> memref<1x512x16x128xf32, #tpu.memory_space<any>>
    %dma_wait3A_1333 = tpu.memref_squeeze %dma_wait3A_1332 : memref<1x512x16x128xf32, #tpu.memory_space<any>> -> memref<512x16x128xf32, #tpu.memory_space<any>>
    tpu.wait_dma2 semaphore(%arg8 : memref<!tpu.dma_semaphore, #tpu.memory_space<semaphore_mem>>) src(%arg4 : memref<512x16x128xf32, #tpu.memory_space<vmem>>) dst(%dma_wait3A_1333 : memref<512x16x128xf32, #tpu.memory_space<any>>)
    %dma_wait3A_1334 = arith.constant 1 : i32
    %dma_wait3A_1335 = arith.constant 5120 : i32
    %dma_wait3A_1336 = arith.constant 0 : i32
    %dma_wait3A_1337 = arith.constant 0 : i32
    %dma_wait3A_1338 = tpu.memref_slice %arg3[%dma_wait3A_1334, %dma_wait3A_1335, %dma_wait3A_1336, %dma_wait3A_1337] : memref<2x6144x16x64xf32, #tpu.memory_space<any>> -> memref<1x512x16x64xf32, #tpu.memory_space<any>>
    %dma_wait3A_1339 = tpu.memref_squeeze %dma_wait3A_1338 : memref<1x512x16x64xf32, #tpu.memory_space<any>> -> memref<512x16x64xf32, #tpu.memory_space<any>>
    tpu.wait_dma2 semaphore(%arg8 : memref<!tpu.dma_semaphore, #tpu.memory_space<semaphore_mem>>) src(%arg5 : memref<512x16x64xf32, #tpu.memory_space<vmem>>) dst(%dma_wait3A_1339 : memref<512x16x64xf32, #tpu.memory_space<any>>)
    %dma_wait3A_1340 = arith.constant 1 : i32
    %dma_wait3A_1341 = arith.constant 5632 : i32
    %dma_wait3A_1342 = arith.constant 0 : i32
    %dma_wait3A_1343 = arith.constant 0 : i32
    %dma_wait3A_1344 = tpu.memref_slice %arg2[%dma_wait3A_1340, %dma_wait3A_1341, %dma_wait3A_1342, %dma_wait3A_1343] : memref<2x6144x16x128xf32, #tpu.memory_space<any>> -> memref<1x512x16x128xf32, #tpu.memory_space<any>>
    %dma_wait3A_1345 = tpu.memref_squeeze %dma_wait3A_1344 : memref<1x512x16x128xf32, #tpu.memory_space<any>> -> memref<512x16x128xf32, #tpu.memory_space<any>>
    tpu.wait_dma2 semaphore(%arg8 : memref<!tpu.dma_semaphore, #tpu.memory_space<semaphore_mem>>) src(%arg4 : memref<512x16x128xf32, #tpu.memory_space<vmem>>) dst(%dma_wait3A_1345 : memref<512x16x128xf32, #tpu.memory_space<any>>)
    %dma_wait3A_1346 = arith.constant 1 : i32
    %dma_wait3A_1347 = arith.constant 5632 : i32
    %dma_wait3A_1348 = arith.constant 0 : i32
    %dma_wait3A_1349 = arith.constant 0 : i32
    %dma_wait3A_1350 = tpu.memref_slice %arg3[%dma_wait3A_1346, %dma_wait3A_1347, %dma_wait3A_1348, %dma_wait3A_1349] : memref<2x6144x16x64xf32, #tpu.memory_space<any>> -> memref<1x512x16x64xf32, #tpu.memory_space<any>>
    %dma_wait3A_1351 = tpu.memref_squeeze %dma_wait3A_1350 : memref<1x512x16x64xf32, #tpu.memory_space<any>> -> memref<512x16x64xf32, #tpu.memory_space<any>>
    tpu.wait_dma2 semaphore(%arg8 : memref<!tpu.dma_semaphore, #tpu.memory_space<semaphore_mem>>) src(%arg5 : memref<512x16x64xf32, #tpu.memory_space<vmem>>) dst(%dma_wait3A_1351 : memref<512x16x64xf32, #tpu.memory_space<any>>)
    return
  }
}

</mosaic_0001>

<sc_bundles>
// kernel: kernel.4.cloned.1.call-start
scs
__scs_entry_jumppad:
0x0: {  	(pc) =	sbr.rel $0x88, $3  }
0x1: {  	(tag) =	ssettag $0x0;
	lr =	simm.s32 $0x1  }
0x2: {  	[smem:$0x3F9E] =	sst lr;
	_ =	strace $0xD0000000  }
0x3: {  	_ = 	snop  }
0x4: {  	_ = 	snop  }
0x5: {  	_ = 	snop  }
0x6: {  	_ = 	snop  }
0x7: {  	_ = 	snop  }
__scs_overlays_trampoline_lowered:
0x8: {  	[smem:$0x3FAD] =	sst s0  }
0x9: {  	[smem:$0x3FAE] =	sst s1  }
0xa: {  	[smem:$0x3FAF] =	sst s2  }
0xb: {  	[smem:$0x3FB0] =	sst s3  }
0xc: {  	[smem:$0x3FB1] =	sst s4  }
0xd: {  	[smem:$0x3FB2] =	sst s5  }
0xe: {  	[smem:$0x3FB3] =	sst s6  }
0xf: {  	[smem:$0x3FB4] =	sst s7  }
0x10: {  	[smem:$0x3FB5] =	sst s8  }
0x11: {  	[smem:$0x3FB6] =	sst s9;
	s0 =	simm.s32 @!p0 $0x0  }
0x12: {  	s1 =	sld [smem:$0x3F9C];
	s0 =	simm.s32 @p0 $0x1  }
0x13: {  	[smem:$0x3FB7] =	sst s0;
	s0 =	simm.s32 @!p1 $0x0  }
0x14: {  	s2 =	sld [smem:$0x3F9B];
	s0 =	simm.s32 @p1 $0x1  }
0x15: {  	[smem:$0x3FB8] =	sst s0;
	s0 =	simm.s32 @!p2 $0x0  }
0x16: {  	s3 =	sld [smem:$0x3FDB];
	s0 =	simm.s32 @p2 $0x1  }
0x17: {  	s4 =	simm.s32 $0x1BF5;
	[smem:$0x3FBA] =	sst s0  }
0x18: {  	s0 =	sld [smem:$0x3F9D];
	_ =	swait.ge [sflag:s4], $0x0  }
0x19: {  	s7 =	sld [smem:$0x3F9E]  }
0x1a: {  	s8 =	sadd.s32 $0xFFFFE003, lr  }
0x1b: {  	s9 =	sadd.s32 $0xFFFFFEF7, lr;
	s5 =	simm.s32 $0xFFFFFFFF;
	p2 =	slt.u32 s8, $0xFFFFF086  }
0x1c: {  	p1 =	slt.u32 s9, $0xF7A;
	s5 =	simm.s32 @!p2 $0x0  }
0x1d: {  	s5 =	simm.s32 @p1 $0x1;
	p0 =	seq.s32 s7, s2  }
0x1e: {  	s7 =	smul.u32 @!p0 $0xF7A, s2;
	p2 =	seq.s32 @!p0 s5, $0x0  }
0x1f: {  	s9 =	smul.u32 $0xF7A, s1;
	s8 =	simm.s32 @!p0 $0x1BF5;
	p2 =	por !p2, p0  }
0x20: {  	[sflag:s8] =	ssyncset.s32 @!p0 $0xFFFFF086;
	s6 =	sadd.s32 @!p0 s3, s7;
	s7 =	simm.s32 @!p0 $0x108  }
0x21: {  	s3 =	sadd.s32 s3, s9;
	s6 =	sadd.s32 @!p0 $0x88, s6;
	s7 =	simm.s32 @p2 $0x1082  }
0x22: {  	[simem:s7], [sflag:s8] =	dma.local @!p0 [hbm:s6], $0xF7A  }
0x23: {  	s9 =	sor.u32 $0xD0000000, s2;
	s6 =	simm.s32 $0x108;
	_ =	swait.ge @!p0 [sflag:s8], $0x0  }
0x24: {  	s3 =	sadd.s32 $0x88, s3;
	s6 =	simm.s32 @!p1 $0x1082;
	[sflag:s4] =	ssyncset.s32 $0xFFFFF086  }
0x25: {  	[simem:s6], [sflag:s4] =	dma.local [hbm:s3], $0xF7A  }
0x26: {  	[smem:$0x3F9E] =	sst s1;
	(tag) =	ssettag s2;
	_ =	strace s9  }
0x27: {  	s1 =	sld [smem:$0x3FAE]  }
0x28: {  	s2 =	sld [smem:$0x3FAF]  }
0x29: {  	s4 =	sld [smem:$0x3FB1]  }
0x2a: {  	p0 =	seq.s32 s5, $0x0;
	s5 =	sld [smem:$0x3FB2]  }
0x2b: {  	s6 =	sld [smem:$0x3FB3]  }
0x2c: {  	s7 =	sld [smem:$0x3FB4]  }
0x2d: {  	s3 =	simm.s32 $0x108;
	s8 =	sld [smem:$0x3FB5]  }
0x2e: {  	s3 =	simm.s32 @!p0 $0x1082;
	s9 =	sld [smem:$0x3FB6]  }
0x2f: {  	lr =	sadd.s32 s0, s3;
	s0 =	sld [smem:$0x3FAD]  }
0x30: {  	s3 =	sld [smem:$0x3FB0]  }
0x31: {  	[smem:$0x3FB9] =	sst s10  }
0x32: {  	s10 =	sld [smem:$0x3FB7];
	_ =	sdelay $0x3  }
0x33: {  	p0 =	seq.s32 s10, $0x1;
	s10 =	sld [smem:$0x3FB9];
	_ =	sdelay $0x3  }
0x34: {  	[smem:$0x3FB9] =	sst s10  }
0x35: {  	s10 =	sld [smem:$0x3FB8];
	_ =	sdelay $0x3  }
0x36: {  	p1 =	seq.s32 s10, $0x1;
	s10 =	sld [smem:$0x3FB9];
	_ =	sdelay $0x3  }
0x37: {  	[smem:$0x3FB9] =	sst s10  }
0x38: {  	s10 =	sld [smem:$0x3FBA]  }
0x39: {  	_ = 	snop;
	(pc) =	sbr.ind lr, $3  }
0x3a: {  	_ = 	snop  }
0x3b: {  	_ = 	snop  }
0x3c: {  	p2 =	seq.s32 s10, $0x1;
	s10 =	sld [smem:$0x3FB9]  }
0x3d: {  	_ =	shalt  }
0x3e: {  	_ =	shalt  }
0x3f: {  	_ =	shalt  }
0x40: {  	_ =	shalt  }
0x41: {  	_ =	shalt  }
0x42: {  	_ =	shalt  }
0x43: {  	_ =	shalt  }
0x44: {  	_ =	shalt  }
0x45: {  	_ =	shalt  }
0x46: {  	_ =	shalt  }
0x47: {  	_ =	shalt  }
0x48: {  	_ =	shalt  }
0x49: {  	_ =	shalt  }
0x4a: {  	_ =	shalt  }
0x4b: {  	_ =	shalt  }
0x4c: {  	_ =	shalt  }
0x4d: {  	_ =	shalt  }
0x4e: {  	_ =	shalt  }
0x4f: {  	_ =	shalt  }
0x50: {  	_ =	shalt  }
0x51: {  	_ =	shalt  }
0x52: {  	_ =	shalt  }
0x53: {  	_ =	shalt  }
0x54: {  	_ =	shalt  }
0x55: {  	_ =	shalt  }
0x56: {  	_ =	shalt  }
0x57: {  	_ =	shalt  }
0x58: {  	_ =	shalt  }
0x59: {  	_ =	shalt  }
0x5a: {  	_ =	shalt  }
0x5b: {  	_ =	shalt  }
0x5c: {  	_ =	shalt  }
0x5d: {  	_ =	shalt  }
0x5e: {  	_ =	shalt  }
0x5f: {  	_ =	shalt  }
0x60: {  	_ =	shalt  }
0x61: {  	_ =	shalt  }
0x62: {  	_ =	shalt  }
0x63: {  	_ =	shalt  }
0x64: {  	_ =	shalt  }
0x65: {  	_ =	shalt  }
0x66: {  	_ =	shalt  }
0x67: {  	_ =	shalt  }
0x68: {  	_ =	shalt  }
0x69: {  	_ =	shalt  }
0x6a: {  	_ =	shalt  }
0x6b: {  	_ =	shalt  }
0x6c: {  	_ =	shalt  }
0x6d: {  	_ =	shalt  }
0x6e: {  	_ =	shalt  }
0x6f: {  	_ =	shalt  }
0x70: {  	_ =	shalt  }
0x71: {  	_ =	shalt  }
0x72: {  	_ =	shalt  }
0x73: {  	_ =	shalt  }
0x74: {  	_ =	shalt  }
0x75: {  	_ =	shalt  }
0x76: {  	_ =	shalt  }
0x77: {  	_ =	shalt  }
0x78: {  	_ =	shalt  }
0x79: {  	_ =	shalt  }
0x7a: {  	_ =	shalt  }
0x7b: {  	_ =	shalt  }
0x7c: {  	_ =	shalt  }
0x7d: {  	_ =	shalt  }
0x7e: {  	_ =	shalt  }
0x7f: {  	_ =	shalt  }
0x80: {  	_ =	shalt  }
0x81: {  	_ =	shalt  }
0x82: {  	_ =	shalt  }
0x83: {  	_ =	shalt  }
0x84: {  	_ =	shalt  }
0x85: {  	_ =	shalt  }
0x86: {  	_ =	shalt  }
0x87: {  	_ =	shalt  }
.Lfunc_end0:
.L_simem_size_0:
called_computation_lowered:
.L_overlay_start_0:
0x88: {  	s2 =	sld [smem:$0x3FD9]  }
0x89: {  	s3 =	sld [smem:$0x3FFE];
	_ =	sdelay $0x1  }
0x8a: {  	s1 =	srdreg.scid  }
0x8b: {  	s0 =	sand.u32 $0x1, s1  }
0x8c: {  	s15 =	sshll.u32 s0, $0xA;
	s2 =	sadd.s32 s3, s2  }
0x8d: {  	s2 =	sadd.s32 s2, s15  }
0x8e: {  	[smem:$0x3FC5] =	sst s2  }
0x8f: {  	_ = 	snop  }
0x90: {  	s2 =	sld [smem:$0x3FD0];
	_ =	sdelay $0x2  }
0x91: {  	s4 =	simm.s32 $0xA;
	s5 =	simm.s32 $0x10;
	s16 =	sld [smem:$0x3FC8]  }
0x92: {  	[smem:s5], [sflag:s4] =	dma.local [hbm:s2], $0x1  }
0x93: {  	_ =	swait.eq [sflag:s4], $0x1  }
0x94: {  	[sflag:s4] =	ssyncset.done $0x0  }
0x95: {  	s17 =	sld [smem:$0x11];
	[sflag:s4] =	ssyncadd.s32 $0xFFFFFFFF  }
0x96: {  	s18 =	sld [smem:$0x13];
	(tm) =	ssettm $0x1  }
0x97: {  	s19 =	sld [smem:$0x3FFB];
	_ =	sdelay $0x3  }
0x98: {  	_ =	strace s19  }
0x99: {  	s5 =	sld [smem:$0x3FFC];
	_ =	sdelay $0x3  }
0x9a: {  	_ =	strace s5  }
0x9b: {  	s5 =	sld [smem:$0x3FFD];
	_ =	sdelay $0x3  }
0x9c: {  	_ =	strace s5  }
0x9d: {  	_ =	strace $0x8FFFFFFF  }
0x9e: {  	s20 =	sld [smem:$0x3FDB];
	_ =	sdelay $0x1  }
0x9f: {  	s6 =	simm.s32 $_scs_section_size  }
0xa0: {  	s7 =	simm.s32 $_size__tile_overlayer_lowered;
	s8 =	simm.s32 $_tile_overlayer_lowered  }
0xa1: {  	s23 =	simm.s32 $0x1BFF;
	s22 =	sshll.u32 s8, $0x1;
	s5 =	sadd.s32 s6, s20  }
0xa2: {  	s9 =	simm.s32 $0x0;
	s21 =	sshll.u32 s7, $0x1;
	s7 =	sadd.s32 s22, s5  }
0xa3: {  	[timem:s9], [sflag:s23] =	dma.local [hbm:s7], s21  }
0xa4: {  	_ =	swait.ge [sflag:s23], s21  }
0xa5: {  	s6 =	ssub.s32 $0x0, s21;
	[sflag:s23] =	ssyncset.done $0x0  }
0xa6: {  	[sflag:s23] =	ssyncadd.s32 s6;
	_ =	sdelay $0x1  }
0xa7: {  	s24 =	simm.s32 $0x1B8B  }
0xa8: {  	_ =	swait.ge [sflag:s24], $0x1  }
0xa9: {  	[sflag:s24] =	ssyncset.done $0x0  }
0xaa: {  	s25 =	simm.s32 $0x1B8E;
	[sflag:s24] =	ssyncadd.s32 $0xFFFFFFFF  }
0xab: {  	s26 =	simm.s32 $execute0_lowered;
	[smem:$0x3FD2] =	sst s25  }
0xac: {  	s6 =	sshll.u32 s26, $0x1;
	_ =	strace $0x80000046;
	[dreg:$0x1] =	wrdreg $0xFFFFFFFF  }
0xad: {  	s28 =	simm.s32 $_size_execute0_lowered;
	s5 =	sadd.s32 s5, s6;
	[dreg:$0x0] =	wrdreg $0x0  }
0xae: {  	s6 =	sshll.u32 s28, $0x1;
	[dreg:$0x2] =	wrdreg s5  }
0xaf: {  	[dreg:$0x3] =	wrdreg s6  }
0xb0: {  	[dreg:$0x4] =	wrdreg $0xC0  }
0xb1: {  	_ =	task [dreg:s9], $0x5FFFF  }
0xb2: {  	[dreg:$0x1] =	wrdreg $0xFFFFFFFF  }
0xb3: {  	[dreg:$0x0] =	wrdreg $0x60  }
0xb4: {  	[dreg:$0x2] =	wrdreg s16  }
0xb5: {  	[dreg:$0x3] =	wrdreg s18  }
0xb6: {  	[dreg:$0x4] =	wrdreg s17  }
0xb7: {  	[dreg:$0x5] =	wrdreg $0x9  }
0xb8: {  	_ =	task.clear_ibuf [dreg:s9], $0x6FFFF;
	_ =	strace $0x90000046  }
0xb9: {  	s29 =	simm.s32 $0x9;
	_ =	strace $0x80000048  }
0xba: {  	_ =	swait.ge [sflag:s29], $0x1  }
0xbb: {  	[sflag:s29] =	ssyncadd.s32 $0xFFFFFFFF  }
0xbc: {  	_ =	strace $0x90000048  }
0xbd: {  	_ =	sfence  }
0xbe: {  	s30 =	sld [smem:$0x0];
	_ =	sdelay $0x2  }
0xbf: {  	s31 =	sshll.u32 s1, $0xD;
	s1 =	sshrl.u32 s1, $0x2  }
0xc0: {  	s3 =	sand.u32 $0x4000, s31;
	s1 =	sadd.s32 s1, s30  }
0xc1: {  	s0 =	sor.u32 s3, s0;
	s1 =	sshll.u32 s1, $0x11  }
0xc2: {  	s0 =	sor.u32 s1, s0  }
0xc3: {  	s0 =	sadd.s32 $0x8F2B, s0  }
0xc4: {  	[sflag:s0] =	ssyncadd.remote.s32 $0x1  }
0xc5: {  	_ =	sfence.sel $0xFFFF  }
0xc6: {  	[dreg:$0x0] =	wrdreg $0xFFFFFFFF;
	(pc) =	sbr.abs _section_cstart, $3  }
0xc7: {  	[dreg:$0x1] =	wrdreg $0xFFFFFFFF  }
0xc8: {  	_ =	task.clear_ibuf [dreg:s9], $0x2FFFF;
	_ =	strace $0x9FFFFFFF  }
0xc9: {  	(tm) =	ssettm $0x7FFFFFFF  }
tec
execute0_lowered:
.L_overlay_start_1:
0x0: {  	(tag) =	ssettag $0x1  }
0x1: {  	s0 =	rddreg [dreg:$0x0]  }
0x2: {  	s1 =	rddreg [dreg:$0x1];
	s2 =	srdreg.scid  }
0x3: {  	s3 =	stileid.u32;
	s15 =	rddreg [dreg:$0x2];
	p0 =	por $0x0, $0x0  }
0x4: {  	s31 =	simm.s32 $0x4;
	[dreg:$0x4] =	wrdreg s1;
	s13 =	sand.u32 $0x1, s2  }
0x5: {  	s14 =	sshll.u32 s3, $0x1;
	s2 =	simm.s32 $0x0;
	s3 =	simm.s32 $0x1  }
0x6: {  	s4 =	sor.u32 s13, s14;
	[smem:$0x7FF] =	sst s2;
	s1 =	ssub.s32 $0x2, s13  }
0x7: {  	s5 =	sshll.u32 s4, $0xF;
	_ =	strace $0x80000047;
	s7 =	sshrl.u32 s1, $0x1  }
0x8: {  	s4 =	sshll.u32 s4, $0xE;
	s5 =	sadd.s32 s15, s5;
	s1 =	ssub.s32 s1, s7  }
0x9: {  	s9 =	sor.u32 $0x1000, s4;
	s29 =	sadd.s32 s0, s4;
	s6 =	sadd.s32 $0x80000, s5  }
0xa: {  	s10 =	sor.u32 $0x2000, s4;
	s19 =	sadd.s32 $0x81000, s5;
	[dreg:$0x5] =	wrdreg s6  }
0xb: {  	s20 =	sadd.s32 $0x82000, s5;
	s21 =	sadd.s32 $0x83000, s5;
	[dreg:$0x6] =	wrdreg s19  }
0xc: {  	s22 =	sadd.s32 $0x84000, s5;
	s23 =	sadd.s32 $0x85000, s5;
	[dreg:$0x7] =	wrdreg s20  }
0xd: {  	s24 =	sadd.s32 $0x86000, s5;
	s25 =	sadd.s32 $0x87000, s5;
	[dreg:$0x8] =	wrdreg s21  }
0xe: {  	s26 =	sadd.s32 $0x200000, s5;
	s8 =	sadd.s32 $0x201000, s5;
	[dreg:$0x9] =	wrdreg s22  }
0xf: {  	s28 =	sadd.s32 $0x207000, s5;
	s30 =	sadd.s32 s0, s9;
	[dreg:$0xa] =	wrdreg s23  }
0x10: {  	s17 =	sadd.s32 s15, s10;
	s16 =	sadd.s32 $0x80000, s29;
	[dreg:$0xb] =	wrdreg s24  }
0x11: {  	s14 =	sadd.s32 $0x81000, s29;
	s12 =	sadd.s32 $0x82000, s29;
	[dreg:$0xc] =	wrdreg s25  }
0x12: {  	s7 =	sadd.s32 $0x83000, s29;
	s11 =	smax.u32 s1, $0x1;
	[dreg:$0xd] =	wrdreg s26  }
0x13: {  	[dreg:$0xe] =	wrdreg s8;
	s22 =	sadd.s32 $0x202000, s5;
	s23 =	sadd.s32 $0x203000, s5  }
0x14: {  	s24 =	sadd.s32 $0x204000, s5;
	s25 =	sadd.s32 $0x205000, s5;
	s26 =	sadd.s32 $0x206000, s5  }
0x15: {  	s21 =	sadd.s32 s15, s4;
	s4 =	sor.u32 $0x3000, s4;
	p1 =	sne.s32 s11, $0x1  }
.Ltmp0:
0x16: {  	s20 =	sadd.s32 s0, s10;
	s19 =	sadd.s32 s15, s9;
	(pc) =	sbr.rel @!p1 .LBB2_3-.Ltmp0, $4  }
0x17: {  	s1 =	sadd.s32 $0xFFFFFFFF, s11;
	s11 =	simm.s32 $0x8000;
	s8 =	simm.s32 $0x10000  }
0x18: {  	s10 =	simm.s32 $0x2;
	s5 =	simm.s32 $0x3;
	s18 =	sadd.s32 s0, s4  }
0x19: {  	s15 =	sadd.s32 s15, s4;
	s13 =	sadd.s32 $0x180000, s21;
	s9 =	sadd.s32 $0x181000, s21  }
0x1a: {  	s6 =	sadd.s32 $0x182000, s21;
	s4 =	sadd.s32 $0x183000, s21;
	s0 =	rddreg [dreg:$0x4]  }
0x1b: {  	[tilespmem:s2], [sflag:$0x4] =	stream.linear.gather [hbm4b:s0+s2], $0x8000, $0x38;
	[tilespmem:$0x18000] =	vst v63  }
0x1c: {  	_ =	swait.ge [sflag:s31], $0x8000  }
0x1d: {  	[dreg:$0xf] =	wrdreg s1;
	[sflag:s31] =	ssyncset.done $0x0  }
0x1e: {  	s0 =	rddreg [dreg:$0x5];
	[sflag:s31] =	ssyncadd.s32 $0xFFFF8000  }
0x1f: {  	[hbm4b:s0+s2] =	stream.linear.scatter [tilespmem:s2], [sflag:$0x1], $0x8000, $0x38;
	[tilespmem:$0x18000] =	vst v63  }
0x20: {  	s1 =	rddreg [dreg:$0x6]  }
0x21: {  	[hbm4b:s1+s2] =	stream.linear.scatter [tilespmem:s2], [sflag:$0x1], $0x8000, $0x38;
	[tilespmem:$0x18000] =	vst v63  }
0x22: {  	s0 =	rddreg [dreg:$0x7]  }
0x23: {  	[hbm4b:s0+s2] =	stream.linear.scatter [tilespmem:s2], [sflag:$0x1], $0x8000, $0x38;
	[tilespmem:$0x18000] =	vst v63  }
0x24: {  	s1 =	rddreg [dreg:$0x8]  }
0x25: {  	[hbm4b:s1+s2] =	stream.linear.scatter [tilespmem:s2], [sflag:$0x1], $0x8000, $0x38;
	[tilespmem:$0x18000] =	vst v63  }
0x26: {  	s0 =	rddreg [dreg:$0x9]  }
0x27: {  	[hbm4b:s0+s2] =	stream.linear.scatter [tilespmem:s2], [sflag:$0x1], $0x8000, $0x38;
	[tilespmem:$0x18000] =	vst v63  }
0x28: {  	s1 =	rddreg [dreg:$0xa]  }
0x29: {  	[hbm4b:s1+s2] =	stream.linear.scatter [tilespmem:s2], [sflag:$0x1], $0x8000, $0x38;
	[tilespmem:$0x18000] =	vst v63  }
0x2a: {  	s0 =	rddreg [dreg:$0xb]  }
0x2b: {  	[hbm4b:s0+s2] =	stream.linear.scatter [tilespmem:s2], [sflag:$0x1], $0x8000, $0x38;
	[tilespmem:$0x18000] =	vst v63  }
0x2c: {  	s1 =	rddreg [dreg:$0xc]  }
0x2d: {  	[hbm4b:s1+s2] =	stream.linear.scatter [tilespmem:s2], [sflag:$0x1], $0x8000, $0x38;
	[tilespmem:$0x18000] =	vst v63  }
0x2e: {  	s0 =	rddreg [dreg:$0xd]  }
0x2f: {  	[hbm4b:s0+s2] =	stream.linear.scatter [tilespmem:s2], [sflag:$0x1], $0x8000, $0x38;
	[tilespmem:$0x18000] =	vst v63  }
0x30: {  	s1 =	rddreg [dreg:$0xe]  }
0x31: {  	[hbm4b:s1+s2] =	stream.linear.scatter [tilespmem:s2], [sflag:$0x1], $0x8000, $0x38;
	[tilespmem:$0x18000] =	vst v63  }
0x32: {  	_ = 	snop  }
0x33: {  	[hbm4b:s22+s2] =	stream.linear.scatter [tilespmem:s2], [sflag:$0x1], $0x8000, $0x38;
	[tilespmem:$0x18000] =	vst v63  }
0x34: {  	_ = 	snop  }
0x35: {  	[hbm4b:s23+s2] =	stream.linear.scatter [tilespmem:s2], [sflag:$0x1], $0x8000, $0x38;
	[tilespmem:$0x18000] =	vst v63  }
0x36: {  	_ = 	snop  }
0x37: {  	[hbm4b:s24+s2] =	stream.linear.scatter [tilespmem:s2], [sflag:$0x1], $0x8000, $0x38;
	[tilespmem:$0x18000] =	vst v63  }
0x38: {  	_ = 	snop  }
0x39: {  	[hbm4b:s25+s2] =	stream.linear.scatter [tilespmem:s2], [sflag:$0x1], $0x8000, $0x38;
	[tilespmem:$0x18000] =	vst v63  }
0x3a: {  	_ = 	snop  }
0x3b: {  	[hbm4b:s26+s2] =	stream.linear.scatter [tilespmem:s2], [sflag:$0x1], $0x8000, $0x38;
	[tilespmem:$0x18000] =	vst v63  }
0x3c: {  	_ = 	snop  }
0x3d: {  	[hbm4b:s28+s2] =	stream.linear.scatter [tilespmem:s2], [sflag:$0x1], $0x8000, $0x38;
	[tilespmem:$0x18000] =	vst v63  }
0x3e: {  	_ = 	snop  }
0x3f: {  	[tilespmem:s11], [sflag:$0x2] =	stream.linear.gather [hbm4b:s29+s2], $0x8000, $0x38;
	[tilespmem:$0x18000] =	vst v63  }
0x40: {  	_ = 	snop  }
0x41: {  	[tilespmem:s8], [sflag:$0x2] =	stream.linear.gather [hbm4b:s30+s2], $0x8000, $0x38;
	[tilespmem:$0x18000] =	vst v63  }
0x42: {  	_ =	swait.ge [sflag:s10], $0x8000  }
0x43: {  	[sflag:s10] =	ssyncset.done $0x0  }
0x44: {  	[sflag:s10] =	ssyncadd.s32 $0xFFFF8000  }
0x45: {  	[hbm4b:s21+s2] =	stream.linear.scatter [tilespmem:s11], [sflag:$0x3], $0x8000, $0x38;
	[tilespmem:$0x18000] =	vst v63  }
0x46: {  	_ =	swait.ge [sflag:s5], $0x8000  }
0x47: {  	[sflag:s5] =	ssyncset.done $0x0  }
0x48: {  	[sflag:s5] =	ssyncadd.s32 $0xFFFF8000  }
0x49: {  	[tilespmem:s11], [sflag:$0x2] =	stream.linear.gather [hbm4b:s20+s2], $0x8000, $0x38;
	[tilespmem:$0x18000] =	vst v63  }
0x4a: {  	_ =	swait.ge [sflag:s10], $0x8000  }
0x4b: {  	[sflag:s10] =	ssyncset.done $0x0  }
0x4c: {  	[sflag:s10] =	ssyncadd.s32 $0xFFFF8000  }
0x4d: {  	[hbm4b:s19+s2] =	stream.linear.scatter [tilespmem:s8], [sflag:$0x3], $0x8000, $0x38;
	[tilespmem:$0x18000] =	vst v63  }
0x4e: {  	_ =	swait.ge [sflag:s5], $0x8000  }
0x4f: {  	[sflag:s5] =	ssyncset.done $0x0  }
0x50: {  	[sflag:s5] =	ssyncadd.s32 $0xFFFF8000  }
0x51: {  	[tilespmem:s8], [sflag:$0x2] =	stream.linear.gather [hbm4b:s18+s2], $0x8000, $0x38;
	[tilespmem:$0x18000] =	vst v63  }
0x52: {  	_ =	swait.ge [sflag:s10], $0x8000  }
0x53: {  	[sflag:s10] =	ssyncset.done $0x0  }
0x54: {  	[sflag:s10] =	ssyncadd.s32 $0xFFFF8000  }
0x55: {  	[hbm4b:s17+s2] =	stream.linear.scatter [tilespmem:s11], [sflag:$0x3], $0x8000, $0x38;
	[tilespmem:$0x18000] =	vst v63  }
0x56: {  	_ =	swait.ge [sflag:s5], $0x8000  }
0x57: {  	[sflag:s5] =	ssyncset.done $0x0  }
0x58: {  	[sflag:s5] =	ssyncadd.s32 $0xFFFF8000  }
0x59: {  	[tilespmem:s11], [sflag:$0x2] =	stream.linear.gather [hbm4b:s16+s2], $0x8000, $0x38;
	[tilespmem:$0x18000] =	vst v63  }
0x5a: {  	_ =	swait.ge [sflag:s10], $0x8000  }
0x5b: {  	[sflag:s10] =	ssyncset.done $0x0  }
0x5c: {  	[sflag:s10] =	ssyncadd.s32 $0xFFFF8000  }
0x5d: {  	[hbm4b:s15+s2] =	stream.linear.scatter [tilespmem:s8], [sflag:$0x3], $0x8000, $0x38;
	[tilespmem:$0x18000] =	vst v63  }
0x5e: {  	_ =	swait.ge [sflag:s5], $0x8000  }
0x5f: {  	[sflag:s5] =	ssyncset.done $0x0  }
0x60: {  	[sflag:s5] =	ssyncadd.s32 $0xFFFF8000  }
0x61: {  	[tilespmem:s8], [sflag:$0x2] =	stream.linear.gather [hbm4b:s14+s2], $0x8000, $0x38;
	[tilespmem:$0x18000] =	vst v63  }
0x62: {  	_ =	swait.ge [sflag:s10], $0x8000  }
0x63: {  	[sflag:s10] =	ssyncset.done $0x0  }
0x64: {  	[sflag:s10] =	ssyncadd.s32 $0xFFFF8000  }
0x65: {  	[hbm4b:s13+s2] =	stream.linear.scatter [tilespmem:s11], [sflag:$0x3], $0x8000, $0x38;
	[tilespmem:$0x18000] =	vst v63  }
0x66: {  	_ =	swait.ge [sflag:s5], $0x8000  }
0x67: {  	[sflag:s5] =	ssyncset.done $0x0  }
0x68: {  	[sflag:s5] =	ssyncadd.s32 $0xFFFF8000  }
0x69: {  	[tilespmem:s11], [sflag:$0x2] =	stream.linear.gather [hbm4b:s12+s2], $0x8000, $0x38;
	[tilespmem:$0x18000] =	vst v63  }
0x6a: {  	_ =	swait.ge [sflag:s10], $0x8000  }
0x6b: {  	[sflag:s10] =	ssyncset.done $0x0  }
0x6c: {  	[sflag:s10] =	ssyncadd.s32 $0xFFFF8000  }
0x6d: {  	[hbm4b:s9+s2] =	stream.linear.scatter [tilespmem:s8], [sflag:$0x3], $0x8000, $0x38;
	[tilespmem:$0x18000] =	vst v63  }
0x6e: {  	_ =	swait.ge [sflag:s5], $0x8000  }
0x6f: {  	[sflag:s5] =	ssyncset.done $0x0  }
0x70: {  	[sflag:s5] =	ssyncadd.s32 $0xFFFF8000  }
0x71: {  	[tilespmem:s8], [sflag:$0x2] =	stream.linear.gather [hbm4b:s7+s2], $0x8000, $0x38;
	[tilespmem:$0x18000] =	vst v63  }
0x72: {  	_ =	swait.ge [sflag:s10], $0x8000  }
0x73: {  	[sflag:s10] =	ssyncset.done $0x0  }
0x74: {  	[sflag:s10] =	ssyncadd.s32 $0xFFFF8000  }
0x75: {  	[hbm4b:s6+s2] =	stream.linear.scatter [tilespmem:s11], [sflag:$0x3], $0x8000, $0x38;
	[tilespmem:$0x18000] =	vst v63  }
0x76: {  	_ =	swait.ge [sflag:s10], $0x8000  }
0x77: {  	[sflag:s10] =	ssyncset.done $0x0  }
0x78: {  	[sflag:s10] =	ssyncadd.s32 $0xFFFF8000  }
0x79: {  	[hbm4b:s4+s2] =	stream.linear.scatter [tilespmem:s8], [sflag:$0x3], $0x8000, $0x38;
	[tilespmem:$0x18000] =	vst v63  }
0x7a: {  	_ =	swait.ge [sflag:s5], $0x8000  }
0x7b: {  	[sflag:s5] =	ssyncset.done $0x0  }
0x7c: {  	[sflag:s5] =	ssyncadd.s32 $0xFFFF8000  }
0x7d: {  	_ =	swait.ge [sflag:s5], $0x8000  }
0x7e: {  	[sflag:s5] =	ssyncset.done $0x0  }
0x7f: {  	[sflag:s5] =	ssyncadd.s32 $0xFFFF8000  }
0x80: {  	_ =	swait.ge [sflag:s3], $0x8000  }
0x81: {  	[sflag:s3] =	ssyncset.done $0x0  }
0x82: {  	[sflag:s3] =	ssyncadd.s32 $0xFFFF8000  }
0x83: {  	_ =	swait.ge [sflag:s3], $0x8000  }
0x84: {  	[sflag:s3] =	ssyncset.done $0x0  }
0x85: {  	[sflag:s3] =	ssyncadd.s32 $0xFFFF8000  }
0x86: {  	_ =	swait.ge [sflag:s3], $0x8000  }
0x87: {  	[sflag:s3] =	ssyncset.done $0x0  }
0x88: {  	[sflag:s3] =	ssyncadd.s32 $0xFFFF8000  }
0x89: {  	_ =	swait.ge [sflag:s3], $0x8000  }
0x8a: {  	[sflag:s3] =	ssyncset.done $0x0  }
0x8b: {  	[sflag:s3] =	ssyncadd.s32 $0xFFFF8000  }
0x8c: {  	_ =	swait.ge [sflag:s3], $0x8000  }
0x8d: {  	[sflag:s3] =	ssyncset.done $0x0  }
0x8e: {  	[sflag:s3] =	ssyncadd.s32 $0xFFFF8000  }
0x8f: {  	_ =	swait.ge [sflag:s3], $0x8000  }
0x90: {  	[sflag:s3] =	ssyncset.done $0x0  }
0x91: {  	[sflag:s3] =	ssyncadd.s32 $0xFFFF8000  }
0x92: {  	_ =	swait.ge [sflag:s3], $0x8000  }
0x93: {  	[sflag:s3] =	ssyncset.done $0x0  }
0x94: {  	[sflag:s3] =	ssyncadd.s32 $0xFFFF8000  }
0x95: {  	_ =	swait.ge [sflag:s3], $0x8000  }
0x96: {  	[sflag:s3] =	ssyncset.done $0x0  }
0x97: {  	[sflag:s3] =	ssyncadd.s32 $0xFFFF8000  }
0x98: {  	_ =	swait.ge [sflag:s3], $0x8000  }
0x99: {  	[sflag:s3] =	ssyncset.done $0x0  }
0x9a: {  	[sflag:s3] =	ssyncadd.s32 $0xFFFF8000  }
0x9b: {  	_ =	swait.ge [sflag:s3], $0x8000  }
0x9c: {  	[sflag:s3] =	ssyncset.done $0x0  }
0x9d: {  	[sflag:s3] =	ssyncadd.s32 $0xFFFF8000  }
0x9e: {  	_ =	swait.ge [sflag:s3], $0x8000  }
0x9f: {  	[sflag:s3] =	ssyncset.done $0x0  }
0xa0: {  	[sflag:s3] =	ssyncadd.s32 $0xFFFF8000  }
0xa1: {  	_ =	swait.ge [sflag:s3], $0x8000  }
0xa2: {  	[sflag:s3] =	ssyncset.done $0x0  }
0xa3: {  	[sflag:s3] =	ssyncadd.s32 $0xFFFF8000  }
0xa4: {  	_ =	swait.ge [sflag:s3], $0x8000  }
0xa5: {  	[sflag:s3] =	ssyncset.done $0x0  }
0xa6: {  	[sflag:s3] =	ssyncadd.s32 $0xFFFF8000  }
0xa7: {  	_ =	swait.ge [sflag:s3], $0x8000  }
0xa8: {  	[sflag:s3] =	ssyncset.done $0x0  }
0xa9: {  	[sflag:s3] =	ssyncadd.s32 $0xFFFF8000  }
0xaa: {  	_ =	swait.ge [sflag:s3], $0x8000  }
0xab: {  	s1 =	rddreg [dreg:$0xf]  }
0xac: {  	p1 =	sne.s32 s1, $0x1  }
.Ltmp1:
0xad: {  	_ = 	snop;
	(pc) =	sbr.rel @!p1 .LBB2_3-.Ltmp1, $4  }
0xae: {  	[sflag:s3] =	ssyncset.done $0x0  }
0xaf: {  	[sflag:s3] =	ssyncadd.s32 $0xFFFF8000  }
0xb0: {  	p0 =	por $0x1, $0x1;
	_ =	swait.ge [sflag:s3], $0x8000  }
0xb1: {  	s1 =	sadd.s32 $0xFFFFFFFF, s1;
	s0 =	rddreg [dreg:$0x4];
	[sflag:s3] =	ssyncset.done $0x0  }
.LBB2_2:
0xb2: {  	[sflag:s3] =	ssyncadd.s32 $0xFFFF8000  }
0xb3: {  	[tilespmem:s2], [sflag:$0x4] =	stream.linear.gather [hbm4b:s0+s2], $0x8000, $0x38;
	[tilespmem:$0x18000] =	vst v63  }
0xb4: {  	_ =	swait.ge [sflag:s31], $0x8000  }
0xb5: {  	s0 =	rddreg [dreg:$0x5];
	[sflag:s31] =	ssyncset.done $0x0  }
0xb6: {  	[sflag:s31] =	ssyncadd.s32 $0xFFFF8000;
	s31 =	smov.u32 s29;
	s29 =	smov.u32 s30  }
0xb7: {  	s30 =	smov.u32 s28;
	s28 =	smov.u32 s21;
	s21 =	smov.u32 s26  }
0xb8: {  	s26 =	smov.u32 s25;
	s25 =	smov.u32 s24;
	s24 =	smov.u32 s23  }
0xb9: {  	s23 =	smov.u32 s22;
	s22 =	smov.u32 s20;
	s20 =	smov.u32 s19  }
0xba: {  	s19 =	smov.u32 s18;
	s18 =	smov.u32 s17;
	s17 =	smov.u32 s16  }
0xbb: {  	s16 =	smov.u32 s15;
	s15 =	smov.u32 s14;
	s14 =	smov.u32 s13  }
0xbc: {  	s13 =	smov.u32 s12;
	s12 =	smov.u32 s9;
	s9 =	smov.u32 s7  }
0xbd: {  	[hbm4b:s0+s2] =	stream.linear.scatter [tilespmem:s2], [sflag:$0x1], $0x8000, $0x38;
	[tilespmem:$0x18000] =	vst v63  }
0xbe: {  	s7 =	smov.u32 s6;
	s6 =	smov.u32 s4;
	s4 =	rddreg [dreg:$0x6]  }
0xbf: {  	[hbm4b:s4+s2] =	stream.linear.scatter [tilespmem:s2], [sflag:$0x1], $0x8000, $0x38;
	[tilespmem:$0x18000] =	vst v63  }
0xc0: {  	s0 =	rddreg [dreg:$0x7]  }
0xc1: {  	[hbm4b:s0+s2] =	stream.linear.scatter [tilespmem:s2], [sflag:$0x1], $0x8000, $0x38;
	[tilespmem:$0x18000] =	vst v63  }
0xc2: {  	s4 =	rddreg [dreg:$0x8]  }
0xc3: {  	[hbm4b:s4+s2] =	stream.linear.scatter [tilespmem:s2], [sflag:$0x1], $0x8000, $0x38;
	[tilespmem:$0x18000] =	vst v63  }
0xc4: {  	s0 =	rddreg [dreg:$0x9]  }
0xc5: {  	[hbm4b:s0+s2] =	stream.linear.scatter [tilespmem:s2], [sflag:$0x1], $0x8000, $0x38;
	[tilespmem:$0x18000] =	vst v63  }
0xc6: {  	s4 =	rddreg [dreg:$0xa]  }
0xc7: {  	[hbm4b:s4+s2] =	stream.linear.scatter [tilespmem:s2], [sflag:$0x1], $0x8000, $0x38;
	[tilespmem:$0x18000] =	vst v63  }
0xc8: {  	s0 =	rddreg [dreg:$0xb]  }
0xc9: {  	[hbm4b:s0+s2] =	stream.linear.scatter [tilespmem:s2], [sflag:$0x1], $0x8000, $0x38;
	[tilespmem:$0x18000] =	vst v63  }
0xca: {  	s4 =	rddreg [dreg:$0xc]  }
0xcb: {  	[hbm4b:s4+s2] =	stream.linear.scatter [tilespmem:s2], [sflag:$0x1], $0x8000, $0x38;
	[tilespmem:$0x18000] =	vst v63  }
0xcc: {  	s0 =	rddreg [dreg:$0xd]  }
0xcd: {  	[hbm4b:s0+s2] =	stream.linear.scatter [tilespmem:s2], [sflag:$0x1], $0x8000, $0x38;
	[tilespmem:$0x18000] =	vst v63  }
0xce: {  	s4 =	rddreg [dreg:$0xe]  }
0xcf: {  	[hbm4b:s4+s2] =	stream.linear.scatter [tilespmem:s2], [sflag:$0x1], $0x8000, $0x38;
	[tilespmem:$0x18000] =	vst v63  }
0xd0: {  	s4 =	smov.u32 s6;
	s6 =	smov.u32 s7  }
0xd1: {  	s7 =	smov.u32 s9;
	s9 =	smov.u32 s12;
	s12 =	smov.u32 s13  }
0xd2: {  	s13 =	smov.u32 s14;
	s14 =	smov.u32 s15;
	s15 =	smov.u32 s16  }
0xd3: {  	s16 =	smov.u32 s17;
	s17 =	smov.u32 s18;
	s18 =	smov.u32 s19  }
0xd4: {  	s19 =	smov.u32 s20;
	s20 =	smov.u32 s22;
	s22 =	smov.u32 s23  }
0xd5: {  	[hbm4b:s22+s2] =	stream.linear.scatter [tilespmem:s2], [sflag:$0x1], $0x8000, $0x38;
	[tilespmem:$0x18000] =	vst v63  }
0xd6: {  	s23 =	smov.u32 s24  }
0xd7: {  	[hbm4b:s23+s2] =	stream.linear.scatter [tilespmem:s2], [sflag:$0x1], $0x8000, $0x38;
	[tilespmem:$0x18000] =	vst v63  }
0xd8: {  	s24 =	smov.u32 s25  }
0xd9: {  	[hbm4b:s24+s2] =	stream.linear.scatter [tilespmem:s2], [sflag:$0x1], $0x8000, $0x38;
	[tilespmem:$0x18000] =	vst v63  }
0xda: {  	s25 =	smov.u32 s26  }
0xdb: {  	[hbm4b:s25+s2] =	stream.linear.scatter [tilespmem:s2], [sflag:$0x1], $0x8000, $0x38;
	[tilespmem:$0x18000] =	vst v63  }
0xdc: {  	s26 =	smov.u32 s21  }
0xdd: {  	[hbm4b:s26+s2] =	stream.linear.scatter [tilespmem:s2], [sflag:$0x1], $0x8000, $0x38;
	[tilespmem:$0x18000] =	vst v63  }
0xde: {  	s21 =	smov.u32 s28;
	s28 =	smov.u32 s30  }
0xdf: {  	[hbm4b:s28+s2] =	stream.linear.scatter [tilespmem:s2], [sflag:$0x1], $0x8000, $0x38;
	[tilespmem:$0x18000] =	vst v63  }
0xe0: {  	s30 =	smov.u32 s29;
	s29 =	smov.u32 s31  }
0xe1: {  	[tilespmem:s11], [sflag:$0x2] =	stream.linear.gather [hbm4b:s29+s2], $0x8000, $0x38;
	[tilespmem:$0x18000] =	vst v63  }
0xe2: {  	_ = 	snop  }
0xe3: {  	[tilespmem:s8], [sflag:$0x2] =	stream.linear.gather [hbm4b:s30+s2], $0x8000, $0x38;
	[tilespmem:$0x18000] =	vst v63  }
0xe4: {  	_ =	swait.ge [sflag:s10], $0x8000  }
0xe5: {  	[sflag:s10] =	ssyncset.done $0x0  }
0xe6: {  	[sflag:s10] =	ssyncadd.s32 $0xFFFF8000  }
0xe7: {  	[hbm4b:s21+s2] =	stream.linear.scatter [tilespmem:s11], [sflag:$0x3], $0x8000, $0x38;
	[tilespmem:$0x18000] =	vst v63  }
0xe8: {  	_ =	swait.ge [sflag:s5], $0x8000  }
0xe9: {  	[sflag:s5] =	ssyncset.done $0x0  }
0xea: {  	[sflag:s5] =	ssyncadd.s32 $0xFFFF8000  }
0xeb: {  	[tilespmem:s11], [sflag:$0x2] =	stream.linear.gather [hbm4b:s20+s2], $0x8000, $0x38;
	[tilespmem:$0x18000] =	vst v63  }
0xec: {  	_ =	swait.ge [sflag:s10], $0x8000  }
0xed: {  	[sflag:s10] =	ssyncset.done $0x0  }
0xee: {  	[sflag:s10] =	ssyncadd.s32 $0xFFFF8000  }
0xef: {  	[hbm4b:s19+s2] =	stream.linear.scatter [tilespmem:s8], [sflag:$0x3], $0x8000, $0x38;
	[tilespmem:$0x18000] =	vst v63  }
0xf0: {  	_ =	swait.ge [sflag:s5], $0x8000  }
0xf1: {  	[sflag:s5] =	ssyncset.done $0x0  }
0xf2: {  	[sflag:s5] =	ssyncadd.s32 $0xFFFF8000  }
0xf3: {  	[tilespmem:s8], [sflag:$0x2] =	stream.linear.gather [hbm4b:s18+s2], $0x8000, $0x38;
	[tilespmem:$0x18000] =	vst v63  }
0xf4: {  	_ =	swait.ge [sflag:s10], $0x8000  }
0xf5: {  	[sflag:s10] =	ssyncset.done $0x0  }
0xf6: {  	[sflag:s10] =	ssyncadd.s32 $0xFFFF8000  }
0xf7: {  	[hbm4b:s17+s2] =	stream.linear.scatter [tilespmem:s11], [sflag:$0x3], $0x8000, $0x38;
	[tilespmem:$0x18000] =	vst v63  }
0xf8: {  	_ =	swait.ge [sflag:s5], $0x8000  }
0xf9: {  	[sflag:s5] =	ssyncset.done $0x0  }
0xfa: {  	[sflag:s5] =	ssyncadd.s32 $0xFFFF8000  }
0xfb: {  	[tilespmem:s11], [sflag:$0x2] =	stream.linear.gather [hbm4b:s16+s2], $0x8000, $0x38;
	[tilespmem:$0x18000] =	vst v63  }
0xfc: {  	_ =	swait.ge [sflag:s10], $0x8000  }
0xfd: {  	[sflag:s10] =	ssyncset.done $0x0  }
0xfe: {  	[sflag:s10] =	ssyncadd.s32 $0xFFFF8000  }
0xff: {  	[hbm4b:s15+s2] =	stream.linear.scatter [tilespmem:s8], [sflag:$0x3], $0x8000, $0x38;
	[tilespmem:$0x18000] =	vst v63  }
0x100: {  	_ =	swait.ge [sflag:s5], $0x8000  }
0x101: {  	[sflag:s5] =	ssyncset.done $0x0  }
0x102: {  	[sflag:s5] =	ssyncadd.s32 $0xFFFF8000  }
0x103: {  	[tilespmem:s8], [sflag:$0x2] =	stream.linear.gather [hbm4b:s14+s2], $0x8000, $0x38;
	[tilespmem:$0x18000] =	vst v63  }
0x104: {  	_ =	swait.ge [sflag:s10], $0x8000  }
0x105: {  	[sflag:s10] =	ssyncset.done $0x0  }
0x106: {  	[sflag:s10] =	ssyncadd.s32 $0xFFFF8000  }
0x107: {  	[hbm4b:s13+s2] =	stream.linear.scatter [tilespmem:s11], [sflag:$0x3], $0x8000, $0x38;
	[tilespmem:$0x18000] =	vst v63  }
0x108: {  	_ =	swait.ge [sflag:s5], $0x8000  }
0x109: {  	[sflag:s5] =	ssyncset.done $0x0  }
0x10a: {  	[sflag:s5] =	ssyncadd.s32 $0xFFFF8000  }
0x10b: {  	[tilespmem:s11], [sflag:$0x2] =	stream.linear.gather [hbm4b:s12+s2], $0x8000, $0x38;
	[tilespmem:$0x18000] =	vst v63  }
0x10c: {  	_ =	swait.ge [sflag:s10], $0x8000  }
0x10d: {  	[sflag:s10] =	ssyncset.done $0x0  }
0x10e: {  	[sflag:s10] =	ssyncadd.s32 $0xFFFF8000  }
0x10f: {  	[hbm4b:s9+s2] =	stream.linear.scatter [tilespmem:s8], [sflag:$0x3], $0x8000, $0x38;
	[tilespmem:$0x18000] =	vst v63  }
0x110: {  	_ =	swait.ge [sflag:s5], $0x8000  }
0x111: {  	[sflag:s5] =	ssyncset.done $0x0  }
0x112: {  	[sflag:s5] =	ssyncadd.s32 $0xFFFF8000  }
0x113: {  	[tilespmem:s8], [sflag:$0x2] =	stream.linear.gather [hbm4b:s7+s2], $0x8000, $0x38;
	[tilespmem:$0x18000] =	vst v63  }
0x114: {  	_ =	swait.ge [sflag:s10], $0x8000  }
0x115: {  	[sflag:s10] =	ssyncset.done $0x0  }
0x116: {  	[sflag:s10] =	ssyncadd.s32 $0xFFFF8000  }
0x117: {  	[hbm4b:s6+s2] =	stream.linear.scatter [tilespmem:s11], [sflag:$0x3], $0x8000, $0x38;
	[tilespmem:$0x18000] =	vst v63  }
0x118: {  	_ =	swait.ge [sflag:s10], $0x8000  }
0x119: {  	[sflag:s10] =	ssyncset.done $0x0  }
0x11a: {  	[sflag:s10] =	ssyncadd.s32 $0xFFFF8000  }
0x11b: {  	[hbm4b:s4+s2] =	stream.linear.scatter [tilespmem:s8], [sflag:$0x3], $0x8000, $0x38;
	[tilespmem:$0x18000] =	vst v63  }
0x11c: {  	_ =	swait.ge [sflag:s5], $0x8000  }
0x11d: {  	[sflag:s5] =	ssyncset.done $0x0  }
0x11e: {  	[sflag:s5] =	ssyncadd.s32 $0xFFFF8000  }
0x11f: {  	_ =	swait.ge [sflag:s5], $0x8000  }
0x120: {  	[sflag:s5] =	ssyncset.done $0x0  }
0x121: {  	[sflag:s5] =	ssyncadd.s32 $0xFFFF8000  }
0x122: {  	_ =	swait.ge [sflag:s3], $0x8000  }
0x123: {  	[sflag:s3] =	ssyncset.done $0x0  }
0x124: {  	[sflag:s3] =	ssyncadd.s32 $0xFFFF8000  }
0x125: {  	_ =	swait.ge [sflag:s3], $0x8000  }
0x126: {  	[sflag:s3] =	ssyncset.done $0x0  }
0x127: {  	[sflag:s3] =	ssyncadd.s32 $0xFFFF8000  }
0x128: {  	_ =	swait.ge [sflag:s3], $0x8000  }
0x129: {  	[sflag:s3] =	ssyncset.done $0x0  }
0x12a: {  	[sflag:s3] =	ssyncadd.s32 $0xFFFF8000  }
0x12b: {  	_ =	swait.ge [sflag:s3], $0x8000  }
0x12c: {  	[sflag:s3] =	ssyncset.done $0x0  }
0x12d: {  	[sflag:s3] =	ssyncadd.s32 $0xFFFF8000  }
0x12e: {  	_ =	swait.ge [sflag:s3], $0x8000  }
0x12f: {  	[sflag:s3] =	ssyncset.done $0x0  }
0x130: {  	[sflag:s3] =	ssyncadd.s32 $0xFFFF8000  }
0x131: {  	_ =	swait.ge [sflag:s3], $0x8000  }
0x132: {  	[sflag:s3] =	ssyncset.done $0x0  }
0x133: {  	[sflag:s3] =	ssyncadd.s32 $0xFFFF8000  }
0x134: {  	_ =	swait.ge [sflag:s3], $0x8000  }
0x135: {  	[sflag:s3] =	ssyncset.done $0x0  }
0x136: {  	[sflag:s3] =	ssyncadd.s32 $0xFFFF8000  }
0x137: {  	_ =	swait.ge [sflag:s3], $0x8000  }
0x138: {  	[sflag:s3] =	ssyncset.done $0x0  }
0x139: {  	[sflag:s3] =	ssyncadd.s32 $0xFFFF8000  }
0x13a: {  	_ =	swait.ge [sflag:s3], $0x8000  }
0x13b: {  	[sflag:s3] =	ssyncset.done $0x0  }
0x13c: {  	[sflag:s3] =	ssyncadd.s32 $0xFFFF8000  }
0x13d: {  	_ =	swait.ge [sflag:s3], $0x8000  }
0x13e: {  	[sflag:s3] =	ssyncset.done $0x0  }
0x13f: {  	[sflag:s3] =	ssyncadd.s32 $0xFFFF8000  }
0x140: {  	_ =	swait.ge [sflag:s3], $0x8000  }
0x141: {  	[sflag:s3] =	ssyncset.done $0x0  }
0x142: {  	[sflag:s3] =	ssyncadd.s32 $0xFFFF8000  }
0x143: {  	_ =	swait.ge [sflag:s3], $0x8000  }
0x144: {  	[sflag:s3] =	ssyncset.done $0x0  }
0x145: {  	[sflag:s3] =	ssyncadd.s32 $0xFFFF8000  }
0x146: {  	_ =	swait.ge [sflag:s3], $0x8000  }
0x147: {  	[sflag:s3] =	ssyncset.done $0x0  }
0x148: {  	[sflag:s3] =	ssyncadd.s32 $0xFFFF8000  }
0x149: {  	_ =	swait.ge [sflag:s3], $0x8000  }
0x14a: {  	[sflag:s3] =	ssyncset.done $0x0  }
0x14b: {  	p1 =	sne.s32 s1, $0x1;
	[sflag:s3] =	ssyncadd.s32 $0xFFFF8000  }
.Ltmp2:
0x14c: {  	_ =	swait.ge [sflag:s3], $0x8000;
	(pc) =	sbr.rel @p1 .LBB2_2-.Ltmp2, $4  }
0x14d: {  	[sflag:s3] =	ssyncset.done $0x0  }
0x14e: {  	[sflag:s3] =	ssyncadd.s32 $0xFFFF8000  }
0x14f: {  	s1 =	sadd.s32 $0xFFFFFFFF, s1;
	_ =	swait.ge [sflag:s3], $0x8000  }
0x150: {  	s31 =	simm.s32 $0x4;
	s0 =	rddreg [dreg:$0x4];
	[sflag:s3] =	ssyncset.done $0x0  }
.LBB2_3:
0x151: {  	[sflag:s3] =	ssyncadd.s32 @p0 $0xFFFF8000  }
0x152: {  	[tilespmem:s2], [sflag:$0x4] =	stream.linear.gather [hbm4b:s0+s2], $0x8000, $0x38;
	[tilespmem:$0x18000] =	vst v63  }
0x153: {  	_ =	swait.ge [sflag:s31], $0x8000  }
0x154: {  	[sflag:s31] =	ssyncset.done $0x0  }
0x155: {  	s0 =	rddreg [dreg:$0x5];
	[sflag:s31] =	ssyncadd.s32 $0xFFFF8000  }
0x156: {  	[hbm4b:s0+s2] =	stream.linear.scatter [tilespmem:s2], [sflag:$0x1], $0x8000, $0x38;
	[tilespmem:$0x18000] =	vst v63  }
0x157: {  	s1 =	rddreg [dreg:$0x6]  }
0x158: {  	[hbm4b:s1+s2] =	stream.linear.scatter [tilespmem:s2], [sflag:$0x1], $0x8000, $0x38;
	[tilespmem:$0x18000] =	vst v63  }
0x159: {  	s0 =	rddreg [dreg:$0x7]  }
0x15a: {  	[hbm4b:s0+s2] =	stream.linear.scatter [tilespmem:s2], [sflag:$0x1], $0x8000, $0x38;
	[tilespmem:$0x18000] =	vst v63  }
0x15b: {  	s31 =	rddreg [dreg:$0x8]  }
0x15c: {  	[hbm4b:s31+s2] =	stream.linear.scatter [tilespmem:s2], [sflag:$0x1], $0x8000, $0x38;
	[tilespmem:$0x18000] =	vst v63  }
0x15d: {  	s0 =	rddreg [dreg:$0x9]  }
0x15e: {  	[hbm4b:s0+s2] =	stream.linear.scatter [tilespmem:s2], [sflag:$0x1], $0x8000, $0x38;
	[tilespmem:$0x18000] =	vst v63  }
0x15f: {  	s31 =	rddreg [dreg:$0xa]  }
0x160: {  	[hbm4b:s31+s2] =	stream.linear.scatter [tilespmem:s2], [sflag:$0x1], $0x8000, $0x38;
	[tilespmem:$0x18000] =	vst v63  }
0x161: {  	s0 =	rddreg [dreg:$0xb]  }
0x162: {  	[hbm4b:s0+s2] =	stream.linear.scatter [tilespmem:s2], [sflag:$0x1], $0x8000, $0x38;
	[tilespmem:$0x18000] =	vst v63  }
0x163: {  	s31 =	rddreg [dreg:$0xc]  }
0x164: {  	[hbm4b:s31+s2] =	stream.linear.scatter [tilespmem:s2], [sflag:$0x1], $0x8000, $0x38;
	[tilespmem:$0x18000] =	vst v63  }
0x165: {  	s0 =	rddreg [dreg:$0xd]  }
0x166: {  	[hbm4b:s0+s2] =	stream.linear.scatter [tilespmem:s2], [sflag:$0x1], $0x8000, $0x38;
	[tilespmem:$0x18000] =	vst v63  }
0x167: {  	s31 =	rddreg [dreg:$0xe]  }
0x168: {  	[hbm4b:s31+s2] =	stream.linear.scatter [tilespmem:s2], [sflag:$0x1], $0x8000, $0x38;
	[tilespmem:$0x18000] =	vst v63  }
0x169: {  	_ = 	snop  }
0x16a: {  	[hbm4b:s22+s2] =	stream.linear.scatter [tilespmem:s2], [sflag:$0x1], $0x8000, $0x38;
	[tilespmem:$0x18000] =	vst v63  }
0x16b: {  	_ = 	snop  }
0x16c: {  	[hbm4b:s23+s2] =	stream.linear.scatter [tilespmem:s2], [sflag:$0x1], $0x8000, $0x38;
	[tilespmem:$0x18000] =	vst v63  }
0x16d: {  	_ = 	snop  }
0x16e: {  	[hbm4b:s24+s2] =	stream.linear.scatter [tilespmem:s2], [sflag:$0x1], $0x8000, $0x38;
	[tilespmem:$0x18000] =	vst v63  }
0x16f: {  	_ = 	snop  }
0x170: {  	[hbm4b:s25+s2] =	stream.linear.scatter [tilespmem:s2], [sflag:$0x1], $0x8000, $0x38;
	[tilespmem:$0x18000] =	vst v63  }
0x171: {  	_ = 	snop  }
0x172: {  	[hbm4b:s26+s2] =	stream.linear.scatter [tilespmem:s2], [sflag:$0x1], $0x8000, $0x38;
	[tilespmem:$0x18000] =	vst v63  }
0x173: {  	_ = 	snop  }
0x174: {  	[hbm4b:s28+s2] =	stream.linear.scatter [tilespmem:s2], [sflag:$0x1], $0x8000, $0x38;
	[tilespmem:$0x18000] =	vst v63  }
0x175: {  	_ = 	snop  }
0x176: {  	[tilespmem:s11], [sflag:$0x2] =	stream.linear.gather [hbm4b:s29+s2], $0x8000, $0x38;
	[tilespmem:$0x18000] =	vst v63  }
0x177: {  	_ = 	snop  }
0x178: {  	[tilespmem:s8], [sflag:$0x2] =	stream.linear.gather [hbm4b:s30+s2], $0x8000, $0x38;
	[tilespmem:$0x18000] =	vst v63  }
0x179: {  	_ =	swait.ge [sflag:s10], $0x8000  }
0x17a: {  	[sflag:s10] =	ssyncset.done $0x0  }
0x17b: {  	[sflag:s10] =	ssyncadd.s32 $0xFFFF8000  }
0x17c: {  	[hbm4b:s21+s2] =	stream.linear.scatter [tilespmem:s11], [sflag:$0x3], $0x8000, $0x38;
	[tilespmem:$0x18000] =	vst v63  }
0x17d: {  	_ =	swait.ge [sflag:s5], $0x8000  }
0x17e: {  	[sflag:s5] =	ssyncset.done $0x0  }
0x17f: {  	[sflag:s5] =	ssyncadd.s32 $0xFFFF8000  }
0x180: {  	[tilespmem:s11], [sflag:$0x2] =	stream.linear.gather [hbm4b:s20+s2], $0x8000, $0x38;
	[tilespmem:$0x18000] =	vst v63  }
0x181: {  	_ =	swait.ge [sflag:s10], $0x8000  }
0x182: {  	[sflag:s10] =	ssyncset.done $0x0  }
0x183: {  	[sflag:s10] =	ssyncadd.s32 $0xFFFF8000  }
0x184: {  	[hbm4b:s19+s2] =	stream.linear.scatter [tilespmem:s8], [sflag:$0x3], $0x8000, $0x38;
	[tilespmem:$0x18000] =	vst v63  }
0x185: {  	_ =	swait.ge [sflag:s5], $0x8000  }
0x186: {  	[sflag:s5] =	ssyncset.done $0x0  }
0x187: {  	[sflag:s5] =	ssyncadd.s32 $0xFFFF8000  }
0x188: {  	[tilespmem:s8], [sflag:$0x2] =	stream.linear.gather [hbm4b:s18+s2], $0x8000, $0x38;
	[tilespmem:$0x18000] =	vst v63  }
0x189: {  	_ =	swait.ge [sflag:s10], $0x8000  }
0x18a: {  	[sflag:s10] =	ssyncset.done $0x0  }
0x18b: {  	[sflag:s10] =	ssyncadd.s32 $0xFFFF8000  }
0x18c: {  	[hbm4b:s17+s2] =	stream.linear.scatter [tilespmem:s11], [sflag:$0x3], $0x8000, $0x38;
	[tilespmem:$0x18000] =	vst v63  }
0x18d: {  	_ =	swait.ge [sflag:s5], $0x8000  }
0x18e: {  	[sflag:s5] =	ssyncset.done $0x0  }
0x18f: {  	[sflag:s5] =	ssyncadd.s32 $0xFFFF8000  }
0x190: {  	[tilespmem:s11], [sflag:$0x2] =	stream.linear.gather [hbm4b:s16+s2], $0x8000, $0x38;
	[tilespmem:$0x18000] =	vst v63  }
0x191: {  	_ =	swait.ge [sflag:s10], $0x8000  }
0x192: {  	[sflag:s10] =	ssyncset.done $0x0  }
0x193: {  	[sflag:s10] =	ssyncadd.s32 $0xFFFF8000  }
0x194: {  	[hbm4b:s15+s2] =	stream.linear.scatter [tilespmem:s8], [sflag:$0x3], $0x8000, $0x38;
	[tilespmem:$0x18000] =	vst v63  }
0x195: {  	_ =	swait.ge [sflag:s5], $0x8000  }
0x196: {  	[sflag:s5] =	ssyncset.done $0x0  }
0x197: {  	[sflag:s5] =	ssyncadd.s32 $0xFFFF8000  }
0x198: {  	[tilespmem:s8], [sflag:$0x2] =	stream.linear.gather [hbm4b:s14+s2], $0x8000, $0x38;
	[tilespmem:$0x18000] =	vst v63  }
0x199: {  	_ =	swait.ge [sflag:s10], $0x8000  }
0x19a: {  	[sflag:s10] =	ssyncset.done $0x0  }
0x19b: {  	[sflag:s10] =	ssyncadd.s32 $0xFFFF8000  }
0x19c: {  	[hbm4b:s13+s2] =	stream.linear.scatter [tilespmem:s11], [sflag:$0x3], $0x8000, $0x38;
	[tilespmem:$0x18000] =	vst v63  }
0x19d: {  	_ =	swait.ge [sflag:s5], $0x8000  }
0x19e: {  	[sflag:s5] =	ssyncset.done $0x0  }
0x19f: {  	[sflag:s5] =	ssyncadd.s32 $0xFFFF8000  }
0x1a0: {  	[tilespmem:s11], [sflag:$0x2] =	stream.linear.gather [hbm4b:s12+s2], $0x8000, $0x38;
	[tilespmem:$0x18000] =	vst v63  }
0x1a1: {  	_ =	swait.ge [sflag:s10], $0x8000  }
0x1a2: {  	[sflag:s10] =	ssyncset.done $0x0  }
0x1a3: {  	[sflag:s10] =	ssyncadd.s32 $0xFFFF8000  }
0x1a4: {  	[hbm4b:s9+s2] =	stream.linear.scatter [tilespmem:s8], [sflag:$0x3], $0x8000, $0x38;
	[tilespmem:$0x18000] =	vst v63  }
0x1a5: {  	_ =	swait.ge [sflag:s5], $0x8000  }
0x1a6: {  	[sflag:s5] =	ssyncset.done $0x0  }
0x1a7: {  	[sflag:s5] =	ssyncadd.s32 $0xFFFF8000  }
0x1a8: {  	[tilespmem:s8], [sflag:$0x2] =	stream.linear.gather [hbm4b:s7+s2], $0x8000, $0x38;
	[tilespmem:$0x18000] =	vst v63  }
0x1a9: {  	_ =	swait.ge [sflag:s10], $0x8000  }
0x1aa: {  	[sflag:s10] =	ssyncset.done $0x0  }
0x1ab: {  	[sflag:s10] =	ssyncadd.s32 $0xFFFF8000  }
0x1ac: {  	[hbm4b:s6+s2] =	stream.linear.scatter [tilespmem:s11], [sflag:$0x3], $0x8000, $0x38;
	[tilespmem:$0x18000] =	vst v63  }
0x1ad: {  	_ =	swait.ge [sflag:s10], $0x8000  }
0x1ae: {  	[sflag:s10] =	ssyncset.done $0x0  }
0x1af: {  	[sflag:s10] =	ssyncadd.s32 $0xFFFF8000  }
0x1b0: {  	[hbm4b:s4+s2] =	stream.linear.scatter [tilespmem:s8], [sflag:$0x3], $0x8000, $0x38;
	[tilespmem:$0x18000] =	vst v63  }
0x1b1: {  	_ =	swait.ge [sflag:s5], $0x8000  }
0x1b2: {  	[sflag:s5] =	ssyncset.done $0x0  }
0x1b3: {  	[sflag:s5] =	ssyncadd.s32 $0xFFFF8000  }
0x1b4: {  	_ =	swait.ge [sflag:s5], $0x8000  }
0x1b5: {  	[sflag:s5] =	ssyncset.done $0x0  }
0x1b6: {  	[sflag:s5] =	ssyncadd.s32 $0xFFFF8000  }
0x1b7: {  	_ =	swait.ge [sflag:s3], $0x8000  }
0x1b8: {  	[sflag:s3] =	ssyncset.done $0x0  }
0x1b9: {  	[sflag:s3] =	ssyncadd.s32 $0xFFFF8000  }
0x1ba: {  	_ =	swait.ge [sflag:s3], $0x8000  }
0x1bb: {  	[sflag:s3] =	ssyncset.done $0x0  }
0x1bc: {  	[sflag:s3] =	ssyncadd.s32 $0xFFFF8000  }
0x1bd: {  	_ =	swait.ge [sflag:s3], $0x8000  }
0x1be: {  	[sflag:s3] =	ssyncset.done $0x0  }
0x1bf: {  	[sflag:s3] =	ssyncadd.s32 $0xFFFF8000  }
0x1c0: {  	_ =	swait.ge [sflag:s3], $0x8000  }
0x1c1: {  	[sflag:s3] =	ssyncset.done $0x0  }
0x1c2: {  	[sflag:s3] =	ssyncadd.s32 $0xFFFF8000  }
0x1c3: {  	_ =	swait.ge [sflag:s3], $0x8000  }
0x1c4: {  	[sflag:s3] =	ssyncset.done $0x0  }
0x1c5: {  	[sflag:s3] =	ssyncadd.s32 $0xFFFF8000  }
0x1c6: {  	_ =	swait.ge [sflag:s3], $0x8000  }
0x1c7: {  	[sflag:s3] =	ssyncset.done $0x0  }
0x1c8: {  	[sflag:s3] =	ssyncadd.s32 $0xFFFF8000  }
0x1c9: {  	_ =	swait.ge [sflag:s3], $0x8000  }
0x1ca: {  	[sflag:s3] =	ssyncset.done $0x0  }
0x1cb: {  	[sflag:s3] =	ssyncadd.s32 $0xFFFF8000  }
0x1cc: {  	_ =	swait.ge [sflag:s3], $0x8000  }
0x1cd: {  	[sflag:s3] =	ssyncset.done $0x0  }
0x1ce: {  	[sflag:s3] =	ssyncadd.s32 $0xFFFF8000  }
0x1cf: {  	_ =	swait.ge [sflag:s3], $0x8000  }
0x1d0: {  	[sflag:s3] =	ssyncset.done $0x0  }
0x1d1: {  	[sflag:s3] =	ssyncadd.s32 $0xFFFF8000  }
0x1d2: {  	_ =	swait.ge [sflag:s3], $0x8000  }
0x1d3: {  	[sflag:s3] =	ssyncset.done $0x0  }
0x1d4: {  	[sflag:s3] =	ssyncadd.s32 $0xFFFF8000  }
0x1d5: {  	_ =	swait.ge [sflag:s3], $0x8000  }
0x1d6: {  	[sflag:s3] =	ssyncset.done $0x0  }
0x1d7: {  	[sflag:s3] =	ssyncadd.s32 $0xFFFF8000  }
0x1d8: {  	_ =	swait.ge [sflag:s3], $0x8000  }
0x1d9: {  	[sflag:s3] =	ssyncset.done $0x0  }
0x1da: {  	[sflag:s3] =	ssyncadd.s32 $0xFFFF8000  }
0x1db: {  	_ =	swait.ge [sflag:s3], $0x8000  }
0x1dc: {  	[sflag:s3] =	ssyncset.done $0x0  }
0x1dd: {  	[sflag:s3] =	ssyncadd.s32 $0xFFFF8000  }
0x1de: {  	_ =	swait.ge [sflag:s3], $0x8000  }
0x1df: {  	[sflag:s3] =	ssyncset.done $0x0  }
0x1e0: {  	[sflag:s3] =	ssyncadd.s32 $0xFFFF8000  }
0x1e1: {  	_ =	swait.ge [sflag:s3], $0x8000  }
0x1e2: {  	[sflag:s3] =	ssyncset.done $0x0  }
0x1e3: {  	[sflag:s3] =	ssyncadd.s32 $0xFFFF8000  }
0x1e4: {  	_ =	swait.ge [sflag:s3], $0x8000  }
0x1e5: {  	[sflag:s3] =	ssyncset.done $0x0  }
0x1e6: {  	[sflag:s3] =	ssyncadd.s32 $0xFFFF8000  }
0x1e7: {  	_ =	sfence.sel $0x180000  }
0x1e8: {  	[bflag:$0x0] =	sbarrier.arrive $0xFFFF  }
0x1e9: {  	_ =	strace $0x90000047  }
0x1ea: {  	s31 =	stileid.u32;
	[bflag:$0x2] =	sbarrier.arrive $0xFFFF  }
0x1eb: {  	p0 =	sne.s32 s31, $0x0;
	s0 =	rddreg [dreg:$0x3]  }
0x1ec: {  	s0 =	sadd.s32 @!p0 $0x100000, s0  }
0x1ed: {  	[sflag:s0] =	ssyncadd.tile.s32 @!p0 $0x1;
	_ =	shalt  }
.Lfunc_end2:
_tile_overlayer_lowered:
.L_overlay_start_2:
0x1ee: {  	(tag) =	ssettag $0x2  }
0x1ef: {  	s0 =	rddreg [dreg:$0x0];
	s2 =	stileid.u32  }
0x1f0: {  	s1 =	rddreg [dreg:$0x1];
	p0 =	sne.s32 s2, $0x0  }
0x1f1: {  	s3 =	rddreg [dreg:$0x2];
	[bflag:$0x3] =	sbarrier.arrive $0xFFFF;
	s2 =	simm.s32 @!p0 $0x1C04  }
0x1f2: {  	[timem:s3], [sflag:s2] =	dma.local @!p0 [hbm:s0], s1  }
0x1f3: {  	s0 =	simm.s32 @!p0 $0x4  }
0x1f4: {  	_ =	swait.ge @!p0 [sflag:s0], s1  }
0x1f5: {  	s1 =	ssub.s32 @!p0 $0x0, s1;
	[sflag:s0] =	ssyncset.done @!p0 $0x0  }
0x1f6: {  	[sflag:s0] =	ssyncadd.s32 @!p0 s1  }
0x1f7: {  	[bflag:$0x3] =	sbarrier.arrive $0xFFFF  }
0x1f8: {  	_ =	shalt  }

</sc_bundles>
